<compile_context>
chip_gen: v7x
topology: tpu7x:2x2x1
jax: 0.10.2.dev20260603
libtpu: 0.0.44.dev20260713+nightly
codegen_flags: <defaults>
</compile_context>

<pallas_src>
import functools

import jax
import jax.numpy as jnp
from jax import lax
from jax.experimental import pallas as pl
from jax.experimental.pallas import tpu as pltpu
from jax.experimental.pallas import tpu_sc as plsc

D = 128
D_EDGE = 16
G_SEG = 64
NC, NS = 2, 16
NW = NC * NS
CHUNK = 64
LANES = 16
GRP = 16
SPLIT0 = 0.7



def _edge_proj_body(attr_ref, w1_ref, b1_ref, w2_ref, b2_ref, e1_ref, e2_ref):
    a = attr_ref[...]
    e1_ref[...] = jnp.dot(a, w1_ref[...], preferred_element_type=jnp.float32) + b1_ref[...]
    e2_ref[...] = jnp.dot(a, w2_ref[...], preferred_element_type=jnp.float32) + b2_ref[...]


def _edge_proj(attr_pad, w1, b1, w2, b2):
    e_pad = attr_pad.shape[0]
    be = 2048
    assert e_pad % be == 0
    grid = (e_pad // be,)
    return pl.pallas_call(
        _edge_proj_body,
        grid=grid,
        in_specs=[
            pl.BlockSpec((be, D_EDGE), lambda i: (i, 0)),
            pl.BlockSpec((D_EDGE, D), lambda i: (0, 0)),
            pl.BlockSpec((1, D), lambda i: (0, 0)),
            pl.BlockSpec((D_EDGE, D), lambda i: (0, 0)),
            pl.BlockSpec((1, D), lambda i: (0, 0)),
        ],
        out_specs=[pl.BlockSpec((be, D), lambda i: (i, 0))] * 2,
        out_shape=[jax.ShapeDtypeStruct((e_pad, D), jnp.float32)] * 2,
    )(attr_pad, w1, b1.reshape(1, D), w2, b2.reshape(1, D))


def _mlp_body(x_ref, agg_ref, w1_ref, b1_ref, w2_ref, b2_ref, out_ref):
    h = x_ref[...] + agg_ref[0] + agg_ref[1]
    t = jnp.maximum(jnp.dot(h, w1_ref[...], preferred_element_type=jnp.float32) + b1_ref[...], 0.0)
    out_ref[...] = jnp.maximum(jnp.dot(t, w2_ref[...], preferred_element_type=jnp.float32) + b2_ref[...], 0.0)


def _mlp(x, agg, w1, b1, w2, b2):
    n = x.shape[0]
    nb = 2000
    assert n % nb == 0
    return pl.pallas_call(
        _mlp_body,
        grid=(n // nb,),
        in_specs=[
            pl.BlockSpec((nb, D), lambda i: (i, 0)),
            pl.BlockSpec((2, nb, D), lambda i: (0, i, 0)),
            pl.BlockSpec((D, D), lambda i: (0, 0)),
            pl.BlockSpec((1, D), lambda i: (0, 0)),
            pl.BlockSpec((D, D), lambda i: (0, 0)),
            pl.BlockSpec((1, D), lambda i: (0, 0)),
        ],
        out_specs=pl.BlockSpec((nb, D), lambda i: (i, 0)),
        out_shape=jax.ShapeDtypeStruct((n, D), jnp.float32),
    )(x, agg, w1, b1.reshape(1, D), w2, b2.reshape(1, D))


def _mlp_pool_body(x_ref, agg_ref, seg_ref, w1_ref, b1_ref, w2_ref, b2_ref,
                   out_ref, sums_ref, cnt_ref):
    i = pl.program_id(0)
    nb = x_ref.shape[0]
    h = x_ref[...] + agg_ref[0] + agg_ref[1]
    t = jnp.maximum(jnp.dot(h, w1_ref[...], preferred_element_type=jnp.float32) + b1_ref[...], 0.0)
    o = jnp.maximum(jnp.dot(t, w2_ref[...], preferred_element_type=jnp.float32) + b2_ref[...], 0.0)
    seg = seg_ref[0]
    gid = lax.broadcasted_iota(jnp.int32, (G_SEG, nb), 0)
    oh = (jnp.broadcast_to(seg, (G_SEG, nb)) == gid).astype(jnp.float32)
    ps = jnp.dot(oh, o, preferred_element_type=jnp.float32)
    pc = jnp.broadcast_to(jnp.sum(oh, axis=1, keepdims=True), (G_SEG, D))

    @pl.when(i == 0)
    def _():
        sums_ref[...] = ps
        cnt_ref[...] = pc

    @pl.when(i > 0)
    def _():
        sums_ref[...] += ps
        cnt_ref[...] += pc

    @pl.when(i == pl.num_programs(0) - 1)
    def _():
        out_ref[...] = sums_ref[...] / jnp.maximum(cnt_ref[...], 1.0)


def _mlp_pool(x, agg, seg3, w1, b1, w2, b2):
    n = x.shape[0]
    nb = 2000
    assert n % nb == 0
    return pl.pallas_call(
        _mlp_pool_body,
        grid=(n // nb,),
        in_specs=[
            pl.BlockSpec((nb, D), lambda i: (i, 0)),
            pl.BlockSpec((2, nb, D), lambda i: (0, i, 0)),
            pl.BlockSpec((1, 1, nb), lambda i: (i, 0, 0)),
            pl.BlockSpec((D, D), lambda i: (0, 0)),
            pl.BlockSpec((1, D), lambda i: (0, 0)),
            pl.BlockSpec((D, D), lambda i: (0, 0)),
            pl.BlockSpec((1, D), lambda i: (0, 0)),
        ],
        out_specs=pl.BlockSpec((G_SEG, D), lambda i: (0, 0)),
        out_shape=jax.ShapeDtypeStruct((G_SEG, D), jnp.float32),
        scratch_shapes=[
            pltpu.VMEM((G_SEG, D), jnp.float32),
            pltpu.VMEM((G_SEG, D), jnp.float32),
        ],
    )(x, agg, seg3, w1, b1.reshape(1, D), w2, b2.reshape(1, D))



def _sc_aggregate(x, e, idx3, n_pad, cpt0, cpt1):
    assert cpt0 % (2 * GRP) == 0 and cpt1 % (2 * GRP) == 0
    rows_per_tile = n_pad // NS
    zc = rows_per_tile // CHUNK
    assert rows_per_tile % CHUNK == 0
    mesh = plsc.VectorSubcoreMesh(core_axis_name="c", subcore_axis_name="s",
                                  num_cores=NC, num_subcores=NS)

    @functools.partial(
        pl.kernel,
        out_type=jax.ShapeDtypeStruct((NC, n_pad, D), jnp.float32),
        mesh=mesh,
        scratch_types=[
            pltpu.VMEM((2 * GRP, CHUNK), jnp.int32),
            pltpu.VMEM((CHUNK, D), jnp.float32),
            pltpu.VMEM((CHUNK, D), jnp.float32),
            pltpu.VMEM((CHUNK, D), jnp.float32),
            pltpu.VMEM((CHUNK, D), jnp.float32),
            pltpu.VMEM_SHARED((n_pad, D), jnp.float32),
            pltpu.SemaphoreType.DMA,
            pltpu.SemaphoreType.DMA,
            pltpu.SemaphoreType.DMA,
            pltpu.SemaphoreType.DMA,
            pltpu.SemaphoreType.DMA,
            pltpu.SemaphoreType.DMA,
        ],
    )
    def body(x_hbm, e_hbm, idx_hbm, out_hbm,
             idx_v, xra, xrb, era, erb, accum,
             sga, sgb, sea, seb, ssa, ssb):
        cid = lax.axis_index("c")
        sid = lax.axis_index("s")
        base = jnp.where(cid == 0, sid * cpt0, NS * cpt0 + sid * cpt1)
        npairs_c = jnp.where(cid == 0, cpt0 // 2, cpt1 // 2)
        gbase = base // GRP

        @plsc.parallel_loop(0, CHUNK, 1, unroll=4)
        def zrow(r):
            for c in range(D // LANES):
                xra[r, pl.ds(c * LANES, LANES)] = jnp.zeros((LANES,), jnp.float32)

        def zcopy(i, _):
            pltpu.sync_copy(xra, accum.at[pl.ds(sid * rows_per_tile + i * CHUNK, CHUNK)])
            return 0
        lax.fori_loop(0, zc, zcopy, 0)
        plsc.subcore_barrier()

        def compute(xr, er):
            @plsc.parallel_loop(0, CHUNK, 1, unroll=4)
            def crow(rr):
                for c in range(D // LANES):
                    s = pl.ds(c * LANES, LANES)
                    xr[rr, s] = jnp.maximum(xr[rr, s] + er[rr, s], 0.0)

        def issue_ge(j, r, xr, er, sg, se):
            dg = pltpu.async_copy(x_hbm.at[idx_v.at[r]], xr, sg)
            de = pltpu.async_copy(
                e_hbm.at[pl.ds((base + j) * CHUNK, CHUNK)], er, se)
            return dg, de

        def drain_ge(xr, er, sg, se):
            pltpu.make_async_copy(x_hbm.at[idx_v.at[0]], xr, sg).wait()
            pltpu.make_async_copy(e_hbm.at[pl.ds(0, CHUNK)], er, se).wait()

        def issue_sc(r, xr, ss):
            pltpu.async_copy(xr, accum.at[idx_v.at[GRP + r]], ss, add=True)

        def drain_sc(xr, ss):
            pltpu.make_async_copy(xr, accum.at[idx_v.at[GRP]], ss).wait()

        pltpu.sync_copy(idx_hbm.at[gbase], idx_v)
        issue_ge(0, 0, xra, era, sga, sea)

        ppg = GRP // 2

        def pair_body(i, _):
            j0 = 2 * i
            j1 = j0 + 1
            r0 = lax.rem(j0, GRP)
            boundary = lax.rem(i, ppg) == ppg - 1

            @pl.when(jnp.logical_and(i > 0, lax.rem(i, ppg) != 0))
            def _():
                drain_sc(xrb, ssb)
            db = issue_ge(j1, r0 + 1, xrb, erb, sgb, seb)
            drain_ge(xra, era, sga, sea)
            compute(xra, era)
            issue_sc(r0, xra, ssa)
            db[0].wait()
            db[1].wait()
            compute(xrb, erb)
            issue_sc(r0 + 1, xrb, ssb)
            drain_sc(xra, ssa)

            @pl.when(boundary)
            def _():
                drain_sc(xrb, ssb)

            @pl.when(jnp.logical_and(boundary, i + 1 < npairs_c))
            def _():
                pltpu.sync_copy(idx_hbm.at[gbase + (i + 1) // ppg], idx_v)

            @pl.when(i + 1 < npairs_c)
            def _():
                issue_ge(j0 + 2, lax.rem(j0 + 2, GRP), xra, era, sga, sea)
            return 0
        lax.fori_loop(0, npairs_c, pair_body, 0)
        plsc.subcore_barrier()

        def wcopy(i, _):
            sl = pl.ds(sid * rows_per_tile + i * CHUNK, CHUNK)
            pltpu.sync_copy(accum.at[sl], xra)
            pltpu.sync_copy(xra, out_hbm.at[cid, sl])
            return 0
        lax.fori_loop(0, zc, wcopy, 0)

    return body(x, e, idx3)



def kernel(x, edge_index, edge_attr, batch,
           lin1_W, lin1_b, mlp1_W1, mlp1_b1, mlp1_W2, mlp1_b2,
           lin2_W, lin2_b, mlp2_W1, mlp2_b1, mlp2_W2, mlp2_b2):
    n = x.shape[0]
    e_num = edge_index.shape[1]
    cpt = -(-e_num // (NW * CHUNK))
    cpt = -(-cpt // (2 * GRP)) * (2 * GRP)
    total_pair = 2 * cpt
    cpt0 = int(round(total_pair * SPLIT0 / (2 * GRP))) * (2 * GRP)
    cpt0 = min(max(cpt0, 2 * GRP), total_pair - 2 * GRP)
    cpt1 = total_pair - cpt0
    e_pad = NS * total_pair * CHUNK
    n_pad = -(-(n + 1) // (NS * CHUNK)) * (NS * CHUNK)
    trash = n

    src = jnp.pad(edge_index[0], (0, e_pad - e_num))
    dst = jnp.pad(edge_index[1], (0, e_pad - e_num), constant_values=trash)
    attr_pad = jnp.pad(edge_attr, ((0, e_pad - e_num), (0, 0)))
    src3 = src.reshape(-1, GRP, CHUNK)
    dst3 = dst.reshape(-1, GRP, CHUNK)
    idx3 = jnp.concatenate([src3, dst3], axis=1)

    e1, e2 = _edge_proj(attr_pad, lin1_W, lin1_b, lin2_W, lin2_b)

    agg1 = _sc_aggregate(x, e1, idx3, n_pad, cpt0, cpt1)
    h1 = _mlp(x, agg1, mlp1_W1, mlp1_b1, mlp1_W2, mlp1_b2)

    agg2 = _sc_aggregate(h1, e2, idx3, n_pad, cpt0, cpt1)
    seg3 = batch.reshape(n // 2000, 1, 2000)
    return _mlp_pool(h1, agg2, seg3, mlp2_W1, mlp2_b1, mlp2_W2, mlp2_b2)

# --- scband reference (transcript-rebuilt; emitter-appended) ---
"""Pipeline reference for scband-gnnencoder-21148418966315 (READ-ONLY COPY).

The authoritative reference and input builder live on the scoring server;
editing this copy changes nothing except your own understanding.
"""

import jax, jax.numpy as jnp
import numpy as np

N = 10000
E = 320000
D_IN = 128
D_H = 128
D_OUT = 128
D_E = 16
G = 64


def setup_inputs(seed: int = 0) -> dict:
    key = jax.random.key(seed)
    ks = jax.random.split(key, 16)
    x = jax.random.normal(ks[0], (N, D_IN), dtype=jnp.float32)
    edge_index = jax.random.randint(ks[1], (2, E), 0, N, dtype=jnp.int32)
    edge_attr = jax.random.normal(ks[2], (E, D_E), dtype=jnp.float32)
    batch = jnp.sort(jax.random.randint(ks[3], (N,), 0, G, dtype=jnp.int32))
    s = 0.05
    # conv1: GINEConv edge projection Linear(edge_dim -> input_dim) and MLP nn
    lin1_W = jax.random.normal(ks[4], (D_E, D_IN), dtype=jnp.float32) * s
    lin1_b = jnp.zeros((D_IN,), dtype=jnp.float32)
    mlp1_W1 = jax.random.normal(ks[5], (D_IN, D_H), dtype=jnp.float32) * s
    mlp1_b1 = jnp.zeros((D_H,), dtype=jnp.float32)
    mlp1_W2 = jax.random.normal(ks[6], (D_H, D_H), dtype=jnp.float32) * s
    mlp1_b2 = jnp.zeros((D_H,), dtype=jnp.float32)
    # conv2
    lin2_W = jax.random.normal(ks[7], (D_E, D_H), dtype=jnp.float32) * s
    lin2_b = jnp.zeros((D_H,), dtype=jnp.float32)
    mlp2_W1 = jax.random.normal(ks[8], (D_H, D_H), dtype=jnp.float32) * s
    mlp2_b1 = jnp.zeros((D_H,), dtype=jnp.float32)
    mlp2_W2 = jax.random.normal(ks[9], (D_H, D_OUT), dtype=jnp.float32) * s
    mlp2_b2 = jnp.zeros((D_OUT,), dtype=jnp.float32)
    return {
        "x": x, "edge_index": edge_index, "edge_attr": edge_attr, "batch": batch,
        "lin1_W": lin1_W, "lin1_b": lin1_b,
        "mlp1_W1": mlp1_W1, "mlp1_b1": mlp1_b1, "mlp1_W2": mlp1_W2, "mlp1_b2": mlp1_b2,
        "lin2_W": lin2_W, "lin2_b": lin2_b,
        "mlp2_W1": mlp2_W1, "mlp2_b1": mlp2_b1, "mlp2_W2": mlp2_W2, "mlp2_b2": mlp2_b2,
    }


def _gine_conv(x, edge_index, edge_attr, lin_W, lin_b, W1, b1, W2, b2):
    # GINEConv (eps=0): out = nn((1+eps)*x + sum_{j->i} relu(x_j + lin(edge_attr)))
    src = edge_index[0]
    dst = edge_index[1]
    e = edge_attr @ lin_W + lin_b                      # [E, d]
    msg = jax.nn.relu(x[src] + e)                      # gather + add + relu
    aggr = jnp.zeros_like(x).at[dst].add(msg)          # scatter-add
    h = x + aggr                                       # (1 + eps) * x_r + aggr, eps=0
    h = jax.nn.relu(h @ W1 + b1) @ W2 + b2             # nn.Sequential MLP
    return h


def reference(x, edge_index, edge_attr, batch,
              lin1_W, lin1_b, mlp1_W1, mlp1_b1, mlp1_W2, mlp1_b2,
              lin2_W, lin2_b, mlp2_W1, mlp2_b1, mlp2_W2, mlp2_b2):
    h = jax.nn.relu(_gine_conv(x, edge_index, edge_attr, lin1_W, lin1_b,
                               mlp1_W1, mlp1_b1, mlp1_W2, mlp1_b2))
    h = jax.nn.relu(_gine_conv(h, edge_index, edge_attr, lin2_W, lin2_b,
                               mlp2_W1, mlp2_b1, mlp2_W2, mlp2_b2))
    # global_mean_pool over batch vector
    sums = jax.ops.segment_sum(h, batch, num_segments=G)
    counts = jax.ops.segment_sum(jnp.ones((h.shape[0],), dtype=h.dtype), batch, num_segments=G)
    counts = jnp.maximum(counts, 1.0)
    return sums / counts[:, None]


if False:  # reference __main__ guard neutralized (emitter)
    out = reference(**setup_inputs())
    print(out.shape, out.dtype)

if __name__ == "__main__":
    import jax
    _d = setup_inputs()
    print(jax.jit(kernel)(*tuple(_d.values())))

</pallas_src>

<mosaic_0001>
#map = affine_map<(d0, d1) -> (0, 0)>
#map1 = affine_map<(d0, d1) -> (0, 0, 0)>
module attributes {stable_mosaic.version = 14 : i64} {
  func.func @body(%arg0: i32, %arg1: i32, %arg2: memref<10000x128xf32, #tpu.memory_space<hbm>>, %arg3: memref<327680x128xf32, #tpu.memory_space<hbm>>, %arg4: memref<320x32x64xi32, #tpu.memory_space<hbm>>, %arg5: memref<2x10240x128xf32, #tpu.memory_space<hbm>>, %arg6: memref<32x64xi32, #tpu.memory_space<vmem>>, %arg7: memref<64x128xf32, #tpu.memory_space<vmem>>, %arg8: memref<64x128xf32, #tpu.memory_space<vmem>>, %arg9: memref<64x128xf32, #tpu.memory_space<vmem>>, %arg10: memref<64x128xf32, #tpu.memory_space<vmem>>, %arg11: memref<10240x128xf32, #tpu.memory_space<vmem_shared>>, %arg12: memref<!tpu.dma_semaphore, #tpu.memory_space<semaphore_mem>>, %arg13: memref<!tpu.dma_semaphore, #tpu.memory_space<semaphore_mem>>, %arg14: memref<!tpu.dma_semaphore, #tpu.memory_space<semaphore_mem>>, %arg15: memref<!tpu.dma_semaphore, #tpu.memory_space<semaphore_mem>>, %arg16: memref<!tpu.dma_semaphore, #tpu.memory_space<semaphore_mem>>, %arg17: memref<!tpu.dma_semaphore, #tpu.memory_space<semaphore_mem>>) attributes {dimension_semantics = [#tpu.dimension_semantics<core_parallel>, #tpu.dimension_semantics<subcore_parallel>], iteration_bounds = array<i64: 2, 16>, scalar_prefetch = 0 : i64, scratch_operands = 12 : i64, tpu.core_type = #tpu.core_type<sc_vector_subcore>, window_params = [{transform_indices = #map}, {transform_indices = #map}, {transform_indices = #map1}, {transform_indices = #map1}]} {
    %eq3A = arith.constant 0 : i32
    %eq3A_0 = arith.cmpi eq, %arg0, %eq3A : i32
    %mul3A = arith.constant 224 : i32
    %mul3A_1 = arith.muli %arg1, %mul3A : i32
    %mul3A_2 = arith.constant 96 : i32
    %mul3A_3 = arith.muli %arg1, %mul3A_2 : i32
    %add3A = arith.constant 3584 : i32
    %add3A_4 = arith.addi %add3A, %mul3A_3 : i32
    %select_n3A = arith.select %eq3A_0, %mul3A_1, %add3A_4 : i32
    %eq3A_5 = arith.constant 0 : i32
    %eq3A_6 = arith.cmpi eq, %arg0, %eq3A_5 : i32
    %jit3A = arith.constant 112 : i32
    %jit3A_7 = arith.constant 48 : i32
    %select_n3A_8 = arith.select %eq3A_6, %jit3A, %jit3A_7 : i32
    %jit3A_9 = arith.constant 16 : i32
    %div3A = arith.divsi %select_n3A, %jit3A_9 : i32
    %sign3A = arith.constant 0 : i32
    %sign3A_10 = arith.cmpi sgt, %select_n3A, %sign3A : i32
    %sign3A_11 = arith.extui %sign3A_10 : i1 to i32
    %sign3A_12 = arith.constant 0 : i32
    %sign3A_13 = arith.cmpi slt, %select_n3A, %sign3A_12 : i32
    %sign3A_14 = arith.extui %sign3A_13 : i1 to i32
    %sign3A_15 = arith.subi %sign3A_11, %sign3A_14 : i32
    %sign3A_16 = arith.constant 0 : i32
    %sign3A_17 = arith.cmpi sgt, %jit3A_9, %sign3A_16 : i32
    %sign3A_18 = arith.extui %sign3A_17 : i1 to i32
    %sign3A_19 = arith.constant 0 : i32
    %sign3A_20 = arith.cmpi slt, %jit3A_9, %sign3A_19 : i32
    %sign3A_21 = arith.extui %sign3A_20 : i1 to i32
    %sign3A_22 = arith.subi %sign3A_18, %sign3A_21 : i32
    %ne3A = arith.cmpi ne, %sign3A_15, %sign3A_22 : i32
    %rem3A = arith.remsi %select_n3A, %jit3A_9 : i32
    %ne3A_23 = arith.constant 0 : i32
    %ne3A_24 = arith.cmpi ne, %rem3A, %ne3A_23 : i32
    %and3A = arith.andi %ne3A, %ne3A_24 : i1
    %sub3A = arith.constant 1 : i32
    %sub3A_25 = arith.subi %div3A, %sub3A : i32
    %select_n3A_26 = arith.select %and3A, %sub3A_25, %div3A : i32
    %parallel_loop3A = arith.constant 0 : i32
    %parallel_loop3A_27 = arith.constant 64 : i32
    %parallel_loop3A_28 = arith.constant 1 : i32
    scf.for %parallel_loop3A_68 = %parallel_loop3A to %parallel_loop3A_27 step %parallel_loop3A_28  : i32 {
      %parallel_loop3A_69 = arith.constant 0.000000e+00 : f32
      %parallel_loop3A_70 = vector.broadcast %parallel_loop3A_69 : f32 to vector<16xf32>
      %parallel_loop3A_71 = arith.index_cast %parallel_loop3A_68 : i32 to index
      %parallel_loop3A_72 = arith.constant 0 : index
      %parallel_loop3A_73 = tpu.vector_load %arg7[%parallel_loop3A_71, %parallel_loop3A_72] {strides = array<i32>} : memref<64x128xf32, #tpu.memory_space<vmem>>, vector<1x16xf32>,
      %parallel_loop3A_74 = vector.shape_cast %parallel_loop3A_73 : vector<1x16xf32> to vector<16xf32>
      %parallel_loop3A_75 = vector.shape_cast %parallel_loop3A_70 : vector<16xf32> to vector<1x16xf32>
      tpu.vector_store %arg7[%parallel_loop3A_71, %parallel_loop3A_72], %parallel_loop3A_75 {strides = array<i32>} : memref<64x128xf32, #tpu.memory_space<vmem>>, vector<1x16xf32>,
      %parallel_loop3A_76 = arith.constant 0.000000e+00 : f32
      %parallel_loop3A_77 = vector.broadcast %parallel_loop3A_76 : f32 to vector<16xf32>
      %parallel_loop3A_78 = arith.index_cast %parallel_loop3A_68 : i32 to index
      %parallel_loop3A_79 = arith.constant 16 : index
      %parallel_loop3A_80 = tpu.vector_load %arg7[%parallel_loop3A_78, %parallel_loop3A_79] {strides = array<i32>} : memref<64x128xf32, #tpu.memory_space<vmem>>, vector<1x16xf32>,
      %parallel_loop3A_81 = vector.shape_cast %parallel_loop3A_80 : vector<1x16xf32> to vector<16xf32>
      %parallel_loop3A_82 = vector.shape_cast %parallel_loop3A_77 : vector<16xf32> to vector<1x16xf32>
      tpu.vector_store %arg7[%parallel_loop3A_78, %parallel_loop3A_79], %parallel_loop3A_82 {strides = array<i32>} : memref<64x128xf32, #tpu.memory_space<vmem>>, vector<1x16xf32>,
      %parallel_loop3A_83 = arith.constant 0.000000e+00 : f32
      %parallel_loop3A_84 = vector.broadcast %parallel_loop3A_83 : f32 to vector<16xf32>
      %parallel_loop3A_85 = arith.index_cast %parallel_loop3A_68 : i32 to index
      %parallel_loop3A_86 = arith.constant 32 : index
      %parallel_loop3A_87 = tpu.vector_load %arg7[%parallel_loop3A_85, %parallel_loop3A_86] {strides = array<i32>} : memref<64x128xf32, #tpu.memory_space<vmem>>, vector<1x16xf32>,
      %parallel_loop3A_88 = vector.shape_cast %parallel_loop3A_87 : vector<1x16xf32> to vector<16xf32>
      %parallel_loop3A_89 = vector.shape_cast %parallel_loop3A_84 : vector<16xf32> to vector<1x16xf32>
      tpu.vector_store %arg7[%parallel_loop3A_85, %parallel_loop3A_86], %parallel_loop3A_89 {strides = array<i32>} : memref<64x128xf32, #tpu.memory_space<vmem>>, vector<1x16xf32>,
      %parallel_loop3A_90 = arith.constant 0.000000e+00 : f32
      %parallel_loop3A_91 = vector.broadcast %parallel_loop3A_90 : f32 to vector<16xf32>
      %parallel_loop3A_92 = arith.index_cast %parallel_loop3A_68 : i32 to index
      %parallel_loop3A_93 = arith.constant 48 : index
      %parallel_loop3A_94 = tpu.vector_load %arg7[%parallel_loop3A_92, %parallel_loop3A_93] {strides = array<i32>} : memref<64x128xf32, #tpu.memory_space<vmem>>, vector<1x16xf32>,
      %parallel_loop3A_95 = vector.shape_cast %parallel_loop3A_94 : vector<1x16xf32> to vector<16xf32>
      %parallel_loop3A_96 = vector.shape_cast %parallel_loop3A_91 : vector<16xf32> to vector<1x16xf32>
      tpu.vector_store %arg7[%parallel_loop3A_92, %parallel_loop3A_93], %parallel_loop3A_96 {strides = array<i32>} : memref<64x128xf32, #tpu.memory_space<vmem>>, vector<1x16xf32>,
      %parallel_loop3A_97 = arith.constant 0.000000e+00 : f32
      %parallel_loop3A_98 = vector.broadcast %parallel_loop3A_97 : f32 to vector<16xf32>
      %parallel_loop3A_99 = arith.index_cast %parallel_loop3A_68 : i32 to index
      %parallel_loop3A_100 = arith.constant 64 : index
      %parallel_loop3A_101 = tpu.vector_load %arg7[%parallel_loop3A_99, %parallel_loop3A_100] {strides = array<i32>} : memref<64x128xf32, #tpu.memory_space<vmem>>, vector<1x16xf32>,
      %parallel_loop3A_102 = vector.shape_cast %parallel_loop3A_101 : vector<1x16xf32> to vector<16xf32>
      %parallel_loop3A_103 = vector.shape_cast %parallel_loop3A_98 : vector<16xf32> to vector<1x16xf32>
      tpu.vector_store %arg7[%parallel_loop3A_99, %parallel_loop3A_100], %parallel_loop3A_103 {strides = array<i32>} : memref<64x128xf32, #tpu.memory_space<vmem>>, vector<1x16xf32>,
      %parallel_loop3A_104 = arith.constant 0.000000e+00 : f32
      %parallel_loop3A_105 = vector.broadcast %parallel_loop3A_104 : f32 to vector<16xf32>
      %parallel_loop3A_106 = arith.index_cast %parallel_loop3A_68 : i32 to index
      %parallel_loop3A_107 = arith.constant 80 : index
      %parallel_loop3A_108 = tpu.vector_load %arg7[%parallel_loop3A_106, %parallel_loop3A_107] {strides = array<i32>} : memref<64x128xf32, #tpu.memory_space<vmem>>, vector<1x16xf32>,
      %parallel_loop3A_109 = vector.shape_cast %parallel_loop3A_108 : vector<1x16xf32> to vector<16xf32>
      %parallel_loop3A_110 = vector.shape_cast %parallel_loop3A_105 : vector<16xf32> to vector<1x16xf32>
      tpu.vector_store %arg7[%parallel_loop3A_106, %parallel_loop3A_107], %parallel_loop3A_110 {strides = array<i32>} : memref<64x128xf32, #tpu.memory_space<vmem>>, vector<1x16xf32>,
      %parallel_loop3A_111 = arith.constant 0.000000e+00 : f32
      %parallel_loop3A_112 = vector.broadcast %parallel_loop3A_111 : f32 to vector<16xf32>
      %parallel_loop3A_113 = arith.index_cast %parallel_loop3A_68 : i32 to index
      %parallel_loop3A_114 = arith.constant 96 : index
      %parallel_loop3A_115 = tpu.vector_load %arg7[%parallel_loop3A_113, %parallel_loop3A_114] {strides = array<i32>} : memref<64x128xf32, #tpu.memory_space<vmem>>, vector<1x16xf32>,
      %parallel_loop3A_116 = vector.shape_cast %parallel_loop3A_115 : vector<1x16xf32> to vector<16xf32>
      %parallel_loop3A_117 = vector.shape_cast %parallel_loop3A_112 : vector<16xf32> to vector<1x16xf32>
      tpu.vector_store %arg7[%parallel_loop3A_113, %parallel_loop3A_114], %parallel_loop3A_117 {strides = array<i32>} : memref<64x128xf32, #tpu.memory_space<vmem>>, vector<1x16xf32>,
      %parallel_loop3A_118 = arith.constant 0.000000e+00 : f32
      %parallel_loop3A_119 = vector.broadcast %parallel_loop3A_118 : f32 to vector<16xf32>
      %parallel_loop3A_120 = arith.index_cast %parallel_loop3A_68 : i32 to index
      %parallel_loop3A_121 = arith.constant 112 : index
      %parallel_loop3A_122 = tpu.vector_load %arg7[%parallel_loop3A_120, %parallel_loop3A_121] {strides = array<i32>} : memref<64x128xf32, #tpu.memory_space<vmem>>, vector<1x16xf32>,
      %parallel_loop3A_123 = vector.shape_cast %parallel_loop3A_122 : vector<1x16xf32> to vector<16xf32>
      %parallel_loop3A_124 = vector.shape_cast %parallel_loop3A_119 : vector<16xf32> to vector<1x16xf32>
      tpu.vector_store %arg7[%parallel_loop3A_120, %parallel_loop3A_121], %parallel_loop3A_124 {strides = array<i32>} : memref<64x128xf32, #tpu.memory_space<vmem>>, vector<1x16xf32>,
    } {sc.loop_unroll_factor = 4 : i64, sc.parallel_access}
    %scan3A = arith.constant 0 : i32
    %scan3A_29 = arith.constant 0 : i32
    %scan3A_30 = arith.constant 10 : i32
    %scan3A_31 = arith.addi %scan3A_29, %scan3A_30 : i32
    %scan3A_32 = arith.constant 1 : i32
    %scan3A_33 = scf.for %scan3A_68 = %scan3A_29 to %scan3A_31 step %scan3A_32 iter_args(%scan3A_69 = %scan3A) -> (i32)  : i32 {
      %mul3A_70 = arith.constant 640 : i32
      %mul3A_71 = arith.muli %arg1, %mul3A_70 : i32
      %mul3A_72 = arith.constant 64 : i32
      %mul3A_73 = arith.muli %scan3A_68, %mul3A_72 : i32
      %add3A_74 = arith.addi %mul3A_71, %mul3A_73 : i32
      "tpu.region"() ({
        %run_scoped3A = tpu.sem_alloc : memref<!tpu.dma_semaphore, #tpu.memory_space<semaphore_mem>>
        %dma_start3A_76 = arith.constant 0 : i32
        %dma_start3A_77 = tpu.memref_slice %arg11[%add3A_74, %dma_start3A_76] : memref<10240x128xf32, #tpu.memory_space<vmem_shared>> -> memref<64x128xf32, #tpu.memory_space<vmem_shared>>
        %dma_start3A_78 = arith.constant 0 : i32
        %dma_start3A_79 = tpu.memref_slice %arg11[%add3A_74, %dma_start3A_78] : memref<10240x128xf32, #tpu.memory_space<vmem_shared>> -> memref<64x128xf32, #tpu.memory_space<vmem_shared>>
        tpu.enqueue_dma source(%arg7 : memref<64x128xf32, #tpu.memory_space<vmem>>) target(%dma_start3A_79 : memref<64x128xf32, #tpu.memory_space<vmem_shared>>) target_semaphore(%run_scoped3A : memref<!tpu.dma_semaphore, #tpu.memory_space<semaphore_mem>>)
        %dma_wait3A = arith.constant 0 : i32
        %dma_wait3A_80 = tpu.memref_slice %arg11[%add3A_74, %dma_wait3A] : memref<10240x128xf32, #tpu.memory_space<vmem_shared>> -> memref<64x128xf32, #tpu.memory_space<vmem_shared>>
        %dma_wait3A_81 = arith.constant 0 : i32
        %dma_wait3A_82 = tpu.memref_slice %arg11[%add3A_74, %dma_wait3A_81] : memref<10240x128xf32, #tpu.memory_space<vmem_shared>> -> memref<64x128xf32, #tpu.memory_space<vmem_shared>>
        tpu.wait_dma2 semaphore(%run_scoped3A : memref<!tpu.dma_semaphore, #tpu.memory_space<semaphore_mem>>) src(%arg7 : memref<64x128xf32, #tpu.memory_space<vmem>>) dst(%dma_wait3A_82 : memref<64x128xf32, #tpu.memory_space<vmem_shared>>)
        tpu.yield
      }) : () -> ()
      %scan3A_75 = arith.constant 0 : i32
      scf.yield %scan3A_75 : i32
    }
    %scan3A_34 = arith.constant 10 : i32
    %barrier3A = arith.constant 0 : index
    tpu.barrier barrier_id(%barrier3A)
    "tpu.region"() ({
      %run_scoped3A = tpu.sem_alloc : memref<!tpu.dma_semaphore, #tpu.memory_space<semaphore_mem>>
      %dma_start3A_68 = arith.constant 0 : i32
      %dma_start3A_69 = arith.constant 0 : i32
      %dma_start3A_70 = tpu.memref_slice %arg4[%select_n3A_26, %dma_start3A_68, %dma_start3A_69] : memref<320x32x64xi32, #tpu.memory_space<hbm>> -> memref<1x32x64xi32, #tpu.memory_space<hbm>>
      %dma_start3A_71 = tpu.memref_squeeze %dma_start3A_70 : memref<1x32x64xi32, #tpu.memory_space<hbm>> -> memref<32x64xi32, #tpu.memory_space<hbm>>
      %dma_start3A_72 = arith.constant 0 : i32
      %dma_start3A_73 = arith.constant 0 : i32
      %dma_start3A_74 = tpu.memref_slice %arg4[%select_n3A_26, %dma_start3A_72, %dma_start3A_73] : memref<320x32x64xi32, #tpu.memory_space<hbm>> -> memref<1x32x64xi32, #tpu.memory_space<hbm>>
      %dma_start3A_75 = tpu.memref_squeeze %dma_start3A_74 : memref<1x32x64xi32, #tpu.memory_space<hbm>> -> memref<32x64xi32, #tpu.memory_space<hbm>>
      tpu.enqueue_dma source(%dma_start3A_75 : memref<32x64xi32, #tpu.memory_space<hbm>>) target(%arg6 : memref<32x64xi32, #tpu.memory_space<vmem>>) target_semaphore(%run_scoped3A : memref<!tpu.dma_semaphore, #tpu.memory_space<semaphore_mem>>)
      %dma_wait3A = arith.constant 0 : i32
      %dma_wait3A_76 = arith.constant 0 : i32
      %dma_wait3A_77 = tpu.memref_slice %arg4[%select_n3A_26, %dma_wait3A, %dma_wait3A_76] : memref<320x32x64xi32, #tpu.memory_space<hbm>> -> memref<1x32x64xi32, #tpu.memory_space<hbm>>
      %dma_wait3A_78 = tpu.memref_squeeze %dma_wait3A_77 : memref<1x32x64xi32, #tpu.memory_space<hbm>> -> memref<32x64xi32, #tpu.memory_space<hbm>>
      %dma_wait3A_79 = arith.constant 0 : i32
      %dma_wait3A_80 = arith.constant 0 : i32
      %dma_wait3A_81 = tpu.memref_slice %arg4[%select_n3A_26, %dma_wait3A_79, %dma_wait3A_80] : memref<320x32x64xi32, #tpu.memory_space<hbm>> -> memref<1x32x64xi32, #tpu.memory_space<hbm>>
      %dma_wait3A_82 = tpu.memref_squeeze %dma_wait3A_81 : memref<1x32x64xi32, #tpu.memory_space<hbm>> -> memref<32x64xi32, #tpu.memory_space<hbm>>
      tpu.wait_dma2 semaphore(%run_scoped3A : memref<!tpu.dma_semaphore, #tpu.memory_space<semaphore_mem>>) src(%dma_wait3A_82 : memref<32x64xi32, #tpu.memory_space<hbm>>) dst(%arg6 : memref<32x64xi32, #tpu.memory_space<vmem>>)
      tpu.yield
    }) : () -> ()
    %dma_start3A = arith.constant 0 : i32
    %dma_start3A_35 = arith.constant 0 : i32
    %dma_start3A_36 = tpu.memref_slice %arg6[%dma_start3A, %dma_start3A_35] : memref<32x64xi32, #tpu.memory_space<vmem>> -> memref<1x64xi32, #tpu.memory_space<vmem>>
    %dma_start3A_37 = tpu.memref_squeeze %dma_start3A_36 : memref<1x64xi32, #tpu.memory_space<vmem>> -> memref<64xi32, #tpu.memory_space<vmem>>
    %dma_start3A_38 = arith.constant 0 : i32
    %dma_start3A_39 = arith.constant 0 : i32
    %dma_start3A_40 = tpu.memref_slice %arg2[%dma_start3A_38, %dma_start3A_39] : memref<10000x128xf32, #tpu.memory_space<hbm>> -> memref<10000x128xf32, #tpu.memory_space<hbm>>
    tpu.enqueue_indirect_dma source(%dma_start3A_40 : memref<10000x128xf32, #tpu.memory_space<hbm>>) target(%arg7 : memref<64x128xf32, #tpu.memory_space<vmem>>) offsets(%dma_start3A_37 : memref<64xi32, #tpu.memory_space<vmem>>) semaphore(%arg12 : memref<!tpu.dma_semaphore, #tpu.memory_space<semaphore_mem>>)
    %add3A_41 = arith.constant 0 : i32
    %add3A_42 = arith.addi %select_n3A, %add3A_41 : i32
    %mul3A_43 = arith.constant 64 : i32
    %mul3A_44 = arith.muli %add3A_42, %mul3A_43 : i32
    %dma_start3A_45 = arith.constant 0 : i32
    %dma_start3A_46 = tpu.memref_slice %arg3[%mul3A_44, %dma_start3A_45] : memref<327680x128xf32, #tpu.memory_space<hbm>> -> memref<64x128xf32, #tpu.memory_space<hbm>>
    %dma_start3A_47 = arith.constant 0 : i32
    %dma_start3A_48 = tpu.memref_slice %arg3[%mul3A_44, %dma_start3A_47] : memref<327680x128xf32, #tpu.memory_space<hbm>> -> memref<64x128xf32, #tpu.memory_space<hbm>>
    tpu.enqueue_dma source(%dma_start3A_48 : memref<64x128xf32, #tpu.memory_space<hbm>>) target(%arg9 : memref<64x128xf32, #tpu.memory_space<vmem>>) target_semaphore(%arg14 : memref<!tpu.dma_semaphore, #tpu.memory_space<semaphore_mem>>)
    %while3A = arith.constant 0 : i32
    %while3A_49 = arith.constant 0 : i32
    %while3A_50 = arith.subi %select_n3A_8, %while3A : i32
    %while3A_51 = arith.addi %while3A, %while3A_50 : i32
    %while3A_52 = arith.constant 1 : i32
    %while3A_53 = arith.divsi %while3A_50, %while3A_52 : i32
    %while3A_54 = arith.muli %while3A_53, %while3A_52 : i32
    %while3A_55 = arith.addi %while3A, %while3A_54 : i32
    %while3A_56 = arith.constant 1 : i32
    %while3A_57 = scf.for %while3A_68 = %while3A to %while3A_55 step %while3A_56 iter_args(%while3A_69 = %while3A_49) -> (i32)  : i32 {
      %mul3A_70 = arith.constant 2 : i32
      %mul3A_71 = arith.muli %mul3A_70, %while3A_68 : i32
      %add3A_72 = arith.constant 1 : i32
      %add3A_73 = arith.addi %mul3A_71, %add3A_72 : i32
      %rem3A_74 = arith.constant 16 : i32
      %rem3A_75 = arith.remsi %mul3A_71, %rem3A_74 : i32
      %rem3A_76 = arith.constant 8 : i32
      %rem3A_77 = arith.remsi %while3A_68, %rem3A_76 : i32
      %eq3A_78 = arith.constant 7 : i32
      %eq3A_79 = arith.cmpi eq, %rem3A_77, %eq3A_78 : i32
      %gt3A = arith.constant 0 : i32
      %gt3A_80 = arith.cmpi sgt, %while3A_68, %gt3A : i32
      %rem3A_81 = arith.constant 8 : i32
      %rem3A_82 = arith.remsi %while3A_68, %rem3A_81 : i32
      %ne3A_83 = arith.constant 0 : i32
      %ne3A_84 = arith.cmpi ne, %rem3A_82, %ne3A_83 : i32
      %and3A_85 = arith.andi %gt3A_80, %ne3A_84 : i1
      %convert_element_type3A = arith.extui %and3A_85 : i1 to i32
      %cond3A = arith.constant 0 : i32
      %cond3A_86 = arith.cmpi ne, %convert_element_type3A, %cond3A : i32
      scf.if %cond3A_86 {
        %dma_wait3A_171 = arith.constant 16 : i32
        %dma_wait3A_172 = arith.constant 0 : i32
        %dma_wait3A_173 = tpu.memref_slice %arg6[%dma_wait3A_171, %dma_wait3A_172] : memref<32x64xi32, #tpu.memory_space<vmem>> -> memref<1x64xi32, #tpu.memory_space<vmem>>
        %dma_wait3A_174 = tpu.memref_squeeze %dma_wait3A_173 : memref<1x64xi32, #tpu.memory_space<vmem>> -> memref<64xi32, #tpu.memory_space<vmem>>
        %dma_wait3A_175 = arith.constant 0 : i32
        %dma_wait3A_176 = arith.constant 0 : i32
        %dma_wait3A_177 = tpu.memref_slice %arg11[%dma_wait3A_175, %dma_wait3A_176] : memref<10240x128xf32, #tpu.memory_space<vmem_shared>> -> memref<10240x128xf32, #tpu.memory_space<vmem_shared>>
        tpu.wait_indirect_dma semaphore(%arg17 : memref<!tpu.dma_semaphore, #tpu.memory_space<semaphore_mem>>) src(%arg8 : memref<64x128xf32, #tpu.memory_space<vmem>>) dst(%dma_wait3A_177 : memref<10240x128xf32, #tpu.memory_space<vmem_shared>>)
      } else {
      }
      %add3A_87 = arith.constant 1 : i32
      %add3A_88 = arith.addi %rem3A_75, %add3A_87 : i32
      %dma_start3A_89 = arith.constant 0 : i32
      %dma_start3A_90 = tpu.memref_slice %arg6[%add3A_88, %dma_start3A_89] : memref<32x64xi32, #tpu.memory_space<vmem>> -> memref<1x64xi32, #tpu.memory_space<vmem>>
      %dma_start3A_91 = tpu.memref_squeeze %dma_start3A_90 : memref<1x64xi32, #tpu.memory_space<vmem>> -> memref<64xi32, #tpu.memory_space<vmem>>
      %dma_start3A_92 = arith.constant 0 : i32
      %dma_start3A_93 = arith.constant 0 : i32
      %dma_start3A_94 = tpu.memref_slice %arg2[%dma_start3A_92, %dma_start3A_93] : memref<10000x128xf32, #tpu.memory_space<hbm>> -> memref<10000x128xf32, #tpu.memory_space<hbm>>
      tpu.enqueue_indirect_dma source(%dma_start3A_94 : memref<10000x128xf32, #tpu.memory_space<hbm>>) target(%arg8 : memref<64x128xf32, #tpu.memory_space<vmem>>) offsets(%dma_start3A_91 : memref<64xi32, #tpu.memory_space<vmem>>) semaphore(%arg13 : memref<!tpu.dma_semaphore, #tpu.memory_space<semaphore_mem>>)
      %add3A_95 = arith.addi %select_n3A, %add3A_73 : i32
      %mul3A_96 = arith.constant 64 : i32
      %mul3A_97 = arith.muli %add3A_95, %mul3A_96 : i32
      %dma_start3A_98 = arith.constant 0 : i32
      %dma_start3A_99 = tpu.memref_slice %arg3[%mul3A_97, %dma_start3A_98] : memref<327680x128xf32, #tpu.memory_space<hbm>> -> memref<64x128xf32, #tpu.memory_space<hbm>>
      %dma_start3A_100 = arith.constant 0 : i32
      %dma_start3A_101 = tpu.memref_slice %arg3[%mul3A_97, %dma_start3A_100] : memref<327680x128xf32, #tpu.memory_space<hbm>> -> memref<64x128xf32, #tpu.memory_space<hbm>>
      tpu.enqueue_dma source(%dma_start3A_101 : memref<64x128xf32, #tpu.memory_space<hbm>>) target(%arg10 : memref<64x128xf32, #tpu.memory_space<vmem>>) target_semaphore(%arg15 : memref<!tpu.dma_semaphore, #tpu.memory_space<semaphore_mem>>)
      %dma_wait3A = arith.constant 0 : i32
      %dma_wait3A_102 = arith.constant 0 : i32
      %dma_wait3A_103 = tpu.memref_slice %arg6[%dma_wait3A, %dma_wait3A_102] : memref<32x64xi32, #tpu.memory_space<vmem>> -> memref<1x64xi32, #tpu.memory_space<vmem>>
      %dma_wait3A_104 = tpu.memref_squeeze %dma_wait3A_103 : memref<1x64xi32, #tpu.memory_space<vmem>> -> memref<64xi32, #tpu.memory_space<vmem>>
      %dma_wait3A_105 = arith.constant 0 : i32
      %dma_wait3A_106 = arith.constant 0 : i32
      %dma_wait3A_107 = tpu.memref_slice %arg2[%dma_wait3A_105, %dma_wait3A_106] : memref<10000x128xf32, #tpu.memory_space<hbm>> -> memref<10000x128xf32, #tpu.memory_space<hbm>>
      tpu.wait_indirect_dma semaphore(%arg12 : memref<!tpu.dma_semaphore, #tpu.memory_space<semaphore_mem>>) src(%dma_wait3A_107 : memref<10000x128xf32, #tpu.memory_space<hbm>>) dst(%arg7 : memref<64x128xf32, #tpu.memory_space<vmem>>)
      %dma_wait3A_108 = arith.constant 0 : i32
      %dma_wait3A_109 = arith.constant 0 : i32
      %dma_wait3A_110 = tpu.memref_slice %arg3[%dma_wait3A_108, %dma_wait3A_109] : memref<327680x128xf32, #tpu.memory_space<hbm>> -> memref<64x128xf32, #tpu.memory_space<hbm>>
      %dma_wait3A_111 = arith.constant 0 : i32
      %dma_wait3A_112 = arith.constant 0 : i32
      %dma_wait3A_113 = tpu.memref_slice %arg3[%dma_wait3A_111, %dma_wait3A_112] : memref<327680x128xf32, #tpu.memory_space<hbm>> -> memref<64x128xf32, #tpu.memory_space<hbm>>
      tpu.wait_dma2 semaphore(%arg14 : memref<!tpu.dma_semaphore, #tpu.memory_space<semaphore_mem>>) src(%dma_wait3A_113 : memref<64x128xf32, #tpu.memory_space<hbm>>) dst(%arg9 : memref<64x128xf32, #tpu.memory_space<vmem>>)
      %parallel_loop3A_114 = arith.constant 0 : i32
      %parallel_loop3A_115 = arith.constant 64 : i32
      %parallel_loop3A_116 = arith.constant 1 : i32
      scf.for %parallel_loop3A_171 = %parallel_loop3A_114 to %parallel_loop3A_115 step %parallel_loop3A_116  : i32 {
        %parallel_loop3A_172 = arith.index_cast %parallel_loop3A_171 : i32 to index
        %parallel_loop3A_173 = arith.constant 0 : index
        %parallel_loop3A_174 = tpu.vector_load %arg7[%parallel_loop3A_172, %parallel_loop3A_173] {strides = array<i32>} : memref<64x128xf32, #tpu.memory_space<vmem>>, vector<1x16xf32>,
        %parallel_loop3A_175 = vector.shape_cast %parallel_loop3A_174 : vector<1x16xf32> to vector<16xf32>
        %parallel_loop3A_176 = arith.index_cast %parallel_loop3A_171 : i32 to index
        %parallel_loop3A_177 = arith.constant 0 : index
        %parallel_loop3A_178 = tpu.vector_load %arg9[%parallel_loop3A_176, %parallel_loop3A_177] {strides = array<i32>} : memref<64x128xf32, #tpu.memory_space<vmem>>, vector<1x16xf32>,
        %parallel_loop3A_179 = vector.shape_cast %parallel_loop3A_178 : vector<1x16xf32> to vector<16xf32>
        %parallel_loop3A_180 = arith.addf %parallel_loop3A_175, %parallel_loop3A_179 : vector<16xf32>
        %parallel_loop3A_181 = arith.constant 0.000000e+00 : f32
        %parallel_loop3A_182 = vector.broadcast %parallel_loop3A_181 : f32 to vector<16xf32>
        %parallel_loop3A_183 = arith.maximumf %parallel_loop3A_180, %parallel_loop3A_182 : vector<16xf32>
        %parallel_loop3A_184 = arith.index_cast %parallel_loop3A_171 : i32 to index
        %parallel_loop3A_185 = arith.constant 0 : index
        %parallel_loop3A_186 = tpu.vector_load %arg7[%parallel_loop3A_184, %parallel_loop3A_185] {strides = array<i32>} : memref<64x128xf32, #tpu.memory_space<vmem>>, vector<1x16xf32>,
        %parallel_loop3A_187 = vector.shape_cast %parallel_loop3A_186 : vector<1x16xf32> to vector<16xf32>
        %parallel_loop3A_188 = vector.shape_cast %parallel_loop3A_183 : vector<16xf32> to vector<1x16xf32>
        tpu.vector_store %arg7[%parallel_loop3A_184, %parallel_loop3A_185], %parallel_loop3A_188 {strides = array<i32>} : memref<64x128xf32, #tpu.memory_space<vmem>>, vector<1x16xf32>,
        %parallel_loop3A_189 = arith.index_cast %parallel_loop3A_171 : i32 to index
        %parallel_loop3A_190 = arith.constant 16 : index
        %parallel_loop3A_191 = tpu.vector_load %arg7[%parallel_loop3A_189, %parallel_loop3A_190] {strides = array<i32>} : memref<64x128xf32, #tpu.memory_space<vmem>>, vector<1x16xf32>,
        %parallel_loop3A_192 = vector.shape_cast %parallel_loop3A_191 : vector<1x16xf32> to vector<16xf32>
        %parallel_loop3A_193 = arith.index_cast %parallel_loop3A_171 : i32 to index
        %parallel_loop3A_194 = arith.constant 16 : index
        %parallel_loop3A_195 = tpu.vector_load %arg9[%parallel_loop3A_193, %parallel_loop3A_194] {strides = array<i32>} : memref<64x128xf32, #tpu.memory_space<vmem>>, vector<1x16xf32>,
        %parallel_loop3A_196 = vector.shape_cast %parallel_loop3A_195 : vector<1x16xf32> to vector<16xf32>
        %parallel_loop3A_197 = arith.addf %parallel_loop3A_192, %parallel_loop3A_196 : vector<16xf32>
        %parallel_loop3A_198 = arith.constant 0.000000e+00 : f32
        %parallel_loop3A_199 = vector.broadcast %parallel_loop3A_198 : f32 to vector<16xf32>
        %parallel_loop3A_200 = arith.maximumf %parallel_loop3A_197, %parallel_loop3A_199 : vector<16xf32>
        %parallel_loop3A_201 = arith.index_cast %parallel_loop3A_171 : i32 to index
        %parallel_loop3A_202 = arith.constant 16 : index
        %parallel_loop3A_203 = tpu.vector_load %arg7[%parallel_loop3A_201, %parallel_loop3A_202] {strides = array<i32>} : memref<64x128xf32, #tpu.memory_space<vmem>>, vector<1x16xf32>,
        %parallel_loop3A_204 = vector.shape_cast %parallel_loop3A_203 : vector<1x16xf32> to vector<16xf32>
        %parallel_loop3A_205 = vector.shape_cast %parallel_loop3A_200 : vector<16xf32> to vector<1x16xf32>
        tpu.vector_store %arg7[%parallel_loop3A_201, %parallel_loop3A_202], %parallel_loop3A_205 {strides = array<i32>} : memref<64x128xf32, #tpu.memory_space<vmem>>, vector<1x16xf32>,
        %parallel_loop3A_206 = arith.index_cast %parallel_loop3A_171 : i32 to index
        %parallel_loop3A_207 = arith.constant 32 : index
        %parallel_loop3A_208 = tpu.vector_load %arg7[%parallel_loop3A_206, %parallel_loop3A_207] {strides = array<i32>} : memref<64x128xf32, #tpu.memory_space<vmem>>, vector<1x16xf32>,
        %parallel_loop3A_209 = vector.shape_cast %parallel_loop3A_208 : vector<1x16xf32> to vector<16xf32>
        %parallel_loop3A_210 = arith.index_cast %parallel_loop3A_171 : i32 to index
        %parallel_loop3A_211 = arith.constant 32 : index
        %parallel_loop3A_212 = tpu.vector_load %arg9[%parallel_loop3A_210, %parallel_loop3A_211] {strides = array<i32>} : memref<64x128xf32, #tpu.memory_space<vmem>>, vector<1x16xf32>,
        %parallel_loop3A_213 = vector.shape_cast %parallel_loop3A_212 : vector<1x16xf32> to vector<16xf32>
        %parallel_loop3A_214 = arith.addf %parallel_loop3A_209, %parallel_loop3A_213 : vector<16xf32>
        %parallel_loop3A_215 = arith.constant 0.000000e+00 : f32
        %parallel_loop3A_216 = vector.broadcast %parallel_loop3A_215 : f32 to vector<16xf32>
        %parallel_loop3A_217 = arith.maximumf %parallel_loop3A_214, %parallel_loop3A_216 : vector<16xf32>
        %parallel_loop3A_218 = arith.index_cast %parallel_loop3A_171 : i32 to index
        %parallel_loop3A_219 = arith.constant 32 : index
        %parallel_loop3A_220 = tpu.vector_load %arg7[%parallel_loop3A_218, %parallel_loop3A_219] {strides = array<i32>} : memref<64x128xf32, #tpu.memory_space<vmem>>, vector<1x16xf32>,
        %parallel_loop3A_221 = vector.shape_cast %parallel_loop3A_220 : vector<1x16xf32> to vector<16xf32>
        %parallel_loop3A_222 = vector.shape_cast %parallel_loop3A_217 : vector<16xf32> to vector<1x16xf32>
        tpu.vector_store %arg7[%parallel_loop3A_218, %parallel_loop3A_219], %parallel_loop3A_222 {strides = array<i32>} : memref<64x128xf32, #tpu.memory_space<vmem>>, vector<1x16xf32>,
        %parallel_loop3A_223 = arith.index_cast %parallel_loop3A_171 : i32 to index
        %parallel_loop3A_224 = arith.constant 48 : index
        %parallel_loop3A_225 = tpu.vector_load %arg7[%parallel_loop3A_223, %parallel_loop3A_224] {strides = array<i32>} : memref<64x128xf32, #tpu.memory_space<vmem>>, vector<1x16xf32>,
        %parallel_loop3A_226 = vector.shape_cast %parallel_loop3A_225 : vector<1x16xf32> to vector<16xf32>
        %parallel_loop3A_227 = arith.index_cast %parallel_loop3A_171 : i32 to index
        %parallel_loop3A_228 = arith.constant 48 : index
        %parallel_loop3A_229 = tpu.vector_load %arg9[%parallel_loop3A_227, %parallel_loop3A_228] {strides = array<i32>} : memref<64x128xf32, #tpu.memory_space<vmem>>, vector<1x16xf32>,
        %parallel_loop3A_230 = vector.shape_cast %parallel_loop3A_229 : vector<1x16xf32> to vector<16xf32>
        %parallel_loop3A_231 = arith.addf %parallel_loop3A_226, %parallel_loop3A_230 : vector<16xf32>
        %parallel_loop3A_232 = arith.constant 0.000000e+00 : f32
        %parallel_loop3A_233 = vector.broadcast %parallel_loop3A_232 : f32 to vector<16xf32>
        %parallel_loop3A_234 = arith.maximumf %parallel_loop3A_231, %parallel_loop3A_233 : vector<16xf32>
        %parallel_loop3A_235 = arith.index_cast %parallel_loop3A_171 : i32 to index
        %parallel_loop3A_236 = arith.constant 48 : index
        %parallel_loop3A_237 = tpu.vector_load %arg7[%parallel_loop3A_235, %parallel_loop3A_236] {strides = array<i32>} : memref<64x128xf32, #tpu.memory_space<vmem>>, vector<1x16xf32>,
        %parallel_loop3A_238 = vector.shape_cast %parallel_loop3A_237 : vector<1x16xf32> to vector<16xf32>
        %parallel_loop3A_239 = vector.shape_cast %parallel_loop3A_234 : vector<16xf32> to vector<1x16xf32>
        tpu.vector_store %arg7[%parallel_loop3A_235, %parallel_loop3A_236], %parallel_loop3A_239 {strides = array<i32>} : memref<64x128xf32, #tpu.memory_space<vmem>>, vector<1x16xf32>,
        %parallel_loop3A_240 = arith.index_cast %parallel_loop3A_171 : i32 to index
        %parallel_loop3A_241 = arith.constant 64 : index
        %parallel_loop3A_242 = tpu.vector_load %arg7[%parallel_loop3A_240, %parallel_loop3A_241] {strides = array<i32>} : memref<64x128xf32, #tpu.memory_space<vmem>>, vector<1x16xf32>,
        %parallel_loop3A_243 = vector.shape_cast %parallel_loop3A_242 : vector<1x16xf32> to vector<16xf32>
        %parallel_loop3A_244 = arith.index_cast %parallel_loop3A_171 : i32 to index
        %parallel_loop3A_245 = arith.constant 64 : index
        %parallel_loop3A_246 = tpu.vector_load %arg9[%parallel_loop3A_244, %parallel_loop3A_245] {strides = array<i32>} : memref<64x128xf32, #tpu.memory_space<vmem>>, vector<1x16xf32>,
        %parallel_loop3A_247 = vector.shape_cast %parallel_loop3A_246 : vector<1x16xf32> to vector<16xf32>
        %parallel_loop3A_248 = arith.addf %parallel_loop3A_243, %parallel_loop3A_247 : vector<16xf32>
        %parallel_loop3A_249 = arith.constant 0.000000e+00 : f32
        %parallel_loop3A_250 = vector.broadcast %parallel_loop3A_249 : f32 to vector<16xf32>
        %parallel_loop3A_251 = arith.maximumf %parallel_loop3A_248, %parallel_loop3A_250 : vector<16xf32>
        %parallel_loop3A_252 = arith.index_cast %parallel_loop3A_171 : i32 to index
        %parallel_loop3A_253 = arith.constant 64 : index
        %parallel_loop3A_254 = tpu.vector_load %arg7[%parallel_loop3A_252, %parallel_loop3A_253] {strides = array<i32>} : memref<64x128xf32, #tpu.memory_space<vmem>>, vector<1x16xf32>,
        %parallel_loop3A_255 = vector.shape_cast %parallel_loop3A_254 : vector<1x16xf32> to vector<16xf32>
        %parallel_loop3A_256 = vector.shape_cast %parallel_loop3A_251 : vector<16xf32> to vector<1x16xf32>
        tpu.vector_store %arg7[%parallel_loop3A_252, %parallel_loop3A_253], %parallel_loop3A_256 {strides = array<i32>} : memref<64x128xf32, #tpu.memory_space<vmem>>, vector<1x16xf32>,
        %parallel_loop3A_257 = arith.index_cast %parallel_loop3A_171 : i32 to index
        %parallel_loop3A_258 = arith.constant 80 : index
        %parallel_loop3A_259 = tpu.vector_load %arg7[%parallel_loop3A_257, %parallel_loop3A_258] {strides = array<i32>} : memref<64x128xf32, #tpu.memory_space<vmem>>, vector<1x16xf32>,
        %parallel_loop3A_260 = vector.shape_cast %parallel_loop3A_259 : vector<1x16xf32> to vector<16xf32>
        %parallel_loop3A_261 = arith.index_cast %parallel_loop3A_171 : i32 to index
        %parallel_loop3A_262 = arith.constant 80 : index
        %parallel_loop3A_263 = tpu.vector_load %arg9[%parallel_loop3A_261, %parallel_loop3A_262] {strides = array<i32>} : memref<64x128xf32, #tpu.memory_space<vmem>>, vector<1x16xf32>,
        %parallel_loop3A_264 = vector.shape_cast %parallel_loop3A_263 : vector<1x16xf32> to vector<16xf32>
        %parallel_loop3A_265 = arith.addf %parallel_loop3A_260, %parallel_loop3A_264 : vector<16xf32>
        %parallel_loop3A_266 = arith.constant 0.000000e+00 : f32
        %parallel_loop3A_267 = vector.broadcast %parallel_loop3A_266 : f32 to vector<16xf32>
        %parallel_loop3A_268 = arith.maximumf %parallel_loop3A_265, %parallel_loop3A_267 : vector<16xf32>
        %parallel_loop3A_269 = arith.index_cast %parallel_loop3A_171 : i32 to index
        %parallel_loop3A_270 = arith.constant 80 : index
        %parallel_loop3A_271 = tpu.vector_load %arg7[%parallel_loop3A_269, %parallel_loop3A_270] {strides = array<i32>} : memref<64x128xf32, #tpu.memory_space<vmem>>, vector<1x16xf32>,
        %parallel_loop3A_272 = vector.shape_cast %parallel_loop3A_271 : vector<1x16xf32> to vector<16xf32>
        %parallel_loop3A_273 = vector.shape_cast %parallel_loop3A_268 : vector<16xf32> to vector<1x16xf32>
        tpu.vector_store %arg7[%parallel_loop3A_269, %parallel_loop3A_270], %parallel_loop3A_273 {strides = array<i32>} : memref<64x128xf32, #tpu.memory_space<vmem>>, vector<1x16xf32>,
        %parallel_loop3A_274 = arith.index_cast %parallel_loop3A_171 : i32 to index
        %parallel_loop3A_275 = arith.constant 96 : index
        %parallel_loop3A_276 = tpu.vector_load %arg7[%parallel_loop3A_274, %parallel_loop3A_275] {strides = array<i32>} : memref<64x128xf32, #tpu.memory_space<vmem>>, vector<1x16xf32>,
        %parallel_loop3A_277 = vector.shape_cast %parallel_loop3A_276 : vector<1x16xf32> to vector<16xf32>
        %parallel_loop3A_278 = arith.index_cast %parallel_loop3A_171 : i32 to index
        %parallel_loop3A_279 = arith.constant 96 : index
        %parallel_loop3A_280 = tpu.vector_load %arg9[%parallel_loop3A_278, %parallel_loop3A_279] {strides = array<i32>} : memref<64x128xf32, #tpu.memory_space<vmem>>, vector<1x16xf32>,
        %parallel_loop3A_281 = vector.shape_cast %parallel_loop3A_280 : vector<1x16xf32> to vector<16xf32>
        %parallel_loop3A_282 = arith.addf %parallel_loop3A_277, %parallel_loop3A_281 : vector<16xf32>
        %parallel_loop3A_283 = arith.constant 0.000000e+00 : f32
        %parallel_loop3A_284 = vector.broadcast %parallel_loop3A_283 : f32 to vector<16xf32>
        %parallel_loop3A_285 = arith.maximumf %parallel_loop3A_282, %parallel_loop3A_284 : vector<16xf32>
        %parallel_loop3A_286 = arith.index_cast %parallel_loop3A_171 : i32 to index
        %parallel_loop3A_287 = arith.constant 96 : index
        %parallel_loop3A_288 = tpu.vector_load %arg7[%parallel_loop3A_286, %parallel_loop3A_287] {strides = array<i32>} : memref<64x128xf32, #tpu.memory_space<vmem>>, vector<1x16xf32>,
        %parallel_loop3A_289 = vector.shape_cast %parallel_loop3A_288 : vector<1x16xf32> to vector<16xf32>
        %parallel_loop3A_290 = vector.shape_cast %parallel_loop3A_285 : vector<16xf32> to vector<1x16xf32>
        tpu.vector_store %arg7[%parallel_loop3A_286, %parallel_loop3A_287], %parallel_loop3A_290 {strides = array<i32>} : memref<64x128xf32, #tpu.memory_space<vmem>>, vector<1x16xf32>,
        %parallel_loop3A_291 = arith.index_cast %parallel_loop3A_171 : i32 to index
        %parallel_loop3A_292 = arith.constant 112 : index
        %parallel_loop3A_293 = tpu.vector_load %arg7[%parallel_loop3A_291, %parallel_loop3A_292] {strides = array<i32>} : memref<64x128xf32, #tpu.memory_space<vmem>>, vector<1x16xf32>,
        %parallel_loop3A_294 = vector.shape_cast %parallel_loop3A_293 : vector<1x16xf32> to vector<16xf32>
        %parallel_loop3A_295 = arith.index_cast %parallel_loop3A_171 : i32 to index
        %parallel_loop3A_296 = arith.constant 112 : index
        %parallel_loop3A_297 = tpu.vector_load %arg9[%parallel_loop3A_295, %parallel_loop3A_296] {strides = array<i32>} : memref<64x128xf32, #tpu.memory_space<vmem>>, vector<1x16xf32>,
        %parallel_loop3A_298 = vector.shape_cast %parallel_loop3A_297 : vector<1x16xf32> to vector<16xf32>
        %parallel_loop3A_299 = arith.addf %parallel_loop3A_294, %parallel_loop3A_298 : vector<16xf32>
        %parallel_loop3A_300 = arith.constant 0.000000e+00 : f32
        %parallel_loop3A_301 = vector.broadcast %parallel_loop3A_300 : f32 to vector<16xf32>
        %parallel_loop3A_302 = arith.maximumf %parallel_loop3A_299, %parallel_loop3A_301 : vector<16xf32>
        %parallel_loop3A_303 = arith.index_cast %parallel_loop3A_171 : i32 to index
        %parallel_loop3A_304 = arith.constant 112 : index
        %parallel_loop3A_305 = tpu.vector_load %arg7[%parallel_loop3A_303, %parallel_loop3A_304] {strides = array<i32>} : memref<64x128xf32, #tpu.memory_space<vmem>>, vector<1x16xf32>,
        %parallel_loop3A_306 = vector.shape_cast %parallel_loop3A_305 : vector<1x16xf32> to vector<16xf32>
        %parallel_loop3A_307 = vector.shape_cast %parallel_loop3A_302 : vector<16xf32> to vector<1x16xf32>
        tpu.vector_store %arg7[%parallel_loop3A_303, %parallel_loop3A_304], %parallel_loop3A_307 {strides = array<i32>} : memref<64x128xf32, #tpu.memory_space<vmem>>, vector<1x16xf32>,
      } {sc.loop_unroll_factor = 4 : i64, sc.parallel_access}
      %add3A_117 = arith.constant 16 : i32
      %add3A_118 = arith.addi %add3A_117, %rem3A_75 : i32
      %dma_start3A_119 = arith.constant 0 : i32
      %dma_start3A_120 = tpu.memref_slice %arg6[%add3A_118, %dma_start3A_119] : memref<32x64xi32, #tpu.memory_space<vmem>> -> memref<1x64xi32, #tpu.memory_space<vmem>>
      %dma_start3A_121 = tpu.memref_squeeze %dma_start3A_120 : memref<1x64xi32, #tpu.memory_space<vmem>> -> memref<64xi32, #tpu.memory_space<vmem>>
      %dma_start3A_122 = arith.constant 0 : i32
      %dma_start3A_123 = arith.constant 0 : i32
      %dma_start3A_124 = tpu.memref_slice %arg11[%dma_start3A_122, %dma_start3A_123] : memref<10240x128xf32, #tpu.memory_space<vmem_shared>> -> memref<10240x128xf32, #tpu.memory_space<vmem_shared>>
      tpu.enqueue_indirect_dma source(%arg7 : memref<64x128xf32, #tpu.memory_space<vmem>>) target(%dma_start3A_124 : memref<10240x128xf32, #tpu.memory_space<vmem_shared>>) offsets(%dma_start3A_121 : memref<64xi32, #tpu.memory_space<vmem>>) semaphore(%arg16 : memref<!tpu.dma_semaphore, #tpu.memory_space<semaphore_mem>>) {add = true}
      %dma_wait3A_125 = arith.constant 0 : i32
      %dma_wait3A_126 = tpu.memref_slice %arg6[%add3A_88, %dma_wait3A_125] : memref<32x64xi32, #tpu.memory_space<vmem>> -> memref<1x64xi32, #tpu.memory_space<vmem>>
      %dma_wait3A_127 = tpu.memref_squeeze %dma_wait3A_126 : memref<1x64xi32, #tpu.memory_space<vmem>> -> memref<64xi32, #tpu.memory_space<vmem>>
      %dma_wait3A_128 = arith.constant 0 : i32
      %dma_wait3A_129 = arith.constant 0 : i32
      %dma_wait3A_130 = tpu.memref_slice %arg2[%dma_wait3A_128, %dma_wait3A_129] : memref<10000x128xf32, #tpu.memory_space<hbm>> -> memref<10000x128xf32, #tpu.memory_space<hbm>>
      tpu.wait_indirect_dma semaphore(%arg13 : memref<!tpu.dma_semaphore, #tpu.memory_space<semaphore_mem>>) src(%dma_wait3A_130 : memref<10000x128xf32, #tpu.memory_space<hbm>>) dst(%arg8 : memref<64x128xf32, #tpu.memory_space<vmem>>)
      %dma_wait3A_131 = arith.constant 0 : i32
      %dma_wait3A_132 = tpu.memref_slice %arg3[%mul3A_97, %dma_wait3A_131] : memref<327680x128xf32, #tpu.memory_space<hbm>> -> memref<64x128xf32, #tpu.memory_space<hbm>>
      %dma_wait3A_133 = arith.constant 0 : i32
      %dma_wait3A_134 = tpu.memref_slice %arg3[%mul3A_97, %dma_wait3A_133] : memref<327680x128xf32, #tpu.memory_space<hbm>> -> memref<64x128xf32, #tpu.memory_space<hbm>>
      tpu.wait_dma2 semaphore(%arg15 : memref<!tpu.dma_semaphore, #tpu.memory_space<semaphore_mem>>) src(%dma_wait3A_134 : memref<64x128xf32, #tpu.memory_space<hbm>>) dst(%arg10 : memref<64x128xf32, #tpu.memory_space<vmem>>)
      %parallel_loop3A_135 = arith.constant 0 : i32
      %parallel_loop3A_136 = arith.constant 64 : i32
      %parallel_loop3A_137 = arith.constant 1 : i32
      scf.for %parallel_loop3A_171 = %parallel_loop3A_135 to %parallel_loop3A_136 step %parallel_loop3A_137  : i32 {
        %parallel_loop3A_172 = arith.index_cast %parallel_loop3A_171 : i32 to index
        %parallel_loop3A_173 = arith.constant 0 : index
        %parallel_loop3A_174 = tpu.vector_load %arg8[%parallel_loop3A_172, %parallel_loop3A_173] {strides = array<i32>} : memref<64x128xf32, #tpu.memory_space<vmem>>, vector<1x16xf32>,
        %parallel_loop3A_175 = vector.shape_cast %parallel_loop3A_174 : vector<1x16xf32> to vector<16xf32>
        %parallel_loop3A_176 = arith.index_cast %parallel_loop3A_171 : i32 to index
        %parallel_loop3A_177 = arith.constant 0 : index
        %parallel_loop3A_178 = tpu.vector_load %arg10[%parallel_loop3A_176, %parallel_loop3A_177] {strides = array<i32>} : memref<64x128xf32, #tpu.memory_space<vmem>>, vector<1x16xf32>,
        %parallel_loop3A_179 = vector.shape_cast %parallel_loop3A_178 : vector<1x16xf32> to vector<16xf32>
        %parallel_loop3A_180 = arith.addf %parallel_loop3A_175, %parallel_loop3A_179 : vector<16xf32>
        %parallel_loop3A_181 = arith.constant 0.000000e+00 : f32
        %parallel_loop3A_182 = vector.broadcast %parallel_loop3A_181 : f32 to vector<16xf32>
        %parallel_loop3A_183 = arith.maximumf %parallel_loop3A_180, %parallel_loop3A_182 : vector<16xf32>
        %parallel_loop3A_184 = arith.index_cast %parallel_loop3A_171 : i32 to index
        %parallel_loop3A_185 = arith.constant 0 : index
        %parallel_loop3A_186 = tpu.vector_load %arg8[%parallel_loop3A_184, %parallel_loop3A_185] {strides = array<i32>} : memref<64x128xf32, #tpu.memory_space<vmem>>, vector<1x16xf32>,
        %parallel_loop3A_187 = vector.shape_cast %parallel_loop3A_186 : vector<1x16xf32> to vector<16xf32>
        %parallel_loop3A_188 = vector.shape_cast %parallel_loop3A_183 : vector<16xf32> to vector<1x16xf32>
        tpu.vector_store %arg8[%parallel_loop3A_184, %parallel_loop3A_185], %parallel_loop3A_188 {strides = array<i32>} : memref<64x128xf32, #tpu.memory_space<vmem>>, vector<1x16xf32>,
        %parallel_loop3A_189 = arith.index_cast %parallel_loop3A_171 : i32 to index
        %parallel_loop3A_190 = arith.constant 16 : index
        %parallel_loop3A_191 = tpu.vector_load %arg8[%parallel_loop3A_189, %parallel_loop3A_190] {strides = array<i32>} : memref<64x128xf32, #tpu.memory_space<vmem>>, vector<1x16xf32>,
        %parallel_loop3A_192 = vector.shape_cast %parallel_loop3A_191 : vector<1x16xf32> to vector<16xf32>
        %parallel_loop3A_193 = arith.index_cast %parallel_loop3A_171 : i32 to index
        %parallel_loop3A_194 = arith.constant 16 : index
        %parallel_loop3A_195 = tpu.vector_load %arg10[%parallel_loop3A_193, %parallel_loop3A_194] {strides = array<i32>} : memref<64x128xf32, #tpu.memory_space<vmem>>, vector<1x16xf32>,
        %parallel_loop3A_196 = vector.shape_cast %parallel_loop3A_195 : vector<1x16xf32> to vector<16xf32>
        %parallel_loop3A_197 = arith.addf %parallel_loop3A_192, %parallel_loop3A_196 : vector<16xf32>
        %parallel_loop3A_198 = arith.constant 0.000000e+00 : f32
        %parallel_loop3A_199 = vector.broadcast %parallel_loop3A_198 : f32 to vector<16xf32>
        %parallel_loop3A_200 = arith.maximumf %parallel_loop3A_197, %parallel_loop3A_199 : vector<16xf32>
        %parallel_loop3A_201 = arith.index_cast %parallel_loop3A_171 : i32 to index
        %parallel_loop3A_202 = arith.constant 16 : index
        %parallel_loop3A_203 = tpu.vector_load %arg8[%parallel_loop3A_201, %parallel_loop3A_202] {strides = array<i32>} : memref<64x128xf32, #tpu.memory_space<vmem>>, vector<1x16xf32>,
        %parallel_loop3A_204 = vector.shape_cast %parallel_loop3A_203 : vector<1x16xf32> to vector<16xf32>
        %parallel_loop3A_205 = vector.shape_cast %parallel_loop3A_200 : vector<16xf32> to vector<1x16xf32>
        tpu.vector_store %arg8[%parallel_loop3A_201, %parallel_loop3A_202], %parallel_loop3A_205 {strides = array<i32>} : memref<64x128xf32, #tpu.memory_space<vmem>>, vector<1x16xf32>,
        %parallel_loop3A_206 = arith.index_cast %parallel_loop3A_171 : i32 to index
        %parallel_loop3A_207 = arith.constant 32 : index
        %parallel_loop3A_208 = tpu.vector_load %arg8[%parallel_loop3A_206, %parallel_loop3A_207] {strides = array<i32>} : memref<64x128xf32, #tpu.memory_space<vmem>>, vector<1x16xf32>,
        %parallel_loop3A_209 = vector.shape_cast %parallel_loop3A_208 : vector<1x16xf32> to vector<16xf32>
        %parallel_loop3A_210 = arith.index_cast %parallel_loop3A_171 : i32 to index
        %parallel_loop3A_211 = arith.constant 32 : index
        %parallel_loop3A_212 = tpu.vector_load %arg10[%parallel_loop3A_210, %parallel_loop3A_211] {strides = array<i32>} : memref<64x128xf32, #tpu.memory_space<vmem>>, vector<1x16xf32>,
        %parallel_loop3A_213 = vector.shape_cast %parallel_loop3A_212 : vector<1x16xf32> to vector<16xf32>
        %parallel_loop3A_214 = arith.addf %parallel_loop3A_209, %parallel_loop3A_213 : vector<16xf32>
        %parallel_loop3A_215 = arith.constant 0.000000e+00 : f32
        %parallel_loop3A_216 = vector.broadcast %parallel_loop3A_215 : f32 to vector<16xf32>
        %parallel_loop3A_217 = arith.maximumf %parallel_loop3A_214, %parallel_loop3A_216 : vector<16xf32>
        %parallel_loop3A_218 = arith.index_cast %parallel_loop3A_171 : i32 to index
        %parallel_loop3A_219 = arith.constant 32 : index
        %parallel_loop3A_220 = tpu.vector_load %arg8[%parallel_loop3A_218, %parallel_loop3A_219] {strides = array<i32>} : memref<64x128xf32, #tpu.memory_space<vmem>>, vector<1x16xf32>,
        %parallel_loop3A_221 = vector.shape_cast %parallel_loop3A_220 : vector<1x16xf32> to vector<16xf32>
        %parallel_loop3A_222 = vector.shape_cast %parallel_loop3A_217 : vector<16xf32> to vector<1x16xf32>
        tpu.vector_store %arg8[%parallel_loop3A_218, %parallel_loop3A_219], %parallel_loop3A_222 {strides = array<i32>} : memref<64x128xf32, #tpu.memory_space<vmem>>, vector<1x16xf32>,
        %parallel_loop3A_223 = arith.index_cast %parallel_loop3A_171 : i32 to index
        %parallel_loop3A_224 = arith.constant 48 : index
        %parallel_loop3A_225 = tpu.vector_load %arg8[%parallel_loop3A_223, %parallel_loop3A_224] {strides = array<i32>} : memref<64x128xf32, #tpu.memory_space<vmem>>, vector<1x16xf32>,
        %parallel_loop3A_226 = vector.shape_cast %parallel_loop3A_225 : vector<1x16xf32> to vector<16xf32>
        %parallel_loop3A_227 = arith.index_cast %parallel_loop3A_171 : i32 to index
        %parallel_loop3A_228 = arith.constant 48 : index
        %parallel_loop3A_229 = tpu.vector_load %arg10[%parallel_loop3A_227, %parallel_loop3A_228] {strides = array<i32>} : memref<64x128xf32, #tpu.memory_space<vmem>>, vector<1x16xf32>,
        %parallel_loop3A_230 = vector.shape_cast %parallel_loop3A_229 : vector<1x16xf32> to vector<16xf32>
        %parallel_loop3A_231 = arith.addf %parallel_loop3A_226, %parallel_loop3A_230 : vector<16xf32>
        %parallel_loop3A_232 = arith.constant 0.000000e+00 : f32
        %parallel_loop3A_233 = vector.broadcast %parallel_loop3A_232 : f32 to vector<16xf32>
        %parallel_loop3A_234 = arith.maximumf %parallel_loop3A_231, %parallel_loop3A_233 : vector<16xf32>
        %parallel_loop3A_235 = arith.index_cast %parallel_loop3A_171 : i32 to index
        %parallel_loop3A_236 = arith.constant 48 : index
        %parallel_loop3A_237 = tpu.vector_load %arg8[%parallel_loop3A_235, %parallel_loop3A_236] {strides = array<i32>} : memref<64x128xf32, #tpu.memory_space<vmem>>, vector<1x16xf32>,
        %parallel_loop3A_238 = vector.shape_cast %parallel_loop3A_237 : vector<1x16xf32> to vector<16xf32>
        %parallel_loop3A_239 = vector.shape_cast %parallel_loop3A_234 : vector<16xf32> to vector<1x16xf32>
        tpu.vector_store %arg8[%parallel_loop3A_235, %parallel_loop3A_236], %parallel_loop3A_239 {strides = array<i32>} : memref<64x128xf32, #tpu.memory_space<vmem>>, vector<1x16xf32>,
        %parallel_loop3A_240 = arith.index_cast %parallel_loop3A_171 : i32 to index
        %parallel_loop3A_241 = arith.constant 64 : index
        %parallel_loop3A_242 = tpu.vector_load %arg8[%parallel_loop3A_240, %parallel_loop3A_241] {strides = array<i32>} : memref<64x128xf32, #tpu.memory_space<vmem>>, vector<1x16xf32>,
        %parallel_loop3A_243 = vector.shape_cast %parallel_loop3A_242 : vector<1x16xf32> to vector<16xf32>
        %parallel_loop3A_244 = arith.index_cast %parallel_loop3A_171 : i32 to index
        %parallel_loop3A_245 = arith.constant 64 : index
        %parallel_loop3A_246 = tpu.vector_load %arg10[%parallel_loop3A_244, %parallel_loop3A_245] {strides = array<i32>} : memref<64x128xf32, #tpu.memory_space<vmem>>, vector<1x16xf32>,
        %parallel_loop3A_247 = vector.shape_cast %parallel_loop3A_246 : vector<1x16xf32> to vector<16xf32>
        %parallel_loop3A_248 = arith.addf %parallel_loop3A_243, %parallel_loop3A_247 : vector<16xf32>
        %parallel_loop3A_249 = arith.constant 0.000000e+00 : f32
        %parallel_loop3A_250 = vector.broadcast %parallel_loop3A_249 : f32 to vector<16xf32>
        %parallel_loop3A_251 = arith.maximumf %parallel_loop3A_248, %parallel_loop3A_250 : vector<16xf32>
        %parallel_loop3A_252 = arith.index_cast %parallel_loop3A_171 : i32 to index
        %parallel_loop3A_253 = arith.constant 64 : index
        %parallel_loop3A_254 = tpu.vector_load %arg8[%parallel_loop3A_252, %parallel_loop3A_253] {strides = array<i32>} : memref<64x128xf32, #tpu.memory_space<vmem>>, vector<1x16xf32>,
        %parallel_loop3A_255 = vector.shape_cast %parallel_loop3A_254 : vector<1x16xf32> to vector<16xf32>
        %parallel_loop3A_256 = vector.shape_cast %parallel_loop3A_251 : vector<16xf32> to vector<1x16xf32>
        tpu.vector_store %arg8[%parallel_loop3A_252, %parallel_loop3A_253], %parallel_loop3A_256 {strides = array<i32>} : memref<64x128xf32, #tpu.memory_space<vmem>>, vector<1x16xf32>,
        %parallel_loop3A_257 = arith.index_cast %parallel_loop3A_171 : i32 to index
        %parallel_loop3A_258 = arith.constant 80 : index
        %parallel_loop3A_259 = tpu.vector_load %arg8[%parallel_loop3A_257, %parallel_loop3A_258] {strides = array<i32>} : memref<64x128xf32, #tpu.memory_space<vmem>>, vector<1x16xf32>,
        %parallel_loop3A_260 = vector.shape_cast %parallel_loop3A_259 : vector<1x16xf32> to vector<16xf32>
        %parallel_loop3A_261 = arith.index_cast %parallel_loop3A_171 : i32 to index
        %parallel_loop3A_262 = arith.constant 80 : index
        %parallel_loop3A_263 = tpu.vector_load %arg10[%parallel_loop3A_261, %parallel_loop3A_262] {strides = array<i32>} : memref<64x128xf32, #tpu.memory_space<vmem>>, vector<1x16xf32>,
        %parallel_loop3A_264 = vector.shape_cast %parallel_loop3A_263 : vector<1x16xf32> to vector<16xf32>
        %parallel_loop3A_265 = arith.addf %parallel_loop3A_260, %parallel_loop3A_264 : vector<16xf32>
        %parallel_loop3A_266 = arith.constant 0.000000e+00 : f32
        %parallel_loop3A_267 = vector.broadcast %parallel_loop3A_266 : f32 to vector<16xf32>
        %parallel_loop3A_268 = arith.maximumf %parallel_loop3A_265, %parallel_loop3A_267 : vector<16xf32>
        %parallel_loop3A_269 = arith.index_cast %parallel_loop3A_171 : i32 to index
        %parallel_loop3A_270 = arith.constant 80 : index
        %parallel_loop3A_271 = tpu.vector_load %arg8[%parallel_loop3A_269, %parallel_loop3A_270] {strides = array<i32>} : memref<64x128xf32, #tpu.memory_space<vmem>>, vector<1x16xf32>,
        %parallel_loop3A_272 = vector.shape_cast %parallel_loop3A_271 : vector<1x16xf32> to vector<16xf32>
        %parallel_loop3A_273 = vector.shape_cast %parallel_loop3A_268 : vector<16xf32> to vector<1x16xf32>
        tpu.vector_store %arg8[%parallel_loop3A_269, %parallel_loop3A_270], %parallel_loop3A_273 {strides = array<i32>} : memref<64x128xf32, #tpu.memory_space<vmem>>, vector<1x16xf32>,
        %parallel_loop3A_274 = arith.index_cast %parallel_loop3A_171 : i32 to index
        %parallel_loop3A_275 = arith.constant 96 : index
        %parallel_loop3A_276 = tpu.vector_load %arg8[%parallel_loop3A_274, %parallel_loop3A_275] {strides = array<i32>} : memref<64x128xf32, #tpu.memory_space<vmem>>, vector<1x16xf32>,
        %parallel_loop3A_277 = vector.shape_cast %parallel_loop3A_276 : vector<1x16xf32> to vector<16xf32>
        %parallel_loop3A_278 = arith.index_cast %parallel_loop3A_171 : i32 to index
        %parallel_loop3A_279 = arith.constant 96 : index
        %parallel_loop3A_280 = tpu.vector_load %arg10[%parallel_loop3A_278, %parallel_loop3A_279] {strides = array<i32>} : memref<64x128xf32, #tpu.memory_space<vmem>>, vector<1x16xf32>,
        %parallel_loop3A_281 = vector.shape_cast %parallel_loop3A_280 : vector<1x16xf32> to vector<16xf32>
        %parallel_loop3A_282 = arith.addf %parallel_loop3A_277, %parallel_loop3A_281 : vector<16xf32>
        %parallel_loop3A_283 = arith.constant 0.000000e+00 : f32
        %parallel_loop3A_284 = vector.broadcast %parallel_loop3A_283 : f32 to vector<16xf32>
        %parallel_loop3A_285 = arith.maximumf %parallel_loop3A_282, %parallel_loop3A_284 : vector<16xf32>
        %parallel_loop3A_286 = arith.index_cast %parallel_loop3A_171 : i32 to index
        %parallel_loop3A_287 = arith.constant 96 : index
        %parallel_loop3A_288 = tpu.vector_load %arg8[%parallel_loop3A_286, %parallel_loop3A_287] {strides = array<i32>} : memref<64x128xf32, #tpu.memory_space<vmem>>, vector<1x16xf32>,
        %parallel_loop3A_289 = vector.shape_cast %parallel_loop3A_288 : vector<1x16xf32> to vector<16xf32>
        %parallel_loop3A_290 = vector.shape_cast %parallel_loop3A_285 : vector<16xf32> to vector<1x16xf32>
        tpu.vector_store %arg8[%parallel_loop3A_286, %parallel_loop3A_287], %parallel_loop3A_290 {strides = array<i32>} : memref<64x128xf32, #tpu.memory_space<vmem>>, vector<1x16xf32>,
        %parallel_loop3A_291 = arith.index_cast %parallel_loop3A_171 : i32 to index
        %parallel_loop3A_292 = arith.constant 112 : index
        %parallel_loop3A_293 = tpu.vector_load %arg8[%parallel_loop3A_291, %parallel_loop3A_292] {strides = array<i32>} : memref<64x128xf32, #tpu.memory_space<vmem>>, vector<1x16xf32>,
        %parallel_loop3A_294 = vector.shape_cast %parallel_loop3A_293 : vector<1x16xf32> to vector<16xf32>
        %parallel_loop3A_295 = arith.index_cast %parallel_loop3A_171 : i32 to index
        %parallel_loop3A_296 = arith.constant 112 : index
        %parallel_loop3A_297 = tpu.vector_load %arg10[%parallel_loop3A_295, %parallel_loop3A_296] {strides = array<i32>} : memref<64x128xf32, #tpu.memory_space<vmem>>, vector<1x16xf32>,
        %parallel_loop3A_298 = vector.shape_cast %parallel_loop3A_297 : vector<1x16xf32> to vector<16xf32>
        %parallel_loop3A_299 = arith.addf %parallel_loop3A_294, %parallel_loop3A_298 : vector<16xf32>
        %parallel_loop3A_300 = arith.constant 0.000000e+00 : f32
        %parallel_loop3A_301 = vector.broadcast %parallel_loop3A_300 : f32 to vector<16xf32>
        %parallel_loop3A_302 = arith.maximumf %parallel_loop3A_299, %parallel_loop3A_301 : vector<16xf32>
        %parallel_loop3A_303 = arith.index_cast %parallel_loop3A_171 : i32 to index
        %parallel_loop3A_304 = arith.constant 112 : index
        %parallel_loop3A_305 = tpu.vector_load %arg8[%parallel_loop3A_303, %parallel_loop3A_304] {strides = array<i32>} : memref<64x128xf32, #tpu.memory_space<vmem>>, vector<1x16xf32>,
        %parallel_loop3A_306 = vector.shape_cast %parallel_loop3A_305 : vector<1x16xf32> to vector<16xf32>
        %parallel_loop3A_307 = vector.shape_cast %parallel_loop3A_302 : vector<16xf32> to vector<1x16xf32>
        tpu.vector_store %arg8[%parallel_loop3A_303, %parallel_loop3A_304], %parallel_loop3A_307 {strides = array<i32>} : memref<64x128xf32, #tpu.memory_space<vmem>>, vector<1x16xf32>,
      } {sc.loop_unroll_factor = 4 : i64, sc.parallel_access}
      %add3A_138 = arith.constant 1 : i32
      %add3A_139 = arith.addi %rem3A_75, %add3A_138 : i32
      %add3A_140 = arith.constant 16 : i32
      %add3A_141 = arith.addi %add3A_140, %add3A_139 : i32
      %dma_start3A_142 = arith.constant 0 : i32
      %dma_start3A_143 = tpu.memref_slice %arg6[%add3A_141, %dma_start3A_142] : memref<32x64xi32, #tpu.memory_space<vmem>> -> memref<1x64xi32, #tpu.memory_space<vmem>>
      %dma_start3A_144 = tpu.memref_squeeze %dma_start3A_143 : memref<1x64xi32, #tpu.memory_space<vmem>> -> memref<64xi32, #tpu.memory_space<vmem>>
      %dma_start3A_145 = arith.constant 0 : i32
      %dma_start3A_146 = arith.constant 0 : i32
      %dma_start3A_147 = tpu.memref_slice %arg11[%dma_start3A_145, %dma_start3A_146] : memref<10240x128xf32, #tpu.memory_space<vmem_shared>> -> memref<10240x128xf32, #tpu.memory_space<vmem_shared>>
      tpu.enqueue_indirect_dma source(%arg8 : memref<64x128xf32, #tpu.memory_space<vmem>>) target(%dma_start3A_147 : memref<10240x128xf32, #tpu.memory_space<vmem_shared>>) offsets(%dma_start3A_144 : memref<64xi32, #tpu.memory_space<vmem>>) semaphore(%arg17 : memref<!tpu.dma_semaphore, #tpu.memory_space<semaphore_mem>>) {add = true}
      %dma_wait3A_148 = arith.constant 16 : i32
      %dma_wait3A_149 = arith.constant 0 : i32
      %dma_wait3A_150 = tpu.memref_slice %arg6[%dma_wait3A_148, %dma_wait3A_149] : memref<32x64xi32, #tpu.memory_space<vmem>> -> memref<1x64xi32, #tpu.memory_space<vmem>>
      %dma_wait3A_151 = tpu.memref_squeeze %dma_wait3A_150 : memref<1x64xi32, #tpu.memory_space<vmem>> -> memref<64xi32, #tpu.memory_space<vmem>>
      %dma_wait3A_152 = arith.constant 0 : i32
      %dma_wait3A_153 = arith.constant 0 : i32
      %dma_wait3A_154 = tpu.memref_slice %arg11[%dma_wait3A_152, %dma_wait3A_153] : memref<10240x128xf32, #tpu.memory_space<vmem_shared>> -> memref<10240x128xf32, #tpu.memory_space<vmem_shared>>
      tpu.wait_indirect_dma semaphore(%arg16 : memref<!tpu.dma_semaphore, #tpu.memory_space<semaphore_mem>>) src(%arg7 : memref<64x128xf32, #tpu.memory_space<vmem>>) dst(%dma_wait3A_154 : memref<10240x128xf32, #tpu.memory_space<vmem_shared>>)
      %convert_element_type3A_155 = arith.extui %eq3A_79 : i1 to i32
      %cond3A_156 = arith.constant 0 : i32
      %cond3A_157 = arith.cmpi ne, %convert_element_type3A_155, %cond3A_156 : i32
      scf.if %cond3A_157 {
        %dma_wait3A_171 = arith.constant 16 : i32
        %dma_wait3A_172 = arith.constant 0 : i32
        %dma_wait3A_173 = tpu.memref_slice %arg6[%dma_wait3A_171, %dma_wait3A_172] : memref<32x64xi32, #tpu.memory_space<vmem>> -> memref<1x64xi32, #tpu.memory_space<vmem>>
        %dma_wait3A_174 = tpu.memref_squeeze %dma_wait3A_173 : memref<1x64xi32, #tpu.memory_space<vmem>> -> memref<64xi32, #tpu.memory_space<vmem>>
        %dma_wait3A_175 = arith.constant 0 : i32
        %dma_wait3A_176 = arith.constant 0 : i32
        %dma_wait3A_177 = tpu.memref_slice %arg11[%dma_wait3A_175, %dma_wait3A_176] : memref<10240x128xf32, #tpu.memory_space<vmem_shared>> -> memref<10240x128xf32, #tpu.memory_space<vmem_shared>>
        tpu.wait_indirect_dma semaphore(%arg17 : memref<!tpu.dma_semaphore, #tpu.memory_space<semaphore_mem>>) src(%arg8 : memref<64x128xf32, #tpu.memory_space<vmem>>) dst(%dma_wait3A_177 : memref<10240x128xf32, #tpu.memory_space<vmem_shared>>)
      } else {
      }
      %add3A_158 = arith.constant 1 : i32
      %add3A_159 = arith.addi %while3A_68, %add3A_158 : i32
      %lt3A = arith.cmpi slt, %add3A_159, %select_n3A_8 : i32
      %and3A_160 = arith.andi %eq3A_79, %lt3A : i1
      %convert_element_type3A_161 = arith.extui %and3A_160 : i1 to i32
      %cond3A_162 = arith.constant 0 : i32
      %cond3A_163 = arith.cmpi ne, %convert_element_type3A_161, %cond3A_162 : i32
      scf.if %cond3A_163 {
        %add3A_171 = arith.constant 1 : i32
        %add3A_172 = arith.addi %while3A_68, %add3A_171 : i32
        %jit3A_173 = arith.constant 8 : i32
        %div3A_174 = arith.divsi %add3A_172, %jit3A_173 : i32
        %sign3A_175 = arith.constant 0 : i32
        %sign3A_176 = arith.cmpi sgt, %add3A_172, %sign3A_175 : i32
        %sign3A_177 = arith.extui %sign3A_176 : i1 to i32
        %sign3A_178 = arith.constant 0 : i32
        %sign3A_179 = arith.cmpi slt, %add3A_172, %sign3A_178 : i32
        %sign3A_180 = arith.extui %sign3A_179 : i1 to i32
        %sign3A_181 = arith.subi %sign3A_177, %sign3A_180 : i32
        %sign3A_182 = arith.constant 0 : i32
        %sign3A_183 = arith.cmpi sgt, %jit3A_173, %sign3A_182 : i32
        %sign3A_184 = arith.extui %sign3A_183 : i1 to i32
        %sign3A_185 = arith.constant 0 : i32
        %sign3A_186 = arith.cmpi slt, %jit3A_173, %sign3A_185 : i32
        %sign3A_187 = arith.extui %sign3A_186 : i1 to i32
        %sign3A_188 = arith.subi %sign3A_184, %sign3A_187 : i32
        %ne3A_189 = arith.cmpi ne, %sign3A_181, %sign3A_188 : i32
        %rem3A_190 = arith.remsi %add3A_172, %jit3A_173 : i32
        %ne3A_191 = arith.constant 0 : i32
        %ne3A_192 = arith.cmpi ne, %rem3A_190, %ne3A_191 : i32
        %and3A_193 = arith.andi %ne3A_189, %ne3A_192 : i1
        %sub3A_194 = arith.constant 1 : i32
        %sub3A_195 = arith.subi %div3A_174, %sub3A_194 : i32
        %select_n3A_196 = arith.select %and3A_193, %sub3A_195, %div3A_174 : i32
        %add3A_197 = arith.addi %select_n3A_26, %select_n3A_196 : i32
        "tpu.region"() ({
          %run_scoped3A = tpu.sem_alloc : memref<!tpu.dma_semaphore, #tpu.memory_space<semaphore_mem>>
          %dma_start3A_198 = arith.constant 0 : i32
          %dma_start3A_199 = arith.constant 0 : i32
          %dma_start3A_200 = tpu.memref_slice %arg4[%add3A_197, %dma_start3A_198, %dma_start3A_199] : memref<320x32x64xi32, #tpu.memory_space<hbm>> -> memref<1x32x64xi32, #tpu.memory_space<hbm>>
          %dma_start3A_201 = tpu.memref_squeeze %dma_start3A_200 : memref<1x32x64xi32, #tpu.memory_space<hbm>> -> memref<32x64xi32, #tpu.memory_space<hbm>>
          %dma_start3A_202 = arith.constant 0 : i32
          %dma_start3A_203 = arith.constant 0 : i32
          %dma_start3A_204 = tpu.memref_slice %arg4[%add3A_197, %dma_start3A_202, %dma_start3A_203] : memref<320x32x64xi32, #tpu.memory_space<hbm>> -> memref<1x32x64xi32, #tpu.memory_space<hbm>>
          %dma_start3A_205 = tpu.memref_squeeze %dma_start3A_204 : memref<1x32x64xi32, #tpu.memory_space<hbm>> -> memref<32x64xi32, #tpu.memory_space<hbm>>
          tpu.enqueue_dma source(%dma_start3A_205 : memref<32x64xi32, #tpu.memory_space<hbm>>) target(%arg6 : memref<32x64xi32, #tpu.memory_space<vmem>>) target_semaphore(%run_scoped3A : memref<!tpu.dma_semaphore, #tpu.memory_space<semaphore_mem>>)
          %dma_wait3A_206 = arith.constant 0 : i32
          %dma_wait3A_207 = arith.constant 0 : i32
          %dma_wait3A_208 = tpu.memref_slice %arg4[%add3A_197, %dma_wait3A_206, %dma_wait3A_207] : memref<320x32x64xi32, #tpu.memory_space<hbm>> -> memref<1x32x64xi32, #tpu.memory_space<hbm>>
          %dma_wait3A_209 = tpu.memref_squeeze %dma_wait3A_208 : memref<1x32x64xi32, #tpu.memory_space<hbm>> -> memref<32x64xi32, #tpu.memory_space<hbm>>
          %dma_wait3A_210 = arith.constant 0 : i32
          %dma_wait3A_211 = arith.constant 0 : i32
          %dma_wait3A_212 = tpu.memref_slice %arg4[%add3A_197, %dma_wait3A_210, %dma_wait3A_211] : memref<320x32x64xi32, #tpu.memory_space<hbm>> -> memref<1x32x64xi32, #tpu.memory_space<hbm>>
          %dma_wait3A_213 = tpu.memref_squeeze %dma_wait3A_212 : memref<1x32x64xi32, #tpu.memory_space<hbm>> -> memref<32x64xi32, #tpu.memory_space<hbm>>
          tpu.wait_dma2 semaphore(%run_scoped3A : memref<!tpu.dma_semaphore, #tpu.memory_space<semaphore_mem>>) src(%dma_wait3A_213 : memref<32x64xi32, #tpu.memory_space<hbm>>) dst(%arg6 : memref<32x64xi32, #tpu.memory_space<vmem>>)
          tpu.yield
        }) : () -> ()
      } else {
      }
      %add3A_164 = arith.constant 1 : i32
      %add3A_165 = arith.addi %while3A_68, %add3A_164 : i32
      %lt3A_166 = arith.cmpi slt, %add3A_165, %select_n3A_8 : i32
      %convert_element_type3A_167 = arith.extui %lt3A_166 : i1 to i32
      %cond3A_168 = arith.constant 0 : i32
      %cond3A_169 = arith.cmpi ne, %convert_element_type3A_167, %cond3A_168 : i32
      scf.if %cond3A_169 {
        %add3A_171 = arith.constant 2 : i32
        %add3A_172 = arith.addi %mul3A_71, %add3A_171 : i32
        %add3A_173 = arith.constant 2 : i32
        %add3A_174 = arith.addi %mul3A_71, %add3A_173 : i32
        %rem3A_175 = arith.constant 16 : i32
        %rem3A_176 = arith.remsi %add3A_174, %rem3A_175 : i32
        %dma_start3A_177 = arith.constant 0 : i32
        %dma_start3A_178 = tpu.memref_slice %arg6[%rem3A_176, %dma_start3A_177] : memref<32x64xi32, #tpu.memory_space<vmem>> -> memref<1x64xi32, #tpu.memory_space<vmem>>
        %dma_start3A_179 = tpu.memref_squeeze %dma_start3A_178 : memref<1x64xi32, #tpu.memory_space<vmem>> -> memref<64xi32, #tpu.memory_space<vmem>>
        %dma_start3A_180 = arith.constant 0 : i32
        %dma_start3A_181 = arith.constant 0 : i32
        %dma_start3A_182 = tpu.memref_slice %arg2[%dma_start3A_180, %dma_start3A_181] : memref<10000x128xf32, #tpu.memory_space<hbm>> -> memref<10000x128xf32, #tpu.memory_space<hbm>>
        tpu.enqueue_indirect_dma source(%dma_start3A_182 : memref<10000x128xf32, #tpu.memory_space<hbm>>) target(%arg7 : memref<64x128xf32, #tpu.memory_space<vmem>>) offsets(%dma_start3A_179 : memref<64xi32, #tpu.memory_space<vmem>>) semaphore(%arg12 : memref<!tpu.dma_semaphore, #tpu.memory_space<semaphore_mem>>)
        %add3A_183 = arith.addi %select_n3A, %add3A_172 : i32
        %mul3A_184 = arith.constant 64 : i32
        %mul3A_185 = arith.muli %add3A_183, %mul3A_184 : i32
        %dma_start3A_186 = arith.constant 0 : i32
        %dma_start3A_187 = tpu.memref_slice %arg3[%mul3A_185, %dma_start3A_186] : memref<327680x128xf32, #tpu.memory_space<hbm>> -> memref<64x128xf32, #tpu.memory_space<hbm>>
        %dma_start3A_188 = arith.constant 0 : i32
        %dma_start3A_189 = tpu.memref_slice %arg3[%mul3A_185, %dma_start3A_188] : memref<327680x128xf32, #tpu.memory_space<hbm>> -> memref<64x128xf32, #tpu.memory_space<hbm>>
        tpu.enqueue_dma source(%dma_start3A_189 : memref<64x128xf32, #tpu.memory_space<hbm>>) target(%arg9 : memref<64x128xf32, #tpu.memory_space<vmem>>) target_semaphore(%arg14 : memref<!tpu.dma_semaphore, #tpu.memory_space<semaphore_mem>>)
      } else {
      }
      %while3A_170 = arith.constant 0 : i32
      scf.yield %while3A_170 : i32
    }
    %while3A_58 = arith.constant 1 : i32
    %while3A_59 = scf.for %while3A_68 = %while3A_55 to %while3A_51 step %while3A_58 iter_args(%while3A_69 = %while3A_57) -> (i32)  : i32 {
      %mul3A_70 = arith.constant 2 : i32
      %mul3A_71 = arith.muli %mul3A_70, %while3A_68 : i32
      %add3A_72 = arith.constant 1 : i32
      %add3A_73 = arith.addi %mul3A_71, %add3A_72 : i32
      %rem3A_74 = arith.constant 16 : i32
      %rem3A_75 = arith.remsi %mul3A_71, %rem3A_74 : i32
      %rem3A_76 = arith.constant 8 : i32
      %rem3A_77 = arith.remsi %while3A_68, %rem3A_76 : i32
      %eq3A_78 = arith.constant 7 : i32
      %eq3A_79 = arith.cmpi eq, %rem3A_77, %eq3A_78 : i32
      %gt3A = arith.constant 0 : i32
      %gt3A_80 = arith.cmpi sgt, %while3A_68, %gt3A : i32
      %rem3A_81 = arith.constant 8 : i32
      %rem3A_82 = arith.remsi %while3A_68, %rem3A_81 : i32
      %ne3A_83 = arith.constant 0 : i32
      %ne3A_84 = arith.cmpi ne, %rem3A_82, %ne3A_83 : i32
      %and3A_85 = arith.andi %gt3A_80, %ne3A_84 : i1
      %convert_element_type3A = arith.extui %and3A_85 : i1 to i32
      %cond3A = arith.constant 0 : i32
      %cond3A_86 = arith.cmpi ne, %convert_element_type3A, %cond3A : i32
      scf.if %cond3A_86 {
        %dma_wait3A_171 = arith.constant 16 : i32
        %dma_wait3A_172 = arith.constant 0 : i32
        %dma_wait3A_173 = tpu.memref_slice %arg6[%dma_wait3A_171, %dma_wait3A_172] : memref<32x64xi32, #tpu.memory_space<vmem>> -> memref<1x64xi32, #tpu.memory_space<vmem>>
        %dma_wait3A_174 = tpu.memref_squeeze %dma_wait3A_173 : memref<1x64xi32, #tpu.memory_space<vmem>> -> memref<64xi32, #tpu.memory_space<vmem>>
        %dma_wait3A_175 = arith.constant 0 : i32
        %dma_wait3A_176 = arith.constant 0 : i32
        %dma_wait3A_177 = tpu.memref_slice %arg11[%dma_wait3A_175, %dma_wait3A_176] : memref<10240x128xf32, #tpu.memory_space<vmem_shared>> -> memref<10240x128xf32, #tpu.memory_space<vmem_shared>>
        tpu.wait_indirect_dma semaphore(%arg17 : memref<!tpu.dma_semaphore, #tpu.memory_space<semaphore_mem>>) src(%arg8 : memref<64x128xf32, #tpu.memory_space<vmem>>) dst(%dma_wait3A_177 : memref<10240x128xf32, #tpu.memory_space<vmem_shared>>)
      } else {
      }
      %add3A_87 = arith.constant 1 : i32
      %add3A_88 = arith.addi %rem3A_75, %add3A_87 : i32
      %dma_start3A_89 = arith.constant 0 : i32
      %dma_start3A_90 = tpu.memref_slice %arg6[%add3A_88, %dma_start3A_89] : memref<32x64xi32, #tpu.memory_space<vmem>> -> memref<1x64xi32, #tpu.memory_space<vmem>>
      %dma_start3A_91 = tpu.memref_squeeze %dma_start3A_90 : memref<1x64xi32, #tpu.memory_space<vmem>> -> memref<64xi32, #tpu.memory_space<vmem>>
      %dma_start3A_92 = arith.constant 0 : i32
      %dma_start3A_93 = arith.constant 0 : i32
      %dma_start3A_94 = tpu.memref_slice %arg2[%dma_start3A_92, %dma_start3A_93] : memref<10000x128xf32, #tpu.memory_space<hbm>> -> memref<10000x128xf32, #tpu.memory_space<hbm>>
      tpu.enqueue_indirect_dma source(%dma_start3A_94 : memref<10000x128xf32, #tpu.memory_space<hbm>>) target(%arg8 : memref<64x128xf32, #tpu.memory_space<vmem>>) offsets(%dma_start3A_91 : memref<64xi32, #tpu.memory_space<vmem>>) semaphore(%arg13 : memref<!tpu.dma_semaphore, #tpu.memory_space<semaphore_mem>>)
      %add3A_95 = arith.addi %select_n3A, %add3A_73 : i32
      %mul3A_96 = arith.constant 64 : i32
      %mul3A_97 = arith.muli %add3A_95, %mul3A_96 : i32
      %dma_start3A_98 = arith.constant 0 : i32
      %dma_start3A_99 = tpu.memref_slice %arg3[%mul3A_97, %dma_start3A_98] : memref<327680x128xf32, #tpu.memory_space<hbm>> -> memref<64x128xf32, #tpu.memory_space<hbm>>
      %dma_start3A_100 = arith.constant 0 : i32
      %dma_start3A_101 = tpu.memref_slice %arg3[%mul3A_97, %dma_start3A_100] : memref<327680x128xf32, #tpu.memory_space<hbm>> -> memref<64x128xf32, #tpu.memory_space<hbm>>
      tpu.enqueue_dma source(%dma_start3A_101 : memref<64x128xf32, #tpu.memory_space<hbm>>) target(%arg10 : memref<64x128xf32, #tpu.memory_space<vmem>>) target_semaphore(%arg15 : memref<!tpu.dma_semaphore, #tpu.memory_space<semaphore_mem>>)
      %dma_wait3A = arith.constant 0 : i32
      %dma_wait3A_102 = arith.constant 0 : i32
      %dma_wait3A_103 = tpu.memref_slice %arg6[%dma_wait3A, %dma_wait3A_102] : memref<32x64xi32, #tpu.memory_space<vmem>> -> memref<1x64xi32, #tpu.memory_space<vmem>>
      %dma_wait3A_104 = tpu.memref_squeeze %dma_wait3A_103 : memref<1x64xi32, #tpu.memory_space<vmem>> -> memref<64xi32, #tpu.memory_space<vmem>>
      %dma_wait3A_105 = arith.constant 0 : i32
      %dma_wait3A_106 = arith.constant 0 : i32
      %dma_wait3A_107 = tpu.memref_slice %arg2[%dma_wait3A_105, %dma_wait3A_106] : memref<10000x128xf32, #tpu.memory_space<hbm>> -> memref<10000x128xf32, #tpu.memory_space<hbm>>
      tpu.wait_indirect_dma semaphore(%arg12 : memref<!tpu.dma_semaphore, #tpu.memory_space<semaphore_mem>>) src(%dma_wait3A_107 : memref<10000x128xf32, #tpu.memory_space<hbm>>) dst(%arg7 : memref<64x128xf32, #tpu.memory_space<vmem>>)
      %dma_wait3A_108 = arith.constant 0 : i32
      %dma_wait3A_109 = arith.constant 0 : i32
      %dma_wait3A_110 = tpu.memref_slice %arg3[%dma_wait3A_108, %dma_wait3A_109] : memref<327680x128xf32, #tpu.memory_space<hbm>> -> memref<64x128xf32, #tpu.memory_space<hbm>>
      %dma_wait3A_111 = arith.constant 0 : i32
      %dma_wait3A_112 = arith.constant 0 : i32
      %dma_wait3A_113 = tpu.memref_slice %arg3[%dma_wait3A_111, %dma_wait3A_112] : memref<327680x128xf32, #tpu.memory_space<hbm>> -> memref<64x128xf32, #tpu.memory_space<hbm>>
      tpu.wait_dma2 semaphore(%arg14 : memref<!tpu.dma_semaphore, #tpu.memory_space<semaphore_mem>>) src(%dma_wait3A_113 : memref<64x128xf32, #tpu.memory_space<hbm>>) dst(%arg9 : memref<64x128xf32, #tpu.memory_space<vmem>>)
      %parallel_loop3A_114 = arith.constant 0 : i32
      %parallel_loop3A_115 = arith.constant 64 : i32
      %parallel_loop3A_116 = arith.constant 1 : i32
      scf.for %parallel_loop3A_171 = %parallel_loop3A_114 to %parallel_loop3A_115 step %parallel_loop3A_116  : i32 {
        %parallel_loop3A_172 = arith.index_cast %parallel_loop3A_171 : i32 to index
        %parallel_loop3A_173 = arith.constant 0 : index
        %parallel_loop3A_174 = tpu.vector_load %arg7[%parallel_loop3A_172, %parallel_loop3A_173] {strides = array<i32>} : memref<64x128xf32, #tpu.memory_space<vmem>>, vector<1x16xf32>,
        %parallel_loop3A_175 = vector.shape_cast %parallel_loop3A_174 : vector<1x16xf32> to vector<16xf32>
        %parallel_loop3A_176 = arith.index_cast %parallel_loop3A_171 : i32 to index
        %parallel_loop3A_177 = arith.constant 0 : index
        %parallel_loop3A_178 = tpu.vector_load %arg9[%parallel_loop3A_176, %parallel_loop3A_177] {strides = array<i32>} : memref<64x128xf32, #tpu.memory_space<vmem>>, vector<1x16xf32>,
        %parallel_loop3A_179 = vector.shape_cast %parallel_loop3A_178 : vector<1x16xf32> to vector<16xf32>
        %parallel_loop3A_180 = arith.addf %parallel_loop3A_175, %parallel_loop3A_179 : vector<16xf32>
        %parallel_loop3A_181 = arith.constant 0.000000e+00 : f32
        %parallel_loop3A_182 = vector.broadcast %parallel_loop3A_181 : f32 to vector<16xf32>
        %parallel_loop3A_183 = arith.maximumf %parallel_loop3A_180, %parallel_loop3A_182 : vector<16xf32>
        %parallel_loop3A_184 = arith.index_cast %parallel_loop3A_171 : i32 to index
        %parallel_loop3A_185 = arith.constant 0 : index
        %parallel_loop3A_186 = tpu.vector_load %arg7[%parallel_loop3A_184, %parallel_loop3A_185] {strides = array<i32>} : memref<64x128xf32, #tpu.memory_space<vmem>>, vector<1x16xf32>,
        %parallel_loop3A_187 = vector.shape_cast %parallel_loop3A_186 : vector<1x16xf32> to vector<16xf32>
        %parallel_loop3A_188 = vector.shape_cast %parallel_loop3A_183 : vector<16xf32> to vector<1x16xf32>
        tpu.vector_store %arg7[%parallel_loop3A_184, %parallel_loop3A_185], %parallel_loop3A_188 {strides = array<i32>} : memref<64x128xf32, #tpu.memory_space<vmem>>, vector<1x16xf32>,
        %parallel_loop3A_189 = arith.index_cast %parallel_loop3A_171 : i32 to index
        %parallel_loop3A_190 = arith.constant 16 : index
        %parallel_loop3A_191 = tpu.vector_load %arg7[%parallel_loop3A_189, %parallel_loop3A_190] {strides = array<i32>} : memref<64x128xf32, #tpu.memory_space<vmem>>, vector<1x16xf32>,
        %parallel_loop3A_192 = vector.shape_cast %parallel_loop3A_191 : vector<1x16xf32> to vector<16xf32>
        %parallel_loop3A_193 = arith.index_cast %parallel_loop3A_171 : i32 to index
        %parallel_loop3A_194 = arith.constant 16 : index
        %parallel_loop3A_195 = tpu.vector_load %arg9[%parallel_loop3A_193, %parallel_loop3A_194] {strides = array<i32>} : memref<64x128xf32, #tpu.memory_space<vmem>>, vector<1x16xf32>,
        %parallel_loop3A_196 = vector.shape_cast %parallel_loop3A_195 : vector<1x16xf32> to vector<16xf32>
        %parallel_loop3A_197 = arith.addf %parallel_loop3A_192, %parallel_loop3A_196 : vector<16xf32>
        %parallel_loop3A_198 = arith.constant 0.000000e+00 : f32
        %parallel_loop3A_199 = vector.broadcast %parallel_loop3A_198 : f32 to vector<16xf32>
        %parallel_loop3A_200 = arith.maximumf %parallel_loop3A_197, %parallel_loop3A_199 : vector<16xf32>
        %parallel_loop3A_201 = arith.index_cast %parallel_loop3A_171 : i32 to index
        %parallel_loop3A_202 = arith.constant 16 : index
        %parallel_loop3A_203 = tpu.vector_load %arg7[%parallel_loop3A_201, %parallel_loop3A_202] {strides = array<i32>} : memref<64x128xf32, #tpu.memory_space<vmem>>, vector<1x16xf32>,
        %parallel_loop3A_204 = vector.shape_cast %parallel_loop3A_203 : vector<1x16xf32> to vector<16xf32>
        %parallel_loop3A_205 = vector.shape_cast %parallel_loop3A_200 : vector<16xf32> to vector<1x16xf32>
        tpu.vector_store %arg7[%parallel_loop3A_201, %parallel_loop3A_202], %parallel_loop3A_205 {strides = array<i32>} : memref<64x128xf32, #tpu.memory_space<vmem>>, vector<1x16xf32>,
        %parallel_loop3A_206 = arith.index_cast %parallel_loop3A_171 : i32 to index
        %parallel_loop3A_207 = arith.constant 32 : index
        %parallel_loop3A_208 = tpu.vector_load %arg7[%parallel_loop3A_206, %parallel_loop3A_207] {strides = array<i32>} : memref<64x128xf32, #tpu.memory_space<vmem>>, vector<1x16xf32>,
        %parallel_loop3A_209 = vector.shape_cast %parallel_loop3A_208 : vector<1x16xf32> to vector<16xf32>
        %parallel_loop3A_210 = arith.index_cast %parallel_loop3A_171 : i32 to index
        %parallel_loop3A_211 = arith.constant 32 : index
        %parallel_loop3A_212 = tpu.vector_load %arg9[%parallel_loop3A_210, %parallel_loop3A_211] {strides = array<i32>} : memref<64x128xf32, #tpu.memory_space<vmem>>, vector<1x16xf32>,
        %parallel_loop3A_213 = vector.shape_cast %parallel_loop3A_212 : vector<1x16xf32> to vector<16xf32>
        %parallel_loop3A_214 = arith.addf %parallel_loop3A_209, %parallel_loop3A_213 : vector<16xf32>
        %parallel_loop3A_215 = arith.constant 0.000000e+00 : f32
        %parallel_loop3A_216 = vector.broadcast %parallel_loop3A_215 : f32 to vector<16xf32>
        %parallel_loop3A_217 = arith.maximumf %parallel_loop3A_214, %parallel_loop3A_216 : vector<16xf32>
        %parallel_loop3A_218 = arith.index_cast %parallel_loop3A_171 : i32 to index
        %parallel_loop3A_219 = arith.constant 32 : index
        %parallel_loop3A_220 = tpu.vector_load %arg7[%parallel_loop3A_218, %parallel_loop3A_219] {strides = array<i32>} : memref<64x128xf32, #tpu.memory_space<vmem>>, vector<1x16xf32>,
        %parallel_loop3A_221 = vector.shape_cast %parallel_loop3A_220 : vector<1x16xf32> to vector<16xf32>
        %parallel_loop3A_222 = vector.shape_cast %parallel_loop3A_217 : vector<16xf32> to vector<1x16xf32>
        tpu.vector_store %arg7[%parallel_loop3A_218, %parallel_loop3A_219], %parallel_loop3A_222 {strides = array<i32>} : memref<64x128xf32, #tpu.memory_space<vmem>>, vector<1x16xf32>,
        %parallel_loop3A_223 = arith.index_cast %parallel_loop3A_171 : i32 to index
        %parallel_loop3A_224 = arith.constant 48 : index
        %parallel_loop3A_225 = tpu.vector_load %arg7[%parallel_loop3A_223, %parallel_loop3A_224] {strides = array<i32>} : memref<64x128xf32, #tpu.memory_space<vmem>>, vector<1x16xf32>,
        %parallel_loop3A_226 = vector.shape_cast %parallel_loop3A_225 : vector<1x16xf32> to vector<16xf32>
        %parallel_loop3A_227 = arith.index_cast %parallel_loop3A_171 : i32 to index
        %parallel_loop3A_228 = arith.constant 48 : index
        %parallel_loop3A_229 = tpu.vector_load %arg9[%parallel_loop3A_227, %parallel_loop3A_228] {strides = array<i32>} : memref<64x128xf32, #tpu.memory_space<vmem>>, vector<1x16xf32>,
        %parallel_loop3A_230 = vector.shape_cast %parallel_loop3A_229 : vector<1x16xf32> to vector<16xf32>
        %parallel_loop3A_231 = arith.addf %parallel_loop3A_226, %parallel_loop3A_230 : vector<16xf32>
        %parallel_loop3A_232 = arith.constant 0.000000e+00 : f32
        %parallel_loop3A_233 = vector.broadcast %parallel_loop3A_232 : f32 to vector<16xf32>
        %parallel_loop3A_234 = arith.maximumf %parallel_loop3A_231, %parallel_loop3A_233 : vector<16xf32>
        %parallel_loop3A_235 = arith.index_cast %parallel_loop3A_171 : i32 to index
        %parallel_loop3A_236 = arith.constant 48 : index
        %parallel_loop3A_237 = tpu.vector_load %arg7[%parallel_loop3A_235, %parallel_loop3A_236] {strides = array<i32>} : memref<64x128xf32, #tpu.memory_space<vmem>>, vector<1x16xf32>,
        %parallel_loop3A_238 = vector.shape_cast %parallel_loop3A_237 : vector<1x16xf32> to vector<16xf32>
        %parallel_loop3A_239 = vector.shape_cast %parallel_loop3A_234 : vector<16xf32> to vector<1x16xf32>
        tpu.vector_store %arg7[%parallel_loop3A_235, %parallel_loop3A_236], %parallel_loop3A_239 {strides = array<i32>} : memref<64x128xf32, #tpu.memory_space<vmem>>, vector<1x16xf32>,
        %parallel_loop3A_240 = arith.index_cast %parallel_loop3A_171 : i32 to index
        %parallel_loop3A_241 = arith.constant 64 : index
        %parallel_loop3A_242 = tpu.vector_load %arg7[%parallel_loop3A_240, %parallel_loop3A_241] {strides = array<i32>} : memref<64x128xf32, #tpu.memory_space<vmem>>, vector<1x16xf32>,
        %parallel_loop3A_243 = vector.shape_cast %parallel_loop3A_242 : vector<1x16xf32> to vector<16xf32>
        %parallel_loop3A_244 = arith.index_cast %parallel_loop3A_171 : i32 to index
        %parallel_loop3A_245 = arith.constant 64 : index
        %parallel_loop3A_246 = tpu.vector_load %arg9[%parallel_loop3A_244, %parallel_loop3A_245] {strides = array<i32>} : memref<64x128xf32, #tpu.memory_space<vmem>>, vector<1x16xf32>,
        %parallel_loop3A_247 = vector.shape_cast %parallel_loop3A_246 : vector<1x16xf32> to vector<16xf32>
        %parallel_loop3A_248 = arith.addf %parallel_loop3A_243, %parallel_loop3A_247 : vector<16xf32>
        %parallel_loop3A_249 = arith.constant 0.000000e+00 : f32
        %parallel_loop3A_250 = vector.broadcast %parallel_loop3A_249 : f32 to vector<16xf32>
        %parallel_loop3A_251 = arith.maximumf %parallel_loop3A_248, %parallel_loop3A_250 : vector<16xf32>
        %parallel_loop3A_252 = arith.index_cast %parallel_loop3A_171 : i32 to index
        %parallel_loop3A_253 = arith.constant 64 : index
        %parallel_loop3A_254 = tpu.vector_load %arg7[%parallel_loop3A_252, %parallel_loop3A_253] {strides = array<i32>} : memref<64x128xf32, #tpu.memory_space<vmem>>, vector<1x16xf32>,
        %parallel_loop3A_255 = vector.shape_cast %parallel_loop3A_254 : vector<1x16xf32> to vector<16xf32>
        %parallel_loop3A_256 = vector.shape_cast %parallel_loop3A_251 : vector<16xf32> to vector<1x16xf32>
        tpu.vector_store %arg7[%parallel_loop3A_252, %parallel_loop3A_253], %parallel_loop3A_256 {strides = array<i32>} : memref<64x128xf32, #tpu.memory_space<vmem>>, vector<1x16xf32>,
        %parallel_loop3A_257 = arith.index_cast %parallel_loop3A_171 : i32 to index
        %parallel_loop3A_258 = arith.constant 80 : index
        %parallel_loop3A_259 = tpu.vector_load %arg7[%parallel_loop3A_257, %parallel_loop3A_258] {strides = array<i32>} : memref<64x128xf32, #tpu.memory_space<vmem>>, vector<1x16xf32>,
        %parallel_loop3A_260 = vector.shape_cast %parallel_loop3A_259 : vector<1x16xf32> to vector<16xf32>
        %parallel_loop3A_261 = arith.index_cast %parallel_loop3A_171 : i32 to index
        %parallel_loop3A_262 = arith.constant 80 : index
        %parallel_loop3A_263 = tpu.vector_load %arg9[%parallel_loop3A_261, %parallel_loop3A_262] {strides = array<i32>} : memref<64x128xf32, #tpu.memory_space<vmem>>, vector<1x16xf32>,
        %parallel_loop3A_264 = vector.shape_cast %parallel_loop3A_263 : vector<1x16xf32> to vector<16xf32>
        %parallel_loop3A_265 = arith.addf %parallel_loop3A_260, %parallel_loop3A_264 : vector<16xf32>
        %parallel_loop3A_266 = arith.constant 0.000000e+00 : f32
        %parallel_loop3A_267 = vector.broadcast %parallel_loop3A_266 : f32 to vector<16xf32>
        %parallel_loop3A_268 = arith.maximumf %parallel_loop3A_265, %parallel_loop3A_267 : vector<16xf32>
        %parallel_loop3A_269 = arith.index_cast %parallel_loop3A_171 : i32 to index
        %parallel_loop3A_270 = arith.constant 80 : index
        %parallel_loop3A_271 = tpu.vector_load %arg7[%parallel_loop3A_269, %parallel_loop3A_270] {strides = array<i32>} : memref<64x128xf32, #tpu.memory_space<vmem>>, vector<1x16xf32>,
        %parallel_loop3A_272 = vector.shape_cast %parallel_loop3A_271 : vector<1x16xf32> to vector<16xf32>
        %parallel_loop3A_273 = vector.shape_cast %parallel_loop3A_268 : vector<16xf32> to vector<1x16xf32>
        tpu.vector_store %arg7[%parallel_loop3A_269, %parallel_loop3A_270], %parallel_loop3A_273 {strides = array<i32>} : memref<64x128xf32, #tpu.memory_space<vmem>>, vector<1x16xf32>,
        %parallel_loop3A_274 = arith.index_cast %parallel_loop3A_171 : i32 to index
        %parallel_loop3A_275 = arith.constant 96 : index
        %parallel_loop3A_276 = tpu.vector_load %arg7[%parallel_loop3A_274, %parallel_loop3A_275] {strides = array<i32>} : memref<64x128xf32, #tpu.memory_space<vmem>>, vector<1x16xf32>,
        %parallel_loop3A_277 = vector.shape_cast %parallel_loop3A_276 : vector<1x16xf32> to vector<16xf32>
        %parallel_loop3A_278 = arith.index_cast %parallel_loop3A_171 : i32 to index
        %parallel_loop3A_279 = arith.constant 96 : index
        %parallel_loop3A_280 = tpu.vector_load %arg9[%parallel_loop3A_278, %parallel_loop3A_279] {strides = array<i32>} : memref<64x128xf32, #tpu.memory_space<vmem>>, vector<1x16xf32>,
        %parallel_loop3A_281 = vector.shape_cast %parallel_loop3A_280 : vector<1x16xf32> to vector<16xf32>
        %parallel_loop3A_282 = arith.addf %parallel_loop3A_277, %parallel_loop3A_281 : vector<16xf32>
        %parallel_loop3A_283 = arith.constant 0.000000e+00 : f32
        %parallel_loop3A_284 = vector.broadcast %parallel_loop3A_283 : f32 to vector<16xf32>
        %parallel_loop3A_285 = arith.maximumf %parallel_loop3A_282, %parallel_loop3A_284 : vector<16xf32>
        %parallel_loop3A_286 = arith.index_cast %parallel_loop3A_171 : i32 to index
        %parallel_loop3A_287 = arith.constant 96 : index
        %parallel_loop3A_288 = tpu.vector_load %arg7[%parallel_loop3A_286, %parallel_loop3A_287] {strides = array<i32>} : memref<64x128xf32, #tpu.memory_space<vmem>>, vector<1x16xf32>,
        %parallel_loop3A_289 = vector.shape_cast %parallel_loop3A_288 : vector<1x16xf32> to vector<16xf32>
        %parallel_loop3A_290 = vector.shape_cast %parallel_loop3A_285 : vector<16xf32> to vector<1x16xf32>
        tpu.vector_store %arg7[%parallel_loop3A_286, %parallel_loop3A_287], %parallel_loop3A_290 {strides = array<i32>} : memref<64x128xf32, #tpu.memory_space<vmem>>, vector<1x16xf32>,
        %parallel_loop3A_291 = arith.index_cast %parallel_loop3A_171 : i32 to index
        %parallel_loop3A_292 = arith.constant 112 : index
        %parallel_loop3A_293 = tpu.vector_load %arg7[%parallel_loop3A_291, %parallel_loop3A_292] {strides = array<i32>} : memref<64x128xf32, #tpu.memory_space<vmem>>, vector<1x16xf32>,
        %parallel_loop3A_294 = vector.shape_cast %parallel_loop3A_293 : vector<1x16xf32> to vector<16xf32>
        %parallel_loop3A_295 = arith.index_cast %parallel_loop3A_171 : i32 to index
        %parallel_loop3A_296 = arith.constant 112 : index
        %parallel_loop3A_297 = tpu.vector_load %arg9[%parallel_loop3A_295, %parallel_loop3A_296] {strides = array<i32>} : memref<64x128xf32, #tpu.memory_space<vmem>>, vector<1x16xf32>,
        %parallel_loop3A_298 = vector.shape_cast %parallel_loop3A_297 : vector<1x16xf32> to vector<16xf32>
        %parallel_loop3A_299 = arith.addf %parallel_loop3A_294, %parallel_loop3A_298 : vector<16xf32>
        %parallel_loop3A_300 = arith.constant 0.000000e+00 : f32
        %parallel_loop3A_301 = vector.broadcast %parallel_loop3A_300 : f32 to vector<16xf32>
        %parallel_loop3A_302 = arith.maximumf %parallel_loop3A_299, %parallel_loop3A_301 : vector<16xf32>
        %parallel_loop3A_303 = arith.index_cast %parallel_loop3A_171 : i32 to index
        %parallel_loop3A_304 = arith.constant 112 : index
        %parallel_loop3A_305 = tpu.vector_load %arg7[%parallel_loop3A_303, %parallel_loop3A_304] {strides = array<i32>} : memref<64x128xf32, #tpu.memory_space<vmem>>, vector<1x16xf32>,
        %parallel_loop3A_306 = vector.shape_cast %parallel_loop3A_305 : vector<1x16xf32> to vector<16xf32>
        %parallel_loop3A_307 = vector.shape_cast %parallel_loop3A_302 : vector<16xf32> to vector<1x16xf32>
        tpu.vector_store %arg7[%parallel_loop3A_303, %parallel_loop3A_304], %parallel_loop3A_307 {strides = array<i32>} : memref<64x128xf32, #tpu.memory_space<vmem>>, vector<1x16xf32>,
      } {sc.loop_unroll_factor = 4 : i64, sc.parallel_access}
      %add3A_117 = arith.constant 16 : i32
      %add3A_118 = arith.addi %add3A_117, %rem3A_75 : i32
      %dma_start3A_119 = arith.constant 0 : i32
      %dma_start3A_120 = tpu.memref_slice %arg6[%add3A_118, %dma_start3A_119] : memref<32x64xi32, #tpu.memory_space<vmem>> -> memref<1x64xi32, #tpu.memory_space<vmem>>
      %dma_start3A_121 = tpu.memref_squeeze %dma_start3A_120 : memref<1x64xi32, #tpu.memory_space<vmem>> -> memref<64xi32, #tpu.memory_space<vmem>>
      %dma_start3A_122 = arith.constant 0 : i32
      %dma_start3A_123 = arith.constant 0 : i32
      %dma_start3A_124 = tpu.memref_slice %arg11[%dma_start3A_122, %dma_start3A_123] : memref<10240x128xf32, #tpu.memory_space<vmem_shared>> -> memref<10240x128xf32, #tpu.memory_space<vmem_shared>>
      tpu.enqueue_indirect_dma source(%arg7 : memref<64x128xf32, #tpu.memory_space<vmem>>) target(%dma_start3A_124 : memref<10240x128xf32, #tpu.memory_space<vmem_shared>>) offsets(%dma_start3A_121 : memref<64xi32, #tpu.memory_space<vmem>>) semaphore(%arg16 : memref<!tpu.dma_semaphore, #tpu.memory_space<semaphore_mem>>) {add = true}
      %dma_wait3A_125 = arith.constant 0 : i32
      %dma_wait3A_126 = tpu.memref_slice %arg6[%add3A_88, %dma_wait3A_125] : memref<32x64xi32, #tpu.memory_space<vmem>> -> memref<1x64xi32, #tpu.memory_space<vmem>>
      %dma_wait3A_127 = tpu.memref_squeeze %dma_wait3A_126 : memref<1x64xi32, #tpu.memory_space<vmem>> -> memref<64xi32, #tpu.memory_space<vmem>>
      %dma_wait3A_128 = arith.constant 0 : i32
      %dma_wait3A_129 = arith.constant 0 : i32
      %dma_wait3A_130 = tpu.memref_slice %arg2[%dma_wait3A_128, %dma_wait3A_129] : memref<10000x128xf32, #tpu.memory_space<hbm>> -> memref<10000x128xf32, #tpu.memory_space<hbm>>
      tpu.wait_indirect_dma semaphore(%arg13 : memref<!tpu.dma_semaphore, #tpu.memory_space<semaphore_mem>>) src(%dma_wait3A_130 : memref<10000x128xf32, #tpu.memory_space<hbm>>) dst(%arg8 : memref<64x128xf32, #tpu.memory_space<vmem>>)
      %dma_wait3A_131 = arith.constant 0 : i32
      %dma_wait3A_132 = tpu.memref_slice %arg3[%mul3A_97, %dma_wait3A_131] : memref<327680x128xf32, #tpu.memory_space<hbm>> -> memref<64x128xf32, #tpu.memory_space<hbm>>
      %dma_wait3A_133 = arith.constant 0 : i32
      %dma_wait3A_134 = tpu.memref_slice %arg3[%mul3A_97, %dma_wait3A_133] : memref<327680x128xf32, #tpu.memory_space<hbm>> -> memref<64x128xf32, #tpu.memory_space<hbm>>
      tpu.wait_dma2 semaphore(%arg15 : memref<!tpu.dma_semaphore, #tpu.memory_space<semaphore_mem>>) src(%dma_wait3A_134 : memref<64x128xf32, #tpu.memory_space<hbm>>) dst(%arg10 : memref<64x128xf32, #tpu.memory_space<vmem>>)
      %parallel_loop3A_135 = arith.constant 0 : i32
      %parallel_loop3A_136 = arith.constant 64 : i32
      %parallel_loop3A_137 = arith.constant 1 : i32
      scf.for %parallel_loop3A_171 = %parallel_loop3A_135 to %parallel_loop3A_136 step %parallel_loop3A_137  : i32 {
        %parallel_loop3A_172 = arith.index_cast %parallel_loop3A_171 : i32 to index
        %parallel_loop3A_173 = arith.constant 0 : index
        %parallel_loop3A_174 = tpu.vector_load %arg8[%parallel_loop3A_172, %parallel_loop3A_173] {strides = array<i32>} : memref<64x128xf32, #tpu.memory_space<vmem>>, vector<1x16xf32>,
        %parallel_loop3A_175 = vector.shape_cast %parallel_loop3A_174 : vector<1x16xf32> to vector<16xf32>
        %parallel_loop3A_176 = arith.index_cast %parallel_loop3A_171 : i32 to index
        %parallel_loop3A_177 = arith.constant 0 : index
        %parallel_loop3A_178 = tpu.vector_load %arg10[%parallel_loop3A_176, %parallel_loop3A_177] {strides = array<i32>} : memref<64x128xf32, #tpu.memory_space<vmem>>, vector<1x16xf32>,
        %parallel_loop3A_179 = vector.shape_cast %parallel_loop3A_178 : vector<1x16xf32> to vector<16xf32>
        %parallel_loop3A_180 = arith.addf %parallel_loop3A_175, %parallel_loop3A_179 : vector<16xf32>
        %parallel_loop3A_181 = arith.constant 0.000000e+00 : f32
        %parallel_loop3A_182 = vector.broadcast %parallel_loop3A_181 : f32 to vector<16xf32>
        %parallel_loop3A_183 = arith.maximumf %parallel_loop3A_180, %parallel_loop3A_182 : vector<16xf32>
        %parallel_loop3A_184 = arith.index_cast %parallel_loop3A_171 : i32 to index
        %parallel_loop3A_185 = arith.constant 0 : index
        %parallel_loop3A_186 = tpu.vector_load %arg8[%parallel_loop3A_184, %parallel_loop3A_185] {strides = array<i32>} : memref<64x128xf32, #tpu.memory_space<vmem>>, vector<1x16xf32>,
        %parallel_loop3A_187 = vector.shape_cast %parallel_loop3A_186 : vector<1x16xf32> to vector<16xf32>
        %parallel_loop3A_188 = vector.shape_cast %parallel_loop3A_183 : vector<16xf32> to vector<1x16xf32>
        tpu.vector_store %arg8[%parallel_loop3A_184, %parallel_loop3A_185], %parallel_loop3A_188 {strides = array<i32>} : memref<64x128xf32, #tpu.memory_space<vmem>>, vector<1x16xf32>,
        %parallel_loop3A_189 = arith.index_cast %parallel_loop3A_171 : i32 to index
        %parallel_loop3A_190 = arith.constant 16 : index
        %parallel_loop3A_191 = tpu.vector_load %arg8[%parallel_loop3A_189, %parallel_loop3A_190] {strides = array<i32>} : memref<64x128xf32, #tpu.memory_space<vmem>>, vector<1x16xf32>,
        %parallel_loop3A_192 = vector.shape_cast %parallel_loop3A_191 : vector<1x16xf32> to vector<16xf32>
        %parallel_loop3A_193 = arith.index_cast %parallel_loop3A_171 : i32 to index
        %parallel_loop3A_194 = arith.constant 16 : index
        %parallel_loop3A_195 = tpu.vector_load %arg10[%parallel_loop3A_193, %parallel_loop3A_194] {strides = array<i32>} : memref<64x128xf32, #tpu.memory_space<vmem>>, vector<1x16xf32>,
        %parallel_loop3A_196 = vector.shape_cast %parallel_loop3A_195 : vector<1x16xf32> to vector<16xf32>
        %parallel_loop3A_197 = arith.addf %parallel_loop3A_192, %parallel_loop3A_196 : vector<16xf32>
        %parallel_loop3A_198 = arith.constant 0.000000e+00 : f32
        %parallel_loop3A_199 = vector.broadcast %parallel_loop3A_198 : f32 to vector<16xf32>
        %parallel_loop3A_200 = arith.maximumf %parallel_loop3A_197, %parallel_loop3A_199 : vector<16xf32>
        %parallel_loop3A_201 = arith.index_cast %parallel_loop3A_171 : i32 to index
        %parallel_loop3A_202 = arith.constant 16 : index
        %parallel_loop3A_203 = tpu.vector_load %arg8[%parallel_loop3A_201, %parallel_loop3A_202] {strides = array<i32>} : memref<64x128xf32, #tpu.memory_space<vmem>>, vector<1x16xf32>,
        %parallel_loop3A_204 = vector.shape_cast %parallel_loop3A_203 : vector<1x16xf32> to vector<16xf32>
        %parallel_loop3A_205 = vector.shape_cast %parallel_loop3A_200 : vector<16xf32> to vector<1x16xf32>
        tpu.vector_store %arg8[%parallel_loop3A_201, %parallel_loop3A_202], %parallel_loop3A_205 {strides = array<i32>} : memref<64x128xf32, #tpu.memory_space<vmem>>, vector<1x16xf32>,
        %parallel_loop3A_206 = arith.index_cast %parallel_loop3A_171 : i32 to index
        %parallel_loop3A_207 = arith.constant 32 : index
        %parallel_loop3A_208 = tpu.vector_load %arg8[%parallel_loop3A_206, %parallel_loop3A_207] {strides = array<i32>} : memref<64x128xf32, #tpu.memory_space<vmem>>, vector<1x16xf32>,
        %parallel_loop3A_209 = vector.shape_cast %parallel_loop3A_208 : vector<1x16xf32> to vector<16xf32>
        %parallel_loop3A_210 = arith.index_cast %parallel_loop3A_171 : i32 to index
        %parallel_loop3A_211 = arith.constant 32 : index
        %parallel_loop3A_212 = tpu.vector_load %arg10[%parallel_loop3A_210, %parallel_loop3A_211] {strides = array<i32>} : memref<64x128xf32, #tpu.memory_space<vmem>>, vector<1x16xf32>,
        %parallel_loop3A_213 = vector.shape_cast %parallel_loop3A_212 : vector<1x16xf32> to vector<16xf32>
        %parallel_loop3A_214 = arith.addf %parallel_loop3A_209, %parallel_loop3A_213 : vector<16xf32>
        %parallel_loop3A_215 = arith.constant 0.000000e+00 : f32
        %parallel_loop3A_216 = vector.broadcast %parallel_loop3A_215 : f32 to vector<16xf32>
        %parallel_loop3A_217 = arith.maximumf %parallel_loop3A_214, %parallel_loop3A_216 : vector<16xf32>
        %parallel_loop3A_218 = arith.index_cast %parallel_loop3A_171 : i32 to index
        %parallel_loop3A_219 = arith.constant 32 : index
        %parallel_loop3A_220 = tpu.vector_load %arg8[%parallel_loop3A_218, %parallel_loop3A_219] {strides = array<i32>} : memref<64x128xf32, #tpu.memory_space<vmem>>, vector<1x16xf32>,
        %parallel_loop3A_221 = vector.shape_cast %parallel_loop3A_220 : vector<1x16xf32> to vector<16xf32>
        %parallel_loop3A_222 = vector.shape_cast %parallel_loop3A_217 : vector<16xf32> to vector<1x16xf32>
        tpu.vector_store %arg8[%parallel_loop3A_218, %parallel_loop3A_219], %parallel_loop3A_222 {strides = array<i32>} : memref<64x128xf32, #tpu.memory_space<vmem>>, vector<1x16xf32>,
        %parallel_loop3A_223 = arith.index_cast %parallel_loop3A_171 : i32 to index
        %parallel_loop3A_224 = arith.constant 48 : index
        %parallel_loop3A_225 = tpu.vector_load %arg8[%parallel_loop3A_223, %parallel_loop3A_224] {strides = array<i32>} : memref<64x128xf32, #tpu.memory_space<vmem>>, vector<1x16xf32>,
        %parallel_loop3A_226 = vector.shape_cast %parallel_loop3A_225 : vector<1x16xf32> to vector<16xf32>
        %parallel_loop3A_227 = arith.index_cast %parallel_loop3A_171 : i32 to index
        %parallel_loop3A_228 = arith.constant 48 : index
        %parallel_loop3A_229 = tpu.vector_load %arg10[%parallel_loop3A_227, %parallel_loop3A_228] {strides = array<i32>} : memref<64x128xf32, #tpu.memory_space<vmem>>, vector<1x16xf32>,
        %parallel_loop3A_230 = vector.shape_cast %parallel_loop3A_229 : vector<1x16xf32> to vector<16xf32>
        %parallel_loop3A_231 = arith.addf %parallel_loop3A_226, %parallel_loop3A_230 : vector<16xf32>
        %parallel_loop3A_232 = arith.constant 0.000000e+00 : f32
        %parallel_loop3A_233 = vector.broadcast %parallel_loop3A_232 : f32 to vector<16xf32>
        %parallel_loop3A_234 = arith.maximumf %parallel_loop3A_231, %parallel_loop3A_233 : vector<16xf32>
        %parallel_loop3A_235 = arith.index_cast %parallel_loop3A_171 : i32 to index
        %parallel_loop3A_236 = arith.constant 48 : index
        %parallel_loop3A_237 = tpu.vector_load %arg8[%parallel_loop3A_235, %parallel_loop3A_236] {strides = array<i32>} : memref<64x128xf32, #tpu.memory_space<vmem>>, vector<1x16xf32>,
        %parallel_loop3A_238 = vector.shape_cast %parallel_loop3A_237 : vector<1x16xf32> to vector<16xf32>
        %parallel_loop3A_239 = vector.shape_cast %parallel_loop3A_234 : vector<16xf32> to vector<1x16xf32>
        tpu.vector_store %arg8[%parallel_loop3A_235, %parallel_loop3A_236], %parallel_loop3A_239 {strides = array<i32>} : memref<64x128xf32, #tpu.memory_space<vmem>>, vector<1x16xf32>,
        %parallel_loop3A_240 = arith.index_cast %parallel_loop3A_171 : i32 to index
        %parallel_loop3A_241 = arith.constant 64 : index
        %parallel_loop3A_242 = tpu.vector_load %arg8[%parallel_loop3A_240, %parallel_loop3A_241] {strides = array<i32>} : memref<64x128xf32, #tpu.memory_space<vmem>>, vector<1x16xf32>,
        %parallel_loop3A_243 = vector.shape_cast %parallel_loop3A_242 : vector<1x16xf32> to vector<16xf32>
        %parallel_loop3A_244 = arith.index_cast %parallel_loop3A_171 : i32 to index
        %parallel_loop3A_245 = arith.constant 64 : index
        %parallel_loop3A_246 = tpu.vector_load %arg10[%parallel_loop3A_244, %parallel_loop3A_245] {strides = array<i32>} : memref<64x128xf32, #tpu.memory_space<vmem>>, vector<1x16xf32>,
        %parallel_loop3A_247 = vector.shape_cast %parallel_loop3A_246 : vector<1x16xf32> to vector<16xf32>
        %parallel_loop3A_248 = arith.addf %parallel_loop3A_243, %parallel_loop3A_247 : vector<16xf32>
        %parallel_loop3A_249 = arith.constant 0.000000e+00 : f32
        %parallel_loop3A_250 = vector.broadcast %parallel_loop3A_249 : f32 to vector<16xf32>
        %parallel_loop3A_251 = arith.maximumf %parallel_loop3A_248, %parallel_loop3A_250 : vector<16xf32>
        %parallel_loop3A_252 = arith.index_cast %parallel_loop3A_171 : i32 to index
        %parallel_loop3A_253 = arith.constant 64 : index
        %parallel_loop3A_254 = tpu.vector_load %arg8[%parallel_loop3A_252, %parallel_loop3A_253] {strides = array<i32>} : memref<64x128xf32, #tpu.memory_space<vmem>>, vector<1x16xf32>,
        %parallel_loop3A_255 = vector.shape_cast %parallel_loop3A_254 : vector<1x16xf32> to vector<16xf32>
        %parallel_loop3A_256 = vector.shape_cast %parallel_loop3A_251 : vector<16xf32> to vector<1x16xf32>
        tpu.vector_store %arg8[%parallel_loop3A_252, %parallel_loop3A_253], %parallel_loop3A_256 {strides = array<i32>} : memref<64x128xf32, #tpu.memory_space<vmem>>, vector<1x16xf32>,
        %parallel_loop3A_257 = arith.index_cast %parallel_loop3A_171 : i32 to index
        %parallel_loop3A_258 = arith.constant 80 : index
        %parallel_loop3A_259 = tpu.vector_load %arg8[%parallel_loop3A_257, %parallel_loop3A_258] {strides = array<i32>} : memref<64x128xf32, #tpu.memory_space<vmem>>, vector<1x16xf32>,
        %parallel_loop3A_260 = vector.shape_cast %parallel_loop3A_259 : vector<1x16xf32> to vector<16xf32>
        %parallel_loop3A_261 = arith.index_cast %parallel_loop3A_171 : i32 to index
        %parallel_loop3A_262 = arith.constant 80 : index
        %parallel_loop3A_263 = tpu.vector_load %arg10[%parallel_loop3A_261, %parallel_loop3A_262] {strides = array<i32>} : memref<64x128xf32, #tpu.memory_space<vmem>>, vector<1x16xf32>,
        %parallel_loop3A_264 = vector.shape_cast %parallel_loop3A_263 : vector<1x16xf32> to vector<16xf32>
        %parallel_loop3A_265 = arith.addf %parallel_loop3A_260, %parallel_loop3A_264 : vector<16xf32>
        %parallel_loop3A_266 = arith.constant 0.000000e+00 : f32
        %parallel_loop3A_267 = vector.broadcast %parallel_loop3A_266 : f32 to vector<16xf32>
        %parallel_loop3A_268 = arith.maximumf %parallel_loop3A_265, %parallel_loop3A_267 : vector<16xf32>
        %parallel_loop3A_269 = arith.index_cast %parallel_loop3A_171 : i32 to index
        %parallel_loop3A_270 = arith.constant 80 : index
        %parallel_loop3A_271 = tpu.vector_load %arg8[%parallel_loop3A_269, %parallel_loop3A_270] {strides = array<i32>} : memref<64x128xf32, #tpu.memory_space<vmem>>, vector<1x16xf32>,
        %parallel_loop3A_272 = vector.shape_cast %parallel_loop3A_271 : vector<1x16xf32> to vector<16xf32>
        %parallel_loop3A_273 = vector.shape_cast %parallel_loop3A_268 : vector<16xf32> to vector<1x16xf32>
        tpu.vector_store %arg8[%parallel_loop3A_269, %parallel_loop3A_270], %parallel_loop3A_273 {strides = array<i32>} : memref<64x128xf32, #tpu.memory_space<vmem>>, vector<1x16xf32>,
        %parallel_loop3A_274 = arith.index_cast %parallel_loop3A_171 : i32 to index
        %parallel_loop3A_275 = arith.constant 96 : index
        %parallel_loop3A_276 = tpu.vector_load %arg8[%parallel_loop3A_274, %parallel_loop3A_275] {strides = array<i32>} : memref<64x128xf32, #tpu.memory_space<vmem>>, vector<1x16xf32>,
        %parallel_loop3A_277 = vector.shape_cast %parallel_loop3A_276 : vector<1x16xf32> to vector<16xf32>
        %parallel_loop3A_278 = arith.index_cast %parallel_loop3A_171 : i32 to index
        %parallel_loop3A_279 = arith.constant 96 : index
        %parallel_loop3A_280 = tpu.vector_load %arg10[%parallel_loop3A_278, %parallel_loop3A_279] {strides = array<i32>} : memref<64x128xf32, #tpu.memory_space<vmem>>, vector<1x16xf32>,
        %parallel_loop3A_281 = vector.shape_cast %parallel_loop3A_280 : vector<1x16xf32> to vector<16xf32>
        %parallel_loop3A_282 = arith.addf %parallel_loop3A_277, %parallel_loop3A_281 : vector<16xf32>
        %parallel_loop3A_283 = arith.constant 0.000000e+00 : f32
        %parallel_loop3A_284 = vector.broadcast %parallel_loop3A_283 : f32 to vector<16xf32>
        %parallel_loop3A_285 = arith.maximumf %parallel_loop3A_282, %parallel_loop3A_284 : vector<16xf32>
        %parallel_loop3A_286 = arith.index_cast %parallel_loop3A_171 : i32 to index
        %parallel_loop3A_287 = arith.constant 96 : index
        %parallel_loop3A_288 = tpu.vector_load %arg8[%parallel_loop3A_286, %parallel_loop3A_287] {strides = array<i32>} : memref<64x128xf32, #tpu.memory_space<vmem>>, vector<1x16xf32>,
        %parallel_loop3A_289 = vector.shape_cast %parallel_loop3A_288 : vector<1x16xf32> to vector<16xf32>
        %parallel_loop3A_290 = vector.shape_cast %parallel_loop3A_285 : vector<16xf32> to vector<1x16xf32>
        tpu.vector_store %arg8[%parallel_loop3A_286, %parallel_loop3A_287], %parallel_loop3A_290 {strides = array<i32>} : memref<64x128xf32, #tpu.memory_space<vmem>>, vector<1x16xf32>,
        %parallel_loop3A_291 = arith.index_cast %parallel_loop3A_171 : i32 to index
        %parallel_loop3A_292 = arith.constant 112 : index
        %parallel_loop3A_293 = tpu.vector_load %arg8[%parallel_loop3A_291, %parallel_loop3A_292] {strides = array<i32>} : memref<64x128xf32, #tpu.memory_space<vmem>>, vector<1x16xf32>,
        %parallel_loop3A_294 = vector.shape_cast %parallel_loop3A_293 : vector<1x16xf32> to vector<16xf32>
        %parallel_loop3A_295 = arith.index_cast %parallel_loop3A_171 : i32 to index
        %parallel_loop3A_296 = arith.constant 112 : index
        %parallel_loop3A_297 = tpu.vector_load %arg10[%parallel_loop3A_295, %parallel_loop3A_296] {strides = array<i32>} : memref<64x128xf32, #tpu.memory_space<vmem>>, vector<1x16xf32>,
        %parallel_loop3A_298 = vector.shape_cast %parallel_loop3A_297 : vector<1x16xf32> to vector<16xf32>
        %parallel_loop3A_299 = arith.addf %parallel_loop3A_294, %parallel_loop3A_298 : vector<16xf32>
        %parallel_loop3A_300 = arith.constant 0.000000e+00 : f32
        %parallel_loop3A_301 = vector.broadcast %parallel_loop3A_300 : f32 to vector<16xf32>
        %parallel_loop3A_302 = arith.maximumf %parallel_loop3A_299, %parallel_loop3A_301 : vector<16xf32>
        %parallel_loop3A_303 = arith.index_cast %parallel_loop3A_171 : i32 to index
        %parallel_loop3A_304 = arith.constant 112 : index
        %parallel_loop3A_305 = tpu.vector_load %arg8[%parallel_loop3A_303, %parallel_loop3A_304] {strides = array<i32>} : memref<64x128xf32, #tpu.memory_space<vmem>>, vector<1x16xf32>,
        %parallel_loop3A_306 = vector.shape_cast %parallel_loop3A_305 : vector<1x16xf32> to vector<16xf32>
        %parallel_loop3A_307 = vector.shape_cast %parallel_loop3A_302 : vector<16xf32> to vector<1x16xf32>
        tpu.vector_store %arg8[%parallel_loop3A_303, %parallel_loop3A_304], %parallel_loop3A_307 {strides = array<i32>} : memref<64x128xf32, #tpu.memory_space<vmem>>, vector<1x16xf32>,
      } {sc.loop_unroll_factor = 4 : i64, sc.parallel_access}
      %add3A_138 = arith.constant 1 : i32
      %add3A_139 = arith.addi %rem3A_75, %add3A_138 : i32
      %add3A_140 = arith.constant 16 : i32
      %add3A_141 = arith.addi %add3A_140, %add3A_139 : i32
      %dma_start3A_142 = arith.constant 0 : i32
      %dma_start3A_143 = tpu.memref_slice %arg6[%add3A_141, %dma_start3A_142] : memref<32x64xi32, #tpu.memory_space<vmem>> -> memref<1x64xi32, #tpu.memory_space<vmem>>
      %dma_start3A_144 = tpu.memref_squeeze %dma_start3A_143 : memref<1x64xi32, #tpu.memory_space<vmem>> -> memref<64xi32, #tpu.memory_space<vmem>>
      %dma_start3A_145 = arith.constant 0 : i32
      %dma_start3A_146 = arith.constant 0 : i32
      %dma_start3A_147 = tpu.memref_slice %arg11[%dma_start3A_145, %dma_start3A_146] : memref<10240x128xf32, #tpu.memory_space<vmem_shared>> -> memref<10240x128xf32, #tpu.memory_space<vmem_shared>>
      tpu.enqueue_indirect_dma source(%arg8 : memref<64x128xf32, #tpu.memory_space<vmem>>) target(%dma_start3A_147 : memref<10240x128xf32, #tpu.memory_space<vmem_shared>>) offsets(%dma_start3A_144 : memref<64xi32, #tpu.memory_space<vmem>>) semaphore(%arg17 : memref<!tpu.dma_semaphore, #tpu.memory_space<semaphore_mem>>) {add = true}
      %dma_wait3A_148 = arith.constant 16 : i32
      %dma_wait3A_149 = arith.constant 0 : i32
      %dma_wait3A_150 = tpu.memref_slice %arg6[%dma_wait3A_148, %dma_wait3A_149] : memref<32x64xi32, #tpu.memory_space<vmem>> -> memref<1x64xi32, #tpu.memory_space<vmem>>
      %dma_wait3A_151 = tpu.memref_squeeze %dma_wait3A_150 : memref<1x64xi32, #tpu.memory_space<vmem>> -> memref<64xi32, #tpu.memory_space<vmem>>
      %dma_wait3A_152 = arith.constant 0 : i32
      %dma_wait3A_153 = arith.constant 0 : i32
      %dma_wait3A_154 = tpu.memref_slice %arg11[%dma_wait3A_152, %dma_wait3A_153] : memref<10240x128xf32, #tpu.memory_space<vmem_shared>> -> memref<10240x128xf32, #tpu.memory_space<vmem_shared>>
      tpu.wait_indirect_dma semaphore(%arg16 : memref<!tpu.dma_semaphore, #tpu.memory_space<semaphore_mem>>) src(%arg7 : memref<64x128xf32, #tpu.memory_space<vmem>>) dst(%dma_wait3A_154 : memref<10240x128xf32, #tpu.memory_space<vmem_shared>>)
      %convert_element_type3A_155 = arith.extui %eq3A_79 : i1 to i32
      %cond3A_156 = arith.constant 0 : i32
      %cond3A_157 = arith.cmpi ne, %convert_element_type3A_155, %cond3A_156 : i32
      scf.if %cond3A_157 {
        %dma_wait3A_171 = arith.constant 16 : i32
        %dma_wait3A_172 = arith.constant 0 : i32
        %dma_wait3A_173 = tpu.memref_slice %arg6[%dma_wait3A_171, %dma_wait3A_172] : memref<32x64xi32, #tpu.memory_space<vmem>> -> memref<1x64xi32, #tpu.memory_space<vmem>>
        %dma_wait3A_174 = tpu.memref_squeeze %dma_wait3A_173 : memref<1x64xi32, #tpu.memory_space<vmem>> -> memref<64xi32, #tpu.memory_space<vmem>>
        %dma_wait3A_175 = arith.constant 0 : i32
        %dma_wait3A_176 = arith.constant 0 : i32
        %dma_wait3A_177 = tpu.memref_slice %arg11[%dma_wait3A_175, %dma_wait3A_176] : memref<10240x128xf32, #tpu.memory_space<vmem_shared>> -> memref<10240x128xf32, #tpu.memory_space<vmem_shared>>
        tpu.wait_indirect_dma semaphore(%arg17 : memref<!tpu.dma_semaphore, #tpu.memory_space<semaphore_mem>>) src(%arg8 : memref<64x128xf32, #tpu.memory_space<vmem>>) dst(%dma_wait3A_177 : memref<10240x128xf32, #tpu.memory_space<vmem_shared>>)
      } else {
      }
      %add3A_158 = arith.constant 1 : i32
      %add3A_159 = arith.addi %while3A_68, %add3A_158 : i32
      %lt3A = arith.cmpi slt, %add3A_159, %select_n3A_8 : i32
      %and3A_160 = arith.andi %eq3A_79, %lt3A : i1
      %convert_element_type3A_161 = arith.extui %and3A_160 : i1 to i32
      %cond3A_162 = arith.constant 0 : i32
      %cond3A_163 = arith.cmpi ne, %convert_element_type3A_161, %cond3A_162 : i32
      scf.if %cond3A_163 {
        %add3A_171 = arith.constant 1 : i32
        %add3A_172 = arith.addi %while3A_68, %add3A_171 : i32
        %jit3A_173 = arith.constant 8 : i32
        %div3A_174 = arith.divsi %add3A_172, %jit3A_173 : i32
        %sign3A_175 = arith.constant 0 : i32
        %sign3A_176 = arith.cmpi sgt, %add3A_172, %sign3A_175 : i32
        %sign3A_177 = arith.extui %sign3A_176 : i1 to i32
        %sign3A_178 = arith.constant 0 : i32
        %sign3A_179 = arith.cmpi slt, %add3A_172, %sign3A_178 : i32
        %sign3A_180 = arith.extui %sign3A_179 : i1 to i32
        %sign3A_181 = arith.subi %sign3A_177, %sign3A_180 : i32
        %sign3A_182 = arith.constant 0 : i32
        %sign3A_183 = arith.cmpi sgt, %jit3A_173, %sign3A_182 : i32
        %sign3A_184 = arith.extui %sign3A_183 : i1 to i32
        %sign3A_185 = arith.constant 0 : i32
        %sign3A_186 = arith.cmpi slt, %jit3A_173, %sign3A_185 : i32
        %sign3A_187 = arith.extui %sign3A_186 : i1 to i32
        %sign3A_188 = arith.subi %sign3A_184, %sign3A_187 : i32
        %ne3A_189 = arith.cmpi ne, %sign3A_181, %sign3A_188 : i32
        %rem3A_190 = arith.remsi %add3A_172, %jit3A_173 : i32
        %ne3A_191 = arith.constant 0 : i32
        %ne3A_192 = arith.cmpi ne, %rem3A_190, %ne3A_191 : i32
        %and3A_193 = arith.andi %ne3A_189, %ne3A_192 : i1
        %sub3A_194 = arith.constant 1 : i32
        %sub3A_195 = arith.subi %div3A_174, %sub3A_194 : i32
        %select_n3A_196 = arith.select %and3A_193, %sub3A_195, %div3A_174 : i32
        %add3A_197 = arith.addi %select_n3A_26, %select_n3A_196 : i32
        "tpu.region"() ({
          %run_scoped3A = tpu.sem_alloc : memref<!tpu.dma_semaphore, #tpu.memory_space<semaphore_mem>>
          %dma_start3A_198 = arith.constant 0 : i32
          %dma_start3A_199 = arith.constant 0 : i32
          %dma_start3A_200 = tpu.memref_slice %arg4[%add3A_197, %dma_start3A_198, %dma_start3A_199] : memref<320x32x64xi32, #tpu.memory_space<hbm>> -> memref<1x32x64xi32, #tpu.memory_space<hbm>>
          %dma_start3A_201 = tpu.memref_squeeze %dma_start3A_200 : memref<1x32x64xi32, #tpu.memory_space<hbm>> -> memref<32x64xi32, #tpu.memory_space<hbm>>
          %dma_start3A_202 = arith.constant 0 : i32
          %dma_start3A_203 = arith.constant 0 : i32
          %dma_start3A_204 = tpu.memref_slice %arg4[%add3A_197, %dma_start3A_202, %dma_start3A_203] : memref<320x32x64xi32, #tpu.memory_space<hbm>> -> memref<1x32x64xi32, #tpu.memory_space<hbm>>
          %dma_start3A_205 = tpu.memref_squeeze %dma_start3A_204 : memref<1x32x64xi32, #tpu.memory_space<hbm>> -> memref<32x64xi32, #tpu.memory_space<hbm>>
          tpu.enqueue_dma source(%dma_start3A_205 : memref<32x64xi32, #tpu.memory_space<hbm>>) target(%arg6 : memref<32x64xi32, #tpu.memory_space<vmem>>) target_semaphore(%run_scoped3A : memref<!tpu.dma_semaphore, #tpu.memory_space<semaphore_mem>>)
          %dma_wait3A_206 = arith.constant 0 : i32
          %dma_wait3A_207 = arith.constant 0 : i32
          %dma_wait3A_208 = tpu.memref_slice %arg4[%add3A_197, %dma_wait3A_206, %dma_wait3A_207] : memref<320x32x64xi32, #tpu.memory_space<hbm>> -> memref<1x32x64xi32, #tpu.memory_space<hbm>>
          %dma_wait3A_209 = tpu.memref_squeeze %dma_wait3A_208 : memref<1x32x64xi32, #tpu.memory_space<hbm>> -> memref<32x64xi32, #tpu.memory_space<hbm>>
          %dma_wait3A_210 = arith.constant 0 : i32
          %dma_wait3A_211 = arith.constant 0 : i32
          %dma_wait3A_212 = tpu.memref_slice %arg4[%add3A_197, %dma_wait3A_210, %dma_wait3A_211] : memref<320x32x64xi32, #tpu.memory_space<hbm>> -> memref<1x32x64xi32, #tpu.memory_space<hbm>>
          %dma_wait3A_213 = tpu.memref_squeeze %dma_wait3A_212 : memref<1x32x64xi32, #tpu.memory_space<hbm>> -> memref<32x64xi32, #tpu.memory_space<hbm>>
          tpu.wait_dma2 semaphore(%run_scoped3A : memref<!tpu.dma_semaphore, #tpu.memory_space<semaphore_mem>>) src(%dma_wait3A_213 : memref<32x64xi32, #tpu.memory_space<hbm>>) dst(%arg6 : memref<32x64xi32, #tpu.memory_space<vmem>>)
          tpu.yield
        }) : () -> ()
      } else {
      }
      %add3A_164 = arith.constant 1 : i32
      %add3A_165 = arith.addi %while3A_68, %add3A_164 : i32
      %lt3A_166 = arith.cmpi slt, %add3A_165, %select_n3A_8 : i32
      %convert_element_type3A_167 = arith.extui %lt3A_166 : i1 to i32
      %cond3A_168 = arith.constant 0 : i32
      %cond3A_169 = arith.cmpi ne, %convert_element_type3A_167, %cond3A_168 : i32
      scf.if %cond3A_169 {
        %add3A_171 = arith.constant 2 : i32
        %add3A_172 = arith.addi %mul3A_71, %add3A_171 : i32
        %add3A_173 = arith.constant 2 : i32
        %add3A_174 = arith.addi %mul3A_71, %add3A_173 : i32
        %rem3A_175 = arith.constant 16 : i32
        %rem3A_176 = arith.remsi %add3A_174, %rem3A_175 : i32
        %dma_start3A_177 = arith.constant 0 : i32
        %dma_start3A_178 = tpu.memref_slice %arg6[%rem3A_176, %dma_start3A_177] : memref<32x64xi32, #tpu.memory_space<vmem>> -> memref<1x64xi32, #tpu.memory_space<vmem>>
        %dma_start3A_179 = tpu.memref_squeeze %dma_start3A_178 : memref<1x64xi32, #tpu.memory_space<vmem>> -> memref<64xi32, #tpu.memory_space<vmem>>
        %dma_start3A_180 = arith.constant 0 : i32
        %dma_start3A_181 = arith.constant 0 : i32
        %dma_start3A_182 = tpu.memref_slice %arg2[%dma_start3A_180, %dma_start3A_181] : memref<10000x128xf32, #tpu.memory_space<hbm>> -> memref<10000x128xf32, #tpu.memory_space<hbm>>
        tpu.enqueue_indirect_dma source(%dma_start3A_182 : memref<10000x128xf32, #tpu.memory_space<hbm>>) target(%arg7 : memref<64x128xf32, #tpu.memory_space<vmem>>) offsets(%dma_start3A_179 : memref<64xi32, #tpu.memory_space<vmem>>) semaphore(%arg12 : memref<!tpu.dma_semaphore, #tpu.memory_space<semaphore_mem>>)
        %add3A_183 = arith.addi %select_n3A, %add3A_172 : i32
        %mul3A_184 = arith.constant 64 : i32
        %mul3A_185 = arith.muli %add3A_183, %mul3A_184 : i32
        %dma_start3A_186 = arith.constant 0 : i32
        %dma_start3A_187 = tpu.memref_slice %arg3[%mul3A_185, %dma_start3A_186] : memref<327680x128xf32, #tpu.memory_space<hbm>> -> memref<64x128xf32, #tpu.memory_space<hbm>>
        %dma_start3A_188 = arith.constant 0 : i32
        %dma_start3A_189 = tpu.memref_slice %arg3[%mul3A_185, %dma_start3A_188] : memref<327680x128xf32, #tpu.memory_space<hbm>> -> memref<64x128xf32, #tpu.memory_space<hbm>>
        tpu.enqueue_dma source(%dma_start3A_189 : memref<64x128xf32, #tpu.memory_space<hbm>>) target(%arg9 : memref<64x128xf32, #tpu.memory_space<vmem>>) target_semaphore(%arg14 : memref<!tpu.dma_semaphore, #tpu.memory_space<semaphore_mem>>)
      } else {
      }
      %while3A_170 = arith.constant 0 : i32
      scf.yield %while3A_170 : i32
    }
    %barrier3A_60 = arith.constant 0 : index
    tpu.barrier barrier_id(%barrier3A_60)
    %scan3A_61 = arith.constant 0 : i32
    %scan3A_62 = arith.constant 0 : i32
    %scan3A_63 = arith.constant 10 : i32
    %scan3A_64 = arith.addi %scan3A_62, %scan3A_63 : i32
    %scan3A_65 = arith.constant 1 : i32
    %scan3A_66 = scf.for %scan3A_68 = %scan3A_62 to %scan3A_64 step %scan3A_65 iter_args(%scan3A_69 = %scan3A_61) -> (i32)  : i32 {
      %mul3A_70 = arith.constant 640 : i32
      %mul3A_71 = arith.muli %arg1, %mul3A_70 : i32
      %mul3A_72 = arith.constant 64 : i32
      %mul3A_73 = arith.muli %scan3A_68, %mul3A_72 : i32
      %add3A_74 = arith.addi %mul3A_71, %mul3A_73 : i32
      "tpu.region"() ({
        %run_scoped3A = tpu.sem_alloc : memref<!tpu.dma_semaphore, #tpu.memory_space<semaphore_mem>>
        %dma_start3A_76 = arith.constant 0 : i32
        %dma_start3A_77 = tpu.memref_slice %arg11[%add3A_74, %dma_start3A_76] : memref<10240x128xf32, #tpu.memory_space<vmem_shared>> -> memref<64x128xf32, #tpu.memory_space<vmem_shared>>
        %dma_start3A_78 = arith.constant 0 : i32
        %dma_start3A_79 = tpu.memref_slice %arg11[%add3A_74, %dma_start3A_78] : memref<10240x128xf32, #tpu.memory_space<vmem_shared>> -> memref<64x128xf32, #tpu.memory_space<vmem_shared>>
        tpu.enqueue_dma source(%dma_start3A_79 : memref<64x128xf32, #tpu.memory_space<vmem_shared>>) target(%arg7 : memref<64x128xf32, #tpu.memory_space<vmem>>) target_semaphore(%run_scoped3A : memref<!tpu.dma_semaphore, #tpu.memory_space<semaphore_mem>>)
        %dma_wait3A = arith.constant 0 : i32
        %dma_wait3A_80 = tpu.memref_slice %arg11[%add3A_74, %dma_wait3A] : memref<10240x128xf32, #tpu.memory_space<vmem_shared>> -> memref<64x128xf32, #tpu.memory_space<vmem_shared>>
        %dma_wait3A_81 = arith.constant 0 : i32
        %dma_wait3A_82 = tpu.memref_slice %arg11[%add3A_74, %dma_wait3A_81] : memref<10240x128xf32, #tpu.memory_space<vmem_shared>> -> memref<64x128xf32, #tpu.memory_space<vmem_shared>>
        tpu.wait_dma2 semaphore(%run_scoped3A : memref<!tpu.dma_semaphore, #tpu.memory_space<semaphore_mem>>) src(%dma_wait3A_82 : memref<64x128xf32, #tpu.memory_space<vmem_shared>>) dst(%arg7 : memref<64x128xf32, #tpu.memory_space<vmem>>)
        tpu.yield
      }) : () -> ()
      "tpu.region"() ({
        %run_scoped3A = tpu.sem_alloc : memref<!tpu.dma_semaphore, #tpu.memory_space<semaphore_mem>>
        %dma_start3A_76 = arith.constant 0 : i32
        %dma_start3A_77 = tpu.memref_slice %arg5[%arg0, %add3A_74, %dma_start3A_76] : memref<2x10240x128xf32, #tpu.memory_space<hbm>> -> memref<1x64x128xf32, #tpu.memory_space<hbm>>
        %dma_start3A_78 = tpu.memref_squeeze %dma_start3A_77 : memref<1x64x128xf32, #tpu.memory_space<hbm>> -> memref<64x128xf32, #tpu.memory_space<hbm>>
        %dma_start3A_79 = arith.constant 0 : i32
        %dma_start3A_80 = tpu.memref_slice %arg5[%arg0, %add3A_74, %dma_start3A_79] : memref<2x10240x128xf32, #tpu.memory_space<hbm>> -> memref<1x64x128xf32, #tpu.memory_space<hbm>>
        %dma_start3A_81 = tpu.memref_squeeze %dma_start3A_80 : memref<1x64x128xf32, #tpu.memory_space<hbm>> -> memref<64x128xf32, #tpu.memory_space<hbm>>
        tpu.enqueue_dma source(%arg7 : memref<64x128xf32, #tpu.memory_space<vmem>>) target(%dma_start3A_81 : memref<64x128xf32, #tpu.memory_space<hbm>>) target_semaphore(%run_scoped3A : memref<!tpu.dma_semaphore, #tpu.memory_space<semaphore_mem>>)
        %dma_wait3A = arith.constant 0 : i32
        %dma_wait3A_82 = tpu.memref_slice %arg5[%arg0, %add3A_74, %dma_wait3A] : memref<2x10240x128xf32, #tpu.memory_space<hbm>> -> memref<1x64x128xf32, #tpu.memory_space<hbm>>
        %dma_wait3A_83 = tpu.memref_squeeze %dma_wait3A_82 : memref<1x64x128xf32, #tpu.memory_space<hbm>> -> memref<64x128xf32, #tpu.memory_space<hbm>>
        %dma_wait3A_84 = arith.constant 0 : i32
        %dma_wait3A_85 = tpu.memref_slice %arg5[%arg0, %add3A_74, %dma_wait3A_84] : memref<2x10240x128xf32, #tpu.memory_space<hbm>> -> memref<1x64x128xf32, #tpu.memory_space<hbm>>
        %dma_wait3A_86 = tpu.memref_squeeze %dma_wait3A_85 : memref<1x64x128xf32, #tpu.memory_space<hbm>> -> memref<64x128xf32, #tpu.memory_space<hbm>>
        tpu.wait_dma2 semaphore(%run_scoped3A : memref<!tpu.dma_semaphore, #tpu.memory_space<semaphore_mem>>) src(%arg7 : memref<64x128xf32, #tpu.memory_space<vmem>>) dst(%dma_wait3A_86 : memref<64x128xf32, #tpu.memory_space<hbm>>)
        tpu.yield
      }) : () -> ()
      %scan3A_75 = arith.constant 0 : i32
      scf.yield %scan3A_75 : i32
    }
    %scan3A_67 = arith.constant 10 : i32
    return
  }
}

#map = affine_map<(d0, d1) -> (0, 0)>
#map1 = affine_map<(d0, d1) -> (0, 0, 0)>
module attributes {stable_mosaic.version = 14 : i64} {
  func.func @body(%arg0: i32, %arg1: i32, %arg2: memref<10000x128xf32, #tpu.memory_space<hbm>>, %arg3: memref<327680x128xf32, #tpu.memory_space<hbm>>, %arg4: memref<320x32x64xi32, #tpu.memory_space<hbm>>, %arg5: memref<2x10240x128xf32, #tpu.memory_space<hbm>>, %arg6: memref<32x64xi32, #tpu.memory_space<vmem>>, %arg7: memref<64x128xf32, #tpu.memory_space<vmem>>, %arg8: memref<64x128xf32, #tpu.memory_space<vmem>>, %arg9: memref<64x128xf32, #tpu.memory_space<vmem>>, %arg10: memref<64x128xf32, #tpu.memory_space<vmem>>, %arg11: memref<10240x128xf32, #tpu.memory_space<vmem_shared>>, %arg12: memref<!tpu.dma_semaphore, #tpu.memory_space<semaphore_mem>>, %arg13: memref<!tpu.dma_semaphore, #tpu.memory_space<semaphore_mem>>, %arg14: memref<!tpu.dma_semaphore, #tpu.memory_space<semaphore_mem>>, %arg15: memref<!tpu.dma_semaphore, #tpu.memory_space<semaphore_mem>>, %arg16: memref<!tpu.dma_semaphore, #tpu.memory_space<semaphore_mem>>, %arg17: memref<!tpu.dma_semaphore, #tpu.memory_space<semaphore_mem>>) attributes {dimension_semantics = [#tpu.dimension_semantics<core_parallel>, #tpu.dimension_semantics<subcore_parallel>], iteration_bounds = array<i64: 2, 16>, scalar_prefetch = 0 : i64, scratch_operands = 12 : i64, tpu.core_type = #tpu.core_type<sc_vector_subcore>, window_params = [{transform_indices = #map}, {transform_indices = #map}, {transform_indices = #map1}, {transform_indices = #map1}]} {
    %eq3A = arith.constant 0 : i32
    %eq3A_0 = arith.cmpi eq, %arg0, %eq3A : i32
    %mul3A = arith.constant 224 : i32
    %mul3A_1 = arith.muli %arg1, %mul3A : i32
    %mul3A_2 = arith.constant 96 : i32
    %mul3A_3 = arith.muli %arg1, %mul3A_2 : i32
    %add3A = arith.constant 3584 : i32
    %add3A_4 = arith.addi %add3A, %mul3A_3 : i32
    %select_n3A = arith.select %eq3A_0, %mul3A_1, %add3A_4 : i32
    %eq3A_5 = arith.constant 0 : i32
    %eq3A_6 = arith.cmpi eq, %arg0, %eq3A_5 : i32
    %jit3A = arith.constant 112 : i32
    %jit3A_7 = arith.constant 48 : i32
    %select_n3A_8 = arith.select %eq3A_6, %jit3A, %jit3A_7 : i32
    %jit3A_9 = arith.constant 16 : i32
    %div3A = arith.divsi %select_n3A, %jit3A_9 : i32
    %sign3A = arith.constant 0 : i32
    %sign3A_10 = arith.cmpi sgt, %select_n3A, %sign3A : i32
    %sign3A_11 = arith.extui %sign3A_10 : i1 to i32
    %sign3A_12 = arith.constant 0 : i32
    %sign3A_13 = arith.cmpi slt, %select_n3A, %sign3A_12 : i32
    %sign3A_14 = arith.extui %sign3A_13 : i1 to i32
    %sign3A_15 = arith.subi %sign3A_11, %sign3A_14 : i32
    %sign3A_16 = arith.constant 0 : i32
    %sign3A_17 = arith.cmpi sgt, %jit3A_9, %sign3A_16 : i32
    %sign3A_18 = arith.extui %sign3A_17 : i1 to i32
    %sign3A_19 = arith.constant 0 : i32
    %sign3A_20 = arith.cmpi slt, %jit3A_9, %sign3A_19 : i32
    %sign3A_21 = arith.extui %sign3A_20 : i1 to i32
    %sign3A_22 = arith.subi %sign3A_18, %sign3A_21 : i32
    %ne3A = arith.cmpi ne, %sign3A_15, %sign3A_22 : i32
    %rem3A = arith.remsi %select_n3A, %jit3A_9 : i32
    %ne3A_23 = arith.constant 0 : i32
    %ne3A_24 = arith.cmpi ne, %rem3A, %ne3A_23 : i32
    %and3A = arith.andi %ne3A, %ne3A_24 : i1
    %sub3A = arith.constant 1 : i32
    %sub3A_25 = arith.subi %div3A, %sub3A : i32
    %select_n3A_26 = arith.select %and3A, %sub3A_25, %div3A : i32
    %parallel_loop3A = arith.constant 0 : i32
    %parallel_loop3A_27 = arith.constant 64 : i32
    %parallel_loop3A_28 = arith.constant 1 : i32
    scf.for %parallel_loop3A_68 = %parallel_loop3A to %parallel_loop3A_27 step %parallel_loop3A_28  : i32 {
      %parallel_loop3A_69 = arith.constant 0.000000e+00 : f32
      %parallel_loop3A_70 = vector.broadcast %parallel_loop3A_69 : f32 to vector<16xf32>
      %parallel_loop3A_71 = arith.index_cast %parallel_loop3A_68 : i32 to index
      %parallel_loop3A_72 = arith.constant 0 : index
      %parallel_loop3A_73 = tpu.vector_load %arg7[%parallel_loop3A_71, %parallel_loop3A_72] {strides = array<i32>} : memref<64x128xf32, #tpu.memory_space<vmem>>, vector<1x16xf32>,
      %parallel_loop3A_74 = vector.shape_cast %parallel_loop3A_73 : vector<1x16xf32> to vector<16xf32>
      %parallel_loop3A_75 = vector.shape_cast %parallel_loop3A_70 : vector<16xf32> to vector<1x16xf32>
      tpu.vector_store %arg7[%parallel_loop3A_71, %parallel_loop3A_72], %parallel_loop3A_75 {strides = array<i32>} : memref<64x128xf32, #tpu.memory_space<vmem>>, vector<1x16xf32>,
      %parallel_loop3A_76 = arith.constant 0.000000e+00 : f32
      %parallel_loop3A_77 = vector.broadcast %parallel_loop3A_76 : f32 to vector<16xf32>
      %parallel_loop3A_78 = arith.index_cast %parallel_loop3A_68 : i32 to index
      %parallel_loop3A_79 = arith.constant 16 : index
      %parallel_loop3A_80 = tpu.vector_load %arg7[%parallel_loop3A_78, %parallel_loop3A_79] {strides = array<i32>} : memref<64x128xf32, #tpu.memory_space<vmem>>, vector<1x16xf32>,
      %parallel_loop3A_81 = vector.shape_cast %parallel_loop3A_80 : vector<1x16xf32> to vector<16xf32>
      %parallel_loop3A_82 = vector.shape_cast %parallel_loop3A_77 : vector<16xf32> to vector<1x16xf32>
      tpu.vector_store %arg7[%parallel_loop3A_78, %parallel_loop3A_79], %parallel_loop3A_82 {strides = array<i32>} : memref<64x128xf32, #tpu.memory_space<vmem>>, vector<1x16xf32>,
      %parallel_loop3A_83 = arith.constant 0.000000e+00 : f32
      %parallel_loop3A_84 = vector.broadcast %parallel_loop3A_83 : f32 to vector<16xf32>
      %parallel_loop3A_85 = arith.index_cast %parallel_loop3A_68 : i32 to index
      %parallel_loop3A_86 = arith.constant 32 : index
      %parallel_loop3A_87 = tpu.vector_load %arg7[%parallel_loop3A_85, %parallel_loop3A_86] {strides = array<i32>} : memref<64x128xf32, #tpu.memory_space<vmem>>, vector<1x16xf32>,
      %parallel_loop3A_88 = vector.shape_cast %parallel_loop3A_87 : vector<1x16xf32> to vector<16xf32>
      %parallel_loop3A_89 = vector.shape_cast %parallel_loop3A_84 : vector<16xf32> to vector<1x16xf32>
      tpu.vector_store %arg7[%parallel_loop3A_85, %parallel_loop3A_86], %parallel_loop3A_89 {strides = array<i32>} : memref<64x128xf32, #tpu.memory_space<vmem>>, vector<1x16xf32>,
      %parallel_loop3A_90 = arith.constant 0.000000e+00 : f32
      %parallel_loop3A_91 = vector.broadcast %parallel_loop3A_90 : f32 to vector<16xf32>
      %parallel_loop3A_92 = arith.index_cast %parallel_loop3A_68 : i32 to index
      %parallel_loop3A_93 = arith.constant 48 : index
      %parallel_loop3A_94 = tpu.vector_load %arg7[%parallel_loop3A_92, %parallel_loop3A_93] {strides = array<i32>} : memref<64x128xf32, #tpu.memory_space<vmem>>, vector<1x16xf32>,
      %parallel_loop3A_95 = vector.shape_cast %parallel_loop3A_94 : vector<1x16xf32> to vector<16xf32>
      %parallel_loop3A_96 = vector.shape_cast %parallel_loop3A_91 : vector<16xf32> to vector<1x16xf32>
      tpu.vector_store %arg7[%parallel_loop3A_92, %parallel_loop3A_93], %parallel_loop3A_96 {strides = array<i32>} : memref<64x128xf32, #tpu.memory_space<vmem>>, vector<1x16xf32>,
      %parallel_loop3A_97 = arith.constant 0.000000e+00 : f32
      %parallel_loop3A_98 = vector.broadcast %parallel_loop3A_97 : f32 to vector<16xf32>
      %parallel_loop3A_99 = arith.index_cast %parallel_loop3A_68 : i32 to index
      %parallel_loop3A_100 = arith.constant 64 : index
      %parallel_loop3A_101 = tpu.vector_load %arg7[%parallel_loop3A_99, %parallel_loop3A_100] {strides = array<i32>} : memref<64x128xf32, #tpu.memory_space<vmem>>, vector<1x16xf32>,
      %parallel_loop3A_102 = vector.shape_cast %parallel_loop3A_101 : vector<1x16xf32> to vector<16xf32>
      %parallel_loop3A_103 = vector.shape_cast %parallel_loop3A_98 : vector<16xf32> to vector<1x16xf32>
      tpu.vector_store %arg7[%parallel_loop3A_99, %parallel_loop3A_100], %parallel_loop3A_103 {strides = array<i32>} : memref<64x128xf32, #tpu.memory_space<vmem>>, vector<1x16xf32>,
      %parallel_loop3A_104 = arith.constant 0.000000e+00 : f32
      %parallel_loop3A_105 = vector.broadcast %parallel_loop3A_104 : f32 to vector<16xf32>
      %parallel_loop3A_106 = arith.index_cast %parallel_loop3A_68 : i32 to index
      %parallel_loop3A_107 = arith.constant 80 : index
      %parallel_loop3A_108 = tpu.vector_load %arg7[%parallel_loop3A_106, %parallel_loop3A_107] {strides = array<i32>} : memref<64x128xf32, #tpu.memory_space<vmem>>, vector<1x16xf32>,
      %parallel_loop3A_109 = vector.shape_cast %parallel_loop3A_108 : vector<1x16xf32> to vector<16xf32>
      %parallel_loop3A_110 = vector.shape_cast %parallel_loop3A_105 : vector<16xf32> to vector<1x16xf32>
      tpu.vector_store %arg7[%parallel_loop3A_106, %parallel_loop3A_107], %parallel_loop3A_110 {strides = array<i32>} : memref<64x128xf32, #tpu.memory_space<vmem>>, vector<1x16xf32>,
      %parallel_loop3A_111 = arith.constant 0.000000e+00 : f32
      %parallel_loop3A_112 = vector.broadcast %parallel_loop3A_111 : f32 to vector<16xf32>
      %parallel_loop3A_113 = arith.index_cast %parallel_loop3A_68 : i32 to index
      %parallel_loop3A_114 = arith.constant 96 : index
      %parallel_loop3A_115 = tpu.vector_load %arg7[%parallel_loop3A_113, %parallel_loop3A_114] {strides = array<i32>} : memref<64x128xf32, #tpu.memory_space<vmem>>, vector<1x16xf32>,
      %parallel_loop3A_116 = vector.shape_cast %parallel_loop3A_115 : vector<1x16xf32> to vector<16xf32>
      %parallel_loop3A_117 = vector.shape_cast %parallel_loop3A_112 : vector<16xf32> to vector<1x16xf32>
      tpu.vector_store %arg7[%parallel_loop3A_113, %parallel_loop3A_114], %parallel_loop3A_117 {strides = array<i32>} : memref<64x128xf32, #tpu.memory_space<vmem>>, vector<1x16xf32>,
      %parallel_loop3A_118 = arith.constant 0.000000e+00 : f32
      %parallel_loop3A_119 = vector.broadcast %parallel_loop3A_118 : f32 to vector<16xf32>
      %parallel_loop3A_120 = arith.index_cast %parallel_loop3A_68 : i32 to index
      %parallel_loop3A_121 = arith.constant 112 : index
      %parallel_loop3A_122 = tpu.vector_load %arg7[%parallel_loop3A_120, %parallel_loop3A_121] {strides = array<i32>} : memref<64x128xf32, #tpu.memory_space<vmem>>, vector<1x16xf32>,
      %parallel_loop3A_123 = vector.shape_cast %parallel_loop3A_122 : vector<1x16xf32> to vector<16xf32>
      %parallel_loop3A_124 = vector.shape_cast %parallel_loop3A_119 : vector<16xf32> to vector<1x16xf32>
      tpu.vector_store %arg7[%parallel_loop3A_120, %parallel_loop3A_121], %parallel_loop3A_124 {strides = array<i32>} : memref<64x128xf32, #tpu.memory_space<vmem>>, vector<1x16xf32>,
    } {sc.loop_unroll_factor = 4 : i64, sc.parallel_access}
    %scan3A = arith.constant 0 : i32
    %scan3A_29 = arith.constant 0 : i32
    %scan3A_30 = arith.constant 10 : i32
    %scan3A_31 = arith.addi %scan3A_29, %scan3A_30 : i32
    %scan3A_32 = arith.constant 1 : i32
    %scan3A_33 = scf.for %scan3A_68 = %scan3A_29 to %scan3A_31 step %scan3A_32 iter_args(%scan3A_69 = %scan3A) -> (i32)  : i32 {
      %mul3A_70 = arith.constant 640 : i32
      %mul3A_71 = arith.muli %arg1, %mul3A_70 : i32
      %mul3A_72 = arith.constant 64 : i32
      %mul3A_73 = arith.muli %scan3A_68, %mul3A_72 : i32
      %add3A_74 = arith.addi %mul3A_71, %mul3A_73 : i32
      "tpu.region"() ({
        %run_scoped3A = tpu.sem_alloc : memref<!tpu.dma_semaphore, #tpu.memory_space<semaphore_mem>>
        %dma_start3A_76 = arith.constant 0 : i32
        %dma_start3A_77 = tpu.memref_slice %arg11[%add3A_74, %dma_start3A_76] : memref<10240x128xf32, #tpu.memory_space<vmem_shared>> -> memref<64x128xf32, #tpu.memory_space<vmem_shared>>
        %dma_start3A_78 = arith.constant 0 : i32
        %dma_start3A_79 = tpu.memref_slice %arg11[%add3A_74, %dma_start3A_78] : memref<10240x128xf32, #tpu.memory_space<vmem_shared>> -> memref<64x128xf32, #tpu.memory_space<vmem_shared>>
        tpu.enqueue_dma source(%arg7 : memref<64x128xf32, #tpu.memory_space<vmem>>) target(%dma_start3A_79 : memref<64x128xf32, #tpu.memory_space<vmem_shared>>) target_semaphore(%run_scoped3A : memref<!tpu.dma_semaphore, #tpu.memory_space<semaphore_mem>>)
        %dma_wait3A = arith.constant 0 : i32
        %dma_wait3A_80 = tpu.memref_slice %arg11[%add3A_74, %dma_wait3A] : memref<10240x128xf32, #tpu.memory_space<vmem_shared>> -> memref<64x128xf32, #tpu.memory_space<vmem_shared>>
        %dma_wait3A_81 = arith.constant 0 : i32
        %dma_wait3A_82 = tpu.memref_slice %arg11[%add3A_74, %dma_wait3A_81] : memref<10240x128xf32, #tpu.memory_space<vmem_shared>> -> memref<64x128xf32, #tpu.memory_space<vmem_shared>>
        tpu.wait_dma2 semaphore(%run_scoped3A : memref<!tpu.dma_semaphore, #tpu.memory_space<semaphore_mem>>) src(%arg7 : memref<64x128xf32, #tpu.memory_space<vmem>>) dst(%dma_wait3A_82 : memref<64x128xf32, #tpu.memory_space<vmem_shared>>)
        tpu.yield
      }) : () -> ()
      %scan3A_75 = arith.constant 0 : i32
      scf.yield %scan3A_75 : i32
    }
    %scan3A_34 = arith.constant 10 : i32
    %barrier3A = arith.constant 0 : index
    tpu.barrier barrier_id(%barrier3A)
    "tpu.region"() ({
      %run_scoped3A = tpu.sem_alloc : memref<!tpu.dma_semaphore, #tpu.memory_space<semaphore_mem>>
      %dma_start3A_68 = arith.constant 0 : i32
      %dma_start3A_69 = arith.constant 0 : i32
      %dma_start3A_70 = tpu.memref_slice %arg4[%select_n3A_26, %dma_start3A_68, %dma_start3A_69] : memref<320x32x64xi32, #tpu.memory_space<hbm>> -> memref<1x32x64xi32, #tpu.memory_space<hbm>>
      %dma_start3A_71 = tpu.memref_squeeze %dma_start3A_70 : memref<1x32x64xi32, #tpu.memory_space<hbm>> -> memref<32x64xi32, #tpu.memory_space<hbm>>
      %dma_start3A_72 = arith.constant 0 : i32
      %dma_start3A_73 = arith.constant 0 : i32
      %dma_start3A_74 = tpu.memref_slice %arg4[%select_n3A_26, %dma_start3A_72, %dma_start3A_73] : memref<320x32x64xi32, #tpu.memory_space<hbm>> -> memref<1x32x64xi32, #tpu.memory_space<hbm>>
      %dma_start3A_75 = tpu.memref_squeeze %dma_start3A_74 : memref<1x32x64xi32, #tpu.memory_space<hbm>> -> memref<32x64xi32, #tpu.memory_space<hbm>>
      tpu.enqueue_dma source(%dma_start3A_75 : memref<32x64xi32, #tpu.memory_space<hbm>>) target(%arg6 : memref<32x64xi32, #tpu.memory_space<vmem>>) target_semaphore(%run_scoped3A : memref<!tpu.dma_semaphore, #tpu.memory_space<semaphore_mem>>)
      %dma_wait3A = arith.constant 0 : i32
      %dma_wait3A_76 = arith.constant 0 : i32
      %dma_wait3A_77 = tpu.memref_slice %arg4[%select_n3A_26, %dma_wait3A, %dma_wait3A_76] : memref<320x32x64xi32, #tpu.memory_space<hbm>> -> memref<1x32x64xi32, #tpu.memory_space<hbm>>
      %dma_wait3A_78 = tpu.memref_squeeze %dma_wait3A_77 : memref<1x32x64xi32, #tpu.memory_space<hbm>> -> memref<32x64xi32, #tpu.memory_space<hbm>>
      %dma_wait3A_79 = arith.constant 0 : i32
      %dma_wait3A_80 = arith.constant 0 : i32
      %dma_wait3A_81 = tpu.memref_slice %arg4[%select_n3A_26, %dma_wait3A_79, %dma_wait3A_80] : memref<320x32x64xi32, #tpu.memory_space<hbm>> -> memref<1x32x64xi32, #tpu.memory_space<hbm>>
      %dma_wait3A_82 = tpu.memref_squeeze %dma_wait3A_81 : memref<1x32x64xi32, #tpu.memory_space<hbm>> -> memref<32x64xi32, #tpu.memory_space<hbm>>
      tpu.wait_dma2 semaphore(%run_scoped3A : memref<!tpu.dma_semaphore, #tpu.memory_space<semaphore_mem>>) src(%dma_wait3A_82 : memref<32x64xi32, #tpu.memory_space<hbm>>) dst(%arg6 : memref<32x64xi32, #tpu.memory_space<vmem>>)
      tpu.yield
    }) : () -> ()
    %dma_start3A = arith.constant 0 : i32
    %dma_start3A_35 = arith.constant 0 : i32
    %dma_start3A_36 = tpu.memref_slice %arg6[%dma_start3A, %dma_start3A_35] : memref<32x64xi32, #tpu.memory_space<vmem>> -> memref<1x64xi32, #tpu.memory_space<vmem>>
    %dma_start3A_37 = tpu.memref_squeeze %dma_start3A_36 : memref<1x64xi32, #tpu.memory_space<vmem>> -> memref<64xi32, #tpu.memory_space<vmem>>
    %dma_start3A_38 = arith.constant 0 : i32
    %dma_start3A_39 = arith.constant 0 : i32
    %dma_start3A_40 = tpu.memref_slice %arg2[%dma_start3A_38, %dma_start3A_39] : memref<10000x128xf32, #tpu.memory_space<hbm>> -> memref<10000x128xf32, #tpu.memory_space<hbm>>
    tpu.enqueue_indirect_dma source(%dma_start3A_40 : memref<10000x128xf32, #tpu.memory_space<hbm>>) target(%arg7 : memref<64x128xf32, #tpu.memory_space<vmem>>) offsets(%dma_start3A_37 : memref<64xi32, #tpu.memory_space<vmem>>) semaphore(%arg12 : memref<!tpu.dma_semaphore, #tpu.memory_space<semaphore_mem>>)
    %add3A_41 = arith.constant 0 : i32
    %add3A_42 = arith.addi %select_n3A, %add3A_41 : i32
    %mul3A_43 = arith.constant 64 : i32
    %mul3A_44 = arith.muli %add3A_42, %mul3A_43 : i32
    %dma_start3A_45 = arith.constant 0 : i32
    %dma_start3A_46 = tpu.memref_slice %arg3[%mul3A_44, %dma_start3A_45] : memref<327680x128xf32, #tpu.memory_space<hbm>> -> memref<64x128xf32, #tpu.memory_space<hbm>>
    %dma_start3A_47 = arith.constant 0 : i32
    %dma_start3A_48 = tpu.memref_slice %arg3[%mul3A_44, %dma_start3A_47] : memref<327680x128xf32, #tpu.memory_space<hbm>> -> memref<64x128xf32, #tpu.memory_space<hbm>>
    tpu.enqueue_dma source(%dma_start3A_48 : memref<64x128xf32, #tpu.memory_space<hbm>>) target(%arg9 : memref<64x128xf32, #tpu.memory_space<vmem>>) target_semaphore(%arg14 : memref<!tpu.dma_semaphore, #tpu.memory_space<semaphore_mem>>)
    %while3A = arith.constant 0 : i32
    %while3A_49 = arith.constant 0 : i32
    %while3A_50 = arith.subi %select_n3A_8, %while3A : i32
    %while3A_51 = arith.addi %while3A, %while3A_50 : i32
    %while3A_52 = arith.constant 1 : i32
    %while3A_53 = arith.divsi %while3A_50, %while3A_52 : i32
    %while3A_54 = arith.muli %while3A_53, %while3A_52 : i32
    %while3A_55 = arith.addi %while3A, %while3A_54 : i32
    %while3A_56 = arith.constant 1 : i32
    %while3A_57 = scf.for %while3A_68 = %while3A to %while3A_55 step %while3A_56 iter_args(%while3A_69 = %while3A_49) -> (i32)  : i32 {
      %mul3A_70 = arith.constant 2 : i32
      %mul3A_71 = arith.muli %mul3A_70, %while3A_68 : i32
      %add3A_72 = arith.constant 1 : i32
      %add3A_73 = arith.addi %mul3A_71, %add3A_72 : i32
      %rem3A_74 = arith.constant 16 : i32
      %rem3A_75 = arith.remsi %mul3A_71, %rem3A_74 : i32
      %rem3A_76 = arith.constant 8 : i32
      %rem3A_77 = arith.remsi %while3A_68, %rem3A_76 : i32
      %eq3A_78 = arith.constant 7 : i32
      %eq3A_79 = arith.cmpi eq, %rem3A_77, %eq3A_78 : i32
      %gt3A = arith.constant 0 : i32
      %gt3A_80 = arith.cmpi sgt, %while3A_68, %gt3A : i32
      %rem3A_81 = arith.constant 8 : i32
      %rem3A_82 = arith.remsi %while3A_68, %rem3A_81 : i32
      %ne3A_83 = arith.constant 0 : i32
      %ne3A_84 = arith.cmpi ne, %rem3A_82, %ne3A_83 : i32
      %and3A_85 = arith.andi %gt3A_80, %ne3A_84 : i1
      %convert_element_type3A = arith.extui %and3A_85 : i1 to i32
      %cond3A = arith.constant 0 : i32
      %cond3A_86 = arith.cmpi ne, %convert_element_type3A, %cond3A : i32
      scf.if %cond3A_86 {
        %dma_wait3A_171 = arith.constant 16 : i32
        %dma_wait3A_172 = arith.constant 0 : i32
        %dma_wait3A_173 = tpu.memref_slice %arg6[%dma_wait3A_171, %dma_wait3A_172] : memref<32x64xi32, #tpu.memory_space<vmem>> -> memref<1x64xi32, #tpu.memory_space<vmem>>
        %dma_wait3A_174 = tpu.memref_squeeze %dma_wait3A_173 : memref<1x64xi32, #tpu.memory_space<vmem>> -> memref<64xi32, #tpu.memory_space<vmem>>
        %dma_wait3A_175 = arith.constant 0 : i32
        %dma_wait3A_176 = arith.constant 0 : i32
        %dma_wait3A_177 = tpu.memref_slice %arg11[%dma_wait3A_175, %dma_wait3A_176] : memref<10240x128xf32, #tpu.memory_space<vmem_shared>> -> memref<10240x128xf32, #tpu.memory_space<vmem_shared>>
        tpu.wait_indirect_dma semaphore(%arg17 : memref<!tpu.dma_semaphore, #tpu.memory_space<semaphore_mem>>) src(%arg8 : memref<64x128xf32, #tpu.memory_space<vmem>>) dst(%dma_wait3A_177 : memref<10240x128xf32, #tpu.memory_space<vmem_shared>>)
      } else {
      }
      %add3A_87 = arith.constant 1 : i32
      %add3A_88 = arith.addi %rem3A_75, %add3A_87 : i32
      %dma_start3A_89 = arith.constant 0 : i32
      %dma_start3A_90 = tpu.memref_slice %arg6[%add3A_88, %dma_start3A_89] : memref<32x64xi32, #tpu.memory_space<vmem>> -> memref<1x64xi32, #tpu.memory_space<vmem>>
      %dma_start3A_91 = tpu.memref_squeeze %dma_start3A_90 : memref<1x64xi32, #tpu.memory_space<vmem>> -> memref<64xi32, #tpu.memory_space<vmem>>
      %dma_start3A_92 = arith.constant 0 : i32
      %dma_start3A_93 = arith.constant 0 : i32
      %dma_start3A_94 = tpu.memref_slice %arg2[%dma_start3A_92, %dma_start3A_93] : memref<10000x128xf32, #tpu.memory_space<hbm>> -> memref<10000x128xf32, #tpu.memory_space<hbm>>
      tpu.enqueue_indirect_dma source(%dma_start3A_94 : memref<10000x128xf32, #tpu.memory_space<hbm>>) target(%arg8 : memref<64x128xf32, #tpu.memory_space<vmem>>) offsets(%dma_start3A_91 : memref<64xi32, #tpu.memory_space<vmem>>) semaphore(%arg13 : memref<!tpu.dma_semaphore, #tpu.memory_space<semaphore_mem>>)
      %add3A_95 = arith.addi %select_n3A, %add3A_73 : i32
      %mul3A_96 = arith.constant 64 : i32
      %mul3A_97 = arith.muli %add3A_95, %mul3A_96 : i32
      %dma_start3A_98 = arith.constant 0 : i32
      %dma_start3A_99 = tpu.memref_slice %arg3[%mul3A_97, %dma_start3A_98] : memref<327680x128xf32, #tpu.memory_space<hbm>> -> memref<64x128xf32, #tpu.memory_space<hbm>>
      %dma_start3A_100 = arith.constant 0 : i32
      %dma_start3A_101 = tpu.memref_slice %arg3[%mul3A_97, %dma_start3A_100] : memref<327680x128xf32, #tpu.memory_space<hbm>> -> memref<64x128xf32, #tpu.memory_space<hbm>>
      tpu.enqueue_dma source(%dma_start3A_101 : memref<64x128xf32, #tpu.memory_space<hbm>>) target(%arg10 : memref<64x128xf32, #tpu.memory_space<vmem>>) target_semaphore(%arg15 : memref<!tpu.dma_semaphore, #tpu.memory_space<semaphore_mem>>)
      %dma_wait3A = arith.constant 0 : i32
      %dma_wait3A_102 = arith.constant 0 : i32
      %dma_wait3A_103 = tpu.memref_slice %arg6[%dma_wait3A, %dma_wait3A_102] : memref<32x64xi32, #tpu.memory_space<vmem>> -> memref<1x64xi32, #tpu.memory_space<vmem>>
      %dma_wait3A_104 = tpu.memref_squeeze %dma_wait3A_103 : memref<1x64xi32, #tpu.memory_space<vmem>> -> memref<64xi32, #tpu.memory_space<vmem>>
      %dma_wait3A_105 = arith.constant 0 : i32
      %dma_wait3A_106 = arith.constant 0 : i32
      %dma_wait3A_107 = tpu.memref_slice %arg2[%dma_wait3A_105, %dma_wait3A_106] : memref<10000x128xf32, #tpu.memory_space<hbm>> -> memref<10000x128xf32, #tpu.memory_space<hbm>>
      tpu.wait_indirect_dma semaphore(%arg12 : memref<!tpu.dma_semaphore, #tpu.memory_space<semaphore_mem>>) src(%dma_wait3A_107 : memref<10000x128xf32, #tpu.memory_space<hbm>>) dst(%arg7 : memref<64x128xf32, #tpu.memory_space<vmem>>)
      %dma_wait3A_108 = arith.constant 0 : i32
      %dma_wait3A_109 = arith.constant 0 : i32
      %dma_wait3A_110 = tpu.memref_slice %arg3[%dma_wait3A_108, %dma_wait3A_109] : memref<327680x128xf32, #tpu.memory_space<hbm>> -> memref<64x128xf32, #tpu.memory_space<hbm>>
      %dma_wait3A_111 = arith.constant 0 : i32
      %dma_wait3A_112 = arith.constant 0 : i32
      %dma_wait3A_113 = tpu.memref_slice %arg3[%dma_wait3A_111, %dma_wait3A_112] : memref<327680x128xf32, #tpu.memory_space<hbm>> -> memref<64x128xf32, #tpu.memory_space<hbm>>
      tpu.wait_dma2 semaphore(%arg14 : memref<!tpu.dma_semaphore, #tpu.memory_space<semaphore_mem>>) src(%dma_wait3A_113 : memref<64x128xf32, #tpu.memory_space<hbm>>) dst(%arg9 : memref<64x128xf32, #tpu.memory_space<vmem>>)
      %parallel_loop3A_114 = arith.constant 0 : i32
      %parallel_loop3A_115 = arith.constant 64 : i32
      %parallel_loop3A_116 = arith.constant 1 : i32
      scf.for %parallel_loop3A_171 = %parallel_loop3A_114 to %parallel_loop3A_115 step %parallel_loop3A_116  : i32 {
        %parallel_loop3A_172 = arith.index_cast %parallel_loop3A_171 : i32 to index
        %parallel_loop3A_173 = arith.constant 0 : index
        %parallel_loop3A_174 = tpu.vector_load %arg7[%parallel_loop3A_172, %parallel_loop3A_173] {strides = array<i32>} : memref<64x128xf32, #tpu.memory_space<vmem>>, vector<1x16xf32>,
        %parallel_loop3A_175 = vector.shape_cast %parallel_loop3A_174 : vector<1x16xf32> to vector<16xf32>
        %parallel_loop3A_176 = arith.index_cast %parallel_loop3A_171 : i32 to index
        %parallel_loop3A_177 = arith.constant 0 : index
        %parallel_loop3A_178 = tpu.vector_load %arg9[%parallel_loop3A_176, %parallel_loop3A_177] {strides = array<i32>} : memref<64x128xf32, #tpu.memory_space<vmem>>, vector<1x16xf32>,
        %parallel_loop3A_179 = vector.shape_cast %parallel_loop3A_178 : vector<1x16xf32> to vector<16xf32>
        %parallel_loop3A_180 = arith.addf %parallel_loop3A_175, %parallel_loop3A_179 : vector<16xf32>
        %parallel_loop3A_181 = arith.constant 0.000000e+00 : f32
        %parallel_loop3A_182 = vector.broadcast %parallel_loop3A_181 : f32 to vector<16xf32>
        %parallel_loop3A_183 = arith.maximumf %parallel_loop3A_180, %parallel_loop3A_182 : vector<16xf32>
        %parallel_loop3A_184 = arith.index_cast %parallel_loop3A_171 : i32 to index
        %parallel_loop3A_185 = arith.constant 0 : index
        %parallel_loop3A_186 = tpu.vector_load %arg7[%parallel_loop3A_184, %parallel_loop3A_185] {strides = array<i32>} : memref<64x128xf32, #tpu.memory_space<vmem>>, vector<1x16xf32>,
        %parallel_loop3A_187 = vector.shape_cast %parallel_loop3A_186 : vector<1x16xf32> to vector<16xf32>
        %parallel_loop3A_188 = vector.shape_cast %parallel_loop3A_183 : vector<16xf32> to vector<1x16xf32>
        tpu.vector_store %arg7[%parallel_loop3A_184, %parallel_loop3A_185], %parallel_loop3A_188 {strides = array<i32>} : memref<64x128xf32, #tpu.memory_space<vmem>>, vector<1x16xf32>,
        %parallel_loop3A_189 = arith.index_cast %parallel_loop3A_171 : i32 to index
        %parallel_loop3A_190 = arith.constant 16 : index
        %parallel_loop3A_191 = tpu.vector_load %arg7[%parallel_loop3A_189, %parallel_loop3A_190] {strides = array<i32>} : memref<64x128xf32, #tpu.memory_space<vmem>>, vector<1x16xf32>,
        %parallel_loop3A_192 = vector.shape_cast %parallel_loop3A_191 : vector<1x16xf32> to vector<16xf32>
        %parallel_loop3A_193 = arith.index_cast %parallel_loop3A_171 : i32 to index
        %parallel_loop3A_194 = arith.constant 16 : index
        %parallel_loop3A_195 = tpu.vector_load %arg9[%parallel_loop3A_193, %parallel_loop3A_194] {strides = array<i32>} : memref<64x128xf32, #tpu.memory_space<vmem>>, vector<1x16xf32>,
        %parallel_loop3A_196 = vector.shape_cast %parallel_loop3A_195 : vector<1x16xf32> to vector<16xf32>
        %parallel_loop3A_197 = arith.addf %parallel_loop3A_192, %parallel_loop3A_196 : vector<16xf32>
        %parallel_loop3A_198 = arith.constant 0.000000e+00 : f32
        %parallel_loop3A_199 = vector.broadcast %parallel_loop3A_198 : f32 to vector<16xf32>
        %parallel_loop3A_200 = arith.maximumf %parallel_loop3A_197, %parallel_loop3A_199 : vector<16xf32>
        %parallel_loop3A_201 = arith.index_cast %parallel_loop3A_171 : i32 to index
        %parallel_loop3A_202 = arith.constant 16 : index
        %parallel_loop3A_203 = tpu.vector_load %arg7[%parallel_loop3A_201, %parallel_loop3A_202] {strides = array<i32>} : memref<64x128xf32, #tpu.memory_space<vmem>>, vector<1x16xf32>,
        %parallel_loop3A_204 = vector.shape_cast %parallel_loop3A_203 : vector<1x16xf32> to vector<16xf32>
        %parallel_loop3A_205 = vector.shape_cast %parallel_loop3A_200 : vector<16xf32> to vector<1x16xf32>
        tpu.vector_store %arg7[%parallel_loop3A_201, %parallel_loop3A_202], %parallel_loop3A_205 {strides = array<i32>} : memref<64x128xf32, #tpu.memory_space<vmem>>, vector<1x16xf32>,
        %parallel_loop3A_206 = arith.index_cast %parallel_loop3A_171 : i32 to index
        %parallel_loop3A_207 = arith.constant 32 : index
        %parallel_loop3A_208 = tpu.vector_load %arg7[%parallel_loop3A_206, %parallel_loop3A_207] {strides = array<i32>} : memref<64x128xf32, #tpu.memory_space<vmem>>, vector<1x16xf32>,
        %parallel_loop3A_209 = vector.shape_cast %parallel_loop3A_208 : vector<1x16xf32> to vector<16xf32>
        %parallel_loop3A_210 = arith.index_cast %parallel_loop3A_171 : i32 to index
        %parallel_loop3A_211 = arith.constant 32 : index
        %parallel_loop3A_212 = tpu.vector_load %arg9[%parallel_loop3A_210, %parallel_loop3A_211] {strides = array<i32>} : memref<64x128xf32, #tpu.memory_space<vmem>>, vector<1x16xf32>,
        %parallel_loop3A_213 = vector.shape_cast %parallel_loop3A_212 : vector<1x16xf32> to vector<16xf32>
        %parallel_loop3A_214 = arith.addf %parallel_loop3A_209, %parallel_loop3A_213 : vector<16xf32>
        %parallel_loop3A_215 = arith.constant 0.000000e+00 : f32
        %parallel_loop3A_216 = vector.broadcast %parallel_loop3A_215 : f32 to vector<16xf32>
        %parallel_loop3A_217 = arith.maximumf %parallel_loop3A_214, %parallel_loop3A_216 : vector<16xf32>
        %parallel_loop3A_218 = arith.index_cast %parallel_loop3A_171 : i32 to index
        %parallel_loop3A_219 = arith.constant 32 : index
        %parallel_loop3A_220 = tpu.vector_load %arg7[%parallel_loop3A_218, %parallel_loop3A_219] {strides = array<i32>} : memref<64x128xf32, #tpu.memory_space<vmem>>, vector<1x16xf32>,
        %parallel_loop3A_221 = vector.shape_cast %parallel_loop3A_220 : vector<1x16xf32> to vector<16xf32>
        %parallel_loop3A_222 = vector.shape_cast %parallel_loop3A_217 : vector<16xf32> to vector<1x16xf32>
        tpu.vector_store %arg7[%parallel_loop3A_218, %parallel_loop3A_219], %parallel_loop3A_222 {strides = array<i32>} : memref<64x128xf32, #tpu.memory_space<vmem>>, vector<1x16xf32>,
        %parallel_loop3A_223 = arith.index_cast %parallel_loop3A_171 : i32 to index
        %parallel_loop3A_224 = arith.constant 48 : index
        %parallel_loop3A_225 = tpu.vector_load %arg7[%parallel_loop3A_223, %parallel_loop3A_224] {strides = array<i32>} : memref<64x128xf32, #tpu.memory_space<vmem>>, vector<1x16xf32>,
        %parallel_loop3A_226 = vector.shape_cast %parallel_loop3A_225 : vector<1x16xf32> to vector<16xf32>
        %parallel_loop3A_227 = arith.index_cast %parallel_loop3A_171 : i32 to index
        %parallel_loop3A_228 = arith.constant 48 : index
        %parallel_loop3A_229 = tpu.vector_load %arg9[%parallel_loop3A_227, %parallel_loop3A_228] {strides = array<i32>} : memref<64x128xf32, #tpu.memory_space<vmem>>, vector<1x16xf32>,
        %parallel_loop3A_230 = vector.shape_cast %parallel_loop3A_229 : vector<1x16xf32> to vector<16xf32>
        %parallel_loop3A_231 = arith.addf %parallel_loop3A_226, %parallel_loop3A_230 : vector<16xf32>
        %parallel_loop3A_232 = arith.constant 0.000000e+00 : f32
        %parallel_loop3A_233 = vector.broadcast %parallel_loop3A_232 : f32 to vector<16xf32>
        %parallel_loop3A_234 = arith.maximumf %parallel_loop3A_231, %parallel_loop3A_233 : vector<16xf32>
        %parallel_loop3A_235 = arith.index_cast %parallel_loop3A_171 : i32 to index
        %parallel_loop3A_236 = arith.constant 48 : index
        %parallel_loop3A_237 = tpu.vector_load %arg7[%parallel_loop3A_235, %parallel_loop3A_236] {strides = array<i32>} : memref<64x128xf32, #tpu.memory_space<vmem>>, vector<1x16xf32>,
        %parallel_loop3A_238 = vector.shape_cast %parallel_loop3A_237 : vector<1x16xf32> to vector<16xf32>
        %parallel_loop3A_239 = vector.shape_cast %parallel_loop3A_234 : vector<16xf32> to vector<1x16xf32>
        tpu.vector_store %arg7[%parallel_loop3A_235, %parallel_loop3A_236], %parallel_loop3A_239 {strides = array<i32>} : memref<64x128xf32, #tpu.memory_space<vmem>>, vector<1x16xf32>,
        %parallel_loop3A_240 = arith.index_cast %parallel_loop3A_171 : i32 to index
        %parallel_loop3A_241 = arith.constant 64 : index
        %parallel_loop3A_242 = tpu.vector_load %arg7[%parallel_loop3A_240, %parallel_loop3A_241] {strides = array<i32>} : memref<64x128xf32, #tpu.memory_space<vmem>>, vector<1x16xf32>,
        %parallel_loop3A_243 = vector.shape_cast %parallel_loop3A_242 : vector<1x16xf32> to vector<16xf32>
        %parallel_loop3A_244 = arith.index_cast %parallel_loop3A_171 : i32 to index
        %parallel_loop3A_245 = arith.constant 64 : index
        %parallel_loop3A_246 = tpu.vector_load %arg9[%parallel_loop3A_244, %parallel_loop3A_245] {strides = array<i32>} : memref<64x128xf32, #tpu.memory_space<vmem>>, vector<1x16xf32>,
        %parallel_loop3A_247 = vector.shape_cast %parallel_loop3A_246 : vector<1x16xf32> to vector<16xf32>
        %parallel_loop3A_248 = arith.addf %parallel_loop3A_243, %parallel_loop3A_247 : vector<16xf32>
        %parallel_loop3A_249 = arith.constant 0.000000e+00 : f32
        %parallel_loop3A_250 = vector.broadcast %parallel_loop3A_249 : f32 to vector<16xf32>
        %parallel_loop3A_251 = arith.maximumf %parallel_loop3A_248, %parallel_loop3A_250 : vector<16xf32>
        %parallel_loop3A_252 = arith.index_cast %parallel_loop3A_171 : i32 to index
        %parallel_loop3A_253 = arith.constant 64 : index
        %parallel_loop3A_254 = tpu.vector_load %arg7[%parallel_loop3A_252, %parallel_loop3A_253] {strides = array<i32>} : memref<64x128xf32, #tpu.memory_space<vmem>>, vector<1x16xf32>,
        %parallel_loop3A_255 = vector.shape_cast %parallel_loop3A_254 : vector<1x16xf32> to vector<16xf32>
        %parallel_loop3A_256 = vector.shape_cast %parallel_loop3A_251 : vector<16xf32> to vector<1x16xf32>
        tpu.vector_store %arg7[%parallel_loop3A_252, %parallel_loop3A_253], %parallel_loop3A_256 {strides = array<i32>} : memref<64x128xf32, #tpu.memory_space<vmem>>, vector<1x16xf32>,
        %parallel_loop3A_257 = arith.index_cast %parallel_loop3A_171 : i32 to index
        %parallel_loop3A_258 = arith.constant 80 : index
        %parallel_loop3A_259 = tpu.vector_load %arg7[%parallel_loop3A_257, %parallel_loop3A_258] {strides = array<i32>} : memref<64x128xf32, #tpu.memory_space<vmem>>, vector<1x16xf32>,
        %parallel_loop3A_260 = vector.shape_cast %parallel_loop3A_259 : vector<1x16xf32> to vector<16xf32>
        %parallel_loop3A_261 = arith.index_cast %parallel_loop3A_171 : i32 to index
        %parallel_loop3A_262 = arith.constant 80 : index
        %parallel_loop3A_263 = tpu.vector_load %arg9[%parallel_loop3A_261, %parallel_loop3A_262] {strides = array<i32>} : memref<64x128xf32, #tpu.memory_space<vmem>>, vector<1x16xf32>,
        %parallel_loop3A_264 = vector.shape_cast %parallel_loop3A_263 : vector<1x16xf32> to vector<16xf32>
        %parallel_loop3A_265 = arith.addf %parallel_loop3A_260, %parallel_loop3A_264 : vector<16xf32>
        %parallel_loop3A_266 = arith.constant 0.000000e+00 : f32
        %parallel_loop3A_267 = vector.broadcast %parallel_loop3A_266 : f32 to vector<16xf32>
        %parallel_loop3A_268 = arith.maximumf %parallel_loop3A_265, %parallel_loop3A_267 : vector<16xf32>
        %parallel_loop3A_269 = arith.index_cast %parallel_loop3A_171 : i32 to index
        %parallel_loop3A_270 = arith.constant 80 : index
        %parallel_loop3A_271 = tpu.vector_load %arg7[%parallel_loop3A_269, %parallel_loop3A_270] {strides = array<i32>} : memref<64x128xf32, #tpu.memory_space<vmem>>, vector<1x16xf32>,
        %parallel_loop3A_272 = vector.shape_cast %parallel_loop3A_271 : vector<1x16xf32> to vector<16xf32>
        %parallel_loop3A_273 = vector.shape_cast %parallel_loop3A_268 : vector<16xf32> to vector<1x16xf32>
        tpu.vector_store %arg7[%parallel_loop3A_269, %parallel_loop3A_270], %parallel_loop3A_273 {strides = array<i32>} : memref<64x128xf32, #tpu.memory_space<vmem>>, vector<1x16xf32>,
        %parallel_loop3A_274 = arith.index_cast %parallel_loop3A_171 : i32 to index
        %parallel_loop3A_275 = arith.constant 96 : index
        %parallel_loop3A_276 = tpu.vector_load %arg7[%parallel_loop3A_274, %parallel_loop3A_275] {strides = array<i32>} : memref<64x128xf32, #tpu.memory_space<vmem>>, vector<1x16xf32>,
        %parallel_loop3A_277 = vector.shape_cast %parallel_loop3A_276 : vector<1x16xf32> to vector<16xf32>
        %parallel_loop3A_278 = arith.index_cast %parallel_loop3A_171 : i32 to index
        %parallel_loop3A_279 = arith.constant 96 : index
        %parallel_loop3A_280 = tpu.vector_load %arg9[%parallel_loop3A_278, %parallel_loop3A_279] {strides = array<i32>} : memref<64x128xf32, #tpu.memory_space<vmem>>, vector<1x16xf32>,
        %parallel_loop3A_281 = vector.shape_cast %parallel_loop3A_280 : vector<1x16xf32> to vector<16xf32>
        %parallel_loop3A_282 = arith.addf %parallel_loop3A_277, %parallel_loop3A_281 : vector<16xf32>
        %parallel_loop3A_283 = arith.constant 0.000000e+00 : f32
        %parallel_loop3A_284 = vector.broadcast %parallel_loop3A_283 : f32 to vector<16xf32>
        %parallel_loop3A_285 = arith.maximumf %parallel_loop3A_282, %parallel_loop3A_284 : vector<16xf32>
        %parallel_loop3A_286 = arith.index_cast %parallel_loop3A_171 : i32 to index
        %parallel_loop3A_287 = arith.constant 96 : index
        %parallel_loop3A_288 = tpu.vector_load %arg7[%parallel_loop3A_286, %parallel_loop3A_287] {strides = array<i32>} : memref<64x128xf32, #tpu.memory_space<vmem>>, vector<1x16xf32>,
        %parallel_loop3A_289 = vector.shape_cast %parallel_loop3A_288 : vector<1x16xf32> to vector<16xf32>
        %parallel_loop3A_290 = vector.shape_cast %parallel_loop3A_285 : vector<16xf32> to vector<1x16xf32>
        tpu.vector_store %arg7[%parallel_loop3A_286, %parallel_loop3A_287], %parallel_loop3A_290 {strides = array<i32>} : memref<64x128xf32, #tpu.memory_space<vmem>>, vector<1x16xf32>,
        %parallel_loop3A_291 = arith.index_cast %parallel_loop3A_171 : i32 to index
        %parallel_loop3A_292 = arith.constant 112 : index
        %parallel_loop3A_293 = tpu.vector_load %arg7[%parallel_loop3A_291, %parallel_loop3A_292] {strides = array<i32>} : memref<64x128xf32, #tpu.memory_space<vmem>>, vector<1x16xf32>,
        %parallel_loop3A_294 = vector.shape_cast %parallel_loop3A_293 : vector<1x16xf32> to vector<16xf32>
        %parallel_loop3A_295 = arith.index_cast %parallel_loop3A_171 : i32 to index
        %parallel_loop3A_296 = arith.constant 112 : index
        %parallel_loop3A_297 = tpu.vector_load %arg9[%parallel_loop3A_295, %parallel_loop3A_296] {strides = array<i32>} : memref<64x128xf32, #tpu.memory_space<vmem>>, vector<1x16xf32>,
        %parallel_loop3A_298 = vector.shape_cast %parallel_loop3A_297 : vector<1x16xf32> to vector<16xf32>
        %parallel_loop3A_299 = arith.addf %parallel_loop3A_294, %parallel_loop3A_298 : vector<16xf32>
        %parallel_loop3A_300 = arith.constant 0.000000e+00 : f32
        %parallel_loop3A_301 = vector.broadcast %parallel_loop3A_300 : f32 to vector<16xf32>
        %parallel_loop3A_302 = arith.maximumf %parallel_loop3A_299, %parallel_loop3A_301 : vector<16xf32>
        %parallel_loop3A_303 = arith.index_cast %parallel_loop3A_171 : i32 to index
        %parallel_loop3A_304 = arith.constant 112 : index
        %parallel_loop3A_305 = tpu.vector_load %arg7[%parallel_loop3A_303, %parallel_loop3A_304] {strides = array<i32>} : memref<64x128xf32, #tpu.memory_space<vmem>>, vector<1x16xf32>,
        %parallel_loop3A_306 = vector.shape_cast %parallel_loop3A_305 : vector<1x16xf32> to vector<16xf32>
        %parallel_loop3A_307 = vector.shape_cast %parallel_loop3A_302 : vector<16xf32> to vector<1x16xf32>
        tpu.vector_store %arg7[%parallel_loop3A_303, %parallel_loop3A_304], %parallel_loop3A_307 {strides = array<i32>} : memref<64x128xf32, #tpu.memory_space<vmem>>, vector<1x16xf32>,
      } {sc.loop_unroll_factor = 4 : i64, sc.parallel_access}
      %add3A_117 = arith.constant 16 : i32
      %add3A_118 = arith.addi %add3A_117, %rem3A_75 : i32
      %dma_start3A_119 = arith.constant 0 : i32
      %dma_start3A_120 = tpu.memref_slice %arg6[%add3A_118, %dma_start3A_119] : memref<32x64xi32, #tpu.memory_space<vmem>> -> memref<1x64xi32, #tpu.memory_space<vmem>>
      %dma_start3A_121 = tpu.memref_squeeze %dma_start3A_120 : memref<1x64xi32, #tpu.memory_space<vmem>> -> memref<64xi32, #tpu.memory_space<vmem>>
      %dma_start3A_122 = arith.constant 0 : i32
      %dma_start3A_123 = arith.constant 0 : i32
      %dma_start3A_124 = tpu.memref_slice %arg11[%dma_start3A_122, %dma_start3A_123] : memref<10240x128xf32, #tpu.memory_space<vmem_shared>> -> memref<10240x128xf32, #tpu.memory_space<vmem_shared>>
      tpu.enqueue_indirect_dma source(%arg7 : memref<64x128xf32, #tpu.memory_space<vmem>>) target(%dma_start3A_124 : memref<10240x128xf32, #tpu.memory_space<vmem_shared>>) offsets(%dma_start3A_121 : memref<64xi32, #tpu.memory_space<vmem>>) semaphore(%arg16 : memref<!tpu.dma_semaphore, #tpu.memory_space<semaphore_mem>>) {add = true}
      %dma_wait3A_125 = arith.constant 0 : i32
      %dma_wait3A_126 = tpu.memref_slice %arg6[%add3A_88, %dma_wait3A_125] : memref<32x64xi32, #tpu.memory_space<vmem>> -> memref<1x64xi32, #tpu.memory_space<vmem>>
      %dma_wait3A_127 = tpu.memref_squeeze %dma_wait3A_126 : memref<1x64xi32, #tpu.memory_space<vmem>> -> memref<64xi32, #tpu.memory_space<vmem>>
      %dma_wait3A_128 = arith.constant 0 : i32
      %dma_wait3A_129 = arith.constant 0 : i32
      %dma_wait3A_130 = tpu.memref_slice %arg2[%dma_wait3A_128, %dma_wait3A_129] : memref<10000x128xf32, #tpu.memory_space<hbm>> -> memref<10000x128xf32, #tpu.memory_space<hbm>>
      tpu.wait_indirect_dma semaphore(%arg13 : memref<!tpu.dma_semaphore, #tpu.memory_space<semaphore_mem>>) src(%dma_wait3A_130 : memref<10000x128xf32, #tpu.memory_space<hbm>>) dst(%arg8 : memref<64x128xf32, #tpu.memory_space<vmem>>)
      %dma_wait3A_131 = arith.constant 0 : i32
      %dma_wait3A_132 = tpu.memref_slice %arg3[%mul3A_97, %dma_wait3A_131] : memref<327680x128xf32, #tpu.memory_space<hbm>> -> memref<64x128xf32, #tpu.memory_space<hbm>>
      %dma_wait3A_133 = arith.constant 0 : i32
      %dma_wait3A_134 = tpu.memref_slice %arg3[%mul3A_97, %dma_wait3A_133] : memref<327680x128xf32, #tpu.memory_space<hbm>> -> memref<64x128xf32, #tpu.memory_space<hbm>>
      tpu.wait_dma2 semaphore(%arg15 : memref<!tpu.dma_semaphore, #tpu.memory_space<semaphore_mem>>) src(%dma_wait3A_134 : memref<64x128xf32, #tpu.memory_space<hbm>>) dst(%arg10 : memref<64x128xf32, #tpu.memory_space<vmem>>)
      %parallel_loop3A_135 = arith.constant 0 : i32
      %parallel_loop3A_136 = arith.constant 64 : i32
      %parallel_loop3A_137 = arith.constant 1 : i32
      scf.for %parallel_loop3A_171 = %parallel_loop3A_135 to %parallel_loop3A_136 step %parallel_loop3A_137  : i32 {
        %parallel_loop3A_172 = arith.index_cast %parallel_loop3A_171 : i32 to index
        %parallel_loop3A_173 = arith.constant 0 : index
        %parallel_loop3A_174 = tpu.vector_load %arg8[%parallel_loop3A_172, %parallel_loop3A_173] {strides = array<i32>} : memref<64x128xf32, #tpu.memory_space<vmem>>, vector<1x16xf32>,
        %parallel_loop3A_175 = vector.shape_cast %parallel_loop3A_174 : vector<1x16xf32> to vector<16xf32>
        %parallel_loop3A_176 = arith.index_cast %parallel_loop3A_171 : i32 to index
        %parallel_loop3A_177 = arith.constant 0 : index
        %parallel_loop3A_178 = tpu.vector_load %arg10[%parallel_loop3A_176, %parallel_loop3A_177] {strides = array<i32>} : memref<64x128xf32, #tpu.memory_space<vmem>>, vector<1x16xf32>,
        %parallel_loop3A_179 = vector.shape_cast %parallel_loop3A_178 : vector<1x16xf32> to vector<16xf32>
        %parallel_loop3A_180 = arith.addf %parallel_loop3A_175, %parallel_loop3A_179 : vector<16xf32>
        %parallel_loop3A_181 = arith.constant 0.000000e+00 : f32
        %parallel_loop3A_182 = vector.broadcast %parallel_loop3A_181 : f32 to vector<16xf32>
        %parallel_loop3A_183 = arith.maximumf %parallel_loop3A_180, %parallel_loop3A_182 : vector<16xf32>
        %parallel_loop3A_184 = arith.index_cast %parallel_loop3A_171 : i32 to index
        %parallel_loop3A_185 = arith.constant 0 : index
        %parallel_loop3A_186 = tpu.vector_load %arg8[%parallel_loop3A_184, %parallel_loop3A_185] {strides = array<i32>} : memref<64x128xf32, #tpu.memory_space<vmem>>, vector<1x16xf32>,
        %parallel_loop3A_187 = vector.shape_cast %parallel_loop3A_186 : vector<1x16xf32> to vector<16xf32>
        %parallel_loop3A_188 = vector.shape_cast %parallel_loop3A_183 : vector<16xf32> to vector<1x16xf32>
        tpu.vector_store %arg8[%parallel_loop3A_184, %parallel_loop3A_185], %parallel_loop3A_188 {strides = array<i32>} : memref<64x128xf32, #tpu.memory_space<vmem>>, vector<1x16xf32>,
        %parallel_loop3A_189 = arith.index_cast %parallel_loop3A_171 : i32 to index
        %parallel_loop3A_190 = arith.constant 16 : index
        %parallel_loop3A_191 = tpu.vector_load %arg8[%parallel_loop3A_189, %parallel_loop3A_190] {strides = array<i32>} : memref<64x128xf32, #tpu.memory_space<vmem>>, vector<1x16xf32>,
        %parallel_loop3A_192 = vector.shape_cast %parallel_loop3A_191 : vector<1x16xf32> to vector<16xf32>
        %parallel_loop3A_193 = arith.index_cast %parallel_loop3A_171 : i32 to index
        %parallel_loop3A_194 = arith.constant 16 : index
        %parallel_loop3A_195 = tpu.vector_load %arg10[%parallel_loop3A_193, %parallel_loop3A_194] {strides = array<i32>} : memref<64x128xf32, #tpu.memory_space<vmem>>, vector<1x16xf32>,
        %parallel_loop3A_196 = vector.shape_cast %parallel_loop3A_195 : vector<1x16xf32> to vector<16xf32>
        %parallel_loop3A_197 = arith.addf %parallel_loop3A_192, %parallel_loop3A_196 : vector<16xf32>
        %parallel_loop3A_198 = arith.constant 0.000000e+00 : f32
        %parallel_loop3A_199 = vector.broadcast %parallel_loop3A_198 : f32 to vector<16xf32>
        %parallel_loop3A_200 = arith.maximumf %parallel_loop3A_197, %parallel_loop3A_199 : vector<16xf32>
        %parallel_loop3A_201 = arith.index_cast %parallel_loop3A_171 : i32 to index
        %parallel_loop3A_202 = arith.constant 16 : index
        %parallel_loop3A_203 = tpu.vector_load %arg8[%parallel_loop3A_201, %parallel_loop3A_202] {strides = array<i32>} : memref<64x128xf32, #tpu.memory_space<vmem>>, vector<1x16xf32>,
        %parallel_loop3A_204 = vector.shape_cast %parallel_loop3A_203 : vector<1x16xf32> to vector<16xf32>
        %parallel_loop3A_205 = vector.shape_cast %parallel_loop3A_200 : vector<16xf32> to vector<1x16xf32>
        tpu.vector_store %arg8[%parallel_loop3A_201, %parallel_loop3A_202], %parallel_loop3A_205 {strides = array<i32>} : memref<64x128xf32, #tpu.memory_space<vmem>>, vector<1x16xf32>,
        %parallel_loop3A_206 = arith.index_cast %parallel_loop3A_171 : i32 to index
        %parallel_loop3A_207 = arith.constant 32 : index
        %parallel_loop3A_208 = tpu.vector_load %arg8[%parallel_loop3A_206, %parallel_loop3A_207] {strides = array<i32>} : memref<64x128xf32, #tpu.memory_space<vmem>>, vector<1x16xf32>,
        %parallel_loop3A_209 = vector.shape_cast %parallel_loop3A_208 : vector<1x16xf32> to vector<16xf32>
        %parallel_loop3A_210 = arith.index_cast %parallel_loop3A_171 : i32 to index
        %parallel_loop3A_211 = arith.constant 32 : index
        %parallel_loop3A_212 = tpu.vector_load %arg10[%parallel_loop3A_210, %parallel_loop3A_211] {strides = array<i32>} : memref<64x128xf32, #tpu.memory_space<vmem>>, vector<1x16xf32>,
        %parallel_loop3A_213 = vector.shape_cast %parallel_loop3A_212 : vector<1x16xf32> to vector<16xf32>
        %parallel_loop3A_214 = arith.addf %parallel_loop3A_209, %parallel_loop3A_213 : vector<16xf32>
        %parallel_loop3A_215 = arith.constant 0.000000e+00 : f32
        %parallel_loop3A_216 = vector.broadcast %parallel_loop3A_215 : f32 to vector<16xf32>
        %parallel_loop3A_217 = arith.maximumf %parallel_loop3A_214, %parallel_loop3A_216 : vector<16xf32>
        %parallel_loop3A_218 = arith.index_cast %parallel_loop3A_171 : i32 to index
        %parallel_loop3A_219 = arith.constant 32 : index
        %parallel_loop3A_220 = tpu.vector_load %arg8[%parallel_loop3A_218, %parallel_loop3A_219] {strides = array<i32>} : memref<64x128xf32, #tpu.memory_space<vmem>>, vector<1x16xf32>,
        %parallel_loop3A_221 = vector.shape_cast %parallel_loop3A_220 : vector<1x16xf32> to vector<16xf32>
        %parallel_loop3A_222 = vector.shape_cast %parallel_loop3A_217 : vector<16xf32> to vector<1x16xf32>
        tpu.vector_store %arg8[%parallel_loop3A_218, %parallel_loop3A_219], %parallel_loop3A_222 {strides = array<i32>} : memref<64x128xf32, #tpu.memory_space<vmem>>, vector<1x16xf32>,
        %parallel_loop3A_223 = arith.index_cast %parallel_loop3A_171 : i32 to index
        %parallel_loop3A_224 = arith.constant 48 : index
        %parallel_loop3A_225 = tpu.vector_load %arg8[%parallel_loop3A_223, %parallel_loop3A_224] {strides = array<i32>} : memref<64x128xf32, #tpu.memory_space<vmem>>, vector<1x16xf32>,
        %parallel_loop3A_226 = vector.shape_cast %parallel_loop3A_225 : vector<1x16xf32> to vector<16xf32>
        %parallel_loop3A_227 = arith.index_cast %parallel_loop3A_171 : i32 to index
        %parallel_loop3A_228 = arith.constant 48 : index
        %parallel_loop3A_229 = tpu.vector_load %arg10[%parallel_loop3A_227, %parallel_loop3A_228] {strides = array<i32>} : memref<64x128xf32, #tpu.memory_space<vmem>>, vector<1x16xf32>,
        %parallel_loop3A_230 = vector.shape_cast %parallel_loop3A_229 : vector<1x16xf32> to vector<16xf32>
        %parallel_loop3A_231 = arith.addf %parallel_loop3A_226, %parallel_loop3A_230 : vector<16xf32>
        %parallel_loop3A_232 = arith.constant 0.000000e+00 : f32
        %parallel_loop3A_233 = vector.broadcast %parallel_loop3A_232 : f32 to vector<16xf32>
        %parallel_loop3A_234 = arith.maximumf %parallel_loop3A_231, %parallel_loop3A_233 : vector<16xf32>
        %parallel_loop3A_235 = arith.index_cast %parallel_loop3A_171 : i32 to index
        %parallel_loop3A_236 = arith.constant 48 : index
        %parallel_loop3A_237 = tpu.vector_load %arg8[%parallel_loop3A_235, %parallel_loop3A_236] {strides = array<i32>} : memref<64x128xf32, #tpu.memory_space<vmem>>, vector<1x16xf32>,
        %parallel_loop3A_238 = vector.shape_cast %parallel_loop3A_237 : vector<1x16xf32> to vector<16xf32>
        %parallel_loop3A_239 = vector.shape_cast %parallel_loop3A_234 : vector<16xf32> to vector<1x16xf32>
        tpu.vector_store %arg8[%parallel_loop3A_235, %parallel_loop3A_236], %parallel_loop3A_239 {strides = array<i32>} : memref<64x128xf32, #tpu.memory_space<vmem>>, vector<1x16xf32>,
        %parallel_loop3A_240 = arith.index_cast %parallel_loop3A_171 : i32 to index
        %parallel_loop3A_241 = arith.constant 64 : index
        %parallel_loop3A_242 = tpu.vector_load %arg8[%parallel_loop3A_240, %parallel_loop3A_241] {strides = array<i32>} : memref<64x128xf32, #tpu.memory_space<vmem>>, vector<1x16xf32>,
        %parallel_loop3A_243 = vector.shape_cast %parallel_loop3A_242 : vector<1x16xf32> to vector<16xf32>
        %parallel_loop3A_244 = arith.index_cast %parallel_loop3A_171 : i32 to index
        %parallel_loop3A_245 = arith.constant 64 : index
        %parallel_loop3A_246 = tpu.vector_load %arg10[%parallel_loop3A_244, %parallel_loop3A_245] {strides = array<i32>} : memref<64x128xf32, #tpu.memory_space<vmem>>, vector<1x16xf32>,
        %parallel_loop3A_247 = vector.shape_cast %parallel_loop3A_246 : vector<1x16xf32> to vector<16xf32>
        %parallel_loop3A_248 = arith.addf %parallel_loop3A_243, %parallel_loop3A_247 : vector<16xf32>
        %parallel_loop3A_249 = arith.constant 0.000000e+00 : f32
        %parallel_loop3A_250 = vector.broadcast %parallel_loop3A_249 : f32 to vector<16xf32>
        %parallel_loop3A_251 = arith.maximumf %parallel_loop3A_248, %parallel_loop3A_250 : vector<16xf32>
        %parallel_loop3A_252 = arith.index_cast %parallel_loop3A_171 : i32 to index
        %parallel_loop3A_253 = arith.constant 64 : index
        %parallel_loop3A_254 = tpu.vector_load %arg8[%parallel_loop3A_252, %parallel_loop3A_253] {strides = array<i32>} : memref<64x128xf32, #tpu.memory_space<vmem>>, vector<1x16xf32>,
        %parallel_loop3A_255 = vector.shape_cast %parallel_loop3A_254 : vector<1x16xf32> to vector<16xf32>
        %parallel_loop3A_256 = vector.shape_cast %parallel_loop3A_251 : vector<16xf32> to vector<1x16xf32>
        tpu.vector_store %arg8[%parallel_loop3A_252, %parallel_loop3A_253], %parallel_loop3A_256 {strides = array<i32>} : memref<64x128xf32, #tpu.memory_space<vmem>>, vector<1x16xf32>,
        %parallel_loop3A_257 = arith.index_cast %parallel_loop3A_171 : i32 to index
        %parallel_loop3A_258 = arith.constant 80 : index
        %parallel_loop3A_259 = tpu.vector_load %arg8[%parallel_loop3A_257, %parallel_loop3A_258] {strides = array<i32>} : memref<64x128xf32, #tpu.memory_space<vmem>>, vector<1x16xf32>,
        %parallel_loop3A_260 = vector.shape_cast %parallel_loop3A_259 : vector<1x16xf32> to vector<16xf32>
        %parallel_loop3A_261 = arith.index_cast %parallel_loop3A_171 : i32 to index
        %parallel_loop3A_262 = arith.constant 80 : index
        %parallel_loop3A_263 = tpu.vector_load %arg10[%parallel_loop3A_261, %parallel_loop3A_262] {strides = array<i32>} : memref<64x128xf32, #tpu.memory_space<vmem>>, vector<1x16xf32>,
        %parallel_loop3A_264 = vector.shape_cast %parallel_loop3A_263 : vector<1x16xf32> to vector<16xf32>
        %parallel_loop3A_265 = arith.addf %parallel_loop3A_260, %parallel_loop3A_264 : vector<16xf32>
        %parallel_loop3A_266 = arith.constant 0.000000e+00 : f32
        %parallel_loop3A_267 = vector.broadcast %parallel_loop3A_266 : f32 to vector<16xf32>
        %parallel_loop3A_268 = arith.maximumf %parallel_loop3A_265, %parallel_loop3A_267 : vector<16xf32>
        %parallel_loop3A_269 = arith.index_cast %parallel_loop3A_171 : i32 to index
        %parallel_loop3A_270 = arith.constant 80 : index
        %parallel_loop3A_271 = tpu.vector_load %arg8[%parallel_loop3A_269, %parallel_loop3A_270] {strides = array<i32>} : memref<64x128xf32, #tpu.memory_space<vmem>>, vector<1x16xf32>,
        %parallel_loop3A_272 = vector.shape_cast %parallel_loop3A_271 : vector<1x16xf32> to vector<16xf32>
        %parallel_loop3A_273 = vector.shape_cast %parallel_loop3A_268 : vector<16xf32> to vector<1x16xf32>
        tpu.vector_store %arg8[%parallel_loop3A_269, %parallel_loop3A_270], %parallel_loop3A_273 {strides = array<i32>} : memref<64x128xf32, #tpu.memory_space<vmem>>, vector<1x16xf32>,
        %parallel_loop3A_274 = arith.index_cast %parallel_loop3A_171 : i32 to index
        %parallel_loop3A_275 = arith.constant 96 : index
        %parallel_loop3A_276 = tpu.vector_load %arg8[%parallel_loop3A_274, %parallel_loop3A_275] {strides = array<i32>} : memref<64x128xf32, #tpu.memory_space<vmem>>, vector<1x16xf32>,
        %parallel_loop3A_277 = vector.shape_cast %parallel_loop3A_276 : vector<1x16xf32> to vector<16xf32>
        %parallel_loop3A_278 = arith.index_cast %parallel_loop3A_171 : i32 to index
        %parallel_loop3A_279 = arith.constant 96 : index
        %parallel_loop3A_280 = tpu.vector_load %arg10[%parallel_loop3A_278, %parallel_loop3A_279] {strides = array<i32>} : memref<64x128xf32, #tpu.memory_space<vmem>>, vector<1x16xf32>,
        %parallel_loop3A_281 = vector.shape_cast %parallel_loop3A_280 : vector<1x16xf32> to vector<16xf32>
        %parallel_loop3A_282 = arith.addf %parallel_loop3A_277, %parallel_loop3A_281 : vector<16xf32>
        %parallel_loop3A_283 = arith.constant 0.000000e+00 : f32
        %parallel_loop3A_284 = vector.broadcast %parallel_loop3A_283 : f32 to vector<16xf32>
        %parallel_loop3A_285 = arith.maximumf %parallel_loop3A_282, %parallel_loop3A_284 : vector<16xf32>
        %parallel_loop3A_286 = arith.index_cast %parallel_loop3A_171 : i32 to index
        %parallel_loop3A_287 = arith.constant 96 : index
        %parallel_loop3A_288 = tpu.vector_load %arg8[%parallel_loop3A_286, %parallel_loop3A_287] {strides = array<i32>} : memref<64x128xf32, #tpu.memory_space<vmem>>, vector<1x16xf32>,
        %parallel_loop3A_289 = vector.shape_cast %parallel_loop3A_288 : vector<1x16xf32> to vector<16xf32>
        %parallel_loop3A_290 = vector.shape_cast %parallel_loop3A_285 : vector<16xf32> to vector<1x16xf32>
        tpu.vector_store %arg8[%parallel_loop3A_286, %parallel_loop3A_287], %parallel_loop3A_290 {strides = array<i32>} : memref<64x128xf32, #tpu.memory_space<vmem>>, vector<1x16xf32>,
        %parallel_loop3A_291 = arith.index_cast %parallel_loop3A_171 : i32 to index
        %parallel_loop3A_292 = arith.constant 112 : index
        %parallel_loop3A_293 = tpu.vector_load %arg8[%parallel_loop3A_291, %parallel_loop3A_292] {strides = array<i32>} : memref<64x128xf32, #tpu.memory_space<vmem>>, vector<1x16xf32>,
        %parallel_loop3A_294 = vector.shape_cast %parallel_loop3A_293 : vector<1x16xf32> to vector<16xf32>
        %parallel_loop3A_295 = arith.index_cast %parallel_loop3A_171 : i32 to index
        %parallel_loop3A_296 = arith.constant 112 : index
        %parallel_loop3A_297 = tpu.vector_load %arg10[%parallel_loop3A_295, %parallel_loop3A_296] {strides = array<i32>} : memref<64x128xf32, #tpu.memory_space<vmem>>, vector<1x16xf32>,
        %parallel_loop3A_298 = vector.shape_cast %parallel_loop3A_297 : vector<1x16xf32> to vector<16xf32>
        %parallel_loop3A_299 = arith.addf %parallel_loop3A_294, %parallel_loop3A_298 : vector<16xf32>
        %parallel_loop3A_300 = arith.constant 0.000000e+00 : f32
        %parallel_loop3A_301 = vector.broadcast %parallel_loop3A_300 : f32 to vector<16xf32>
        %parallel_loop3A_302 = arith.maximumf %parallel_loop3A_299, %parallel_loop3A_301 : vector<16xf32>
        %parallel_loop3A_303 = arith.index_cast %parallel_loop3A_171 : i32 to index
        %parallel_loop3A_304 = arith.constant 112 : index
        %parallel_loop3A_305 = tpu.vector_load %arg8[%parallel_loop3A_303, %parallel_loop3A_304] {strides = array<i32>} : memref<64x128xf32, #tpu.memory_space<vmem>>, vector<1x16xf32>,
        %parallel_loop3A_306 = vector.shape_cast %parallel_loop3A_305 : vector<1x16xf32> to vector<16xf32>
        %parallel_loop3A_307 = vector.shape_cast %parallel_loop3A_302 : vector<16xf32> to vector<1x16xf32>
        tpu.vector_store %arg8[%parallel_loop3A_303, %parallel_loop3A_304], %parallel_loop3A_307 {strides = array<i32>} : memref<64x128xf32, #tpu.memory_space<vmem>>, vector<1x16xf32>,
      } {sc.loop_unroll_factor = 4 : i64, sc.parallel_access}
      %add3A_138 = arith.constant 1 : i32
      %add3A_139 = arith.addi %rem3A_75, %add3A_138 : i32
      %add3A_140 = arith.constant 16 : i32
      %add3A_141 = arith.addi %add3A_140, %add3A_139 : i32
      %dma_start3A_142 = arith.constant 0 : i32
      %dma_start3A_143 = tpu.memref_slice %arg6[%add3A_141, %dma_start3A_142] : memref<32x64xi32, #tpu.memory_space<vmem>> -> memref<1x64xi32, #tpu.memory_space<vmem>>
      %dma_start3A_144 = tpu.memref_squeeze %dma_start3A_143 : memref<1x64xi32, #tpu.memory_space<vmem>> -> memref<64xi32, #tpu.memory_space<vmem>>
      %dma_start3A_145 = arith.constant 0 : i32
      %dma_start3A_146 = arith.constant 0 : i32
      %dma_start3A_147 = tpu.memref_slice %arg11[%dma_start3A_145, %dma_start3A_146] : memref<10240x128xf32, #tpu.memory_space<vmem_shared>> -> memref<10240x128xf32, #tpu.memory_space<vmem_shared>>
      tpu.enqueue_indirect_dma source(%arg8 : memref<64x128xf32, #tpu.memory_space<vmem>>) target(%dma_start3A_147 : memref<10240x128xf32, #tpu.memory_space<vmem_shared>>) offsets(%dma_start3A_144 : memref<64xi32, #tpu.memory_space<vmem>>) semaphore(%arg17 : memref<!tpu.dma_semaphore, #tpu.memory_space<semaphore_mem>>) {add = true}
      %dma_wait3A_148 = arith.constant 16 : i32
      %dma_wait3A_149 = arith.constant 0 : i32
      %dma_wait3A_150 = tpu.memref_slice %arg6[%dma_wait3A_148, %dma_wait3A_149] : memref<32x64xi32, #tpu.memory_space<vmem>> -> memref<1x64xi32, #tpu.memory_space<vmem>>
      %dma_wait3A_151 = tpu.memref_squeeze %dma_wait3A_150 : memref<1x64xi32, #tpu.memory_space<vmem>> -> memref<64xi32, #tpu.memory_space<vmem>>
      %dma_wait3A_152 = arith.constant 0 : i32
      %dma_wait3A_153 = arith.constant 0 : i32
      %dma_wait3A_154 = tpu.memref_slice %arg11[%dma_wait3A_152, %dma_wait3A_153] : memref<10240x128xf32, #tpu.memory_space<vmem_shared>> -> memref<10240x128xf32, #tpu.memory_space<vmem_shared>>
      tpu.wait_indirect_dma semaphore(%arg16 : memref<!tpu.dma_semaphore, #tpu.memory_space<semaphore_mem>>) src(%arg7 : memref<64x128xf32, #tpu.memory_space<vmem>>) dst(%dma_wait3A_154 : memref<10240x128xf32, #tpu.memory_space<vmem_shared>>)
      %convert_element_type3A_155 = arith.extui %eq3A_79 : i1 to i32
      %cond3A_156 = arith.constant 0 : i32
      %cond3A_157 = arith.cmpi ne, %convert_element_type3A_155, %cond3A_156 : i32
      scf.if %cond3A_157 {
        %dma_wait3A_171 = arith.constant 16 : i32
        %dma_wait3A_172 = arith.constant 0 : i32
        %dma_wait3A_173 = tpu.memref_slice %arg6[%dma_wait3A_171, %dma_wait3A_172] : memref<32x64xi32, #tpu.memory_space<vmem>> -> memref<1x64xi32, #tpu.memory_space<vmem>>
        %dma_wait3A_174 = tpu.memref_squeeze %dma_wait3A_173 : memref<1x64xi32, #tpu.memory_space<vmem>> -> memref<64xi32, #tpu.memory_space<vmem>>
        %dma_wait3A_175 = arith.constant 0 : i32
        %dma_wait3A_176 = arith.constant 0 : i32
        %dma_wait3A_177 = tpu.memref_slice %arg11[%dma_wait3A_175, %dma_wait3A_176] : memref<10240x128xf32, #tpu.memory_space<vmem_shared>> -> memref<10240x128xf32, #tpu.memory_space<vmem_shared>>
        tpu.wait_indirect_dma semaphore(%arg17 : memref<!tpu.dma_semaphore, #tpu.memory_space<semaphore_mem>>) src(%arg8 : memref<64x128xf32, #tpu.memory_space<vmem>>) dst(%dma_wait3A_177 : memref<10240x128xf32, #tpu.memory_space<vmem_shared>>)
      } else {
      }
      %add3A_158 = arith.constant 1 : i32
      %add3A_159 = arith.addi %while3A_68, %add3A_158 : i32
      %lt3A = arith.cmpi slt, %add3A_159, %select_n3A_8 : i32
      %and3A_160 = arith.andi %eq3A_79, %lt3A : i1
      %convert_element_type3A_161 = arith.extui %and3A_160 : i1 to i32
      %cond3A_162 = arith.constant 0 : i32
      %cond3A_163 = arith.cmpi ne, %convert_element_type3A_161, %cond3A_162 : i32
      scf.if %cond3A_163 {
        %add3A_171 = arith.constant 1 : i32
        %add3A_172 = arith.addi %while3A_68, %add3A_171 : i32
        %jit3A_173 = arith.constant 8 : i32
        %div3A_174 = arith.divsi %add3A_172, %jit3A_173 : i32
        %sign3A_175 = arith.constant 0 : i32
        %sign3A_176 = arith.cmpi sgt, %add3A_172, %sign3A_175 : i32
        %sign3A_177 = arith.extui %sign3A_176 : i1 to i32
        %sign3A_178 = arith.constant 0 : i32
        %sign3A_179 = arith.cmpi slt, %add3A_172, %sign3A_178 : i32
        %sign3A_180 = arith.extui %sign3A_179 : i1 to i32
        %sign3A_181 = arith.subi %sign3A_177, %sign3A_180 : i32
        %sign3A_182 = arith.constant 0 : i32
        %sign3A_183 = arith.cmpi sgt, %jit3A_173, %sign3A_182 : i32
        %sign3A_184 = arith.extui %sign3A_183 : i1 to i32
        %sign3A_185 = arith.constant 0 : i32
        %sign3A_186 = arith.cmpi slt, %jit3A_173, %sign3A_185 : i32
        %sign3A_187 = arith.extui %sign3A_186 : i1 to i32
        %sign3A_188 = arith.subi %sign3A_184, %sign3A_187 : i32
        %ne3A_189 = arith.cmpi ne, %sign3A_181, %sign3A_188 : i32
        %rem3A_190 = arith.remsi %add3A_172, %jit3A_173 : i32
        %ne3A_191 = arith.constant 0 : i32
        %ne3A_192 = arith.cmpi ne, %rem3A_190, %ne3A_191 : i32
        %and3A_193 = arith.andi %ne3A_189, %ne3A_192 : i1
        %sub3A_194 = arith.constant 1 : i32
        %sub3A_195 = arith.subi %div3A_174, %sub3A_194 : i32
        %select_n3A_196 = arith.select %and3A_193, %sub3A_195, %div3A_174 : i32
        %add3A_197 = arith.addi %select_n3A_26, %select_n3A_196 : i32
        "tpu.region"() ({
          %run_scoped3A = tpu.sem_alloc : memref<!tpu.dma_semaphore, #tpu.memory_space<semaphore_mem>>
          %dma_start3A_198 = arith.constant 0 : i32
          %dma_start3A_199 = arith.constant 0 : i32
          %dma_start3A_200 = tpu.memref_slice %arg4[%add3A_197, %dma_start3A_198, %dma_start3A_199] : memref<320x32x64xi32, #tpu.memory_space<hbm>> -> memref<1x32x64xi32, #tpu.memory_space<hbm>>
          %dma_start3A_201 = tpu.memref_squeeze %dma_start3A_200 : memref<1x32x64xi32, #tpu.memory_space<hbm>> -> memref<32x64xi32, #tpu.memory_space<hbm>>
          %dma_start3A_202 = arith.constant 0 : i32
          %dma_start3A_203 = arith.constant 0 : i32
          %dma_start3A_204 = tpu.memref_slice %arg4[%add3A_197, %dma_start3A_202, %dma_start3A_203] : memref<320x32x64xi32, #tpu.memory_space<hbm>> -> memref<1x32x64xi32, #tpu.memory_space<hbm>>
          %dma_start3A_205 = tpu.memref_squeeze %dma_start3A_204 : memref<1x32x64xi32, #tpu.memory_space<hbm>> -> memref<32x64xi32, #tpu.memory_space<hbm>>
          tpu.enqueue_dma source(%dma_start3A_205 : memref<32x64xi32, #tpu.memory_space<hbm>>) target(%arg6 : memref<32x64xi32, #tpu.memory_space<vmem>>) target_semaphore(%run_scoped3A : memref<!tpu.dma_semaphore, #tpu.memory_space<semaphore_mem>>)
          %dma_wait3A_206 = arith.constant 0 : i32
          %dma_wait3A_207 = arith.constant 0 : i32
          %dma_wait3A_208 = tpu.memref_slice %arg4[%add3A_197, %dma_wait3A_206, %dma_wait3A_207] : memref<320x32x64xi32, #tpu.memory_space<hbm>> -> memref<1x32x64xi32, #tpu.memory_space<hbm>>
          %dma_wait3A_209 = tpu.memref_squeeze %dma_wait3A_208 : memref<1x32x64xi32, #tpu.memory_space<hbm>> -> memref<32x64xi32, #tpu.memory_space<hbm>>
          %dma_wait3A_210 = arith.constant 0 : i32
          %dma_wait3A_211 = arith.constant 0 : i32
          %dma_wait3A_212 = tpu.memref_slice %arg4[%add3A_197, %dma_wait3A_210, %dma_wait3A_211] : memref<320x32x64xi32, #tpu.memory_space<hbm>> -> memref<1x32x64xi32, #tpu.memory_space<hbm>>
          %dma_wait3A_213 = tpu.memref_squeeze %dma_wait3A_212 : memref<1x32x64xi32, #tpu.memory_space<hbm>> -> memref<32x64xi32, #tpu.memory_space<hbm>>
          tpu.wait_dma2 semaphore(%run_scoped3A : memref<!tpu.dma_semaphore, #tpu.memory_space<semaphore_mem>>) src(%dma_wait3A_213 : memref<32x64xi32, #tpu.memory_space<hbm>>) dst(%arg6 : memref<32x64xi32, #tpu.memory_space<vmem>>)
          tpu.yield
        }) : () -> ()
      } else {
      }
      %add3A_164 = arith.constant 1 : i32
      %add3A_165 = arith.addi %while3A_68, %add3A_164 : i32
      %lt3A_166 = arith.cmpi slt, %add3A_165, %select_n3A_8 : i32
      %convert_element_type3A_167 = arith.extui %lt3A_166 : i1 to i32
      %cond3A_168 = arith.constant 0 : i32
      %cond3A_169 = arith.cmpi ne, %convert_element_type3A_167, %cond3A_168 : i32
      scf.if %cond3A_169 {
        %add3A_171 = arith.constant 2 : i32
        %add3A_172 = arith.addi %mul3A_71, %add3A_171 : i32
        %add3A_173 = arith.constant 2 : i32
        %add3A_174 = arith.addi %mul3A_71, %add3A_173 : i32
        %rem3A_175 = arith.constant 16 : i32
        %rem3A_176 = arith.remsi %add3A_174, %rem3A_175 : i32
        %dma_start3A_177 = arith.constant 0 : i32
        %dma_start3A_178 = tpu.memref_slice %arg6[%rem3A_176, %dma_start3A_177] : memref<32x64xi32, #tpu.memory_space<vmem>> -> memref<1x64xi32, #tpu.memory_space<vmem>>
        %dma_start3A_179 = tpu.memref_squeeze %dma_start3A_178 : memref<1x64xi32, #tpu.memory_space<vmem>> -> memref<64xi32, #tpu.memory_space<vmem>>
        %dma_start3A_180 = arith.constant 0 : i32
        %dma_start3A_181 = arith.constant 0 : i32
        %dma_start3A_182 = tpu.memref_slice %arg2[%dma_start3A_180, %dma_start3A_181] : memref<10000x128xf32, #tpu.memory_space<hbm>> -> memref<10000x128xf32, #tpu.memory_space<hbm>>
        tpu.enqueue_indirect_dma source(%dma_start3A_182 : memref<10000x128xf32, #tpu.memory_space<hbm>>) target(%arg7 : memref<64x128xf32, #tpu.memory_space<vmem>>) offsets(%dma_start3A_179 : memref<64xi32, #tpu.memory_space<vmem>>) semaphore(%arg12 : memref<!tpu.dma_semaphore, #tpu.memory_space<semaphore_mem>>)
        %add3A_183 = arith.addi %select_n3A, %add3A_172 : i32
        %mul3A_184 = arith.constant 64 : i32
        %mul3A_185 = arith.muli %add3A_183, %mul3A_184 : i32
        %dma_start3A_186 = arith.constant 0 : i32
        %dma_start3A_187 = tpu.memref_slice %arg3[%mul3A_185, %dma_start3A_186] : memref<327680x128xf32, #tpu.memory_space<hbm>> -> memref<64x128xf32, #tpu.memory_space<hbm>>
        %dma_start3A_188 = arith.constant 0 : i32
        %dma_start3A_189 = tpu.memref_slice %arg3[%mul3A_185, %dma_start3A_188] : memref<327680x128xf32, #tpu.memory_space<hbm>> -> memref<64x128xf32, #tpu.memory_space<hbm>>
        tpu.enqueue_dma source(%dma_start3A_189 : memref<64x128xf32, #tpu.memory_space<hbm>>) target(%arg9 : memref<64x128xf32, #tpu.memory_space<vmem>>) target_semaphore(%arg14 : memref<!tpu.dma_semaphore, #tpu.memory_space<semaphore_mem>>)
      } else {
      }
      %while3A_170 = arith.constant 0 : i32
      scf.yield %while3A_170 : i32
    }
    %while3A_58 = arith.constant 1 : i32
    %while3A_59 = scf.for %while3A_68 = %while3A_55 to %while3A_51 step %while3A_58 iter_args(%while3A_69 = %while3A_57) -> (i32)  : i32 {
      %mul3A_70 = arith.constant 2 : i32
      %mul3A_71 = arith.muli %mul3A_70, %while3A_68 : i32
      %add3A_72 = arith.constant 1 : i32
      %add3A_73 = arith.addi %mul3A_71, %add3A_72 : i32
      %rem3A_74 = arith.constant 16 : i32
      %rem3A_75 = arith.remsi %mul3A_71, %rem3A_74 : i32
      %rem3A_76 = arith.constant 8 : i32
      %rem3A_77 = arith.remsi %while3A_68, %rem3A_76 : i32
      %eq3A_78 = arith.constant 7 : i32
      %eq3A_79 = arith.cmpi eq, %rem3A_77, %eq3A_78 : i32
      %gt3A = arith.constant 0 : i32
      %gt3A_80 = arith.cmpi sgt, %while3A_68, %gt3A : i32
      %rem3A_81 = arith.constant 8 : i32
      %rem3A_82 = arith.remsi %while3A_68, %rem3A_81 : i32
      %ne3A_83 = arith.constant 0 : i32
      %ne3A_84 = arith.cmpi ne, %rem3A_82, %ne3A_83 : i32
      %and3A_85 = arith.andi %gt3A_80, %ne3A_84 : i1
      %convert_element_type3A = arith.extui %and3A_85 : i1 to i32
      %cond3A = arith.constant 0 : i32
      %cond3A_86 = arith.cmpi ne, %convert_element_type3A, %cond3A : i32
      scf.if %cond3A_86 {
        %dma_wait3A_171 = arith.constant 16 : i32
        %dma_wait3A_172 = arith.constant 0 : i32
        %dma_wait3A_173 = tpu.memref_slice %arg6[%dma_wait3A_171, %dma_wait3A_172] : memref<32x64xi32, #tpu.memory_space<vmem>> -> memref<1x64xi32, #tpu.memory_space<vmem>>
        %dma_wait3A_174 = tpu.memref_squeeze %dma_wait3A_173 : memref<1x64xi32, #tpu.memory_space<vmem>> -> memref<64xi32, #tpu.memory_space<vmem>>
        %dma_wait3A_175 = arith.constant 0 : i32
        %dma_wait3A_176 = arith.constant 0 : i32
        %dma_wait3A_177 = tpu.memref_slice %arg11[%dma_wait3A_175, %dma_wait3A_176] : memref<10240x128xf32, #tpu.memory_space<vmem_shared>> -> memref<10240x128xf32, #tpu.memory_space<vmem_shared>>
        tpu.wait_indirect_dma semaphore(%arg17 : memref<!tpu.dma_semaphore, #tpu.memory_space<semaphore_mem>>) src(%arg8 : memref<64x128xf32, #tpu.memory_space<vmem>>) dst(%dma_wait3A_177 : memref<10240x128xf32, #tpu.memory_space<vmem_shared>>)
      } else {
      }
      %add3A_87 = arith.constant 1 : i32
      %add3A_88 = arith.addi %rem3A_75, %add3A_87 : i32
      %dma_start3A_89 = arith.constant 0 : i32
      %dma_start3A_90 = tpu.memref_slice %arg6[%add3A_88, %dma_start3A_89] : memref<32x64xi32, #tpu.memory_space<vmem>> -> memref<1x64xi32, #tpu.memory_space<vmem>>
      %dma_start3A_91 = tpu.memref_squeeze %dma_start3A_90 : memref<1x64xi32, #tpu.memory_space<vmem>> -> memref<64xi32, #tpu.memory_space<vmem>>
      %dma_start3A_92 = arith.constant 0 : i32
      %dma_start3A_93 = arith.constant 0 : i32
      %dma_start3A_94 = tpu.memref_slice %arg2[%dma_start3A_92, %dma_start3A_93] : memref<10000x128xf32, #tpu.memory_space<hbm>> -> memref<10000x128xf32, #tpu.memory_space<hbm>>
      tpu.enqueue_indirect_dma source(%dma_start3A_94 : memref<10000x128xf32, #tpu.memory_space<hbm>>) target(%arg8 : memref<64x128xf32, #tpu.memory_space<vmem>>) offsets(%dma_start3A_91 : memref<64xi32, #tpu.memory_space<vmem>>) semaphore(%arg13 : memref<!tpu.dma_semaphore, #tpu.memory_space<semaphore_mem>>)
      %add3A_95 = arith.addi %select_n3A, %add3A_73 : i32
      %mul3A_96 = arith.constant 64 : i32
      %mul3A_97 = arith.muli %add3A_95, %mul3A_96 : i32
      %dma_start3A_98 = arith.constant 0 : i32
      %dma_start3A_99 = tpu.memref_slice %arg3[%mul3A_97, %dma_start3A_98] : memref<327680x128xf32, #tpu.memory_space<hbm>> -> memref<64x128xf32, #tpu.memory_space<hbm>>
      %dma_start3A_100 = arith.constant 0 : i32
      %dma_start3A_101 = tpu.memref_slice %arg3[%mul3A_97, %dma_start3A_100] : memref<327680x128xf32, #tpu.memory_space<hbm>> -> memref<64x128xf32, #tpu.memory_space<hbm>>
      tpu.enqueue_dma source(%dma_start3A_101 : memref<64x128xf32, #tpu.memory_space<hbm>>) target(%arg10 : memref<64x128xf32, #tpu.memory_space<vmem>>) target_semaphore(%arg15 : memref<!tpu.dma_semaphore, #tpu.memory_space<semaphore_mem>>)
      %dma_wait3A = arith.constant 0 : i32
      %dma_wait3A_102 = arith.constant 0 : i32
      %dma_wait3A_103 = tpu.memref_slice %arg6[%dma_wait3A, %dma_wait3A_102] : memref<32x64xi32, #tpu.memory_space<vmem>> -> memref<1x64xi32, #tpu.memory_space<vmem>>
      %dma_wait3A_104 = tpu.memref_squeeze %dma_wait3A_103 : memref<1x64xi32, #tpu.memory_space<vmem>> -> memref<64xi32, #tpu.memory_space<vmem>>
      %dma_wait3A_105 = arith.constant 0 : i32
      %dma_wait3A_106 = arith.constant 0 : i32
      %dma_wait3A_107 = tpu.memref_slice %arg2[%dma_wait3A_105, %dma_wait3A_106] : memref<10000x128xf32, #tpu.memory_space<hbm>> -> memref<10000x128xf32, #tpu.memory_space<hbm>>
      tpu.wait_indirect_dma semaphore(%arg12 : memref<!tpu.dma_semaphore, #tpu.memory_space<semaphore_mem>>) src(%dma_wait3A_107 : memref<10000x128xf32, #tpu.memory_space<hbm>>) dst(%arg7 : memref<64x128xf32, #tpu.memory_space<vmem>>)
      %dma_wait3A_108 = arith.constant 0 : i32
      %dma_wait3A_109 = arith.constant 0 : i32
      %dma_wait3A_110 = tpu.memref_slice %arg3[%dma_wait3A_108, %dma_wait3A_109] : memref<327680x128xf32, #tpu.memory_space<hbm>> -> memref<64x128xf32, #tpu.memory_space<hbm>>
      %dma_wait3A_111 = arith.constant 0 : i32
      %dma_wait3A_112 = arith.constant 0 : i32
      %dma_wait3A_113 = tpu.memref_slice %arg3[%dma_wait3A_111, %dma_wait3A_112] : memref<327680x128xf32, #tpu.memory_space<hbm>> -> memref<64x128xf32, #tpu.memory_space<hbm>>
      tpu.wait_dma2 semaphore(%arg14 : memref<!tpu.dma_semaphore, #tpu.memory_space<semaphore_mem>>) src(%dma_wait3A_113 : memref<64x128xf32, #tpu.memory_space<hbm>>) dst(%arg9 : memref<64x128xf32, #tpu.memory_space<vmem>>)
      %parallel_loop3A_114 = arith.constant 0 : i32
      %parallel_loop3A_115 = arith.constant 64 : i32
      %parallel_loop3A_116 = arith.constant 1 : i32
      scf.for %parallel_loop3A_171 = %parallel_loop3A_114 to %parallel_loop3A_115 step %parallel_loop3A_116  : i32 {
        %parallel_loop3A_172 = arith.index_cast %parallel_loop3A_171 : i32 to index
        %parallel_loop3A_173 = arith.constant 0 : index
        %parallel_loop3A_174 = tpu.vector_load %arg7[%parallel_loop3A_172, %parallel_loop3A_173] {strides = array<i32>} : memref<64x128xf32, #tpu.memory_space<vmem>>, vector<1x16xf32>,
        %parallel_loop3A_175 = vector.shape_cast %parallel_loop3A_174 : vector<1x16xf32> to vector<16xf32>
        %parallel_loop3A_176 = arith.index_cast %parallel_loop3A_171 : i32 to index
        %parallel_loop3A_177 = arith.constant 0 : index
        %parallel_loop3A_178 = tpu.vector_load %arg9[%parallel_loop3A_176, %parallel_loop3A_177] {strides = array<i32>} : memref<64x128xf32, #tpu.memory_space<vmem>>, vector<1x16xf32>,
        %parallel_loop3A_179 = vector.shape_cast %parallel_loop3A_178 : vector<1x16xf32> to vector<16xf32>
        %parallel_loop3A_180 = arith.addf %parallel_loop3A_175, %parallel_loop3A_179 : vector<16xf32>
        %parallel_loop3A_181 = arith.constant 0.000000e+00 : f32
        %parallel_loop3A_182 = vector.broadcast %parallel_loop3A_181 : f32 to vector<16xf32>
        %parallel_loop3A_183 = arith.maximumf %parallel_loop3A_180, %parallel_loop3A_182 : vector<16xf32>
        %parallel_loop3A_184 = arith.index_cast %parallel_loop3A_171 : i32 to index
        %parallel_loop3A_185 = arith.constant 0 : index
        %parallel_loop3A_186 = tpu.vector_load %arg7[%parallel_loop3A_184, %parallel_loop3A_185] {strides = array<i32>} : memref<64x128xf32, #tpu.memory_space<vmem>>, vector<1x16xf32>,
        %parallel_loop3A_187 = vector.shape_cast %parallel_loop3A_186 : vector<1x16xf32> to vector<16xf32>
        %parallel_loop3A_188 = vector.shape_cast %parallel_loop3A_183 : vector<16xf32> to vector<1x16xf32>
        tpu.vector_store %arg7[%parallel_loop3A_184, %parallel_loop3A_185], %parallel_loop3A_188 {strides = array<i32>} : memref<64x128xf32, #tpu.memory_space<vmem>>, vector<1x16xf32>,
        %parallel_loop3A_189 = arith.index_cast %parallel_loop3A_171 : i32 to index
        %parallel_loop3A_190 = arith.constant 16 : index
        %parallel_loop3A_191 = tpu.vector_load %arg7[%parallel_loop3A_189, %parallel_loop3A_190] {strides = array<i32>} : memref<64x128xf32, #tpu.memory_space<vmem>>, vector<1x16xf32>,
        %parallel_loop3A_192 = vector.shape_cast %parallel_loop3A_191 : vector<1x16xf32> to vector<16xf32>
        %parallel_loop3A_193 = arith.index_cast %parallel_loop3A_171 : i32 to index
        %parallel_loop3A_194 = arith.constant 16 : index
        %parallel_loop3A_195 = tpu.vector_load %arg9[%parallel_loop3A_193, %parallel_loop3A_194] {strides = array<i32>} : memref<64x128xf32, #tpu.memory_space<vmem>>, vector<1x16xf32>,
        %parallel_loop3A_196 = vector.shape_cast %parallel_loop3A_195 : vector<1x16xf32> to vector<16xf32>
        %parallel_loop3A_197 = arith.addf %parallel_loop3A_192, %parallel_loop3A_196 : vector<16xf32>
        %parallel_loop3A_198 = arith.constant 0.000000e+00 : f32
        %parallel_loop3A_199 = vector.broadcast %parallel_loop3A_198 : f32 to vector<16xf32>
        %parallel_loop3A_200 = arith.maximumf %parallel_loop3A_197, %parallel_loop3A_199 : vector<16xf32>
        %parallel_loop3A_201 = arith.index_cast %parallel_loop3A_171 : i32 to index
        %parallel_loop3A_202 = arith.constant 16 : index
        %parallel_loop3A_203 = tpu.vector_load %arg7[%parallel_loop3A_201, %parallel_loop3A_202] {strides = array<i32>} : memref<64x128xf32, #tpu.memory_space<vmem>>, vector<1x16xf32>,
        %parallel_loop3A_204 = vector.shape_cast %parallel_loop3A_203 : vector<1x16xf32> to vector<16xf32>
        %parallel_loop3A_205 = vector.shape_cast %parallel_loop3A_200 : vector<16xf32> to vector<1x16xf32>
        tpu.vector_store %arg7[%parallel_loop3A_201, %parallel_loop3A_202], %parallel_loop3A_205 {strides = array<i32>} : memref<64x128xf32, #tpu.memory_space<vmem>>, vector<1x16xf32>,
        %parallel_loop3A_206 = arith.index_cast %parallel_loop3A_171 : i32 to index
        %parallel_loop3A_207 = arith.constant 32 : index
        %parallel_loop3A_208 = tpu.vector_load %arg7[%parallel_loop3A_206, %parallel_loop3A_207] {strides = array<i32>} : memref<64x128xf32, #tpu.memory_space<vmem>>, vector<1x16xf32>,
        %parallel_loop3A_209 = vector.shape_cast %parallel_loop3A_208 : vector<1x16xf32> to vector<16xf32>
        %parallel_loop3A_210 = arith.index_cast %parallel_loop3A_171 : i32 to index
        %parallel_loop3A_211 = arith.constant 32 : index
        %parallel_loop3A_212 = tpu.vector_load %arg9[%parallel_loop3A_210, %parallel_loop3A_211] {strides = array<i32>} : memref<64x128xf32, #tpu.memory_space<vmem>>, vector<1x16xf32>,
        %parallel_loop3A_213 = vector.shape_cast %parallel_loop3A_212 : vector<1x16xf32> to vector<16xf32>
        %parallel_loop3A_214 = arith.addf %parallel_loop3A_209, %parallel_loop3A_213 : vector<16xf32>
        %parallel_loop3A_215 = arith.constant 0.000000e+00 : f32
        %parallel_loop3A_216 = vector.broadcast %parallel_loop3A_215 : f32 to vector<16xf32>
        %parallel_loop3A_217 = arith.maximumf %parallel_loop3A_214, %parallel_loop3A_216 : vector<16xf32>
        %parallel_loop3A_218 = arith.index_cast %parallel_loop3A_171 : i32 to index
        %parallel_loop3A_219 = arith.constant 32 : index
        %parallel_loop3A_220 = tpu.vector_load %arg7[%parallel_loop3A_218, %parallel_loop3A_219] {strides = array<i32>} : memref<64x128xf32, #tpu.memory_space<vmem>>, vector<1x16xf32>,
        %parallel_loop3A_221 = vector.shape_cast %parallel_loop3A_220 : vector<1x16xf32> to vector<16xf32>
        %parallel_loop3A_222 = vector.shape_cast %parallel_loop3A_217 : vector<16xf32> to vector<1x16xf32>
        tpu.vector_store %arg7[%parallel_loop3A_218, %parallel_loop3A_219], %parallel_loop3A_222 {strides = array<i32>} : memref<64x128xf32, #tpu.memory_space<vmem>>, vector<1x16xf32>,
        %parallel_loop3A_223 = arith.index_cast %parallel_loop3A_171 : i32 to index
        %parallel_loop3A_224 = arith.constant 48 : index
        %parallel_loop3A_225 = tpu.vector_load %arg7[%parallel_loop3A_223, %parallel_loop3A_224] {strides = array<i32>} : memref<64x128xf32, #tpu.memory_space<vmem>>, vector<1x16xf32>,
        %parallel_loop3A_226 = vector.shape_cast %parallel_loop3A_225 : vector<1x16xf32> to vector<16xf32>
        %parallel_loop3A_227 = arith.index_cast %parallel_loop3A_171 : i32 to index
        %parallel_loop3A_228 = arith.constant 48 : index
        %parallel_loop3A_229 = tpu.vector_load %arg9[%parallel_loop3A_227, %parallel_loop3A_228] {strides = array<i32>} : memref<64x128xf32, #tpu.memory_space<vmem>>, vector<1x16xf32>,
        %parallel_loop3A_230 = vector.shape_cast %parallel_loop3A_229 : vector<1x16xf32> to vector<16xf32>
        %parallel_loop3A_231 = arith.addf %parallel_loop3A_226, %parallel_loop3A_230 : vector<16xf32>
        %parallel_loop3A_232 = arith.constant 0.000000e+00 : f32
        %parallel_loop3A_233 = vector.broadcast %parallel_loop3A_232 : f32 to vector<16xf32>
        %parallel_loop3A_234 = arith.maximumf %parallel_loop3A_231, %parallel_loop3A_233 : vector<16xf32>
        %parallel_loop3A_235 = arith.index_cast %parallel_loop3A_171 : i32 to index
        %parallel_loop3A_236 = arith.constant 48 : index
        %parallel_loop3A_237 = tpu.vector_load %arg7[%parallel_loop3A_235, %parallel_loop3A_236] {strides = array<i32>} : memref<64x128xf32, #tpu.memory_space<vmem>>, vector<1x16xf32>,
        %parallel_loop3A_238 = vector.shape_cast %parallel_loop3A_237 : vector<1x16xf32> to vector<16xf32>
        %parallel_loop3A_239 = vector.shape_cast %parallel_loop3A_234 : vector<16xf32> to vector<1x16xf32>
        tpu.vector_store %arg7[%parallel_loop3A_235, %parallel_loop3A_236], %parallel_loop3A_239 {strides = array<i32>} : memref<64x128xf32, #tpu.memory_space<vmem>>, vector<1x16xf32>,
        %parallel_loop3A_240 = arith.index_cast %parallel_loop3A_171 : i32 to index
        %parallel_loop3A_241 = arith.constant 64 : index
        %parallel_loop3A_242 = tpu.vector_load %arg7[%parallel_loop3A_240, %parallel_loop3A_241] {strides = array<i32>} : memref<64x128xf32, #tpu.memory_space<vmem>>, vector<1x16xf32>,
        %parallel_loop3A_243 = vector.shape_cast %parallel_loop3A_242 : vector<1x16xf32> to vector<16xf32>
        %parallel_loop3A_244 = arith.index_cast %parallel_loop3A_171 : i32 to index
        %parallel_loop3A_245 = arith.constant 64 : index
        %parallel_loop3A_246 = tpu.vector_load %arg9[%parallel_loop3A_244, %parallel_loop3A_245] {strides = array<i32>} : memref<64x128xf32, #tpu.memory_space<vmem>>, vector<1x16xf32>,
        %parallel_loop3A_247 = vector.shape_cast %parallel_loop3A_246 : vector<1x16xf32> to vector<16xf32>
        %parallel_loop3A_248 = arith.addf %parallel_loop3A_243, %parallel_loop3A_247 : vector<16xf32>
        %parallel_loop3A_249 = arith.constant 0.000000e+00 : f32
        %parallel_loop3A_250 = vector.broadcast %parallel_loop3A_249 : f32 to vector<16xf32>
        %parallel_loop3A_251 = arith.maximumf %parallel_loop3A_248, %parallel_loop3A_250 : vector<16xf32>
        %parallel_loop3A_252 = arith.index_cast %parallel_loop3A_171 : i32 to index
        %parallel_loop3A_253 = arith.constant 64 : index
        %parallel_loop3A_254 = tpu.vector_load %arg7[%parallel_loop3A_252, %parallel_loop3A_253] {strides = array<i32>} : memref<64x128xf32, #tpu.memory_space<vmem>>, vector<1x16xf32>,
        %parallel_loop3A_255 = vector.shape_cast %parallel_loop3A_254 : vector<1x16xf32> to vector<16xf32>
        %parallel_loop3A_256 = vector.shape_cast %parallel_loop3A_251 : vector<16xf32> to vector<1x16xf32>
        tpu.vector_store %arg7[%parallel_loop3A_252, %parallel_loop3A_253], %parallel_loop3A_256 {strides = array<i32>} : memref<64x128xf32, #tpu.memory_space<vmem>>, vector<1x16xf32>,
        %parallel_loop3A_257 = arith.index_cast %parallel_loop3A_171 : i32 to index
        %parallel_loop3A_258 = arith.constant 80 : index
        %parallel_loop3A_259 = tpu.vector_load %arg7[%parallel_loop3A_257, %parallel_loop3A_258] {strides = array<i32>} : memref<64x128xf32, #tpu.memory_space<vmem>>, vector<1x16xf32>,
        %parallel_loop3A_260 = vector.shape_cast %parallel_loop3A_259 : vector<1x16xf32> to vector<16xf32>
        %parallel_loop3A_261 = arith.index_cast %parallel_loop3A_171 : i32 to index
        %parallel_loop3A_262 = arith.constant 80 : index
        %parallel_loop3A_263 = tpu.vector_load %arg9[%parallel_loop3A_261, %parallel_loop3A_262] {strides = array<i32>} : memref<64x128xf32, #tpu.memory_space<vmem>>, vector<1x16xf32>,
        %parallel_loop3A_264 = vector.shape_cast %parallel_loop3A_263 : vector<1x16xf32> to vector<16xf32>
        %parallel_loop3A_265 = arith.addf %parallel_loop3A_260, %parallel_loop3A_264 : vector<16xf32>
        %parallel_loop3A_266 = arith.constant 0.000000e+00 : f32
        %parallel_loop3A_267 = vector.broadcast %parallel_loop3A_266 : f32 to vector<16xf32>
        %parallel_loop3A_268 = arith.maximumf %parallel_loop3A_265, %parallel_loop3A_267 : vector<16xf32>
        %parallel_loop3A_269 = arith.index_cast %parallel_loop3A_171 : i32 to index
        %parallel_loop3A_270 = arith.constant 80 : index
        %parallel_loop3A_271 = tpu.vector_load %arg7[%parallel_loop3A_269, %parallel_loop3A_270] {strides = array<i32>} : memref<64x128xf32, #tpu.memory_space<vmem>>, vector<1x16xf32>,
        %parallel_loop3A_272 = vector.shape_cast %parallel_loop3A_271 : vector<1x16xf32> to vector<16xf32>
        %parallel_loop3A_273 = vector.shape_cast %parallel_loop3A_268 : vector<16xf32> to vector<1x16xf32>
        tpu.vector_store %arg7[%parallel_loop3A_269, %parallel_loop3A_270], %parallel_loop3A_273 {strides = array<i32>} : memref<64x128xf32, #tpu.memory_space<vmem>>, vector<1x16xf32>,
        %parallel_loop3A_274 = arith.index_cast %parallel_loop3A_171 : i32 to index
        %parallel_loop3A_275 = arith.constant 96 : index
        %parallel_loop3A_276 = tpu.vector_load %arg7[%parallel_loop3A_274, %parallel_loop3A_275] {strides = array<i32>} : memref<64x128xf32, #tpu.memory_space<vmem>>, vector<1x16xf32>,
        %parallel_loop3A_277 = vector.shape_cast %parallel_loop3A_276 : vector<1x16xf32> to vector<16xf32>
        %parallel_loop3A_278 = arith.index_cast %parallel_loop3A_171 : i32 to index
        %parallel_loop3A_279 = arith.constant 96 : index
        %parallel_loop3A_280 = tpu.vector_load %arg9[%parallel_loop3A_278, %parallel_loop3A_279] {strides = array<i32>} : memref<64x128xf32, #tpu.memory_space<vmem>>, vector<1x16xf32>,
        %parallel_loop3A_281 = vector.shape_cast %parallel_loop3A_280 : vector<1x16xf32> to vector<16xf32>
        %parallel_loop3A_282 = arith.addf %parallel_loop3A_277, %parallel_loop3A_281 : vector<16xf32>
        %parallel_loop3A_283 = arith.constant 0.000000e+00 : f32
        %parallel_loop3A_284 = vector.broadcast %parallel_loop3A_283 : f32 to vector<16xf32>
        %parallel_loop3A_285 = arith.maximumf %parallel_loop3A_282, %parallel_loop3A_284 : vector<16xf32>
        %parallel_loop3A_286 = arith.index_cast %parallel_loop3A_171 : i32 to index
        %parallel_loop3A_287 = arith.constant 96 : index
        %parallel_loop3A_288 = tpu.vector_load %arg7[%parallel_loop3A_286, %parallel_loop3A_287] {strides = array<i32>} : memref<64x128xf32, #tpu.memory_space<vmem>>, vector<1x16xf32>,
        %parallel_loop3A_289 = vector.shape_cast %parallel_loop3A_288 : vector<1x16xf32> to vector<16xf32>
        %parallel_loop3A_290 = vector.shape_cast %parallel_loop3A_285 : vector<16xf32> to vector<1x16xf32>
        tpu.vector_store %arg7[%parallel_loop3A_286, %parallel_loop3A_287], %parallel_loop3A_290 {strides = array<i32>} : memref<64x128xf32, #tpu.memory_space<vmem>>, vector<1x16xf32>,
        %parallel_loop3A_291 = arith.index_cast %parallel_loop3A_171 : i32 to index
        %parallel_loop3A_292 = arith.constant 112 : index
        %parallel_loop3A_293 = tpu.vector_load %arg7[%parallel_loop3A_291, %parallel_loop3A_292] {strides = array<i32>} : memref<64x128xf32, #tpu.memory_space<vmem>>, vector<1x16xf32>,
        %parallel_loop3A_294 = vector.shape_cast %parallel_loop3A_293 : vector<1x16xf32> to vector<16xf32>
        %parallel_loop3A_295 = arith.index_cast %parallel_loop3A_171 : i32 to index
        %parallel_loop3A_296 = arith.constant 112 : index
        %parallel_loop3A_297 = tpu.vector_load %arg9[%parallel_loop3A_295, %parallel_loop3A_296] {strides = array<i32>} : memref<64x128xf32, #tpu.memory_space<vmem>>, vector<1x16xf32>,
        %parallel_loop3A_298 = vector.shape_cast %parallel_loop3A_297 : vector<1x16xf32> to vector<16xf32>
        %parallel_loop3A_299 = arith.addf %parallel_loop3A_294, %parallel_loop3A_298 : vector<16xf32>
        %parallel_loop3A_300 = arith.constant 0.000000e+00 : f32
        %parallel_loop3A_301 = vector.broadcast %parallel_loop3A_300 : f32 to vector<16xf32>
        %parallel_loop3A_302 = arith.maximumf %parallel_loop3A_299, %parallel_loop3A_301 : vector<16xf32>
        %parallel_loop3A_303 = arith.index_cast %parallel_loop3A_171 : i32 to index
        %parallel_loop3A_304 = arith.constant 112 : index
        %parallel_loop3A_305 = tpu.vector_load %arg7[%parallel_loop3A_303, %parallel_loop3A_304] {strides = array<i32>} : memref<64x128xf32, #tpu.memory_space<vmem>>, vector<1x16xf32>,
        %parallel_loop3A_306 = vector.shape_cast %parallel_loop3A_305 : vector<1x16xf32> to vector<16xf32>
        %parallel_loop3A_307 = vector.shape_cast %parallel_loop3A_302 : vector<16xf32> to vector<1x16xf32>
        tpu.vector_store %arg7[%parallel_loop3A_303, %parallel_loop3A_304], %parallel_loop3A_307 {strides = array<i32>} : memref<64x128xf32, #tpu.memory_space<vmem>>, vector<1x16xf32>,
      } {sc.loop_unroll_factor = 4 : i64, sc.parallel_access}
      %add3A_117 = arith.constant 16 : i32
      %add3A_118 = arith.addi %add3A_117, %rem3A_75 : i32
      %dma_start3A_119 = arith.constant 0 : i32
      %dma_start3A_120 = tpu.memref_slice %arg6[%add3A_118, %dma_start3A_119] : memref<32x64xi32, #tpu.memory_space<vmem>> -> memref<1x64xi32, #tpu.memory_space<vmem>>
      %dma_start3A_121 = tpu.memref_squeeze %dma_start3A_120 : memref<1x64xi32, #tpu.memory_space<vmem>> -> memref<64xi32, #tpu.memory_space<vmem>>
      %dma_start3A_122 = arith.constant 0 : i32
      %dma_start3A_123 = arith.constant 0 : i32
      %dma_start3A_124 = tpu.memref_slice %arg11[%dma_start3A_122, %dma_start3A_123] : memref<10240x128xf32, #tpu.memory_space<vmem_shared>> -> memref<10240x128xf32, #tpu.memory_space<vmem_shared>>
      tpu.enqueue_indirect_dma source(%arg7 : memref<64x128xf32, #tpu.memory_space<vmem>>) target(%dma_start3A_124 : memref<10240x128xf32, #tpu.memory_space<vmem_shared>>) offsets(%dma_start3A_121 : memref<64xi32, #tpu.memory_space<vmem>>) semaphore(%arg16 : memref<!tpu.dma_semaphore, #tpu.memory_space<semaphore_mem>>) {add = true}
      %dma_wait3A_125 = arith.constant 0 : i32
      %dma_wait3A_126 = tpu.memref_slice %arg6[%add3A_88, %dma_wait3A_125] : memref<32x64xi32, #tpu.memory_space<vmem>> -> memref<1x64xi32, #tpu.memory_space<vmem>>
      %dma_wait3A_127 = tpu.memref_squeeze %dma_wait3A_126 : memref<1x64xi32, #tpu.memory_space<vmem>> -> memref<64xi32, #tpu.memory_space<vmem>>
      %dma_wait3A_128 = arith.constant 0 : i32
      %dma_wait3A_129 = arith.constant 0 : i32
      %dma_wait3A_130 = tpu.memref_slice %arg2[%dma_wait3A_128, %dma_wait3A_129] : memref<10000x128xf32, #tpu.memory_space<hbm>> -> memref<10000x128xf32, #tpu.memory_space<hbm>>
      tpu.wait_indirect_dma semaphore(%arg13 : memref<!tpu.dma_semaphore, #tpu.memory_space<semaphore_mem>>) src(%dma_wait3A_130 : memref<10000x128xf32, #tpu.memory_space<hbm>>) dst(%arg8 : memref<64x128xf32, #tpu.memory_space<vmem>>)
      %dma_wait3A_131 = arith.constant 0 : i32
      %dma_wait3A_132 = tpu.memref_slice %arg3[%mul3A_97, %dma_wait3A_131] : memref<327680x128xf32, #tpu.memory_space<hbm>> -> memref<64x128xf32, #tpu.memory_space<hbm>>
      %dma_wait3A_133 = arith.constant 0 : i32
      %dma_wait3A_134 = tpu.memref_slice %arg3[%mul3A_97, %dma_wait3A_133] : memref<327680x128xf32, #tpu.memory_space<hbm>> -> memref<64x128xf32, #tpu.memory_space<hbm>>
      tpu.wait_dma2 semaphore(%arg15 : memref<!tpu.dma_semaphore, #tpu.memory_space<semaphore_mem>>) src(%dma_wait3A_134 : memref<64x128xf32, #tpu.memory_space<hbm>>) dst(%arg10 : memref<64x128xf32, #tpu.memory_space<vmem>>)
      %parallel_loop3A_135 = arith.constant 0 : i32
      %parallel_loop3A_136 = arith.constant 64 : i32
      %parallel_loop3A_137 = arith.constant 1 : i32
      scf.for %parallel_loop3A_171 = %parallel_loop3A_135 to %parallel_loop3A_136 step %parallel_loop3A_137  : i32 {
        %parallel_loop3A_172 = arith.index_cast %parallel_loop3A_171 : i32 to index
        %parallel_loop3A_173 = arith.constant 0 : index
        %parallel_loop3A_174 = tpu.vector_load %arg8[%parallel_loop3A_172, %parallel_loop3A_173] {strides = array<i32>} : memref<64x128xf32, #tpu.memory_space<vmem>>, vector<1x16xf32>,
        %parallel_loop3A_175 = vector.shape_cast %parallel_loop3A_174 : vector<1x16xf32> to vector<16xf32>
        %parallel_loop3A_176 = arith.index_cast %parallel_loop3A_171 : i32 to index
        %parallel_loop3A_177 = arith.constant 0 : index
        %parallel_loop3A_178 = tpu.vector_load %arg10[%parallel_loop3A_176, %parallel_loop3A_177] {strides = array<i32>} : memref<64x128xf32, #tpu.memory_space<vmem>>, vector<1x16xf32>,
        %parallel_loop3A_179 = vector.shape_cast %parallel_loop3A_178 : vector<1x16xf32> to vector<16xf32>
        %parallel_loop3A_180 = arith.addf %parallel_loop3A_175, %parallel_loop3A_179 : vector<16xf32>
        %parallel_loop3A_181 = arith.constant 0.000000e+00 : f32
        %parallel_loop3A_182 = vector.broadcast %parallel_loop3A_181 : f32 to vector<16xf32>
        %parallel_loop3A_183 = arith.maximumf %parallel_loop3A_180, %parallel_loop3A_182 : vector<16xf32>
        %parallel_loop3A_184 = arith.index_cast %parallel_loop3A_171 : i32 to index
        %parallel_loop3A_185 = arith.constant 0 : index
        %parallel_loop3A_186 = tpu.vector_load %arg8[%parallel_loop3A_184, %parallel_loop3A_185] {strides = array<i32>} : memref<64x128xf32, #tpu.memory_space<vmem>>, vector<1x16xf32>,
        %parallel_loop3A_187 = vector.shape_cast %parallel_loop3A_186 : vector<1x16xf32> to vector<16xf32>
        %parallel_loop3A_188 = vector.shape_cast %parallel_loop3A_183 : vector<16xf32> to vector<1x16xf32>
        tpu.vector_store %arg8[%parallel_loop3A_184, %parallel_loop3A_185], %parallel_loop3A_188 {strides = array<i32>} : memref<64x128xf32, #tpu.memory_space<vmem>>, vector<1x16xf32>,
        %parallel_loop3A_189 = arith.index_cast %parallel_loop3A_171 : i32 to index
        %parallel_loop3A_190 = arith.constant 16 : index
        %parallel_loop3A_191 = tpu.vector_load %arg8[%parallel_loop3A_189, %parallel_loop3A_190] {strides = array<i32>} : memref<64x128xf32, #tpu.memory_space<vmem>>, vector<1x16xf32>,
        %parallel_loop3A_192 = vector.shape_cast %parallel_loop3A_191 : vector<1x16xf32> to vector<16xf32>
        %parallel_loop3A_193 = arith.index_cast %parallel_loop3A_171 : i32 to index
        %parallel_loop3A_194 = arith.constant 16 : index
        %parallel_loop3A_195 = tpu.vector_load %arg10[%parallel_loop3A_193, %parallel_loop3A_194] {strides = array<i32>} : memref<64x128xf32, #tpu.memory_space<vmem>>, vector<1x16xf32>,
        %parallel_loop3A_196 = vector.shape_cast %parallel_loop3A_195 : vector<1x16xf32> to vector<16xf32>
        %parallel_loop3A_197 = arith.addf %parallel_loop3A_192, %parallel_loop3A_196 : vector<16xf32>
        %parallel_loop3A_198 = arith.constant 0.000000e+00 : f32
        %parallel_loop3A_199 = vector.broadcast %parallel_loop3A_198 : f32 to vector<16xf32>
        %parallel_loop3A_200 = arith.maximumf %parallel_loop3A_197, %parallel_loop3A_199 : vector<16xf32>
        %parallel_loop3A_201 = arith.index_cast %parallel_loop3A_171 : i32 to index
        %parallel_loop3A_202 = arith.constant 16 : index
        %parallel_loop3A_203 = tpu.vector_load %arg8[%parallel_loop3A_201, %parallel_loop3A_202] {strides = array<i32>} : memref<64x128xf32, #tpu.memory_space<vmem>>, vector<1x16xf32>,
        %parallel_loop3A_204 = vector.shape_cast %parallel_loop3A_203 : vector<1x16xf32> to vector<16xf32>
        %parallel_loop3A_205 = vector.shape_cast %parallel_loop3A_200 : vector<16xf32> to vector<1x16xf32>
        tpu.vector_store %arg8[%parallel_loop3A_201, %parallel_loop3A_202], %parallel_loop3A_205 {strides = array<i32>} : memref<64x128xf32, #tpu.memory_space<vmem>>, vector<1x16xf32>,
        %parallel_loop3A_206 = arith.index_cast %parallel_loop3A_171 : i32 to index
        %parallel_loop3A_207 = arith.constant 32 : index
        %parallel_loop3A_208 = tpu.vector_load %arg8[%parallel_loop3A_206, %parallel_loop3A_207] {strides = array<i32>} : memref<64x128xf32, #tpu.memory_space<vmem>>, vector<1x16xf32>,
        %parallel_loop3A_209 = vector.shape_cast %parallel_loop3A_208 : vector<1x16xf32> to vector<16xf32>
        %parallel_loop3A_210 = arith.index_cast %parallel_loop3A_171 : i32 to index
        %parallel_loop3A_211 = arith.constant 32 : index
        %parallel_loop3A_212 = tpu.vector_load %arg10[%parallel_loop3A_210, %parallel_loop3A_211] {strides = array<i32>} : memref<64x128xf32, #tpu.memory_space<vmem>>, vector<1x16xf32>,
        %parallel_loop3A_213 = vector.shape_cast %parallel_loop3A_212 : vector<1x16xf32> to vector<16xf32>
        %parallel_loop3A_214 = arith.addf %parallel_loop3A_209, %parallel_loop3A_213 : vector<16xf32>
        %parallel_loop3A_215 = arith.constant 0.000000e+00 : f32
        %parallel_loop3A_216 = vector.broadcast %parallel_loop3A_215 : f32 to vector<16xf32>
        %parallel_loop3A_217 = arith.maximumf %parallel_loop3A_214, %parallel_loop3A_216 : vector<16xf32>
        %parallel_loop3A_218 = arith.index_cast %parallel_loop3A_171 : i32 to index
        %parallel_loop3A_219 = arith.constant 32 : index
        %parallel_loop3A_220 = tpu.vector_load %arg8[%parallel_loop3A_218, %parallel_loop3A_219] {strides = array<i32>} : memref<64x128xf32, #tpu.memory_space<vmem>>, vector<1x16xf32>,
        %parallel_loop3A_221 = vector.shape_cast %parallel_loop3A_220 : vector<1x16xf32> to vector<16xf32>
        %parallel_loop3A_222 = vector.shape_cast %parallel_loop3A_217 : vector<16xf32> to vector<1x16xf32>
        tpu.vector_store %arg8[%parallel_loop3A_218, %parallel_loop3A_219], %parallel_loop3A_222 {strides = array<i32>} : memref<64x128xf32, #tpu.memory_space<vmem>>, vector<1x16xf32>,
        %parallel_loop3A_223 = arith.index_cast %parallel_loop3A_171 : i32 to index
        %parallel_loop3A_224 = arith.constant 48 : index
        %parallel_loop3A_225 = tpu.vector_load %arg8[%parallel_loop3A_223, %parallel_loop3A_224] {strides = array<i32>} : memref<64x128xf32, #tpu.memory_space<vmem>>, vector<1x16xf32>,
        %parallel_loop3A_226 = vector.shape_cast %parallel_loop3A_225 : vector<1x16xf32> to vector<16xf32>
        %parallel_loop3A_227 = arith.index_cast %parallel_loop3A_171 : i32 to index
        %parallel_loop3A_228 = arith.constant 48 : index
        %parallel_loop3A_229 = tpu.vector_load %arg10[%parallel_loop3A_227, %parallel_loop3A_228] {strides = array<i32>} : memref<64x128xf32, #tpu.memory_space<vmem>>, vector<1x16xf32>,
        %parallel_loop3A_230 = vector.shape_cast %parallel_loop3A_229 : vector<1x16xf32> to vector<16xf32>
        %parallel_loop3A_231 = arith.addf %parallel_loop3A_226, %parallel_loop3A_230 : vector<16xf32>
        %parallel_loop3A_232 = arith.constant 0.000000e+00 : f32
        %parallel_loop3A_233 = vector.broadcast %parallel_loop3A_232 : f32 to vector<16xf32>
        %parallel_loop3A_234 = arith.maximumf %parallel_loop3A_231, %parallel_loop3A_233 : vector<16xf32>
        %parallel_loop3A_235 = arith.index_cast %parallel_loop3A_171 : i32 to index
        %parallel_loop3A_236 = arith.constant 48 : index
        %parallel_loop3A_237 = tpu.vector_load %arg8[%parallel_loop3A_235, %parallel_loop3A_236] {strides = array<i32>} : memref<64x128xf32, #tpu.memory_space<vmem>>, vector<1x16xf32>,
        %parallel_loop3A_238 = vector.shape_cast %parallel_loop3A_237 : vector<1x16xf32> to vector<16xf32>
        %parallel_loop3A_239 = vector.shape_cast %parallel_loop3A_234 : vector<16xf32> to vector<1x16xf32>
        tpu.vector_store %arg8[%parallel_loop3A_235, %parallel_loop3A_236], %parallel_loop3A_239 {strides = array<i32>} : memref<64x128xf32, #tpu.memory_space<vmem>>, vector<1x16xf32>,
        %parallel_loop3A_240 = arith.index_cast %parallel_loop3A_171 : i32 to index
        %parallel_loop3A_241 = arith.constant 64 : index
        %parallel_loop3A_242 = tpu.vector_load %arg8[%parallel_loop3A_240, %parallel_loop3A_241] {strides = array<i32>} : memref<64x128xf32, #tpu.memory_space<vmem>>, vector<1x16xf32>,
        %parallel_loop3A_243 = vector.shape_cast %parallel_loop3A_242 : vector<1x16xf32> to vector<16xf32>
        %parallel_loop3A_244 = arith.index_cast %parallel_loop3A_171 : i32 to index
        %parallel_loop3A_245 = arith.constant 64 : index
        %parallel_loop3A_246 = tpu.vector_load %arg10[%parallel_loop3A_244, %parallel_loop3A_245] {strides = array<i32>} : memref<64x128xf32, #tpu.memory_space<vmem>>, vector<1x16xf32>,
        %parallel_loop3A_247 = vector.shape_cast %parallel_loop3A_246 : vector<1x16xf32> to vector<16xf32>
        %parallel_loop3A_248 = arith.addf %parallel_loop3A_243, %parallel_loop3A_247 : vector<16xf32>
        %parallel_loop3A_249 = arith.constant 0.000000e+00 : f32
        %parallel_loop3A_250 = vector.broadcast %parallel_loop3A_249 : f32 to vector<16xf32>
        %parallel_loop3A_251 = arith.maximumf %parallel_loop3A_248, %parallel_loop3A_250 : vector<16xf32>
        %parallel_loop3A_252 = arith.index_cast %parallel_loop3A_171 : i32 to index
        %parallel_loop3A_253 = arith.constant 64 : index
        %parallel_loop3A_254 = tpu.vector_load %arg8[%parallel_loop3A_252, %parallel_loop3A_253] {strides = array<i32>} : memref<64x128xf32, #tpu.memory_space<vmem>>, vector<1x16xf32>,
        %parallel_loop3A_255 = vector.shape_cast %parallel_loop3A_254 : vector<1x16xf32> to vector<16xf32>
        %parallel_loop3A_256 = vector.shape_cast %parallel_loop3A_251 : vector<16xf32> to vector<1x16xf32>
        tpu.vector_store %arg8[%parallel_loop3A_252, %parallel_loop3A_253], %parallel_loop3A_256 {strides = array<i32>} : memref<64x128xf32, #tpu.memory_space<vmem>>, vector<1x16xf32>,
        %parallel_loop3A_257 = arith.index_cast %parallel_loop3A_171 : i32 to index
        %parallel_loop3A_258 = arith.constant 80 : index
        %parallel_loop3A_259 = tpu.vector_load %arg8[%parallel_loop3A_257, %parallel_loop3A_258] {strides = array<i32>} : memref<64x128xf32, #tpu.memory_space<vmem>>, vector<1x16xf32>,
        %parallel_loop3A_260 = vector.shape_cast %parallel_loop3A_259 : vector<1x16xf32> to vector<16xf32>
        %parallel_loop3A_261 = arith.index_cast %parallel_loop3A_171 : i32 to index
        %parallel_loop3A_262 = arith.constant 80 : index
        %parallel_loop3A_263 = tpu.vector_load %arg10[%parallel_loop3A_261, %parallel_loop3A_262] {strides = array<i32>} : memref<64x128xf32, #tpu.memory_space<vmem>>, vector<1x16xf32>,
        %parallel_loop3A_264 = vector.shape_cast %parallel_loop3A_263 : vector<1x16xf32> to vector<16xf32>
        %parallel_loop3A_265 = arith.addf %parallel_loop3A_260, %parallel_loop3A_264 : vector<16xf32>
        %parallel_loop3A_266 = arith.constant 0.000000e+00 : f32
        %parallel_loop3A_267 = vector.broadcast %parallel_loop3A_266 : f32 to vector<16xf32>
        %parallel_loop3A_268 = arith.maximumf %parallel_loop3A_265, %parallel_loop3A_267 : vector<16xf32>
        %parallel_loop3A_269 = arith.index_cast %parallel_loop3A_171 : i32 to index
        %parallel_loop3A_270 = arith.constant 80 : index
        %parallel_loop3A_271 = tpu.vector_load %arg8[%parallel_loop3A_269, %parallel_loop3A_270] {strides = array<i32>} : memref<64x128xf32, #tpu.memory_space<vmem>>, vector<1x16xf32>,
        %parallel_loop3A_272 = vector.shape_cast %parallel_loop3A_271 : vector<1x16xf32> to vector<16xf32>
        %parallel_loop3A_273 = vector.shape_cast %parallel_loop3A_268 : vector<16xf32> to vector<1x16xf32>
        tpu.vector_store %arg8[%parallel_loop3A_269, %parallel_loop3A_270], %parallel_loop3A_273 {strides = array<i32>} : memref<64x128xf32, #tpu.memory_space<vmem>>, vector<1x16xf32>,
        %parallel_loop3A_274 = arith.index_cast %parallel_loop3A_171 : i32 to index
        %parallel_loop3A_275 = arith.constant 96 : index
        %parallel_loop3A_276 = tpu.vector_load %arg8[%parallel_loop3A_274, %parallel_loop3A_275] {strides = array<i32>} : memref<64x128xf32, #tpu.memory_space<vmem>>, vector<1x16xf32>,
        %parallel_loop3A_277 = vector.shape_cast %parallel_loop3A_276 : vector<1x16xf32> to vector<16xf32>
        %parallel_loop3A_278 = arith.index_cast %parallel_loop3A_171 : i32 to index
        %parallel_loop3A_279 = arith.constant 96 : index
        %parallel_loop3A_280 = tpu.vector_load %arg10[%parallel_loop3A_278, %parallel_loop3A_279] {strides = array<i32>} : memref<64x128xf32, #tpu.memory_space<vmem>>, vector<1x16xf32>,
        %parallel_loop3A_281 = vector.shape_cast %parallel_loop3A_280 : vector<1x16xf32> to vector<16xf32>
        %parallel_loop3A_282 = arith.addf %parallel_loop3A_277, %parallel_loop3A_281 : vector<16xf32>
        %parallel_loop3A_283 = arith.constant 0.000000e+00 : f32
        %parallel_loop3A_284 = vector.broadcast %parallel_loop3A_283 : f32 to vector<16xf32>
        %parallel_loop3A_285 = arith.maximumf %parallel_loop3A_282, %parallel_loop3A_284 : vector<16xf32>
        %parallel_loop3A_286 = arith.index_cast %parallel_loop3A_171 : i32 to index
        %parallel_loop3A_287 = arith.constant 96 : index
        %parallel_loop3A_288 = tpu.vector_load %arg8[%parallel_loop3A_286, %parallel_loop3A_287] {strides = array<i32>} : memref<64x128xf32, #tpu.memory_space<vmem>>, vector<1x16xf32>,
        %parallel_loop3A_289 = vector.shape_cast %parallel_loop3A_288 : vector<1x16xf32> to vector<16xf32>
        %parallel_loop3A_290 = vector.shape_cast %parallel_loop3A_285 : vector<16xf32> to vector<1x16xf32>
        tpu.vector_store %arg8[%parallel_loop3A_286, %parallel_loop3A_287], %parallel_loop3A_290 {strides = array<i32>} : memref<64x128xf32, #tpu.memory_space<vmem>>, vector<1x16xf32>,
        %parallel_loop3A_291 = arith.index_cast %parallel_loop3A_171 : i32 to index
        %parallel_loop3A_292 = arith.constant 112 : index
        %parallel_loop3A_293 = tpu.vector_load %arg8[%parallel_loop3A_291, %parallel_loop3A_292] {strides = array<i32>} : memref<64x128xf32, #tpu.memory_space<vmem>>, vector<1x16xf32>,
        %parallel_loop3A_294 = vector.shape_cast %parallel_loop3A_293 : vector<1x16xf32> to vector<16xf32>
        %parallel_loop3A_295 = arith.index_cast %parallel_loop3A_171 : i32 to index
        %parallel_loop3A_296 = arith.constant 112 : index
        %parallel_loop3A_297 = tpu.vector_load %arg10[%parallel_loop3A_295, %parallel_loop3A_296] {strides = array<i32>} : memref<64x128xf32, #tpu.memory_space<vmem>>, vector<1x16xf32>,
        %parallel_loop3A_298 = vector.shape_cast %parallel_loop3A_297 : vector<1x16xf32> to vector<16xf32>
        %parallel_loop3A_299 = arith.addf %parallel_loop3A_294, %parallel_loop3A_298 : vector<16xf32>
        %parallel_loop3A_300 = arith.constant 0.000000e+00 : f32
        %parallel_loop3A_301 = vector.broadcast %parallel_loop3A_300 : f32 to vector<16xf32>
        %parallel_loop3A_302 = arith.maximumf %parallel_loop3A_299, %parallel_loop3A_301 : vector<16xf32>
        %parallel_loop3A_303 = arith.index_cast %parallel_loop3A_171 : i32 to index
        %parallel_loop3A_304 = arith.constant 112 : index
        %parallel_loop3A_305 = tpu.vector_load %arg8[%parallel_loop3A_303, %parallel_loop3A_304] {strides = array<i32>} : memref<64x128xf32, #tpu.memory_space<vmem>>, vector<1x16xf32>,
        %parallel_loop3A_306 = vector.shape_cast %parallel_loop3A_305 : vector<1x16xf32> to vector<16xf32>
        %parallel_loop3A_307 = vector.shape_cast %parallel_loop3A_302 : vector<16xf32> to vector<1x16xf32>
        tpu.vector_store %arg8[%parallel_loop3A_303, %parallel_loop3A_304], %parallel_loop3A_307 {strides = array<i32>} : memref<64x128xf32, #tpu.memory_space<vmem>>, vector<1x16xf32>,
      } {sc.loop_unroll_factor = 4 : i64, sc.parallel_access}
      %add3A_138 = arith.constant 1 : i32
      %add3A_139 = arith.addi %rem3A_75, %add3A_138 : i32
      %add3A_140 = arith.constant 16 : i32
      %add3A_141 = arith.addi %add3A_140, %add3A_139 : i32
      %dma_start3A_142 = arith.constant 0 : i32
      %dma_start3A_143 = tpu.memref_slice %arg6[%add3A_141, %dma_start3A_142] : memref<32x64xi32, #tpu.memory_space<vmem>> -> memref<1x64xi32, #tpu.memory_space<vmem>>
      %dma_start3A_144 = tpu.memref_squeeze %dma_start3A_143 : memref<1x64xi32, #tpu.memory_space<vmem>> -> memref<64xi32, #tpu.memory_space<vmem>>
      %dma_start3A_145 = arith.constant 0 : i32
      %dma_start3A_146 = arith.constant 0 : i32
      %dma_start3A_147 = tpu.memref_slice %arg11[%dma_start3A_145, %dma_start3A_146] : memref<10240x128xf32, #tpu.memory_space<vmem_shared>> -> memref<10240x128xf32, #tpu.memory_space<vmem_shared>>
      tpu.enqueue_indirect_dma source(%arg8 : memref<64x128xf32, #tpu.memory_space<vmem>>) target(%dma_start3A_147 : memref<10240x128xf32, #tpu.memory_space<vmem_shared>>) offsets(%dma_start3A_144 : memref<64xi32, #tpu.memory_space<vmem>>) semaphore(%arg17 : memref<!tpu.dma_semaphore, #tpu.memory_space<semaphore_mem>>) {add = true}
      %dma_wait3A_148 = arith.constant 16 : i32
      %dma_wait3A_149 = arith.constant 0 : i32
      %dma_wait3A_150 = tpu.memref_slice %arg6[%dma_wait3A_148, %dma_wait3A_149] : memref<32x64xi32, #tpu.memory_space<vmem>> -> memref<1x64xi32, #tpu.memory_space<vmem>>
      %dma_wait3A_151 = tpu.memref_squeeze %dma_wait3A_150 : memref<1x64xi32, #tpu.memory_space<vmem>> -> memref<64xi32, #tpu.memory_space<vmem>>
      %dma_wait3A_152 = arith.constant 0 : i32
      %dma_wait3A_153 = arith.constant 0 : i32
      %dma_wait3A_154 = tpu.memref_slice %arg11[%dma_wait3A_152, %dma_wait3A_153] : memref<10240x128xf32, #tpu.memory_space<vmem_shared>> -> memref<10240x128xf32, #tpu.memory_space<vmem_shared>>
      tpu.wait_indirect_dma semaphore(%arg16 : memref<!tpu.dma_semaphore, #tpu.memory_space<semaphore_mem>>) src(%arg7 : memref<64x128xf32, #tpu.memory_space<vmem>>) dst(%dma_wait3A_154 : memref<10240x128xf32, #tpu.memory_space<vmem_shared>>)
      %convert_element_type3A_155 = arith.extui %eq3A_79 : i1 to i32
      %cond3A_156 = arith.constant 0 : i32
      %cond3A_157 = arith.cmpi ne, %convert_element_type3A_155, %cond3A_156 : i32
      scf.if %cond3A_157 {
        %dma_wait3A_171 = arith.constant 16 : i32
        %dma_wait3A_172 = arith.constant 0 : i32
        %dma_wait3A_173 = tpu.memref_slice %arg6[%dma_wait3A_171, %dma_wait3A_172] : memref<32x64xi32, #tpu.memory_space<vmem>> -> memref<1x64xi32, #tpu.memory_space<vmem>>
        %dma_wait3A_174 = tpu.memref_squeeze %dma_wait3A_173 : memref<1x64xi32, #tpu.memory_space<vmem>> -> memref<64xi32, #tpu.memory_space<vmem>>
        %dma_wait3A_175 = arith.constant 0 : i32
        %dma_wait3A_176 = arith.constant 0 : i32
        %dma_wait3A_177 = tpu.memref_slice %arg11[%dma_wait3A_175, %dma_wait3A_176] : memref<10240x128xf32, #tpu.memory_space<vmem_shared>> -> memref<10240x128xf32, #tpu.memory_space<vmem_shared>>
        tpu.wait_indirect_dma semaphore(%arg17 : memref<!tpu.dma_semaphore, #tpu.memory_space<semaphore_mem>>) src(%arg8 : memref<64x128xf32, #tpu.memory_space<vmem>>) dst(%dma_wait3A_177 : memref<10240x128xf32, #tpu.memory_space<vmem_shared>>)
      } else {
      }
      %add3A_158 = arith.constant 1 : i32
      %add3A_159 = arith.addi %while3A_68, %add3A_158 : i32
      %lt3A = arith.cmpi slt, %add3A_159, %select_n3A_8 : i32
      %and3A_160 = arith.andi %eq3A_79, %lt3A : i1
      %convert_element_type3A_161 = arith.extui %and3A_160 : i1 to i32
      %cond3A_162 = arith.constant 0 : i32
      %cond3A_163 = arith.cmpi ne, %convert_element_type3A_161, %cond3A_162 : i32
      scf.if %cond3A_163 {
        %add3A_171 = arith.constant 1 : i32
        %add3A_172 = arith.addi %while3A_68, %add3A_171 : i32
        %jit3A_173 = arith.constant 8 : i32
        %div3A_174 = arith.divsi %add3A_172, %jit3A_173 : i32
        %sign3A_175 = arith.constant 0 : i32
        %sign3A_176 = arith.cmpi sgt, %add3A_172, %sign3A_175 : i32
        %sign3A_177 = arith.extui %sign3A_176 : i1 to i32
        %sign3A_178 = arith.constant 0 : i32
        %sign3A_179 = arith.cmpi slt, %add3A_172, %sign3A_178 : i32
        %sign3A_180 = arith.extui %sign3A_179 : i1 to i32
        %sign3A_181 = arith.subi %sign3A_177, %sign3A_180 : i32
        %sign3A_182 = arith.constant 0 : i32
        %sign3A_183 = arith.cmpi sgt, %jit3A_173, %sign3A_182 : i32
        %sign3A_184 = arith.extui %sign3A_183 : i1 to i32
        %sign3A_185 = arith.constant 0 : i32
        %sign3A_186 = arith.cmpi slt, %jit3A_173, %sign3A_185 : i32
        %sign3A_187 = arith.extui %sign3A_186 : i1 to i32
        %sign3A_188 = arith.subi %sign3A_184, %sign3A_187 : i32
        %ne3A_189 = arith.cmpi ne, %sign3A_181, %sign3A_188 : i32
        %rem3A_190 = arith.remsi %add3A_172, %jit3A_173 : i32
        %ne3A_191 = arith.constant 0 : i32
        %ne3A_192 = arith.cmpi ne, %rem3A_190, %ne3A_191 : i32
        %and3A_193 = arith.andi %ne3A_189, %ne3A_192 : i1
        %sub3A_194 = arith.constant 1 : i32
        %sub3A_195 = arith.subi %div3A_174, %sub3A_194 : i32
        %select_n3A_196 = arith.select %and3A_193, %sub3A_195, %div3A_174 : i32
        %add3A_197 = arith.addi %select_n3A_26, %select_n3A_196 : i32
        "tpu.region"() ({
          %run_scoped3A = tpu.sem_alloc : memref<!tpu.dma_semaphore, #tpu.memory_space<semaphore_mem>>
          %dma_start3A_198 = arith.constant 0 : i32
          %dma_start3A_199 = arith.constant 0 : i32
          %dma_start3A_200 = tpu.memref_slice %arg4[%add3A_197, %dma_start3A_198, %dma_start3A_199] : memref<320x32x64xi32, #tpu.memory_space<hbm>> -> memref<1x32x64xi32, #tpu.memory_space<hbm>>
          %dma_start3A_201 = tpu.memref_squeeze %dma_start3A_200 : memref<1x32x64xi32, #tpu.memory_space<hbm>> -> memref<32x64xi32, #tpu.memory_space<hbm>>
          %dma_start3A_202 = arith.constant 0 : i32
          %dma_start3A_203 = arith.constant 0 : i32
          %dma_start3A_204 = tpu.memref_slice %arg4[%add3A_197, %dma_start3A_202, %dma_start3A_203] : memref<320x32x64xi32, #tpu.memory_space<hbm>> -> memref<1x32x64xi32, #tpu.memory_space<hbm>>
          %dma_start3A_205 = tpu.memref_squeeze %dma_start3A_204 : memref<1x32x64xi32, #tpu.memory_space<hbm>> -> memref<32x64xi32, #tpu.memory_space<hbm>>
          tpu.enqueue_dma source(%dma_start3A_205 : memref<32x64xi32, #tpu.memory_space<hbm>>) target(%arg6 : memref<32x64xi32, #tpu.memory_space<vmem>>) target_semaphore(%run_scoped3A : memref<!tpu.dma_semaphore, #tpu.memory_space<semaphore_mem>>)
          %dma_wait3A_206 = arith.constant 0 : i32
          %dma_wait3A_207 = arith.constant 0 : i32
          %dma_wait3A_208 = tpu.memref_slice %arg4[%add3A_197, %dma_wait3A_206, %dma_wait3A_207] : memref<320x32x64xi32, #tpu.memory_space<hbm>> -> memref<1x32x64xi32, #tpu.memory_space<hbm>>
          %dma_wait3A_209 = tpu.memref_squeeze %dma_wait3A_208 : memref<1x32x64xi32, #tpu.memory_space<hbm>> -> memref<32x64xi32, #tpu.memory_space<hbm>>
          %dma_wait3A_210 = arith.constant 0 : i32
          %dma_wait3A_211 = arith.constant 0 : i32
          %dma_wait3A_212 = tpu.memref_slice %arg4[%add3A_197, %dma_wait3A_210, %dma_wait3A_211] : memref<320x32x64xi32, #tpu.memory_space<hbm>> -> memref<1x32x64xi32, #tpu.memory_space<hbm>>
          %dma_wait3A_213 = tpu.memref_squeeze %dma_wait3A_212 : memref<1x32x64xi32, #tpu.memory_space<hbm>> -> memref<32x64xi32, #tpu.memory_space<hbm>>
          tpu.wait_dma2 semaphore(%run_scoped3A : memref<!tpu.dma_semaphore, #tpu.memory_space<semaphore_mem>>) src(%dma_wait3A_213 : memref<32x64xi32, #tpu.memory_space<hbm>>) dst(%arg6 : memref<32x64xi32, #tpu.memory_space<vmem>>)
          tpu.yield
        }) : () -> ()
      } else {
      }
      %add3A_164 = arith.constant 1 : i32
      %add3A_165 = arith.addi %while3A_68, %add3A_164 : i32
      %lt3A_166 = arith.cmpi slt, %add3A_165, %select_n3A_8 : i32
      %convert_element_type3A_167 = arith.extui %lt3A_166 : i1 to i32
      %cond3A_168 = arith.constant 0 : i32
      %cond3A_169 = arith.cmpi ne, %convert_element_type3A_167, %cond3A_168 : i32
      scf.if %cond3A_169 {
        %add3A_171 = arith.constant 2 : i32
        %add3A_172 = arith.addi %mul3A_71, %add3A_171 : i32
        %add3A_173 = arith.constant 2 : i32
        %add3A_174 = arith.addi %mul3A_71, %add3A_173 : i32
        %rem3A_175 = arith.constant 16 : i32
        %rem3A_176 = arith.remsi %add3A_174, %rem3A_175 : i32
        %dma_start3A_177 = arith.constant 0 : i32
        %dma_start3A_178 = tpu.memref_slice %arg6[%rem3A_176, %dma_start3A_177] : memref<32x64xi32, #tpu.memory_space<vmem>> -> memref<1x64xi32, #tpu.memory_space<vmem>>
        %dma_start3A_179 = tpu.memref_squeeze %dma_start3A_178 : memref<1x64xi32, #tpu.memory_space<vmem>> -> memref<64xi32, #tpu.memory_space<vmem>>
        %dma_start3A_180 = arith.constant 0 : i32
        %dma_start3A_181 = arith.constant 0 : i32
        %dma_start3A_182 = tpu.memref_slice %arg2[%dma_start3A_180, %dma_start3A_181] : memref<10000x128xf32, #tpu.memory_space<hbm>> -> memref<10000x128xf32, #tpu.memory_space<hbm>>
        tpu.enqueue_indirect_dma source(%dma_start3A_182 : memref<10000x128xf32, #tpu.memory_space<hbm>>) target(%arg7 : memref<64x128xf32, #tpu.memory_space<vmem>>) offsets(%dma_start3A_179 : memref<64xi32, #tpu.memory_space<vmem>>) semaphore(%arg12 : memref<!tpu.dma_semaphore, #tpu.memory_space<semaphore_mem>>)
        %add3A_183 = arith.addi %select_n3A, %add3A_172 : i32
        %mul3A_184 = arith.constant 64 : i32
        %mul3A_185 = arith.muli %add3A_183, %mul3A_184 : i32
        %dma_start3A_186 = arith.constant 0 : i32
        %dma_start3A_187 = tpu.memref_slice %arg3[%mul3A_185, %dma_start3A_186] : memref<327680x128xf32, #tpu.memory_space<hbm>> -> memref<64x128xf32, #tpu.memory_space<hbm>>
        %dma_start3A_188 = arith.constant 0 : i32
        %dma_start3A_189 = tpu.memref_slice %arg3[%mul3A_185, %dma_start3A_188] : memref<327680x128xf32, #tpu.memory_space<hbm>> -> memref<64x128xf32, #tpu.memory_space<hbm>>
        tpu.enqueue_dma source(%dma_start3A_189 : memref<64x128xf32, #tpu.memory_space<hbm>>) target(%arg9 : memref<64x128xf32, #tpu.memory_space<vmem>>) target_semaphore(%arg14 : memref<!tpu.dma_semaphore, #tpu.memory_space<semaphore_mem>>)
      } else {
      }
      %while3A_170 = arith.constant 0 : i32
      scf.yield %while3A_170 : i32
    }
    %barrier3A_60 = arith.constant 0 : index
    tpu.barrier barrier_id(%barrier3A_60)
    %scan3A_61 = arith.constant 0 : i32
    %scan3A_62 = arith.constant 0 : i32
    %scan3A_63 = arith.constant 10 : i32
    %scan3A_64 = arith.addi %scan3A_62, %scan3A_63 : i32
    %scan3A_65 = arith.constant 1 : i32
    %scan3A_66 = scf.for %scan3A_68 = %scan3A_62 to %scan3A_64 step %scan3A_65 iter_args(%scan3A_69 = %scan3A_61) -> (i32)  : i32 {
      %mul3A_70 = arith.constant 640 : i32
      %mul3A_71 = arith.muli %arg1, %mul3A_70 : i32
      %mul3A_72 = arith.constant 64 : i32
      %mul3A_73 = arith.muli %scan3A_68, %mul3A_72 : i32
      %add3A_74 = arith.addi %mul3A_71, %mul3A_73 : i32
      "tpu.region"() ({
        %run_scoped3A = tpu.sem_alloc : memref<!tpu.dma_semaphore, #tpu.memory_space<semaphore_mem>>
        %dma_start3A_76 = arith.constant 0 : i32
        %dma_start3A_77 = tpu.memref_slice %arg11[%add3A_74, %dma_start3A_76] : memref<10240x128xf32, #tpu.memory_space<vmem_shared>> -> memref<64x128xf32, #tpu.memory_space<vmem_shared>>
        %dma_start3A_78 = arith.constant 0 : i32
        %dma_start3A_79 = tpu.memref_slice %arg11[%add3A_74, %dma_start3A_78] : memref<10240x128xf32, #tpu.memory_space<vmem_shared>> -> memref<64x128xf32, #tpu.memory_space<vmem_shared>>
        tpu.enqueue_dma source(%dma_start3A_79 : memref<64x128xf32, #tpu.memory_space<vmem_shared>>) target(%arg7 : memref<64x128xf32, #tpu.memory_space<vmem>>) target_semaphore(%run_scoped3A : memref<!tpu.dma_semaphore, #tpu.memory_space<semaphore_mem>>)
        %dma_wait3A = arith.constant 0 : i32
        %dma_wait3A_80 = tpu.memref_slice %arg11[%add3A_74, %dma_wait3A] : memref<10240x128xf32, #tpu.memory_space<vmem_shared>> -> memref<64x128xf32, #tpu.memory_space<vmem_shared>>
        %dma_wait3A_81 = arith.constant 0 : i32
        %dma_wait3A_82 = tpu.memref_slice %arg11[%add3A_74, %dma_wait3A_81] : memref<10240x128xf32, #tpu.memory_space<vmem_shared>> -> memref<64x128xf32, #tpu.memory_space<vmem_shared>>
        tpu.wait_dma2 semaphore(%run_scoped3A : memref<!tpu.dma_semaphore, #tpu.memory_space<semaphore_mem>>) src(%dma_wait3A_82 : memref<64x128xf32, #tpu.memory_space<vmem_shared>>) dst(%arg7 : memref<64x128xf32, #tpu.memory_space<vmem>>)
        tpu.yield
      }) : () -> ()
      "tpu.region"() ({
        %run_scoped3A = tpu.sem_alloc : memref<!tpu.dma_semaphore, #tpu.memory_space<semaphore_mem>>
        %dma_start3A_76 = arith.constant 0 : i32
        %dma_start3A_77 = tpu.memref_slice %arg5[%arg0, %add3A_74, %dma_start3A_76] : memref<2x10240x128xf32, #tpu.memory_space<hbm>> -> memref<1x64x128xf32, #tpu.memory_space<hbm>>
        %dma_start3A_78 = tpu.memref_squeeze %dma_start3A_77 : memref<1x64x128xf32, #tpu.memory_space<hbm>> -> memref<64x128xf32, #tpu.memory_space<hbm>>
        %dma_start3A_79 = arith.constant 0 : i32
        %dma_start3A_80 = tpu.memref_slice %arg5[%arg0, %add3A_74, %dma_start3A_79] : memref<2x10240x128xf32, #tpu.memory_space<hbm>> -> memref<1x64x128xf32, #tpu.memory_space<hbm>>
        %dma_start3A_81 = tpu.memref_squeeze %dma_start3A_80 : memref<1x64x128xf32, #tpu.memory_space<hbm>> -> memref<64x128xf32, #tpu.memory_space<hbm>>
        tpu.enqueue_dma source(%arg7 : memref<64x128xf32, #tpu.memory_space<vmem>>) target(%dma_start3A_81 : memref<64x128xf32, #tpu.memory_space<hbm>>) target_semaphore(%run_scoped3A : memref<!tpu.dma_semaphore, #tpu.memory_space<semaphore_mem>>)
        %dma_wait3A = arith.constant 0 : i32
        %dma_wait3A_82 = tpu.memref_slice %arg5[%arg0, %add3A_74, %dma_wait3A] : memref<2x10240x128xf32, #tpu.memory_space<hbm>> -> memref<1x64x128xf32, #tpu.memory_space<hbm>>
        %dma_wait3A_83 = tpu.memref_squeeze %dma_wait3A_82 : memref<1x64x128xf32, #tpu.memory_space<hbm>> -> memref<64x128xf32, #tpu.memory_space<hbm>>
        %dma_wait3A_84 = arith.constant 0 : i32
        %dma_wait3A_85 = tpu.memref_slice %arg5[%arg0, %add3A_74, %dma_wait3A_84] : memref<2x10240x128xf32, #tpu.memory_space<hbm>> -> memref<1x64x128xf32, #tpu.memory_space<hbm>>
        %dma_wait3A_86 = tpu.memref_squeeze %dma_wait3A_85 : memref<1x64x128xf32, #tpu.memory_space<hbm>> -> memref<64x128xf32, #tpu.memory_space<hbm>>
        tpu.wait_dma2 semaphore(%run_scoped3A : memref<!tpu.dma_semaphore, #tpu.memory_space<semaphore_mem>>) src(%arg7 : memref<64x128xf32, #tpu.memory_space<vmem>>) dst(%dma_wait3A_86 : memref<64x128xf32, #tpu.memory_space<hbm>>)
        tpu.yield
      }) : () -> ()
      %scan3A_75 = arith.constant 0 : i32
      scf.yield %scan3A_75 : i32
    }
    %scan3A_67 = arith.constant 10 : i32
    return
  }
}

module attributes {stable_mosaic.version = 14 : i64} {
  func.func @_edge_proj_body(%arg0: i32, %arg1: memref<2048x16xf32, #tpu.memory_space<vmem>>, %arg2: memref<16x128xf32, #tpu.memory_space<vmem>>, %arg3: memref<1x128xf32, #tpu.memory_space<vmem>>, %arg4: memref<16x128xf32, #tpu.memory_space<vmem>>, %arg5: memref<1x128xf32, #tpu.memory_space<vmem>>, %arg6: memref<2048x128xf32, #tpu.memory_space<vmem>>, %arg7: memref<2048x128xf32, #tpu.memory_space<vmem>>) attributes {dimension_semantics = [#tpu.dimension_semantics<arbitrary>], iteration_bounds = array<i64: 160>, scalar_prefetch = 0 : i64, scratch_operands = 0 : i64, tpu.core_type = #tpu.core_type<tc>, window_params = [{transform_indices = @transform_0, window_bounds = array<i64: 2048, 16>}, {pipeline_mode = #tpu.pipeline_mode<synchronous>, transform_indices = @transform_1, window_bounds = array<i64: 16, 128>}, {pipeline_mode = #tpu.pipeline_mode<synchronous>, transform_indices = @transform_2, window_bounds = array<i64: 1, 128>}, {pipeline_mode = #tpu.pipeline_mode<synchronous>, transform_indices = @transform_3, window_bounds = array<i64: 16, 128>}, {pipeline_mode = #tpu.pipeline_mode<synchronous>, transform_indices = @transform_4, window_bounds = array<i64: 1, 128>}, {transform_indices = @transform_5, window_bounds = array<i64: 2048, 128>}, {transform_indices = @transform_6, window_bounds = array<i64: 2048, 128>}]} {
    %get3A = arith.constant 0 : index
    %get3A_0 = arith.constant 0 : index
    %get3A_1 = vector.load %arg1[%get3A, %get3A_0] : memref<2048x16xf32, #tpu.memory_space<vmem>>, vector<2048x16xf32>
    %get3A_2 = arith.constant 0 : index
    %get3A_3 = arith.constant 0 : index
    %get3A_4 = vector.load %arg2[%get3A_2, %get3A_3] : memref<16x128xf32, #tpu.memory_space<vmem>>, vector<16x128xf32>
    %dot_general3A = arith.constant dense<0.000000e+00> : vector<2048x128xf32>
    %dot_general3A_5 = tpu.matmul %get3A_1, %get3A_4, %dot_general3A {dimension_numbers = #tpu.dot_dimension_numbers<[1], [0], [0], [1], [0, 0, 1, 1], [], []>, transpose_lhs_hint = false} : vector<2048x16xf32>, vector<16x128xf32>, vector<2048x128xf32> -> vector<2048x128xf32>
    %get3A_6 = arith.constant 0 : index
    %get3A_7 = arith.constant 0 : index
    %get3A_8 = vector.load %arg3[%get3A_6, %get3A_7] : memref<1x128xf32, #tpu.memory_space<vmem>>, vector<1x128xf32>
    %add3A = vector.broadcast %get3A_8 : vector<1x128xf32> to vector<2048x128xf32>
    %add3A_9 = arith.addf %dot_general3A_5, %add3A : vector<2048x128xf32>
    %swap3A = arith.constant 0 : index
    %swap3A_10 = arith.constant 0 : index
    %swap3A_11 = vector.load %arg6[%swap3A, %swap3A_10] : memref<2048x128xf32, #tpu.memory_space<vmem>>, vector<2048x128xf32>
    tpu.vector_store %arg6[%swap3A, %swap3A_10], %add3A_9 {strides = array<i32>} : memref<2048x128xf32, #tpu.memory_space<vmem>>, vector<2048x128xf32>,
    %get3A_12 = arith.constant 0 : index
    %get3A_13 = arith.constant 0 : index
    %get3A_14 = vector.load %arg4[%get3A_12, %get3A_13] : memref<16x128xf32, #tpu.memory_space<vmem>>, vector<16x128xf32>
    %dot_general3A_15 = arith.constant dense<0.000000e+00> : vector<2048x128xf32>
    %dot_general3A_16 = tpu.matmul %get3A_1, %get3A_14, %dot_general3A_15 {dimension_numbers = #tpu.dot_dimension_numbers<[1], [0], [0], [1], [0, 0, 1, 1], [], []>, transpose_lhs_hint = false} : vector<2048x16xf32>, vector<16x128xf32>, vector<2048x128xf32> -> vector<2048x128xf32>
    %get3A_17 = arith.constant 0 : index
    %get3A_18 = arith.constant 0 : index
    %get3A_19 = vector.load %arg5[%get3A_17, %get3A_18] : memref<1x128xf32, #tpu.memory_space<vmem>>, vector<1x128xf32>
    %add3A_20 = vector.broadcast %get3A_19 : vector<1x128xf32> to vector<2048x128xf32>
    %add3A_21 = arith.addf %dot_general3A_16, %add3A_20 : vector<2048x128xf32>
    %swap3A_22 = arith.constant 0 : index
    %swap3A_23 = arith.constant 0 : index
    %swap3A_24 = vector.load %arg7[%swap3A_22, %swap3A_23] : memref<2048x128xf32, #tpu.memory_space<vmem>>, vector<2048x128xf32>
    tpu.vector_store %arg7[%swap3A_22, %swap3A_23], %add3A_21 {strides = array<i32>} : memref<2048x128xf32, #tpu.memory_space<vmem>>, vector<2048x128xf32>,
    return
  }
  func.func @transform_0(%arg0: i32) -> (i32, i32) {
    %c0_i32 = arith.constant 0 : i32
    %c0_i32_0 = arith.constant 0 : i32
    return %arg0, %c0_i32 : i32, i32
  }
  func.func @transform_1(%arg0: i32) -> (i32, i32) {
    %c0_i32 = arith.constant 0 : i32
    %c0_i32_0 = arith.constant 0 : i32
    %c0_i32_1 = arith.constant 0 : i32
    return %c0_i32, %c0_i32_0 : i32, i32
  }
  func.func @transform_2(%arg0: i32) -> (i32, i32) {
    %c0_i32 = arith.constant 0 : i32
    %c0_i32_0 = arith.constant 0 : i32
    %c0_i32_1 = arith.constant 0 : i32
    return %c0_i32, %c0_i32_0 : i32, i32
  }
  func.func @transform_3(%arg0: i32) -> (i32, i32) {
    %c0_i32 = arith.constant 0 : i32
    %c0_i32_0 = arith.constant 0 : i32
    %c0_i32_1 = arith.constant 0 : i32
    return %c0_i32, %c0_i32_0 : i32, i32
  }
  func.func @transform_4(%arg0: i32) -> (i32, i32) {
    %c0_i32 = arith.constant 0 : i32
    %c0_i32_0 = arith.constant 0 : i32
    %c0_i32_1 = arith.constant 0 : i32
    return %c0_i32, %c0_i32_0 : i32, i32
  }
  func.func @transform_5(%arg0: i32) -> (i32, i32) {
    %c0_i32 = arith.constant 0 : i32
    %c0_i32_0 = arith.constant 0 : i32
    return %arg0, %c0_i32 : i32, i32
  }
  func.func @transform_6(%arg0: i32) -> (i32, i32) {
    %c0_i32 = arith.constant 0 : i32
    %c0_i32_0 = arith.constant 0 : i32
    return %arg0, %c0_i32 : i32, i32
  }
}

module attributes {stable_mosaic.version = 14 : i64} {
  func.func @_mlp_body(%arg0: i32, %arg1: memref<2000x128xf32, #tpu.memory_space<vmem>>, %arg2: memref<2x2000x128xf32, #tpu.memory_space<vmem>>, %arg3: memref<128x128xf32, #tpu.memory_space<vmem>>, %arg4: memref<1x128xf32, #tpu.memory_space<vmem>>, %arg5: memref<128x128xf32, #tpu.memory_space<vmem>>, %arg6: memref<1x128xf32, #tpu.memory_space<vmem>>, %arg7: memref<2000x128xf32, #tpu.memory_space<vmem>>) attributes {dimension_semantics = [#tpu.dimension_semantics<arbitrary>], iteration_bounds = array<i64: 5>, scalar_prefetch = 0 : i64, scratch_operands = 0 : i64, tpu.core_type = #tpu.core_type<tc>, window_params = [{transform_indices = @transform_0, window_bounds = array<i64: 2000, 128>}, {transform_indices = @transform_1, window_bounds = array<i64: 2, 2000, 128>}, {pipeline_mode = #tpu.pipeline_mode<synchronous>, transform_indices = @transform_2, window_bounds = array<i64: 128, 128>}, {pipeline_mode = #tpu.pipeline_mode<synchronous>, transform_indices = @transform_3, window_bounds = array<i64: 1, 128>}, {pipeline_mode = #tpu.pipeline_mode<synchronous>, transform_indices = @transform_4, window_bounds = array<i64: 128, 128>}, {pipeline_mode = #tpu.pipeline_mode<synchronous>, transform_indices = @transform_5, window_bounds = array<i64: 1, 128>}, {transform_indices = @transform_6, window_bounds = array<i64: 2000, 128>}]} {
    %get3A = arith.constant 0 : index
    %get3A_0 = arith.constant 0 : index
    %get3A_1 = vector.load %arg1[%get3A, %get3A_0] : memref<2000x128xf32, #tpu.memory_space<vmem>>, vector<2000x128xf32>
    %get3A_2 = arith.constant 0 : index
    %get3A_3 = arith.constant 0 : index
    %get3A_4 = arith.constant 0 : index
    %get3A_5 = vector.load %arg2[%get3A_2, %get3A_3, %get3A_4] : memref<2x2000x128xf32, #tpu.memory_space<vmem>>, vector<1x2000x128xf32>
    %get3A_6 = vector.shape_cast %get3A_5 : vector<1x2000x128xf32> to vector<2000x128xf32>
    %add3A = arith.addf %get3A_1, %get3A_6 : vector<2000x128xf32>
    %get3A_7 = arith.constant 1 : index
    %get3A_8 = arith.constant 0 : index
    %get3A_9 = arith.constant 0 : index
    %get3A_10 = vector.load %arg2[%get3A_7, %get3A_8, %get3A_9] : memref<2x2000x128xf32, #tpu.memory_space<vmem>>, vector<1x2000x128xf32>
    %get3A_11 = vector.shape_cast %get3A_10 : vector<1x2000x128xf32> to vector<2000x128xf32>
    %add3A_12 = arith.addf %add3A, %get3A_11 : vector<2000x128xf32>
    %get3A_13 = arith.constant 0 : index
    %get3A_14 = arith.constant 0 : index
    %get3A_15 = vector.load %arg3[%get3A_13, %get3A_14] : memref<128x128xf32, #tpu.memory_space<vmem>>, vector<128x128xf32>
    %dot_general3A = arith.constant dense<0.000000e+00> : vector<2000x128xf32>
    %dot_general3A_16 = tpu.matmul %add3A_12, %get3A_15, %dot_general3A {dimension_numbers = #tpu.dot_dimension_numbers<[1], [0], [0], [1], [0, 0, 1, 1], [], []>, transpose_lhs_hint = false} : vector<2000x128xf32>, vector<128x128xf32>, vector<2000x128xf32> -> vector<2000x128xf32>
    %get3A_17 = arith.constant 0 : index
    %get3A_18 = arith.constant 0 : index
    %get3A_19 = vector.load %arg4[%get3A_17, %get3A_18] : memref<1x128xf32, #tpu.memory_space<vmem>>, vector<1x128xf32>
    %add3A_20 = vector.broadcast %get3A_19 : vector<1x128xf32> to vector<2000x128xf32>
    %add3A_21 = arith.addf %dot_general3A_16, %add3A_20 : vector<2000x128xf32>
    %max3A = arith.constant 0.000000e+00 : f32
    %max3A_22 = vector.broadcast %max3A : f32 to vector<2000x128xf32>
    %max3A_23 = arith.maximumf %add3A_21, %max3A_22 : vector<2000x128xf32>
    %get3A_24 = arith.constant 0 : index
    %get3A_25 = arith.constant 0 : index
    %get3A_26 = vector.load %arg5[%get3A_24, %get3A_25] : memref<128x128xf32, #tpu.memory_space<vmem>>, vector<128x128xf32>
    %dot_general3A_27 = arith.constant dense<0.000000e+00> : vector<2000x128xf32>
    %dot_general3A_28 = tpu.matmul %max3A_23, %get3A_26, %dot_general3A_27 {dimension_numbers = #tpu.dot_dimension_numbers<[1], [0], [0], [1], [0, 0, 1, 1], [], []>, transpose_lhs_hint = false} : vector<2000x128xf32>, vector<128x128xf32>, vector<2000x128xf32> -> vector<2000x128xf32>
    %get3A_29 = arith.constant 0 : index
    %get3A_30 = arith.constant 0 : index
    %get3A_31 = vector.load %arg6[%get3A_29, %get3A_30] : memref<1x128xf32, #tpu.memory_space<vmem>>, vector<1x128xf32>
    %add3A_32 = vector.broadcast %get3A_31 : vector<1x128xf32> to vector<2000x128xf32>
    %add3A_33 = arith.addf %dot_general3A_28, %add3A_32 : vector<2000x128xf32>
    %max3A_34 = arith.constant 0.000000e+00 : f32
    %max3A_35 = vector.broadcast %max3A_34 : f32 to vector<2000x128xf32>
    %max3A_36 = arith.maximumf %add3A_33, %max3A_35 : vector<2000x128xf32>
    %swap3A = arith.constant 0 : index
    %swap3A_37 = arith.constant 0 : index
    %swap3A_38 = vector.load %arg7[%swap3A, %swap3A_37] : memref<2000x128xf32, #tpu.memory_space<vmem>>, vector<2000x128xf32>
    tpu.vector_store %arg7[%swap3A, %swap3A_37], %max3A_36 {strides = array<i32>} : memref<2000x128xf32, #tpu.memory_space<vmem>>, vector<2000x128xf32>,
    return
  }
  func.func @transform_0(%arg0: i32) -> (i32, i32) {
    %c0_i32 = arith.constant 0 : i32
    %c0_i32_0 = arith.constant 0 : i32
    return %arg0, %c0_i32 : i32, i32
  }
  func.func @transform_1(%arg0: i32) -> (i32, i32, i32) {
    %c0_i32 = arith.constant 0 : i32
    %c0_i32_0 = arith.constant 0 : i32
    %c0_i32_1 = arith.constant 0 : i32
    return %c0_i32, %arg0, %c0_i32_0 : i32, i32, i32
  }
  func.func @transform_2(%arg0: i32) -> (i32, i32) {
    %c0_i32 = arith.constant 0 : i32
    %c0_i32_0 = arith.constant 0 : i32
    %c0_i32_1 = arith.constant 0 : i32
    return %c0_i32, %c0_i32_0 : i32, i32
  }
  func.func @transform_3(%arg0: i32) -> (i32, i32) {
    %c0_i32 = arith.constant 0 : i32
    %c0_i32_0 = arith.constant 0 : i32
    %c0_i32_1 = arith.constant 0 : i32
    return %c0_i32, %c0_i32_0 : i32, i32
  }
  func.func @transform_4(%arg0: i32) -> (i32, i32) {
    %c0_i32 = arith.constant 0 : i32
    %c0_i32_0 = arith.constant 0 : i32
    %c0_i32_1 = arith.constant 0 : i32
    return %c0_i32, %c0_i32_0 : i32, i32
  }
  func.func @transform_5(%arg0: i32) -> (i32, i32) {
    %c0_i32 = arith.constant 0 : i32
    %c0_i32_0 = arith.constant 0 : i32
    %c0_i32_1 = arith.constant 0 : i32
    return %c0_i32, %c0_i32_0 : i32, i32
  }
  func.func @transform_6(%arg0: i32) -> (i32, i32) {
    %c0_i32 = arith.constant 0 : i32
    %c0_i32_0 = arith.constant 0 : i32
    return %arg0, %c0_i32 : i32, i32
  }
}

module attributes {stable_mosaic.version = 14 : i64} {
  func.func @_mlp_pool_body(%arg0: i32, %arg1: memref<2000x128xf32, #tpu.memory_space<vmem>>, %arg2: memref<2x2000x128xf32, #tpu.memory_space<vmem>>, %arg3: memref<1x1x2000xi32, #tpu.memory_space<vmem>>, %arg4: memref<128x128xf32, #tpu.memory_space<vmem>>, %arg5: memref<1x128xf32, #tpu.memory_space<vmem>>, %arg6: memref<128x128xf32, #tpu.memory_space<vmem>>, %arg7: memref<1x128xf32, #tpu.memory_space<vmem>>, %arg8: memref<64x128xf32, #tpu.memory_space<vmem>>, %arg9: memref<64x128xf32, #tpu.memory_space<vmem>>, %arg10: memref<64x128xf32, #tpu.memory_space<vmem>>) attributes {dimension_semantics = [#tpu.dimension_semantics<arbitrary>], iteration_bounds = array<i64: 5>, scalar_prefetch = 0 : i64, scratch_operands = 2 : i64, tpu.core_type = #tpu.core_type<tc>, window_params = [{transform_indices = @transform_0, window_bounds = array<i64: 2000, 128>}, {transform_indices = @transform_1, window_bounds = array<i64: 2, 2000, 128>}, {transform_indices = @transform_2, window_bounds = array<i64: 1, 1, 2000>}, {pipeline_mode = #tpu.pipeline_mode<synchronous>, transform_indices = @transform_3, window_bounds = array<i64: 128, 128>}, {pipeline_mode = #tpu.pipeline_mode<synchronous>, transform_indices = @transform_4, window_bounds = array<i64: 1, 128>}, {pipeline_mode = #tpu.pipeline_mode<synchronous>, transform_indices = @transform_5, window_bounds = array<i64: 128, 128>}, {pipeline_mode = #tpu.pipeline_mode<synchronous>, transform_indices = @transform_6, window_bounds = array<i64: 1, 128>}, {pipeline_mode = #tpu.pipeline_mode<synchronous>, transform_indices = @transform_7, window_bounds = array<i64: 64, 128>}]} {
    %get3A = arith.constant 0 : index
    %get3A_0 = arith.constant 0 : index
    %get3A_1 = vector.load %arg1[%get3A, %get3A_0] : memref<2000x128xf32, #tpu.memory_space<vmem>>, vector<2000x128xf32>
    %get3A_2 = arith.constant 0 : index
    %get3A_3 = arith.constant 0 : index
    %get3A_4 = arith.constant 0 : index
    %get3A_5 = vector.load %arg2[%get3A_2, %get3A_3, %get3A_4] : memref<2x2000x128xf32, #tpu.memory_space<vmem>>, vector<1x2000x128xf32>
    %get3A_6 = vector.shape_cast %get3A_5 : vector<1x2000x128xf32> to vector<2000x128xf32>
    %add3A = arith.addf %get3A_1, %get3A_6 : vector<2000x128xf32>
    %get3A_7 = arith.constant 1 : index
    %get3A_8 = arith.constant 0 : index
    %get3A_9 = arith.constant 0 : index
    %get3A_10 = vector.load %arg2[%get3A_7, %get3A_8, %get3A_9] : memref<2x2000x128xf32, #tpu.memory_space<vmem>>, vector<1x2000x128xf32>
    %get3A_11 = vector.shape_cast %get3A_10 : vector<1x2000x128xf32> to vector<2000x128xf32>
    %add3A_12 = arith.addf %add3A, %get3A_11 : vector<2000x128xf32>
    %get3A_13 = arith.constant 0 : index
    %get3A_14 = arith.constant 0 : index
    %get3A_15 = vector.load %arg4[%get3A_13, %get3A_14] : memref<128x128xf32, #tpu.memory_space<vmem>>, vector<128x128xf32>
    %dot_general3A = arith.constant dense<0.000000e+00> : vector<2000x128xf32>
    %dot_general3A_16 = tpu.matmul %add3A_12, %get3A_15, %dot_general3A {dimension_numbers = #tpu.dot_dimension_numbers<[1], [0], [0], [1], [0, 0, 1, 1], [], []>, transpose_lhs_hint = false} : vector<2000x128xf32>, vector<128x128xf32>, vector<2000x128xf32> -> vector<2000x128xf32>
    %get3A_17 = arith.constant 0 : index
    %get3A_18 = arith.constant 0 : index
    %get3A_19 = vector.load %arg5[%get3A_17, %get3A_18] : memref<1x128xf32, #tpu.memory_space<vmem>>, vector<1x128xf32>
    %add3A_20 = vector.broadcast %get3A_19 : vector<1x128xf32> to vector<2000x128xf32>
    %add3A_21 = arith.addf %dot_general3A_16, %add3A_20 : vector<2000x128xf32>
    %max3A = arith.constant 0.000000e+00 : f32
    %max3A_22 = vector.broadcast %max3A : f32 to vector<2000x128xf32>
    %max3A_23 = arith.maximumf %add3A_21, %max3A_22 : vector<2000x128xf32>
    %get3A_24 = arith.constant 0 : index
    %get3A_25 = arith.constant 0 : index
    %get3A_26 = vector.load %arg6[%get3A_24, %get3A_25] : memref<128x128xf32, #tpu.memory_space<vmem>>, vector<128x128xf32>
    %dot_general3A_27 = arith.constant dense<0.000000e+00> : vector<2000x128xf32>
    %dot_general3A_28 = tpu.matmul %max3A_23, %get3A_26, %dot_general3A_27 {dimension_numbers = #tpu.dot_dimension_numbers<[1], [0], [0], [1], [0, 0, 1, 1], [], []>, transpose_lhs_hint = false} : vector<2000x128xf32>, vector<128x128xf32>, vector<2000x128xf32> -> vector<2000x128xf32>
    %get3A_29 = arith.constant 0 : index
    %get3A_30 = arith.constant 0 : index
    %get3A_31 = vector.load %arg7[%get3A_29, %get3A_30] : memref<1x128xf32, #tpu.memory_space<vmem>>, vector<1x128xf32>
    %add3A_32 = vector.broadcast %get3A_31 : vector<1x128xf32> to vector<2000x128xf32>
    %add3A_33 = arith.addf %dot_general3A_28, %add3A_32 : vector<2000x128xf32>
    %max3A_34 = arith.constant 0.000000e+00 : f32
    %max3A_35 = vector.broadcast %max3A_34 : f32 to vector<2000x128xf32>
    %max3A_36 = arith.maximumf %add3A_33, %max3A_35 : vector<2000x128xf32>
    %get3A_37 = arith.constant 0 : index
    %get3A_38 = arith.constant 0 : index
    %get3A_39 = arith.constant 0 : index
    %get3A_40 = vector.load %arg3[%get3A_37, %get3A_38, %get3A_39] : memref<1x1x2000xi32, #tpu.memory_space<vmem>>, vector<1x1x2000xi32>
    %get3A_41 = vector.shape_cast %get3A_40 : vector<1x1x2000xi32> to vector<1x2000xi32>
    %iota3A = tpu.iota {dimensions = array<i32: 0>} : vector<64x2000xi32>
    %broadcast_in_dim3A = vector.shape_cast %get3A_41 : vector<1x2000xi32> to vector<1x2000xi32>
    %broadcast_in_dim3A_42 = vector.broadcast %broadcast_in_dim3A : vector<1x2000xi32> to vector<64x2000xi32>
    %eq3A = arith.cmpi eq, %broadcast_in_dim3A_42, %iota3A : vector<64x2000xi32>
    %convert_element_type3A = arith.extui %eq3A : vector<64x2000xi1> to vector<64x2000xi32>
    %convert_element_type3A_43 = arith.sitofp %convert_element_type3A : vector<64x2000xi32> to vector<64x2000xf32>
    %dot_general3A_44 = arith.constant dense<0.000000e+00> : vector<64x128xf32>
    %dot_general3A_45 = tpu.matmul %convert_element_type3A_43, %max3A_36, %dot_general3A_44 {dimension_numbers = #tpu.dot_dimension_numbers<[1], [0], [0], [1], [0, 0, 1, 1], [], []>, transpose_lhs_hint = false} : vector<64x2000xf32>, vector<2000x128xf32>, vector<64x128xf32> -> vector<64x128xf32>
    %reduce_sum3A = arith.constant dense<0.000000e+00> : vector<64xf32>
    %reduce_sum3A_46 = vector.multi_reduction <add>, %convert_element_type3A_43, %reduce_sum3A [1] : vector<64x2000xf32> to vector<64xf32>
    %broadcast_in_dim3A_47 = vector.shape_cast %reduce_sum3A_46 : vector<64xf32> to vector<64x1xf32>
    %broadcast_in_dim3A_48 = vector.shape_cast %broadcast_in_dim3A_47 : vector<64x1xf32> to vector<64x1xf32>
    %broadcast_in_dim3A_49 = vector.broadcast %broadcast_in_dim3A_48 : vector<64x1xf32> to vector<64x128xf32>
    %eq3A_50 = arith.constant 0 : i32
    %eq3A_51 = arith.cmpi eq, %arg0, %eq3A_50 : i32
    %convert_element_type3A_52 = arith.extui %eq3A_51 : i1 to i32
    %cond3A = arith.constant 0 : i32
    %cond3A_53 = arith.cmpi ne, %convert_element_type3A_52, %cond3A : i32
    scf.if %cond3A_53 {
      %swap3A = arith.constant 0 : index
      %swap3A_63 = arith.constant 0 : index
      %swap3A_64 = vector.load %arg9[%swap3A, %swap3A_63] : memref<64x128xf32, #tpu.memory_space<vmem>>, vector<64x128xf32>
      tpu.vector_store %arg9[%swap3A, %swap3A_63], %dot_general3A_45 {strides = array<i32>} : memref<64x128xf32, #tpu.memory_space<vmem>>, vector<64x128xf32>,
      %swap3A_65 = arith.constant 0 : index
      %swap3A_66 = arith.constant 0 : index
      %swap3A_67 = vector.load %arg10[%swap3A_65, %swap3A_66] : memref<64x128xf32, #tpu.memory_space<vmem>>, vector<64x128xf32>
      tpu.vector_store %arg10[%swap3A_65, %swap3A_66], %broadcast_in_dim3A_49 {strides = array<i32>} : memref<64x128xf32, #tpu.memory_space<vmem>>, vector<64x128xf32>,
    } else {
    }
    %gt3A = arith.constant 0 : i32
    %gt3A_54 = arith.cmpi sgt, %arg0, %gt3A : i32
    %convert_element_type3A_55 = arith.extui %gt3A_54 : i1 to i32
    %cond3A_56 = arith.constant 0 : i32
    %cond3A_57 = arith.cmpi ne, %convert_element_type3A_55, %cond3A_56 : i32
    scf.if %cond3A_57 {
      %get3A_63 = arith.constant 0 : index
      %get3A_64 = arith.constant 0 : index
      %get3A_65 = vector.load %arg9[%get3A_63, %get3A_64] : memref<64x128xf32, #tpu.memory_space<vmem>>, vector<64x128xf32>
      %add3A_66 = arith.addf %get3A_65, %dot_general3A_45 : vector<64x128xf32>
      %swap3A = arith.constant 0 : index
      %swap3A_67 = arith.constant 0 : index
      %swap3A_68 = vector.load %arg9[%swap3A, %swap3A_67] : memref<64x128xf32, #tpu.memory_space<vmem>>, vector<64x128xf32>
      tpu.vector_store %arg9[%swap3A, %swap3A_67], %add3A_66 {strides = array<i32>} : memref<64x128xf32, #tpu.memory_space<vmem>>, vector<64x128xf32>,
      %get3A_69 = arith.constant 0 : index
      %get3A_70 = arith.constant 0 : index
      %get3A_71 = vector.load %arg10[%get3A_69, %get3A_70] : memref<64x128xf32, #tpu.memory_space<vmem>>, vector<64x128xf32>
      %add3A_72 = arith.addf %get3A_71, %broadcast_in_dim3A_49 : vector<64x128xf32>
      %swap3A_73 = arith.constant 0 : index
      %swap3A_74 = arith.constant 0 : index
      %swap3A_75 = vector.load %arg10[%swap3A_73, %swap3A_74] : memref<64x128xf32, #tpu.memory_space<vmem>>, vector<64x128xf32>
      tpu.vector_store %arg10[%swap3A_73, %swap3A_74], %add3A_72 {strides = array<i32>} : memref<64x128xf32, #tpu.memory_space<vmem>>, vector<64x128xf32>,
    } else {
    }
    %eq3A_58 = arith.constant 4 : i32
    %eq3A_59 = arith.cmpi eq, %arg0, %eq3A_58 : i32
    %convert_element_type3A_60 = arith.extui %eq3A_59 : i1 to i32
    %cond3A_61 = arith.constant 0 : i32
    %cond3A_62 = arith.cmpi ne, %convert_element_type3A_60, %cond3A_61 : i32
    scf.if %cond3A_62 {
      %get3A_63 = arith.constant 0 : index
      %get3A_64 = arith.constant 0 : index
      %get3A_65 = vector.load %arg9[%get3A_63, %get3A_64] : memref<64x128xf32, #tpu.memory_space<vmem>>, vector<64x128xf32>
      %get3A_66 = arith.constant 0 : index
      %get3A_67 = arith.constant 0 : index
      %get3A_68 = vector.load %arg10[%get3A_66, %get3A_67] : memref<64x128xf32, #tpu.memory_space<vmem>>, vector<64x128xf32>
      %max3A_69 = arith.constant 1.000000e+00 : f32
      %max3A_70 = vector.broadcast %max3A_69 : f32 to vector<64x128xf32>
      %max3A_71 = arith.maximumf %get3A_68, %max3A_70 : vector<64x128xf32>
      %div3A = arith.divf %get3A_65, %max3A_71 : vector<64x128xf32>
      %swap3A = arith.constant 0 : index
      %swap3A_72 = arith.constant 0 : index
      %swap3A_73 = vector.load %arg8[%swap3A, %swap3A_72] : memref<64x128xf32, #tpu.memory_space<vmem>>, vector<64x128xf32>
      tpu.vector_store %arg8[%swap3A, %swap3A_72], %div3A {strides = array<i32>} : memref<64x128xf32, #tpu.memory_space<vmem>>, vector<64x128xf32>,
    } else {
    }
    return
  }
  func.func @transform_0(%arg0: i32) -> (i32, i32) {
    %c0_i32 = arith.constant 0 : i32
    %c0_i32_0 = arith.constant 0 : i32
    return %arg0, %c0_i32 : i32, i32
  }
  func.func @transform_1(%arg0: i32) -> (i32, i32, i32) {
    %c0_i32 = arith.constant 0 : i32
    %c0_i32_0 = arith.constant 0 : i32
    %c0_i32_1 = arith.constant 0 : i32
    return %c0_i32, %arg0, %c0_i32_0 : i32, i32, i32
  }
  func.func @transform_2(%arg0: i32) -> (i32, i32, i32) {
    %c0_i32 = arith.constant 0 : i32
    %c0_i32_0 = arith.constant 0 : i32
    %c0_i32_1 = arith.constant 0 : i32
    return %arg0, %c0_i32, %c0_i32_0 : i32, i32, i32
  }
  func.func @transform_3(%arg0: i32) -> (i32, i32) {
    %c0_i32 = arith.constant 0 : i32
    %c0_i32_0 = arith.constant 0 : i32
    %c0_i32_1 = arith.constant 0 : i32
    return %c0_i32, %c0_i32_0 : i32, i32
  }
  func.func @transform_4(%arg0: i32) -> (i32, i32) {
    %c0_i32 = arith.constant 0 : i32
    %c0_i32_0 = arith.constant 0 : i32
    %c0_i32_1 = arith.constant 0 : i32
    return %c0_i32, %c0_i32_0 : i32, i32
  }
  func.func @transform_5(%arg0: i32) -> (i32, i32) {
    %c0_i32 = arith.constant 0 : i32
    %c0_i32_0 = arith.constant 0 : i32
    %c0_i32_1 = arith.constant 0 : i32
    return %c0_i32, %c0_i32_0 : i32, i32
  }
  func.func @transform_6(%arg0: i32) -> (i32, i32) {
    %c0_i32 = arith.constant 0 : i32
    %c0_i32_0 = arith.constant 0 : i32
    %c0_i32_1 = arith.constant 0 : i32
    return %c0_i32, %c0_i32_0 : i32, i32
  }
  func.func @transform_7(%arg0: i32) -> (i32, i32) {
    %c0_i32 = arith.constant 0 : i32
    %c0_i32_0 = arith.constant 0 : i32
    %c0_i32_1 = arith.constant 0 : i32
    return %c0_i32, %c0_i32_0 : i32, i32
  }
}

</mosaic_0001>

<sc_bundles>
// kernel: kernel.10.cloned.1.call-start
scs
__scs_entry_jumppad:
0x0: {  	(pc) =	sbr.rel $0x88, $3  }
0x1: {  	(tag) =	ssettag $0x0;
	lr =	simm.s32 $0x1  }
0x2: {  	[smem:$0x3F91] =	sst lr;
	_ =	strace $0xD0000000  }
0x3: {  	_ = 	snop  }
0x4: {  	_ = 	snop  }
0x5: {  	_ = 	snop  }
0x6: {  	_ = 	snop  }
0x7: {  	_ = 	snop  }
__scs_overlays_trampoline_lowered:
0x8: {  	[smem:$0x3FA0] =	sst s0  }
0x9: {  	[smem:$0x3FA1] =	sst s1  }
0xa: {  	[smem:$0x3FA2] =	sst s2  }
0xb: {  	[smem:$0x3FA3] =	sst s3  }
0xc: {  	[smem:$0x3FA4] =	sst s4  }
0xd: {  	[smem:$0x3FA5] =	sst s5  }
0xe: {  	[smem:$0x3FA6] =	sst s6  }
0xf: {  	[smem:$0x3FA7] =	sst s7  }
0x10: {  	[smem:$0x3FA8] =	sst s8  }
0x11: {  	[smem:$0x3FA9] =	sst s9;
	s0 =	simm.s32 @!p0 $0x0  }
0x12: {  	s1 =	sld [smem:$0x3F8F];
	s0 =	simm.s32 @p0 $0x1  }
0x13: {  	[smem:$0x3FAA] =	sst s0;
	s0 =	simm.s32 @!p1 $0x0  }
0x14: {  	s2 =	sld [smem:$0x3F8E];
	s0 =	simm.s32 @p1 $0x1  }
0x15: {  	[smem:$0x3FAB] =	sst s0;
	s0 =	simm.s32 @!p2 $0x0  }
0x16: {  	s3 =	sld [smem:$0x3FDB];
	s0 =	simm.s32 @p2 $0x1  }
0x17: {  	s4 =	simm.s32 $0x1BF5;
	[smem:$0x3FAD] =	sst s0  }
0x18: {  	s0 =	sld [smem:$0x3F90];
	_ =	swait.ge [sflag:s4], $0x0  }
0x19: {  	s7 =	sld [smem:$0x3F91]  }
0x1a: {  	s8 =	sadd.s32 $0xFFFFE003, lr  }
0x1b: {  	s9 =	sadd.s32 $0xFFFFFEF7, lr;
	s5 =	simm.s32 $0xFFFFFFFF;
	p2 =	slt.u32 s8, $0xFFFFF086  }
0x1c: {  	p1 =	slt.u32 s9, $0xF7A;
	s5 =	simm.s32 @!p2 $0x0  }
0x1d: {  	s5 =	simm.s32 @p1 $0x1;
	p0 =	seq.s32 s7, s2  }
0x1e: {  	s7 =	smul.u32 @!p0 $0xF7A, s2;
	p2 =	seq.s32 @!p0 s5, $0x0  }
0x1f: {  	s9 =	smul.u32 $0xF7A, s1;
	s8 =	simm.s32 @!p0 $0x1BF5;
	p2 =	por !p2, p0  }
0x20: {  	[sflag:s8] =	ssyncset.s32 @!p0 $0xFFFFF086;
	s6 =	sadd.s32 @!p0 s3, s7;
	s7 =	simm.s32 @!p0 $0x108  }
0x21: {  	s3 =	sadd.s32 s3, s9;
	s6 =	sadd.s32 @!p0 $0x88, s6;
	s7 =	simm.s32 @p2 $0x1082  }
0x22: {  	[simem:s7], [sflag:s8] =	dma.local @!p0 [hbm:s6], $0xF7A  }
0x23: {  	s9 =	sor.u32 $0xD0000000, s2;
	s6 =	simm.s32 $0x108;
	_ =	swait.ge @!p0 [sflag:s8], $0x0  }
0x24: {  	s3 =	sadd.s32 $0x88, s3;
	s6 =	simm.s32 @!p1 $0x1082;
	[sflag:s4] =	ssyncset.s32 $0xFFFFF086  }
0x25: {  	[simem:s6], [sflag:s4] =	dma.local [hbm:s3], $0xF7A  }
0x26: {  	[smem:$0x3F91] =	sst s1;
	(tag) =	ssettag s2;
	_ =	strace s9  }
0x27: {  	s1 =	sld [smem:$0x3FA1]  }
0x28: {  	s2 =	sld [smem:$0x3FA2]  }
0x29: {  	s4 =	sld [smem:$0x3FA4]  }
0x2a: {  	p0 =	seq.s32 s5, $0x0;
	s5 =	sld [smem:$0x3FA5]  }
0x2b: {  	s6 =	sld [smem:$0x3FA6]  }
0x2c: {  	s7 =	sld [smem:$0x3FA7]  }
0x2d: {  	s3 =	simm.s32 $0x108;
	s8 =	sld [smem:$0x3FA8]  }
0x2e: {  	s3 =	simm.s32 @!p0 $0x1082;
	s9 =	sld [smem:$0x3FA9]  }
0x2f: {  	lr =	sadd.s32 s0, s3;
	s0 =	sld [smem:$0x3FA0]  }
0x30: {  	s3 =	sld [smem:$0x3FA3]  }
0x31: {  	[smem:$0x3FAC] =	sst s10  }
0x32: {  	s10 =	sld [smem:$0x3FAA];
	_ =	sdelay $0x3  }
0x33: {  	p0 =	seq.s32 s10, $0x1;
	s10 =	sld [smem:$0x3FAC];
	_ =	sdelay $0x3  }
0x34: {  	[smem:$0x3FAC] =	sst s10  }
0x35: {  	s10 =	sld [smem:$0x3FAB];
	_ =	sdelay $0x3  }
0x36: {  	p1 =	seq.s32 s10, $0x1;
	s10 =	sld [smem:$0x3FAC];
	_ =	sdelay $0x3  }
0x37: {  	[smem:$0x3FAC] =	sst s10  }
0x38: {  	s10 =	sld [smem:$0x3FAD]  }
0x39: {  	_ = 	snop;
	(pc) =	sbr.ind lr, $3  }
0x3a: {  	_ = 	snop  }
0x3b: {  	_ = 	snop  }
0x3c: {  	p2 =	seq.s32 s10, $0x1;
	s10 =	sld [smem:$0x3FAC]  }
0x3d: {  	_ =	shalt  }
0x3e: {  	_ =	shalt  }
0x3f: {  	_ =	shalt  }
0x40: {  	_ =	shalt  }
0x41: {  	_ =	shalt  }
0x42: {  	_ =	shalt  }
0x43: {  	_ =	shalt  }
0x44: {  	_ =	shalt  }
0x45: {  	_ =	shalt  }
0x46: {  	_ =	shalt  }
0x47: {  	_ =	shalt  }
0x48: {  	_ =	shalt  }
0x49: {  	_ =	shalt  }
0x4a: {  	_ =	shalt  }
0x4b: {  	_ =	shalt  }
0x4c: {  	_ =	shalt  }
0x4d: {  	_ =	shalt  }
0x4e: {  	_ =	shalt  }
0x4f: {  	_ =	shalt  }
0x50: {  	_ =	shalt  }
0x51: {  	_ =	shalt  }
0x52: {  	_ =	shalt  }
0x53: {  	_ =	shalt  }
0x54: {  	_ =	shalt  }
0x55: {  	_ =	shalt  }
0x56: {  	_ =	shalt  }
0x57: {  	_ =	shalt  }
0x58: {  	_ =	shalt  }
0x59: {  	_ =	shalt  }
0x5a: {  	_ =	shalt  }
0x5b: {  	_ =	shalt  }
0x5c: {  	_ =	shalt  }
0x5d: {  	_ =	shalt  }
0x5e: {  	_ =	shalt  }
0x5f: {  	_ =	shalt  }
0x60: {  	_ =	shalt  }
0x61: {  	_ =	shalt  }
0x62: {  	_ =	shalt  }
0x63: {  	_ =	shalt  }
0x64: {  	_ =	shalt  }
0x65: {  	_ =	shalt  }
0x66: {  	_ =	shalt  }
0x67: {  	_ =	shalt  }
0x68: {  	_ =	shalt  }
0x69: {  	_ =	shalt  }
0x6a: {  	_ =	shalt  }
0x6b: {  	_ =	shalt  }
0x6c: {  	_ =	shalt  }
0x6d: {  	_ =	shalt  }
0x6e: {  	_ =	shalt  }
0x6f: {  	_ =	shalt  }
0x70: {  	_ =	shalt  }
0x71: {  	_ =	shalt  }
0x72: {  	_ =	shalt  }
0x73: {  	_ =	shalt  }
0x74: {  	_ =	shalt  }
0x75: {  	_ =	shalt  }
0x76: {  	_ =	shalt  }
0x77: {  	_ =	shalt  }
0x78: {  	_ =	shalt  }
0x79: {  	_ =	shalt  }
0x7a: {  	_ =	shalt  }
0x7b: {  	_ =	shalt  }
0x7c: {  	_ =	shalt  }
0x7d: {  	_ =	shalt  }
0x7e: {  	_ =	shalt  }
0x7f: {  	_ =	shalt  }
0x80: {  	_ =	shalt  }
0x81: {  	_ =	shalt  }
0x82: {  	_ =	shalt  }
0x83: {  	_ =	shalt  }
0x84: {  	_ =	shalt  }
0x85: {  	_ =	shalt  }
0x86: {  	_ =	shalt  }
0x87: {  	_ =	shalt  }
.Lfunc_end0:
.L_simem_size_0:
called_computation.1_lowered:
.L_overlay_start_0:
0x88: {  	s2 =	sld [smem:$0x3FD9]  }
0x89: {  	s3 =	sld [smem:$0x3FFE];
	_ =	sdelay $0x1  }
0x8a: {  	s1 =	srdreg.scid  }
0x8b: {  	s0 =	sand.u32 $0x1, s1  }
0x8c: {  	s16 =	sshll.u32 s0, $0xA;
	s2 =	sadd.s32 s3, s2  }
0x8d: {  	s2 =	sadd.s32 s2, s16  }
0x8e: {  	[smem:$0x3FB8] =	sst s2  }
0x8f: {  	_ = 	snop  }
0x90: {  	(tm) =	ssettm $0x1  }
0x91: {  	s17 =	sld [smem:$0x3FFB];
	_ =	sdelay $0x3  }
0x92: {  	_ =	strace s17  }
0x93: {  	s2 =	sld [smem:$0x3FFC];
	_ =	sdelay $0x3  }
0x94: {  	_ =	strace s2  }
0x95: {  	s2 =	sld [smem:$0x3FFD];
	_ =	sdelay $0x3  }
0x96: {  	_ =	strace s2  }
0x97: {  	_ =	strace $0x8FFFFFFF  }
0x98: {  	s18 =	sld [smem:$0x3FDB];
	_ =	sdelay $0x1  }
0x99: {  	s19 =	simm.s32 $_scs_section_size  }
0x9a: {  	s4 =	simm.s32 $_size__tile_overlayer_lowered;
	s5 =	simm.s32 $_tile_overlayer_lowered  }
0x9b: {  	s22 =	simm.s32 $0x1BFF;
	s21 =	sshll.u32 s5, $0x1;
	s2 =	sadd.s32 s19, s18  }
0x9c: {  	s6 =	simm.s32 $0x0;
	s20 =	sshll.u32 s4, $0x1;
	s4 =	sadd.s32 s21, s2  }
0x9d: {  	[timem:s6], [sflag:s22] =	dma.local [hbm:s4], s20  }
0x9e: {  	_ =	swait.ge [sflag:s22], s20  }
0x9f: {  	s3 =	ssub.s32 $0x0, s20;
	[sflag:s22] =	ssyncset.done $0x0  }
0xa0: {  	[sflag:s22] =	ssyncadd.s32 s3;
	_ =	sdelay $0x1  }
0xa1: {  	s23 =	simm.s32 $0x1B8B  }
0xa2: {  	_ =	swait.ge [sflag:s23], $0x1  }
0xa3: {  	[sflag:s23] =	ssyncset.done $0x0  }
0xa4: {  	s25 =	simm.s32 $0x1B8E;
	s24 =	sld [smem:$0x3FFE];
	[sflag:s23] =	ssyncadd.s32 $0xFFFFFFFF  }
0xa5: {  	s26 =	simm.s32 $execute0_lowered;
	[smem:$0x3FD2] =	sst s25  }
0xa6: {  	s4 =	sshll.u32 s26, $0x1;
	_ =	strace $0x80000049;
	[dreg:$0x1] =	wrdreg $0xFFFFFFFF  }
0xa7: {  	s28 =	simm.s32 $_size_execute0_lowered;
	s2 =	sadd.s32 s2, s4;
	[dreg:$0x0] =	wrdreg $0x0  }
0xa8: {  	s4 =	sshll.u32 s28, $0x1;
	[dreg:$0x2] =	wrdreg s2  }
0xa9: {  	[dreg:$0x3] =	wrdreg s4  }
0xaa: {  	[dreg:$0x4] =	wrdreg $0xC0  }
0xab: {  	_ =	task [dreg:s6], $0x5FFFF  }
0xac: {  	[dreg:$0x1] =	wrdreg $0xFFFFFFFF  }
0xad: {  	[dreg:$0x0] =	wrdreg $0x60  }
0xae: {  	[dreg:$0x2] =	wrdreg s24  }
0xaf: {  	[dreg:$0x3] =	wrdreg $0x90000  }
0xb0: {  	[dreg:$0x4] =	wrdreg $0x9  }
0xb1: {  	_ =	task.clear_ibuf [dreg:s6], $0x5FFFF;
	_ =	strace $0x90000049  }
0xb2: {  	s29 =	simm.s32 $0x9;
	_ =	strace $0x8000004B  }
0xb3: {  	_ =	swait.ge [sflag:s29], $0x1  }
0xb4: {  	[sflag:s29] =	ssyncadd.s32 $0xFFFFFFFF  }
0xb5: {  	_ =	strace $0x9000004B  }
0xb6: {  	_ =	sfence  }
0xb7: {  	s30 =	sld [smem:$0x0];
	_ =	sdelay $0x2  }
0xb8: {  	s31 =	sshll.u32 s1, $0xD;
	s1 =	sshrl.u32 s1, $0x2  }
0xb9: {  	s3 =	sand.u32 $0x4000, s31;
	s1 =	sadd.s32 s1, s30  }
0xba: {  	s0 =	sor.u32 s3, s0;
	s1 =	sshll.u32 s1, $0x11  }
0xbb: {  	s0 =	sor.u32 s1, s0  }
0xbc: {  	s0 =	sadd.s32 $0x8F2B, s0  }
0xbd: {  	[sflag:s0] =	ssyncadd.remote.s32 $0x1  }
0xbe: {  	_ =	sfence.sel $0xFFFF  }
0xbf: {  	[dreg:$0x0] =	wrdreg $0xFFFFFFFF;
	(pc) =	sbr.abs _section_cstart, $3  }
0xc0: {  	[dreg:$0x1] =	wrdreg $0xFFFFFFFF  }
0xc1: {  	_ =	task.clear_ibuf [dreg:s6], $0x2FFFF;
	_ =	strace $0x9FFFFFFF  }
0xc2: {  	(tm) =	ssettm $0x7FFFFFFF  }
0xc3: {  	_ =	shalt  }
tec
execute0_lowered:
.L_overlay_start_1:
0x0: {  	(tag) =	ssettag $0x1  }
0x1: {  	s0 =	rddreg [dreg:$0x0]  }
0x2: {  	s2 =	srdreg.scid;
	s16 =	stileid.u32  }
0x3: {  	s1 =	rddreg [dreg:$0x1];
	s4 =	smul.u32 $0x60, s16  }
0x4: {  	s3 =	sand.u32 $0x1, s2;
	s2 =	simm.s32 $0x0;
	s8 =	smul.u32 $0x14000, s16  }
0x5: {  	s9 =	sadd.s32 $0x51C00, s0;
	s5 =	ssub.s32 $0x2, s3;
	s6 =	smul.u32 $0x140000, s3  }
0x6: {  	[smem:$0x7FF] =	sst s2;
	p0 =	seq.s32 s3, $0x0;
	s7 =	sshrl.u32 s5, $0x1  }
0x7: {  	s3 =	sadd.s32 $0xE00, s4;
	s10 =	sadd.s32 $0x4000, s8;
	s12 =	sadd.s32 $0x6000, s8  }
0x8: {  	s13 =	sadd.s32 $0xA000, s8;
	s5 =	ssub.s32 s5, s7;
	s7 =	smul.u32 $0xE0, s16  }
0x9: {  	s15 =	sadd.s32 s6, s8;
	s11 =	sadd.s32 s6, s10;
	s19 =	sadd.s32 s6, s12  }
0xa: {  	s14 =	sadd.s32 s6, s13;
	s4 =	sshrl.u32 s15, $0x3;
	s18 =	sshrl.u32 s11, $0x3  }
0xb: {  	s20 =	sshrl.u32 s19, $0x3;
	s11 =	sadd.s32 $0x8000, s8;
	s19 =	sadd.s32 $0xC000, s8  }
0xc: {  	s22 =	sshrl.u32 s14, $0x3;
	s3 =	smov.u32 @p0 s7;
	s7 =	sor.u32 $0x2000, s8  }
0xd: {  	s14 =	sadd.s32 $0xE000, s8;
	s4 =	sadd.s32 s9, s4;
	s17 =	sadd.s32 s6, s7  }
0xe: {  	s21 =	sadd.s32 s6, s11;
	[dreg:$0x3] =	wrdreg s4;
	s4 =	sshrl.u32 s17, $0x3  }
0xf: {  	s23 =	sadd.s32 s6, s19;
	s25 =	sadd.s32 s6, s14;
	s4 =	sadd.s32 s9, s4  }
0x10: {  	s24 =	sshrl.u32 s23, $0x3;
	[dreg:$0x4] =	wrdreg s4;
	s4 =	sadd.s32 s9, s18  }
0x11: {  	s23 =	sshll.u32 s3, $0xA;
	[dreg:$0x5] =	wrdreg s4;
	s4 =	sadd.s32 s9, s20  }
0x12: {  	s18 =	sadd.s32 $0x2A00, s0;
	[dreg:$0x6] =	wrdreg s4;
	s4 =	sshrl.u32 s21, $0x3  }
0x13: {  	s20 =	sadd.s32 $0x10000, s8;
	s8 =	sadd.s32 $0x12000, s8;
	s4 =	sadd.s32 s9, s4  }
0x14: {  	s15 =	sadd.s32 s6, s20;
	[dreg:$0x7] =	wrdreg s4;
	s4 =	sadd.s32 s9, s22  }
0x15: {  	s6 =	sadd.s32 s6, s8;
	[dreg:$0x8] =	wrdreg s4;
	s4 =	sadd.s32 s9, s24  }
0x16: {  	s26 =	sshrl.u32 s15, $0x3;
	[dreg:$0x9] =	wrdreg s4;
	s4 =	sshrl.u32 s25, $0x3  }
0x17: {  	s6 =	sshrl.u32 s6, $0x3;
	s15 =	sadd.s32 $0x2AA00, s0;
	s4 =	sadd.s32 s9, s4  }
0x18: {  	s22 =	sshll.u32 s3, $0x5;
	[dreg:$0xa] =	wrdreg s4;
	s4 =	sadd.s32 s9, s26  }
0x19: {  	[dreg:$0xb] =	wrdreg s4;
	s4 =	sadd.s32 s9, s6;
	s9 =	smul.u32 $0x50000, s16  }
0x1a: {  	s16 =	sadd.s32 $0xEE4A00, s0;
	s0 =	sadd.s32 s18, s22;
	[dreg:$0xc] =	wrdreg s4  }
0x1b: {  	s24 =	sadd.s32 s16, s23;
	_ =	strace $0x8000004A;
	[dreg:$0xe] =	wrdreg s0  }
0x1c: {  	s25 =	smax.u32 s5, $0x1;
	[dreg:$0xf] =	wrdreg s24  }
0x1d: {  	s26 =	sadd.s32 s7, s1;
	[dreg:$0x10] =	wrdreg s25  }
0x1e: {  	s4 =	sadd.s32 s10, s1;
	[dreg:$0x11] =	wrdreg s26  }
0x1f: {  	s5 =	sadd.s32 s12, s1;
	[dreg:$0x12] =	wrdreg s4  }
0x20: {  	s7 =	sadd.s32 s11, s1;
	[dreg:$0x13] =	wrdreg s5  }
0x21: {  	s10 =	sadd.s32 s19, s1;
	[dreg:$0x14] =	wrdreg s7  }
0x22: {  	s11 =	sadd.s32 s14, s1;
	[dreg:$0x16] =	wrdreg s10  }
0x23: {  	s12 =	sadd.s32 s20, s1;
	[dreg:$0x17] =	wrdreg s11  }
0x24: {  	s21 =	sshrl.u32 s9, $0x2;
	s9 =	sadd.s32 s13, s1;
	[dreg:$0x18] =	wrdreg s12  }
0x25: {  	s13 =	sadd.s32 s8, s1;
	[dreg:$0x15] =	wrdreg s9  }
0x26: {  	s28 =	simm.s32 $0x3;
	s6 =	sadd.s32 s21, s1;
	[dreg:$0x19] =	wrdreg s13  }
0x27: {  	s29 =	simm.s32 $0x2;
	s14 =	sadd.s32 $0x2000, s6;
	[dreg:$0xd] =	wrdreg s6  }
0x28: {  	s30 =	simm.s32 $0x4;
	s19 =	sadd.s32 $0x4000, s6;
	[dreg:$0x1a] =	wrdreg s14  }
0x29: {  	s31 =	simm.s32 $0x5;
	s20 =	sadd.s32 $0x6000, s6;
	[dreg:$0x1b] =	wrdreg s19  }
0x2a: {  	s17 =	simm.s32 $0x70;
	s21 =	sadd.s32 $0x8000, s6;
	[dreg:$0x1c] =	wrdreg s20  }
0x2b: {  	s17 =	simm.s32 @!p0 $0x30;
	s22 =	sadd.s32 $0xA000, s6;
	[dreg:$0x1d] =	wrdreg s21  }
0x2c: {  	s0 =	sshrl.u32 s3, $0x4;
	s23 =	sadd.s32 $0xC000, s6;
	[dreg:$0x1e] =	wrdreg s22  }
0x2d: {  	s4 =	sor.u32 $0x1, s3;
	s24 =	sadd.s32 $0xE000, s6;
	[dreg:$0x1f] =	wrdreg s23  }
.Ltmp0:
0x2e: {  	s25 =	sadd.s32 $0x10000, s6;
	[smem:$0x7FB] =	sst s24;
	(pc) =	sbr.rel .LBB2_1-.Ltmp0, $4  }
0x2f: {  	s11 =	simm.s32 $0x6;
	s26 =	sadd.s32 $0x12000, s6;
	[smem:$0x7FC] =	sst s25  }
0x30: {  	s5 =	simm.s32 $0x0;
	[smem:$0x7FD] =	sst s26;
	s20 =	simm.s32 $0x1000  }
0x31: {  	s21 =	simm.s32 $0x7;
	s22 =	simm.s32 $0x40;
	s23 =	simm.s32 $0x5000  }
0x32: {  	v0 =	vimm.f32 $0.0e+00;
	s24 =	simm.s32 $0x3000;
	s25 =	simm.s32 $0x7000;
	s26 =	simm.s32 $0x1  }
.LBB2_14:
0x33: {  	[bflag:$0x0] =	sbarrier.arrive $0xFFFF  }
0x34: {  	s6 =	rddreg [dreg:$0xd]  }
0x35: {  	[tilespmem:s20], [sflag:$0x7] =	stream.linear.gather [spmem:s6], $0x2000, $0x38;
	[tilespmem:$0x1D000] =	vst v63  }
0x36: {  	_ =	swait.ge [sflag:s21], $0x2000  }
0x37: {  	[sflag:s21] =	ssyncset.done $0x0  }
0x38: {  	s12 =	rddreg [dreg:$0x3];
	[sflag:s21] =	ssyncadd.s32 $0xFFFFE000  }
0x39: {  	[hbm4b:s12+s2] =	stream.linear.scatter [tilespmem:s20], [sflag:$0x7], $0x2000, $0x38;
	[tilespmem:$0x1D000] =	vst v63  }
0x3a: {  	_ =	swait.ge [sflag:s21], $0x2000  }
0x3b: {  	[sflag:s21] =	ssyncset.done $0x0  }
0x3c: {  	s13 =	rddreg [dreg:$0x11];
	[sflag:s21] =	ssyncadd.s32 $0xFFFFE000  }
0x3d: {  	[tilespmem:s20], [sflag:$0x7] =	stream.linear.gather [spmem:s13], $0x2000, $0x38;
	[tilespmem:$0x1D000] =	vst v63  }
0x3e: {  	_ =	swait.ge [sflag:s21], $0x2000  }
0x3f: {  	[sflag:s21] =	ssyncset.done $0x0  }
0x40: {  	s14 =	rddreg [dreg:$0x4];
	[sflag:s21] =	ssyncadd.s32 $0xFFFFE000  }
0x41: {  	[hbm4b:s14+s2] =	stream.linear.scatter [tilespmem:s20], [sflag:$0x7], $0x2000, $0x38;
	[tilespmem:$0x1D000] =	vst v63  }
0x42: {  	_ =	swait.ge [sflag:s21], $0x2000  }
0x43: {  	[sflag:s21] =	ssyncset.done $0x0  }
0x44: {  	s19 =	rddreg [dreg:$0x12];
	[sflag:s21] =	ssyncadd.s32 $0xFFFFE000  }
0x45: {  	[tilespmem:s20], [sflag:$0x7] =	stream.linear.gather [spmem:s19], $0x2000, $0x38;
	[tilespmem:$0x1D000] =	vst v63  }
0x46: {  	_ =	swait.ge [sflag:s21], $0x2000  }
0x47: {  	[sflag:s21] =	ssyncset.done $0x0  }
0x48: {  	s7 =	rddreg [dreg:$0x5];
	[sflag:s21] =	ssyncadd.s32 $0xFFFFE000  }
0x49: {  	[hbm4b:s7+s2] =	stream.linear.scatter [tilespmem:s20], [sflag:$0x7], $0x2000, $0x38;
	[tilespmem:$0x1D000] =	vst v63  }
0x4a: {  	_ =	swait.ge [sflag:s21], $0x2000  }
0x4b: {  	[sflag:s21] =	ssyncset.done $0x0  }
0x4c: {  	s8 =	rddreg [dreg:$0x13];
	[sflag:s21] =	ssyncadd.s32 $0xFFFFE000  }
0x4d: {  	[tilespmem:s20], [sflag:$0x7] =	stream.linear.gather [spmem:s8], $0x2000, $0x38;
	[tilespmem:$0x1D000] =	vst v63  }
0x4e: {  	_ =	swait.ge [sflag:s21], $0x2000  }
0x4f: {  	[sflag:s21] =	ssyncset.done $0x0  }
0x50: {  	s9 =	rddreg [dreg:$0x6];
	[sflag:s21] =	ssyncadd.s32 $0xFFFFE000  }
0x51: {  	[hbm4b:s9+s2] =	stream.linear.scatter [tilespmem:s20], [sflag:$0x7], $0x2000, $0x38;
	[tilespmem:$0x1D000] =	vst v63  }
0x52: {  	_ =	swait.ge [sflag:s21], $0x2000  }
0x53: {  	[sflag:s21] =	ssyncset.done $0x0  }
0x54: {  	s10 =	rddreg [dreg:$0x14];
	[sflag:s21] =	ssyncadd.s32 $0xFFFFE000  }
0x55: {  	[tilespmem:s20], [sflag:$0x7] =	stream.linear.gather [spmem:s10], $0x2000, $0x38;
	[tilespmem:$0x1D000] =	vst v63  }
0x56: {  	_ =	swait.ge [sflag:s21], $0x2000  }
0x57: {  	[sflag:s21] =	ssyncset.done $0x0  }
0x58: {  	s12 =	rddreg [dreg:$0x7];
	[sflag:s21] =	ssyncadd.s32 $0xFFFFE000  }
0x59: {  	[hbm4b:s12+s2] =	stream.linear.scatter [tilespmem:s20], [sflag:$0x7], $0x2000, $0x38;
	[tilespmem:$0x1D000] =	vst v63  }
0x5a: {  	_ =	swait.ge [sflag:s21], $0x2000  }
0x5b: {  	[sflag:s21] =	ssyncset.done $0x0  }
0x5c: {  	s13 =	rddreg [dreg:$0x15];
	[sflag:s21] =	ssyncadd.s32 $0xFFFFE000  }
0x5d: {  	[tilespmem:s20], [sflag:$0x7] =	stream.linear.gather [spmem:s13], $0x2000, $0x38;
	[tilespmem:$0x1D000] =	vst v63  }
0x5e: {  	_ =	swait.ge [sflag:s21], $0x2000  }
0x5f: {  	[sflag:s21] =	ssyncset.done $0x0  }
0x60: {  	s14 =	rddreg [dreg:$0x8];
	[sflag:s21] =	ssyncadd.s32 $0xFFFFE000  }
0x61: {  	[hbm4b:s14+s2] =	stream.linear.scatter [tilespmem:s20], [sflag:$0x7], $0x2000, $0x38;
	[tilespmem:$0x1D000] =	vst v63  }
0x62: {  	_ =	swait.ge [sflag:s21], $0x2000  }
0x63: {  	[sflag:s21] =	ssyncset.done $0x0  }
0x64: {  	s19 =	rddreg [dreg:$0x16];
	[sflag:s21] =	ssyncadd.s32 $0xFFFFE000  }
0x65: {  	[tilespmem:s20], [sflag:$0x7] =	stream.linear.gather [spmem:s19], $0x2000, $0x38;
	[tilespmem:$0x1D000] =	vst v63  }
0x66: {  	_ =	swait.ge [sflag:s21], $0x2000  }
0x67: {  	[sflag:s21] =	ssyncset.done $0x0  }
0x68: {  	s7 =	rddreg [dreg:$0x9];
	[sflag:s21] =	ssyncadd.s32 $0xFFFFE000  }
0x69: {  	[hbm4b:s7+s2] =	stream.linear.scatter [tilespmem:s20], [sflag:$0x7], $0x2000, $0x38;
	[tilespmem:$0x1D000] =	vst v63  }
0x6a: {  	_ =	swait.ge [sflag:s21], $0x2000  }
0x6b: {  	[sflag:s21] =	ssyncset.done $0x0  }
0x6c: {  	s8 =	rddreg [dreg:$0x17];
	[sflag:s21] =	ssyncadd.s32 $0xFFFFE000  }
0x6d: {  	[tilespmem:s20], [sflag:$0x7] =	stream.linear.gather [spmem:s8], $0x2000, $0x38;
	[tilespmem:$0x1D000] =	vst v63  }
0x6e: {  	_ =	swait.ge [sflag:s21], $0x2000  }
0x6f: {  	[sflag:s21] =	ssyncset.done $0x0  }
0x70: {  	s9 =	rddreg [dreg:$0xa];
	[sflag:s21] =	ssyncadd.s32 $0xFFFFE000  }
0x71: {  	[hbm4b:s9+s2] =	stream.linear.scatter [tilespmem:s20], [sflag:$0x7], $0x2000, $0x38;
	[tilespmem:$0x1D000] =	vst v63  }
0x72: {  	_ =	swait.ge [sflag:s21], $0x2000  }
0x73: {  	[sflag:s21] =	ssyncset.done $0x0  }
0x74: {  	s10 =	rddreg [dreg:$0x18];
	[sflag:s21] =	ssyncadd.s32 $0xFFFFE000  }
0x75: {  	[tilespmem:s20], [sflag:$0x7] =	stream.linear.gather [spmem:s10], $0x2000, $0x38;
	[tilespmem:$0x1D000] =	vst v63  }
0x76: {  	_ =	swait.ge [sflag:s21], $0x2000  }
0x77: {  	[sflag:s21] =	ssyncset.done $0x0  }
0x78: {  	s12 =	rddreg [dreg:$0xb];
	[sflag:s21] =	ssyncadd.s32 $0xFFFFE000  }
0x79: {  	[hbm4b:s12+s2] =	stream.linear.scatter [tilespmem:s20], [sflag:$0x7], $0x2000, $0x38;
	[tilespmem:$0x1D000] =	vst v63  }
0x7a: {  	_ =	swait.ge [sflag:s21], $0x2000  }
0x7b: {  	[sflag:s21] =	ssyncset.done $0x0  }
0x7c: {  	s13 =	rddreg [dreg:$0x19];
	[sflag:s21] =	ssyncadd.s32 $0xFFFFE000  }
0x7d: {  	[tilespmem:s20], [sflag:$0x7] =	stream.linear.gather [spmem:s13], $0x2000, $0x38;
	[tilespmem:$0x1D000] =	vst v63  }
0x7e: {  	_ =	swait.ge [sflag:s21], $0x2000  }
0x7f: {  	[sflag:s21] =	ssyncset.done $0x0  }
0x80: {  	s14 =	rddreg [dreg:$0xc];
	[sflag:s21] =	ssyncadd.s32 $0xFFFFE000  }
0x81: {  	[hbm4b:s14+s2] =	stream.linear.scatter [tilespmem:s20], [sflag:$0x7], $0x2000, $0x38;
	[tilespmem:$0x1D000] =	vst v63  }
0x82: {  	_ =	swait.ge [sflag:s21], $0x2000  }
0x83: {  	s5 =	sadd.s32 $0x1, s5;
	s19 =	rddreg [dreg:$0x10]  }
0x84: {  	p0 =	sne.s32 s5, s19  }
.Ltmp1:
0x85: {  	_ = 	snop;
	(pc) =	sbr.rel @!p0 .LBB2_15-.Ltmp1, $3  }
0x86: {  	_ =	sdelay $0x1  }
0x87: {  	[sflag:s21] =	ssyncset.done $0x0  }
0x88: {  	[sflag:s21] =	ssyncadd.s32 $0xFFFFE000  }
.LBB2_1:
0x89: {  	s6 =	simm.s32 $0x1100  }
0x8a: {  	[tilespmem:s6+$0xFFFFFF00] =	vst v0  }
0x8b: {  	[tilespmem:s6+$0xF0] =	vst v0  }
0x8c: {  	[tilespmem:s6+$0xE0] =	vst v0  }
0x8d: {  	[tilespmem:s6+$0xD0] =	vst v0  }
0x8e: {  	[tilespmem:s6+$0xC0] =	vst v0  }
0x8f: {  	[tilespmem:s6+$0xB0] =	vst v0  }
0x90: {  	[tilespmem:s6+$0xA0] =	vst v0  }
0x91: {  	[tilespmem:s6+$0x90] =	vst v0  }
0x92: {  	[tilespmem:s6+$0x80] =	vst v0  }
0x93: {  	[tilespmem:s6+$0x70] =	vst v0  }
0x94: {  	[tilespmem:s6+$0x60] =	vst v0  }
0x95: {  	[tilespmem:s6+$0x50] =	vst v0  }
0x96: {  	[tilespmem:s6+$0x40] =	vst v0  }
0x97: {  	[tilespmem:s6+$0x30] =	vst v0  }
0x98: {  	[tilespmem:s6+$0x20] =	vst v0  }
0x99: {  	[tilespmem:s6+$0x10] =	vst v0  }
0x9a: {  	[tilespmem:s6+$0x0] =	vst v0  }
0x9b: {  	[tilespmem:s6+$0xFFFFFFF0] =	vst v0  }
0x9c: {  	[tilespmem:s6+$0xFFFFFFE0] =	vst v0  }
0x9d: {  	[tilespmem:s6+$0xFFFFFFD0] =	vst v0  }
0x9e: {  	[tilespmem:s6+$0xFFFFFFC0] =	vst v0  }
0x9f: {  	[tilespmem:s6+$0xFFFFFFB0] =	vst v0  }
0xa0: {  	[tilespmem:s6+$0xFFFFFFA0] =	vst v0  }
0xa1: {  	[tilespmem:s6+$0xFFFFFF90] =	vst v0  }
0xa2: {  	[tilespmem:s6+$0xFFFFFF80] =	vst v0  }
0xa3: {  	[tilespmem:s6+$0xFFFFFF70] =	vst v0  }
0xa4: {  	[tilespmem:s6+$0xFFFFFF60] =	vst v0  }
0xa5: {  	[tilespmem:s6+$0xFFFFFF50] =	vst v0  }
0xa6: {  	[tilespmem:s6+$0xFFFFFF40] =	vst v0  }
0xa7: {  	[tilespmem:s6+$0xFFFFFF30] =	vst v0  }
0xa8: {  	s7 =	simm.s32 $0x0;
	[tilespmem:s6+$0xFFFFFF20] =	vst v0  }
.LBB2_2:
0xa9: {  	s7 =	sadd.s32 $0x4, s7;
	[tilespmem:s6+$0xFFFFFF10] =	vst v0;
	s6 =	sadd.s32 $0x200, s6  }
0xaa: {  	[tilespmem:s6+$0xFFFFFF00] =	vst v0;
	p0 =	slt.u32 s7, $0x3C  }
0xab: {  	[tilespmem:s6+$0xF0] =	vst v0  }
0xac: {  	[tilespmem:s6+$0xE0] =	vst v0  }
0xad: {  	[tilespmem:s6+$0xD0] =	vst v0  }
0xae: {  	[tilespmem:s6+$0xC0] =	vst v0  }
0xaf: {  	[tilespmem:s6+$0xB0] =	vst v0  }
0xb0: {  	[tilespmem:s6+$0xA0] =	vst v0  }
0xb1: {  	[tilespmem:s6+$0x90] =	vst v0  }
0xb2: {  	[tilespmem:s6+$0x80] =	vst v0  }
0xb3: {  	[tilespmem:s6+$0x70] =	vst v0  }
0xb4: {  	[tilespmem:s6+$0x60] =	vst v0  }
0xb5: {  	[tilespmem:s6+$0x50] =	vst v0  }
0xb6: {  	[tilespmem:s6+$0x40] =	vst v0  }
0xb7: {  	[tilespmem:s6+$0x30] =	vst v0  }
0xb8: {  	[tilespmem:s6+$0x20] =	vst v0  }
0xb9: {  	[tilespmem:s6+$0x10] =	vst v0  }
0xba: {  	[tilespmem:s6+$0x0] =	vst v0  }
0xbb: {  	[tilespmem:s6+$0xFFFFFFF0] =	vst v0  }
0xbc: {  	[tilespmem:s6+$0xFFFFFFE0] =	vst v0  }
0xbd: {  	[tilespmem:s6+$0xFFFFFFD0] =	vst v0  }
0xbe: {  	[tilespmem:s6+$0xFFFFFFC0] =	vst v0  }
0xbf: {  	[tilespmem:s6+$0xFFFFFFB0] =	vst v0  }
0xc0: {  	[tilespmem:s6+$0xFFFFFFA0] =	vst v0  }
0xc1: {  	[tilespmem:s6+$0xFFFFFF90] =	vst v0  }
0xc2: {  	[tilespmem:s6+$0xFFFFFF80] =	vst v0  }
0xc3: {  	[tilespmem:s6+$0xFFFFFF70] =	vst v0  }
.Ltmp2:
0xc4: {  	[tilespmem:s6+$0xFFFFFF60] =	vst v0;
	(pc) =	sbr.rel @p0 .LBB2_2-.Ltmp2, $4  }
0xc5: {  	[tilespmem:s6+$0xFFFFFF50] =	vst v0  }
0xc6: {  	[tilespmem:s6+$0xFFFFFF40] =	vst v0  }
0xc7: {  	[tilespmem:s6+$0xFFFFFF30] =	vst v0  }
0xc8: {  	[tilespmem:s6+$0xFFFFFF20] =	vst v0  }
0xc9: {  	[tilespmem:s6+$0xFFFFFF10] =	vst v0  }
0xca: {  	s6 =	rddreg [dreg:$0xd]  }
0xcb: {  	[spmem:s6] =	stream.linear.scatter [tilespmem:s20], [sflag:$0x7], $0x2000, $0x38;
	[tilespmem:$0x1D000] =	vst v63  }
0xcc: {  	_ =	swait.ge [sflag:s21], $0x2000  }
0xcd: {  	[sflag:s21] =	ssyncset.done $0x0  }
0xce: {  	s13 =	rddreg [dreg:$0x1a];
	[sflag:s21] =	ssyncadd.s32 $0xFFFFE000  }
0xcf: {  	[spmem:s13] =	stream.linear.scatter [tilespmem:s20], [sflag:$0x7], $0x2000, $0x38;
	[tilespmem:$0x1D000] =	vst v63  }
0xd0: {  	_ =	swait.ge [sflag:s21], $0x2000  }
0xd1: {  	[sflag:s21] =	ssyncset.done $0x0  }
0xd2: {  	s14 =	rddreg [dreg:$0x1b];
	[sflag:s21] =	ssyncadd.s32 $0xFFFFE000  }
0xd3: {  	[spmem:s14] =	stream.linear.scatter [tilespmem:s20], [sflag:$0x7], $0x2000, $0x38;
	[tilespmem:$0x1D000] =	vst v63  }
0xd4: {  	_ =	swait.ge [sflag:s21], $0x2000  }
0xd5: {  	[sflag:s21] =	ssyncset.done $0x0  }
0xd6: {  	s19 =	rddreg [dreg:$0x1c];
	[sflag:s21] =	ssyncadd.s32 $0xFFFFE000  }
0xd7: {  	[spmem:s19] =	stream.linear.scatter [tilespmem:s20], [sflag:$0x7], $0x2000, $0x38;
	[tilespmem:$0x1D000] =	vst v63  }
0xd8: {  	_ =	swait.ge [sflag:s21], $0x2000  }
0xd9: {  	[sflag:s21] =	ssyncset.done $0x0  }
0xda: {  	s7 =	rddreg [dreg:$0x1d];
	[sflag:s21] =	ssyncadd.s32 $0xFFFFE000  }
0xdb: {  	[spmem:s7] =	stream.linear.scatter [tilespmem:s20], [sflag:$0x7], $0x2000, $0x38;
	[tilespmem:$0x1D000] =	vst v63  }
0xdc: {  	_ =	swait.ge [sflag:s21], $0x2000  }
0xdd: {  	[sflag:s21] =	ssyncset.done $0x0  }
0xde: {  	s8 =	rddreg [dreg:$0x1e];
	[sflag:s21] =	ssyncadd.s32 $0xFFFFE000  }
0xdf: {  	[spmem:s8] =	stream.linear.scatter [tilespmem:s20], [sflag:$0x7], $0x2000, $0x38;
	[tilespmem:$0x1D000] =	vst v63  }
0xe0: {  	_ =	swait.ge [sflag:s21], $0x2000  }
0xe1: {  	[sflag:s21] =	ssyncset.done $0x0  }
0xe2: {  	s9 =	rddreg [dreg:$0x1f];
	[sflag:s21] =	ssyncadd.s32 $0xFFFFE000  }
0xe3: {  	[spmem:s9] =	stream.linear.scatter [tilespmem:s20], [sflag:$0x7], $0x2000, $0x38;
	[tilespmem:$0x1D000] =	vst v63  }
0xe4: {  	_ =	swait.ge [sflag:s21], $0x2000  }
0xe5: {  	s10 =	sld [smem:$0x7FB]  }
0xe6: {  	[sflag:s21] =	ssyncset.done $0x0  }
0xe7: {  	[sflag:s21] =	ssyncadd.s32 $0xFFFFE000  }
0xe8: {  	[spmem:s10] =	stream.linear.scatter [tilespmem:s20], [sflag:$0x7], $0x2000, $0x38;
	[tilespmem:$0x1D000] =	vst v63  }
0xe9: {  	_ =	swait.ge [sflag:s21], $0x2000  }
0xea: {  	s12 =	sld [smem:$0x7FC]  }
0xeb: {  	[sflag:s21] =	ssyncset.done $0x0  }
0xec: {  	[sflag:s21] =	ssyncadd.s32 $0xFFFFE000  }
0xed: {  	[spmem:s12] =	stream.linear.scatter [tilespmem:s20], [sflag:$0x7], $0x2000, $0x38;
	[tilespmem:$0x1D000] =	vst v63  }
0xee: {  	_ =	swait.ge [sflag:s21], $0x2000  }
0xef: {  	s13 =	sld [smem:$0x7FD]  }
0xf0: {  	[sflag:s21] =	ssyncset.done $0x0  }
0xf1: {  	[sflag:s21] =	ssyncadd.s32 $0xFFFFE000  }
0xf2: {  	[spmem:s13] =	stream.linear.scatter [tilespmem:s20], [sflag:$0x7], $0x2000, $0x38;
	[tilespmem:$0x1D000] =	vst v63  }
0xf3: {  	_ =	swait.ge [sflag:s21], $0x2000  }
0xf4: {  	[sflag:s21] =	ssyncset.done $0x0  }
0xf5: {  	[sflag:s21] =	ssyncadd.s32 $0xFFFFE000  }
0xf6: {  	[bflag:$0x0] =	sbarrier.arrive $0xFFFF  }
0xf7: {  	s7 =	simm.s32 $0x0;
	s14 =	rddreg [dreg:$0xe]  }
0xf8: {  	[tilespmem:s7], [sflag:$0x7] =	stream.linear.gather [hbm4b:s14+s7], $0x1000, $0x38;
	[tilespmem:$0x1D000] =	vst v63  }
0xf9: {  	_ =	swait.ge [sflag:s21], $0x1000  }
.Ltmp3:
0xfa: {  	[sflag:s21] =	ssyncset.done $0x0;
	(pc) =	sbr.rel .LBB2_4-.Ltmp3, $4  }
0xfb: {  	[sflag:s21] =	ssyncadd.s32 $0xFFFFF000  }
0xfc: {  	[tilespmem:s20], [sflag:$0x1] =	stream.indirect.gather [hbm4b:s15+s22], $0x80, s7, s22, $0xb8;
	[tilespmem:$0x1D000] =	vst v63  }
0xfd: {  	s19 =	rddreg [dreg:$0xf]  }
0xfe: {  	[tilespmem:s23], [sflag:$0x3] =	stream.linear.gather [hbm4b:s19+s7], $0x2000, $0x38;
	[tilespmem:$0x1D000] =	vst v63  }
.LBB2_12:
0xff: {  	s6 =	sadd.s32 $0x2, s6  }
0x100: {  	s7 =	sshra.s32 s6, $0x1F  }
0x101: {  	s7 =	sshrl.u32 s7, $0x1C  }
0x102: {  	s7 =	sadd.s32 s7, s6  }
0x103: {  	s7 =	sand.u32 $0x7FFFF0, s7  }
0x104: {  	s7 =	ssub.s32 s6, s7;
	s6 =	sadd.s32 s3, s6  }
0x105: {  	s7 =	sshll.u32 s7, $0x9;
	s6 =	sshll.u32 s6, $0xA  }
0x106: {  	s7 =	sshra.s32 s7, $0x2;
	s6 =	sand.u32 $0x1FFFF800, s6  }
0x107: {  	[tilespmem:s20], [sflag:$0x1] =	stream.indirect.gather [hbm4b:s15+s22], $0x80, s7, s22, $0xb8;
	[tilespmem:$0x1D000] =	vst v63  }
0x108: {  	s6 =	sadd.s32 s16, s6  }
0x109: {  	[tilespmem:s23], [sflag:$0x3] =	stream.linear.gather [hbm4b:s6+s2], $0x2000, $0x38;
	[tilespmem:$0x1D000] =	vst v63  }
.LBB2_13:
0x10a: {  	p0 =	slt.u32 s8, s17  }
.Ltmp4:
0x10b: {  	_ = 	snop;
	(pc) =	sbr.rel @!p0 .LBB2_14-.Ltmp4, $2  }
0x10c: {  	_ =	sdelay $0x2  }
0x10d: {  	s7 =	smov.u32 s8  }
.LBB2_4:
0x10e: {  	s6 =	sshll.u32 s7, $0x1  }
0x10f: {  	s8 =	sshra.s32 s6, $0x1F  }
0x110: {  	s8 =	sshrl.u32 s8, $0x1C  }
0x111: {  	s9 =	sadd.s32 s8, s6;
	s8 =	sand.u32 $0x7, s7  }
0x112: {  	s9 =	sand.u32 $0xFFFFFFF0, s9;
	p0 =	seq.s32 s8, $0x0  }
0x113: {  	s9 =	ssub.s32 s6, s9;
	s10 =	simm.s32 @!p0 $0x6  }
0x114: {  	_ =	swait.ge @!p0 [sflag:s10], $0x2000;
	s9 =	sshll.u32 s9, $0x9  }
0x115: {  	s19 =	sadd.s32 s6, s4;
	[sflag:s10] =	ssyncset.done @!p0 $0x0;
	s9 =	sshra.s32 s9, $0x2  }
0x116: {  	[sflag:s10] =	ssyncadd.s32 @!p0 $0xFFFFE000;
	s14 =	sadd.s32 $0x80, s9;
	s10 =	sshll.u32 s19, $0xA  }
0x117: {  	[tilespmem:s24], [sflag:$0x2] =	stream.indirect.gather [hbm4b:s15+s22], $0x80, s14, s22, $0xb8;
	[tilespmem:$0x1D000] =	vst v63  }
0x118: {  	s10 =	sand.u32 $0x1FFFFC00, s10  }
0x119: {  	s10 =	sadd.s32 s16, s10  }
0x11a: {  	[tilespmem:s25], [sflag:$0x4] =	stream.linear.gather [hbm4b:s10+s2], $0x2000, $0x38;
	[tilespmem:$0x1D000] =	vst v63  }
0x11b: {  	_ =	swait.ge [sflag:s26], $0x2000  }
0x11c: {  	[sflag:s26] =	ssyncset.done $0x0  }
0x11d: {  	[sflag:s26] =	ssyncadd.s32 $0xFFFFE000  }
0x11e: {  	_ =	swait.ge [sflag:s28], $0x2000  }
0x11f: {  	[sflag:s28] =	ssyncset.done $0x0  }
0x120: {  	s10 =	simm.s32 $0x1100;
	[sflag:s28] =	ssyncadd.s32 $0xFFFFE000  }
0x121: {  	s12 =	simm.s32 $0x5100;
	v1 =	vld [tilespmem:s10+$0x80]  }
0x122: {  	v2 =	vld [tilespmem:s12+$0x80]  }
0x123: {  	v3 =	vld [tilespmem:s12+$0xFFFFFF00]  }
0x124: {  	v4 =	vld [tilespmem:s10+$0xFFFFFF80]  }
0x125: {  	v5 =	vld [tilespmem:s12+$0xFFFFFF80]  }
0x126: {  	v6 =	vld [tilespmem:s12+$0x0]  }
0x127: {  	v1 =	vadd.f32 v2, v1;
	v2 =	vld [tilespmem:s10+$0x0]  }
0x128: {  	v7 =	vld [tilespmem:s10+$0xFFFFFF00]  }
0x129: {  	v1 =	vmax.f32 v1, $0.0e+00  }
0x12a: {  	v4 =	vadd.f32 v5, v4;
	[tilespmem:s10+$0x80] =	vst v1;
	v1 =	vld [tilespmem:s10+$0x90]  }
0x12b: {  	v8 =	vld [tilespmem:s12+$0x90]  }
0x12c: {  	v9 =	vld [tilespmem:s10+$0xFFFFFF90];
	v4 =	vmax.f32 v4, $0.0e+00;
	v2 =	vadd.f32 v6, v2  }
0x12d: {  	v5 =	vld [tilespmem:s10+$0xFFFFFF10];
	v3 =	vadd.f32 v3, v7;
	[tilespmem:s10+$0xFFFFFF80] =	vst v4  }
0x12e: {  	v6 =	vld [tilespmem:s12+$0xFFFFFF90];
	v2 =	vmax.f32 v2, $0.0e+00  }
0x12f: {  	v3 =	vmax.f32 v3, $0.0e+00;
	v4 =	vld [tilespmem:s10+$0x10];
	[tilespmem:s10+$0x0] =	vst v2  }
0x130: {  	[tilespmem:s10+$0xFFFFFF00] =	vst v3;
	v1 =	vadd.f32 v8, v1;
	v2 =	vld [tilespmem:s12+$0x10]  }
0x131: {  	v3 =	vld [tilespmem:s12+$0xFFFFFF10]  }
0x132: {  	v1 =	vmax.f32 v1, $0.0e+00  }
0x133: {  	v6 =	vadd.f32 v6, v9;
	[tilespmem:s10+$0x90] =	vst v1;
	v1 =	vld [tilespmem:s10+$0xA0]  }
0x134: {  	v8 =	vld [tilespmem:s12+$0xA0]  }
0x135: {  	v7 =	vld [tilespmem:s10+$0xFFFFFF20];
	v6 =	vmax.f32 v6, $0.0e+00;
	v2 =	vadd.f32 v2, v4  }
0x136: {  	v3 =	vadd.f32 v3, v5;
	v9 =	vld [tilespmem:s10+$0xFFFFFFA0];
	[tilespmem:s10+$0xFFFFFF90] =	vst v6  }
0x137: {  	v5 =	vld [tilespmem:s12+$0xFFFFFFA0];
	v2 =	vmax.f32 v2, $0.0e+00  }
0x138: {  	v3 =	vmax.f32 v3, $0.0e+00;
	v4 =	vld [tilespmem:s10+$0x20];
	[tilespmem:s10+$0x10] =	vst v2  }
0x139: {  	[tilespmem:s10+$0xFFFFFF10] =	vst v3;
	v1 =	vadd.f32 v8, v1;
	v2 =	vld [tilespmem:s12+$0x20]  }
0x13a: {  	v3 =	vld [tilespmem:s12+$0xFFFFFF20]  }
0x13b: {  	v1 =	vmax.f32 v1, $0.0e+00  }
0x13c: {  	v5 =	vadd.f32 v5, v9;
	[tilespmem:s10+$0xA0] =	vst v1;
	v1 =	vld [tilespmem:s10+$0xB0]  }
0x13d: {  	v8 =	vld [tilespmem:s12+$0xB0]  }
0x13e: {  	v10 =	vld [tilespmem:s10+$0x30];
	v5 =	vmax.f32 v5, $0.0e+00;
	v2 =	vadd.f32 v2, v4  }
0x13f: {  	v3 =	vadd.f32 v3, v7;
	v9 =	vld [tilespmem:s10+$0xFFFFFFB0];
	[tilespmem:s10+$0xFFFFFFA0] =	vst v5  }
0x140: {  	v4 =	vld [tilespmem:s12+$0xFFFFFFB0];
	v2 =	vmax.f32 v2, $0.0e+00  }
0x141: {  	v6 =	vld [tilespmem:s10+$0xFFFFFF30];
	[tilespmem:s10+$0x20] =	vst v2;
	v2 =	vmax.f32 v3, $0.0e+00  }
0x142: {  	v1 =	vadd.f32 v8, v1;
	[tilespmem:s10+$0xFFFFFF20] =	vst v2;
	v2 =	vld [tilespmem:s12+$0x30]  }
0x143: {  	v7 =	vld [tilespmem:s12+$0xFFFFFF30]  }
0x144: {  	v11 =	vld [tilespmem:s10+$0xFFFFFF40];
	v1 =	vmax.f32 v1, $0.0e+00  }
0x145: {  	v4 =	vadd.f32 v4, v9;
	[tilespmem:s10+$0xB0] =	vst v1;
	v1 =	vld [tilespmem:s10+$0xC0]  }
0x146: {  	v8 =	vld [tilespmem:s12+$0xC0]  }
0x147: {  	v12 =	vld [tilespmem:s10+$0xFFFFFFD0];
	v4 =	vmax.f32 v4, $0.0e+00;
	v2 =	vadd.f32 v2, v10  }
0x148: {  	v5 =	vld [tilespmem:s10+$0xFFFFFFC0];
	[tilespmem:s10+$0xFFFFFFB0] =	vst v4;
	v6 =	vadd.f32 v7, v6  }
0x149: {  	v7 =	vld [tilespmem:s12+$0xFFFFFFC0];
	v2 =	vmax.f32 v2, $0.0e+00  }
0x14a: {  	v3 =	vld [tilespmem:s10+$0x40];
	[tilespmem:s10+$0x30] =	vst v2;
	v2 =	vmax.f32 v6, $0.0e+00  }
0x14b: {  	v1 =	vadd.f32 v8, v1;
	v6 =	vld [tilespmem:s12+$0x40];
	[tilespmem:s10+$0xFFFFFF30] =	vst v2  }
0x14c: {  	v2 =	vld [tilespmem:s12+$0xFFFFFF40]  }
0x14d: {  	v9 =	vld [tilespmem:s10+$0xFFFFFF50];
	v1 =	vmax.f32 v1, $0.0e+00  }
0x14e: {  	[tilespmem:s10+$0xC0] =	vst v1;
	v1 =	vadd.f32 v7, v5;
	v7 =	vld [tilespmem:s10+$0xD0]  }
0x14f: {  	v8 =	vld [tilespmem:s12+$0xD0]  }
0x150: {  	v4 =	vld [tilespmem:s10+$0xFFFFFF60];
	v1 =	vmax.f32 v1, $0.0e+00;
	v3 =	vadd.f32 v6, v3  }
0x151: {  	v10 =	vld [tilespmem:s10+$0x50];
	[tilespmem:s10+$0xFFFFFFC0] =	vst v1;
	v1 =	vadd.f32 v2, v11  }
0x152: {  	v2 =	vld [tilespmem:s12+$0xFFFFFFD0];
	v3 =	vmax.f32 v3, $0.0e+00  }
0x153: {  	v5 =	vld [tilespmem:s10+$0xFFFFFFE0];
	[tilespmem:s10+$0x40] =	vst v3;
	v1 =	vmax.f32 v1, $0.0e+00  }
0x154: {  	v3 =	vld [tilespmem:s12+$0x50];
	v7 =	vadd.f32 v8, v7;
	[tilespmem:s10+$0xFFFFFF40] =	vst v1  }
0x155: {  	v1 =	vld [tilespmem:s12+$0xFFFFFF50]  }
0x156: {  	v6 =	vld [tilespmem:s10+$0x60];
	v7 =	vmax.f32 v7, $0.0e+00  }
0x157: {  	v2 =	vadd.f32 v2, v12;
	[tilespmem:s10+$0xD0] =	vst v7;
	v7 =	vld [tilespmem:s10+$0xE0]  }
0x158: {  	v11 =	vld [tilespmem:s12+$0xE0]  }
0x159: {  	v2 =	vmax.f32 v2, $0.0e+00;
	v8 =	vadd.f32 v3, v10;
	v3 =	vld [tilespmem:s10+$0xFFFFFF70]  }
0x15a: {  	[tilespmem:s10+$0xFFFFFFD0] =	vst v2;
	v1 =	vadd.f32 v1, v9;
	v2 =	vld [tilespmem:s10+$0xFFFFFFF0]  }
0x15b: {  	v9 =	vmax.f32 v8, $0.0e+00;
	v8 =	vld [tilespmem:s12+$0xFFFFFFE0]  }
0x15c: {  	[tilespmem:s10+$0x50] =	vst v9;
	v9 =	vmax.f32 v1, $0.0e+00;
	v1 =	vld [tilespmem:s10+$0x70]  }
0x15d: {  	[tilespmem:s10+$0xFFFFFF50] =	vst v9;
	v9 =	vld [tilespmem:s12+$0x60];
	v7 =	vadd.f32 v11, v7  }
0x15e: {  	v10 =	vld [tilespmem:s12+$0xFFFFFF60]  }
0x15f: {  	s13 =	simm.s32 $0x0;
	s19 =	simm.s32 $0x5100;
	s14 =	simm.s32 $0x1300;
	v11 =	vmax.f32 v7, $0.0e+00;
	v7 =	vld [tilespmem:s10+$0xF0]  }
.LBB2_5:
0x160: {  	v12 =	vld [tilespmem:s14+$0x80];
	v5 =	vadd.f32 v8, v5;
	[tilespmem:s10+$0xE0] =	vst v11  }
0x161: {  	s19 =	sadd.s32 $0x200, s19;
	v8 =	vld [tilespmem:s12+$0xF0]  }
0x162: {  	s13 =	sadd.s32 $0x4, s13;
	v11 =	vld [tilespmem:s19+$0x80];
	v5 =	vmax.f32 v5, $0.0e+00;
	v6 =	vadd.f32 v9, v6  }
0x163: {  	p0 =	slt.u32 s13, $0x3C;
	v9 =	vld [tilespmem:s19+$0xFFFFFF00];
	v4 =	vadd.f32 v10, v4;
	[tilespmem:s10+$0xFFFFFFE0] =	vst v5  }
0x164: {  	v5 =	vld [tilespmem:s14+$0xFFFFFF80];
	v6 =	vmax.f32 v6, $0.0e+00  }
0x165: {  	v10 =	vld [tilespmem:s19+$0xFFFFFF80];
	v4 =	vmax.f32 v4, $0.0e+00;
	[tilespmem:s10+$0x60] =	vst v6  }
0x166: {  	v6 =	vld [tilespmem:s14+$0x0];
	[tilespmem:s10+$0xFFFFFF60] =	vst v4;
	v4 =	vadd.f32 v8, v7  }
0x167: {  	v7 =	vld [tilespmem:s19+$0x0];
	v8 =	vadd.f32 v11, v12  }
0x168: {  	v11 =	vld [tilespmem:s14+$0xFFFFFF00];
	v4 =	vmax.f32 v4, $0.0e+00  }
0x169: {  	v12 =	vld [tilespmem:s14+$0xFFFFFF10];
	v8 =	vmax.f32 v8, $0.0e+00;
	[tilespmem:s10+$0xF0] =	vst v4  }
0x16a: {  	v4 =	vadd.f32 v10, v5;
	[tilespmem:s14+$0x80] =	vst v8;
	v5 =	vld [tilespmem:s14+$0x90]  }
0x16b: {  	v8 =	vld [tilespmem:s19+$0x90]  }
0x16c: {  	v4 =	vmax.f32 v4, $0.0e+00;
	v10 =	vld [tilespmem:s14+$0xFFFFFF90];
	v6 =	vadd.f32 v7, v6  }
0x16d: {  	v7 =	vadd.f32 v9, v11;
	[tilespmem:s14+$0xFFFFFF80] =	vst v4;
	v4 =	vld [tilespmem:s14+$0x10]  }
0x16e: {  	v9 =	vld [tilespmem:s19+$0xFFFFFF90];
	v6 =	vmax.f32 v6, $0.0e+00  }
0x16f: {  	v7 =	vmax.f32 v7, $0.0e+00;
	v11 =	vld [tilespmem:s14+$0xFFFFFF20];
	[tilespmem:s14+$0x0] =	vst v6  }
0x170: {  	[tilespmem:s14+$0xFFFFFF00] =	vst v7;
	v6 =	vld [tilespmem:s19+$0x10];
	v5 =	vadd.f32 v8, v5  }
0x171: {  	v7 =	vld [tilespmem:s19+$0xFFFFFF10]  }
0x172: {  	v8 =	vld [tilespmem:s14+$0xFFFFFFA0];
	v5 =	vmax.f32 v5, $0.0e+00  }
0x173: {  	v9 =	vadd.f32 v9, v10;
	[tilespmem:s14+$0x90] =	vst v5;
	v5 =	vld [tilespmem:s14+$0xA0]  }
0x174: {  	v10 =	vld [tilespmem:s19+$0xA0]  }
0x175: {  	v9 =	vmax.f32 v9, $0.0e+00;
	v4 =	vadd.f32 v6, v4;
	v6 =	vld [tilespmem:s14+$0x20]  }
0x176: {  	v7 =	vadd.f32 v7, v12;
	v12 =	vld [tilespmem:s14+$0xFFFFFF30];
	[tilespmem:s14+$0xFFFFFF90] =	vst v9  }
0x177: {  	v9 =	vld [tilespmem:s19+$0xFFFFFFA0];
	v4 =	vmax.f32 v4, $0.0e+00  }
0x178: {  	v7 =	vmax.f32 v7, $0.0e+00;
	v13 =	vld [tilespmem:s14+$0xFFFFFFB0];
	[tilespmem:s14+$0x10] =	vst v4  }
0x179: {  	[tilespmem:s14+$0xFFFFFF10] =	vst v7;
	v4 =	vld [tilespmem:s19+$0x20];
	v5 =	vadd.f32 v10, v5  }
0x17a: {  	v7 =	vld [tilespmem:s19+$0xFFFFFF20]  }
0x17b: {  	v10 =	vld [tilespmem:s14+$0x30];
	v5 =	vmax.f32 v5, $0.0e+00  }
0x17c: {  	v8 =	vadd.f32 v9, v8;
	[tilespmem:s14+$0xA0] =	vst v5;
	v5 =	vld [tilespmem:s14+$0xB0]  }
0x17d: {  	v9 =	vld [tilespmem:s19+$0xB0]  }
0x17e: {  	v14 =	vld [tilespmem:s14+$0xFFFFFF40];
	v8 =	vmax.f32 v8, $0.0e+00;
	v4 =	vadd.f32 v4, v6  }
0x17f: {  	v6 =	vadd.f32 v7, v11;
	[tilespmem:s14+$0xFFFFFFA0] =	vst v8;
	v7 =	vld [tilespmem:s14+$0xFFFFFFC0]  }
0x180: {  	v8 =	vld [tilespmem:s19+$0xFFFFFFB0];
	v4 =	vmax.f32 v4, $0.0e+00  }
0x181: {  	v6 =	vmax.f32 v6, $0.0e+00;
	[tilespmem:s14+$0x20] =	vst v4;
	v11 =	vld [tilespmem:s14+$0x40]  }
0x182: {  	[tilespmem:s14+$0xFFFFFF20] =	vst v6;
	v4 =	vld [tilespmem:s19+$0x30];
	v5 =	vadd.f32 v9, v5  }
0x183: {  	v6 =	vld [tilespmem:s19+$0xFFFFFF30]  }
0x184: {  	v9 =	vld [tilespmem:s14+$0xFFFFFF50];
	v5 =	vmax.f32 v5, $0.0e+00  }
0x185: {  	v8 =	vadd.f32 v8, v13;
	[tilespmem:s14+$0xB0] =	vst v5;
	v5 =	vld [tilespmem:s14+$0xC0]  }
0x186: {  	v13 =	vld [tilespmem:s19+$0xC0]  }
0x187: {  	v8 =	vmax.f32 v8, $0.0e+00;
	v15 =	vld [tilespmem:s14+$0xFFFFFFD0];
	v4 =	vadd.f32 v4, v10  }
0x188: {  	v6 =	vadd.f32 v6, v12;
	[tilespmem:s14+$0xFFFFFFB0] =	vst v8;
	v8 =	vld [tilespmem:s14+$0x50]  }
0x189: {  	v10 =	vld [tilespmem:s19+$0xFFFFFFC0];
	v12 =	vmax.f32 v4, $0.0e+00  }
0x18a: {  	v6 =	vmax.f32 v6, $0.0e+00;
	v4 =	vld [tilespmem:s14+$0xFFFFFF60];
	[tilespmem:s14+$0x30] =	vst v12  }
0x18b: {  	[tilespmem:s14+$0xFFFFFF30] =	vst v6;
	v6 =	vld [tilespmem:s19+$0x40];
	v12 =	vadd.f32 v13, v5  }
0x18c: {  	v13 =	vld [tilespmem:s19+$0xFFFFFF40]  }
0x18d: {  	v5 =	vld [tilespmem:s14+$0xFFFFFFE0];
	v12 =	vmax.f32 v12, $0.0e+00  }
0x18e: {  	v7 =	vadd.f32 v10, v7;
	[tilespmem:s14+$0xC0] =	vst v12;
	v10 =	vld [tilespmem:s14+$0xD0]  }
0x18f: {  	v12 =	vld [tilespmem:s19+$0xD0]  }
0x190: {  	v7 =	vmax.f32 v7, $0.0e+00;
	v11 =	vadd.f32 v6, v11;
	v6 =	vld [tilespmem:s14+$0x60]  }
0x191: {  	v13 =	vadd.f32 v13, v14;
	[tilespmem:s14+$0xFFFFFFC0] =	vst v7;
	v7 =	vld [tilespmem:s12+$0xFFFFFF70]  }
0x192: {  	v14 =	vld [tilespmem:s19+$0xFFFFFFD0];
	v11 =	vmax.f32 v11, $0.0e+00  }
0x193: {  	v13 =	vmax.f32 v13, $0.0e+00;
	[tilespmem:s14+$0x40] =	vst v11;
	v11 =	vld [tilespmem:s12+$0xFFFFFFF0]  }
0x194: {  	[tilespmem:s14+$0xFFFFFF40] =	vst v13;
	v13 =	vld [tilespmem:s19+$0x50];
	v10 =	vadd.f32 v12, v10  }
0x195: {  	v12 =	vld [tilespmem:s19+$0xFFFFFF50]  }
0x196: {  	v10 =	vmax.f32 v10, $0.0e+00;
	v3 =	vadd.f32 v7, v3;
	v7 =	vld [tilespmem:s12+$0x70];
	s12 =	smov.u32 s19  }
0x197: {  	v14 =	vadd.f32 v14, v15;
	[tilespmem:s14+$0xD0] =	vst v10;
	v10 =	vld [tilespmem:s14+$0xE0]  }
0x198: {  	v15 =	vld [tilespmem:s19+$0xE0];
	v16 =	vmax.f32 v3, $0.0e+00;
	v11 =	vadd.f32 v11, v2  }
0x199: {  	v3 =	vld [tilespmem:s14+$0xFFFFFF70];
	v2 =	vmax.f32 v14, $0.0e+00;
	v13 =	vadd.f32 v13, v8;
	[tilespmem:s10+$0xFFFFFF70] =	vst v16  }
0x19a: {  	v9 =	vadd.f32 v12, v9;
	[tilespmem:s14+$0xFFFFFFD0] =	vst v2;
	v2 =	vld [tilespmem:s14+$0xFFFFFFF0];
	v11 =	vmax.f32 v11, $0.0e+00  }
.Ltmp5:
0x19b: {  	v8 =	vld [tilespmem:s19+$0xFFFFFFE0];
	v12 =	vmax.f32 v13, $0.0e+00;
	[tilespmem:s10+$0xFFFFFFF0] =	vst v11;
	v7 =	vadd.f32 v7, v1;
	(pc) =	sbr.rel @p0 .LBB2_5-.Ltmp5, $4  }
0x19c: {  	v9 =	vmax.f32 v9, $0.0e+00;
	[tilespmem:s14+$0x50] =	vst v12;
	v1 =	vld [tilespmem:s14+$0x70]  }
0x19d: {  	[tilespmem:s14+$0xFFFFFF50] =	vst v9;
	v9 =	vld [tilespmem:s19+$0x60];
	v11 =	vadd.f32 v15, v10;
	v7 =	vmax.f32 v7, $0.0e+00  }
0x19e: {  	v10 =	vld [tilespmem:s19+$0xFFFFFF60];
	[tilespmem:s10+$0x70] =	vst v7;
	s10 =	smov.u32 s14  }
0x19f: {  	s14 =	sadd.s32 $0x200, s14;
	v11 =	vmax.f32 v11, $0.0e+00;
	v7 =	vld [tilespmem:s10+$0xF0]  }
0x1a0: {  	_ =	sdelay $0x2  }
0x1a1: {  	v4 =	vadd.f32 v10, v4  }
0x1a2: {  	v5 =	vadd.f32 v8, v5  }
0x1a3: {  	[tilespmem:s10+$0xE0] =	vst v11;
	v6 =	vadd.f32 v9, v6;
	v4 =	vmax.f32 v4, $0.0e+00  }
0x1a4: {  	v8 =	vld [tilespmem:s12+$0xF0];
	v5 =	vmax.f32 v5, $0.0e+00;
	[tilespmem:s10+$0xFFFFFF60] =	vst v4  }
0x1a5: {  	[tilespmem:s10+$0xFFFFFFE0] =	vst v5;
	v4 =	vmax.f32 v6, $0.0e+00;
	v5 =	vld [tilespmem:s12+$0xFFFFFF70]  }
0x1a6: {  	[tilespmem:s10+$0x60] =	vst v4;
	v4 =	vld [tilespmem:s12+$0xFFFFFFF0]  }
0x1a7: {  	v6 =	vld [tilespmem:s12+$0x70];
	_ =	sdelay $0x1  }
0x1a8: {  	v7 =	vadd.f32 v8, v7  }
0x1a9: {  	v3 =	vadd.f32 v5, v3  }
0x1aa: {  	v5 =	vmax.f32 v7, $0.0e+00;
	v2 =	vadd.f32 v4, v2  }
0x1ab: {  	[tilespmem:s10+$0xF0] =	vst v5;
	v1 =	vadd.f32 v6, v1;
	v3 =	vmax.f32 v3, $0.0e+00  }
0x1ac: {  	v2 =	vmax.f32 v2, $0.0e+00;
	[tilespmem:s10+$0xFFFFFF70] =	vst v3  }
0x1ad: {  	[tilespmem:s10+$0xFFFFFFF0] =	vst v2;
	v1 =	vmax.f32 v1, $0.0e+00  }
0x1ae: {  	s19 =	sadd.s32 $0x800, s9;
	[tilespmem:s10+$0x70] =	vst v1  }
0x1af: {  	[spmem:s1] =	stream.indirect.scatter.add.f32 [tilespmem:s20], [sflag:$0x5], $0x80, s19, s22, $0xb8;
	[tilespmem:$0x1D000] =	vst v63  }
0x1b0: {  	_ =	swait.ge [sflag:s29], $0x2000  }
0x1b1: {  	[sflag:s29] =	ssyncset.done $0x0  }
0x1b2: {  	[sflag:s29] =	ssyncadd.s32 $0xFFFFE000  }
0x1b3: {  	_ =	swait.ge [sflag:s30], $0x2000  }
0x1b4: {  	[sflag:s30] =	ssyncset.done $0x0  }
0x1b5: {  	s10 =	simm.s32 $0x3100;
	[sflag:s30] =	ssyncadd.s32 $0xFFFFE000  }
0x1b6: {  	s12 =	simm.s32 $0x7100;
	v1 =	vld [tilespmem:s10+$0x80]  }
0x1b7: {  	v2 =	vld [tilespmem:s12+$0x80]  }
0x1b8: {  	v3 =	vld [tilespmem:s12+$0xFFFFFF00]  }
0x1b9: {  	v4 =	vld [tilespmem:s10+$0xFFFFFF80]  }
0x1ba: {  	v5 =	vld [tilespmem:s12+$0xFFFFFF80]  }
0x1bb: {  	v6 =	vld [tilespmem:s12+$0x0]  }
0x1bc: {  	v1 =	vadd.f32 v2, v1;
	v2 =	vld [tilespmem:s10+$0x0]  }
0x1bd: {  	v7 =	vld [tilespmem:s10+$0xFFFFFF00]  }
0x1be: {  	v1 =	vmax.f32 v1, $0.0e+00  }
0x1bf: {  	v4 =	vadd.f32 v5, v4;
	[tilespmem:s10+$0x80] =	vst v1;
	v1 =	vld [tilespmem:s10+$0x90]  }
0x1c0: {  	v8 =	vld [tilespmem:s12+$0x90]  }
0x1c1: {  	v9 =	vld [tilespmem:s10+$0xFFFFFF90];
	v4 =	vmax.f32 v4, $0.0e+00;
	v2 =	vadd.f32 v6, v2  }
0x1c2: {  	v5 =	vld [tilespmem:s10+$0xFFFFFF10];
	v3 =	vadd.f32 v3, v7;
	[tilespmem:s10+$0xFFFFFF80] =	vst v4  }
0x1c3: {  	v6 =	vld [tilespmem:s12+$0xFFFFFF90];
	v2 =	vmax.f32 v2, $0.0e+00  }
0x1c4: {  	v3 =	vmax.f32 v3, $0.0e+00;
	v4 =	vld [tilespmem:s10+$0x10];
	[tilespmem:s10+$0x0] =	vst v2  }
0x1c5: {  	[tilespmem:s10+$0xFFFFFF00] =	vst v3;
	v1 =	vadd.f32 v8, v1;
	v2 =	vld [tilespmem:s12+$0x10]  }
0x1c6: {  	v3 =	vld [tilespmem:s12+$0xFFFFFF10]  }
0x1c7: {  	v1 =	vmax.f32 v1, $0.0e+00  }
0x1c8: {  	v6 =	vadd.f32 v6, v9;
	[tilespmem:s10+$0x90] =	vst v1;
	v1 =	vld [tilespmem:s10+$0xA0]  }
0x1c9: {  	v8 =	vld [tilespmem:s12+$0xA0]  }
0x1ca: {  	v7 =	vld [tilespmem:s10+$0xFFFFFF20];
	v6 =	vmax.f32 v6, $0.0e+00;
	v2 =	vadd.f32 v2, v4  }
0x1cb: {  	v3 =	vadd.f32 v3, v5;
	v9 =	vld [tilespmem:s10+$0xFFFFFFA0];
	[tilespmem:s10+$0xFFFFFF90] =	vst v6  }
0x1cc: {  	v5 =	vld [tilespmem:s12+$0xFFFFFFA0];
	v2 =	vmax.f32 v2, $0.0e+00  }
0x1cd: {  	v3 =	vmax.f32 v3, $0.0e+00;
	v4 =	vld [tilespmem:s10+$0x20];
	[tilespmem:s10+$0x10] =	vst v2  }
0x1ce: {  	[tilespmem:s10+$0xFFFFFF10] =	vst v3;
	v1 =	vadd.f32 v8, v1;
	v2 =	vld [tilespmem:s12+$0x20]  }
0x1cf: {  	v3 =	vld [tilespmem:s12+$0xFFFFFF20]  }
0x1d0: {  	v1 =	vmax.f32 v1, $0.0e+00  }
0x1d1: {  	v5 =	vadd.f32 v5, v9;
	[tilespmem:s10+$0xA0] =	vst v1;
	v1 =	vld [tilespmem:s10+$0xB0]  }
0x1d2: {  	v8 =	vld [tilespmem:s12+$0xB0]  }
0x1d3: {  	v10 =	vld [tilespmem:s10+$0x30];
	v5 =	vmax.f32 v5, $0.0e+00;
	v2 =	vadd.f32 v2, v4  }
0x1d4: {  	v3 =	vadd.f32 v3, v7;
	v9 =	vld [tilespmem:s10+$0xFFFFFFB0];
	[tilespmem:s10+$0xFFFFFFA0] =	vst v5  }
0x1d5: {  	v4 =	vld [tilespmem:s12+$0xFFFFFFB0];
	v2 =	vmax.f32 v2, $0.0e+00  }
0x1d6: {  	v6 =	vld [tilespmem:s10+$0xFFFFFF30];
	[tilespmem:s10+$0x20] =	vst v2;
	v2 =	vmax.f32 v3, $0.0e+00  }
0x1d7: {  	v1 =	vadd.f32 v8, v1;
	[tilespmem:s10+$0xFFFFFF20] =	vst v2;
	v2 =	vld [tilespmem:s12+$0x30]  }
0x1d8: {  	v7 =	vld [tilespmem:s12+$0xFFFFFF30]  }
0x1d9: {  	v11 =	vld [tilespmem:s10+$0xFFFFFF40];
	v1 =	vmax.f32 v1, $0.0e+00  }
0x1da: {  	v4 =	vadd.f32 v4, v9;
	[tilespmem:s10+$0xB0] =	vst v1;
	v1 =	vld [tilespmem:s10+$0xC0]  }
0x1db: {  	v8 =	vld [tilespmem:s12+$0xC0]  }
0x1dc: {  	v12 =	vld [tilespmem:s10+$0xFFFFFFD0];
	v4 =	vmax.f32 v4, $0.0e+00;
	v2 =	vadd.f32 v2, v10  }
0x1dd: {  	v5 =	vld [tilespmem:s10+$0xFFFFFFC0];
	[tilespmem:s10+$0xFFFFFFB0] =	vst v4;
	v6 =	vadd.f32 v7, v6  }
0x1de: {  	v7 =	vld [tilespmem:s12+$0xFFFFFFC0];
	v2 =	vmax.f32 v2, $0.0e+00  }
0x1df: {  	v3 =	vld [tilespmem:s10+$0x40];
	[tilespmem:s10+$0x30] =	vst v2;
	v2 =	vmax.f32 v6, $0.0e+00  }
0x1e0: {  	v1 =	vadd.f32 v8, v1;
	v6 =	vld [tilespmem:s12+$0x40];
	[tilespmem:s10+$0xFFFFFF30] =	vst v2  }
0x1e1: {  	v2 =	vld [tilespmem:s12+$0xFFFFFF40]  }
0x1e2: {  	v9 =	vld [tilespmem:s10+$0xFFFFFF50];
	v1 =	vmax.f32 v1, $0.0e+00  }
0x1e3: {  	[tilespmem:s10+$0xC0] =	vst v1;
	v1 =	vadd.f32 v7, v5;
	v7 =	vld [tilespmem:s10+$0xD0]  }
0x1e4: {  	v8 =	vld [tilespmem:s12+$0xD0]  }
0x1e5: {  	v4 =	vld [tilespmem:s10+$0xFFFFFF60];
	v1 =	vmax.f32 v1, $0.0e+00;
	v3 =	vadd.f32 v6, v3  }
0x1e6: {  	v10 =	vld [tilespmem:s10+$0x50];
	[tilespmem:s10+$0xFFFFFFC0] =	vst v1;
	v1 =	vadd.f32 v2, v11  }
0x1e7: {  	v2 =	vld [tilespmem:s12+$0xFFFFFFD0];
	v3 =	vmax.f32 v3, $0.0e+00  }
0x1e8: {  	v5 =	vld [tilespmem:s10+$0xFFFFFFE0];
	[tilespmem:s10+$0x40] =	vst v3;
	v1 =	vmax.f32 v1, $0.0e+00  }
0x1e9: {  	v3 =	vld [tilespmem:s12+$0x50];
	v7 =	vadd.f32 v8, v7;
	[tilespmem:s10+$0xFFFFFF40] =	vst v1  }
0x1ea: {  	v1 =	vld [tilespmem:s12+$0xFFFFFF50]  }
0x1eb: {  	v6 =	vld [tilespmem:s10+$0x60];
	v7 =	vmax.f32 v7, $0.0e+00  }
0x1ec: {  	v2 =	vadd.f32 v2, v12;
	[tilespmem:s10+$0xD0] =	vst v7;
	v7 =	vld [tilespmem:s10+$0xE0]  }
0x1ed: {  	v11 =	vld [tilespmem:s12+$0xE0]  }
0x1ee: {  	v2 =	vmax.f32 v2, $0.0e+00;
	v8 =	vadd.f32 v3, v10;
	v3 =	vld [tilespmem:s10+$0xFFFFFF70]  }
0x1ef: {  	[tilespmem:s10+$0xFFFFFFD0] =	vst v2;
	v1 =	vadd.f32 v1, v9;
	v2 =	vld [tilespmem:s10+$0xFFFFFFF0]  }
0x1f0: {  	v9 =	vmax.f32 v8, $0.0e+00;
	v8 =	vld [tilespmem:s12+$0xFFFFFFE0]  }
0x1f1: {  	[tilespmem:s10+$0x50] =	vst v9;
	v9 =	vmax.f32 v1, $0.0e+00;
	v1 =	vld [tilespmem:s10+$0x70]  }
0x1f2: {  	[tilespmem:s10+$0xFFFFFF50] =	vst v9;
	v9 =	vld [tilespmem:s12+$0x60];
	v7 =	vadd.f32 v11, v7  }
0x1f3: {  	v10 =	vld [tilespmem:s12+$0xFFFFFF60]  }
0x1f4: {  	s13 =	simm.s32 $0x0;
	s14 =	simm.s32 $0x3300;
	s19 =	simm.s32 $0x7100;
	v11 =	vmax.f32 v7, $0.0e+00;
	v7 =	vld [tilespmem:s10+$0xF0]  }
.LBB2_7:
0x1f5: {  	v12 =	vld [tilespmem:s14+$0x80];
	v5 =	vadd.f32 v8, v5;
	[tilespmem:s10+$0xE0] =	vst v11  }
0x1f6: {  	s19 =	sadd.s32 $0x200, s19;
	v8 =	vld [tilespmem:s12+$0xF0]  }
0x1f7: {  	s13 =	sadd.s32 $0x4, s13;
	v11 =	vld [tilespmem:s19+$0x80];
	v5 =	vmax.f32 v5, $0.0e+00;
	v6 =	vadd.f32 v9, v6  }
0x1f8: {  	p0 =	slt.u32 s13, $0x3C;
	v9 =	vld [tilespmem:s19+$0xFFFFFF00];
	v4 =	vadd.f32 v10, v4;
	[tilespmem:s10+$0xFFFFFFE0] =	vst v5  }
0x1f9: {  	v5 =	vld [tilespmem:s14+$0xFFFFFF80];
	v6 =	vmax.f32 v6, $0.0e+00  }
0x1fa: {  	v10 =	vld [tilespmem:s19+$0xFFFFFF80];
	v4 =	vmax.f32 v4, $0.0e+00;
	[tilespmem:s10+$0x60] =	vst v6  }
0x1fb: {  	v6 =	vld [tilespmem:s14+$0x0];
	[tilespmem:s10+$0xFFFFFF60] =	vst v4;
	v4 =	vadd.f32 v8, v7  }
0x1fc: {  	v7 =	vld [tilespmem:s19+$0x0];
	v8 =	vadd.f32 v11, v12  }
0x1fd: {  	v11 =	vld [tilespmem:s14+$0xFFFFFF00];
	v4 =	vmax.f32 v4, $0.0e+00  }
0x1fe: {  	v12 =	vld [tilespmem:s14+$0xFFFFFF10];
	v8 =	vmax.f32 v8, $0.0e+00;
	[tilespmem:s10+$0xF0] =	vst v4  }
0x1ff: {  	v4 =	vadd.f32 v10, v5;
	[tilespmem:s14+$0x80] =	vst v8;
	v5 =	vld [tilespmem:s14+$0x90]  }
0x200: {  	v8 =	vld [tilespmem:s19+$0x90]  }
0x201: {  	v4 =	vmax.f32 v4, $0.0e+00;
	v10 =	vld [tilespmem:s14+$0xFFFFFF90];
	v6 =	vadd.f32 v7, v6  }
0x202: {  	v7 =	vadd.f32 v9, v11;
	[tilespmem:s14+$0xFFFFFF80] =	vst v4;
	v4 =	vld [tilespmem:s14+$0x10]  }
0x203: {  	v9 =	vld [tilespmem:s19+$0xFFFFFF90];
	v6 =	vmax.f32 v6, $0.0e+00  }
0x204: {  	v7 =	vmax.f32 v7, $0.0e+00;
	v11 =	vld [tilespmem:s14+$0xFFFFFF20];
	[tilespmem:s14+$0x0] =	vst v6  }
0x205: {  	[tilespmem:s14+$0xFFFFFF00] =	vst v7;
	v6 =	vld [tilespmem:s19+$0x10];
	v5 =	vadd.f32 v8, v5  }
0x206: {  	v7 =	vld [tilespmem:s19+$0xFFFFFF10]  }
0x207: {  	v8 =	vld [tilespmem:s14+$0xFFFFFFA0];
	v5 =	vmax.f32 v5, $0.0e+00  }
0x208: {  	v9 =	vadd.f32 v9, v10;
	[tilespmem:s14+$0x90] =	vst v5;
	v5 =	vld [tilespmem:s14+$0xA0]  }
0x209: {  	v10 =	vld [tilespmem:s19+$0xA0]  }
0x20a: {  	v9 =	vmax.f32 v9, $0.0e+00;
	v4 =	vadd.f32 v6, v4;
	v6 =	vld [tilespmem:s14+$0x20]  }
0x20b: {  	v7 =	vadd.f32 v7, v12;
	v12 =	vld [tilespmem:s14+$0xFFFFFF30];
	[tilespmem:s14+$0xFFFFFF90] =	vst v9  }
0x20c: {  	v9 =	vld [tilespmem:s19+$0xFFFFFFA0];
	v4 =	vmax.f32 v4, $0.0e+00  }
0x20d: {  	v7 =	vmax.f32 v7, $0.0e+00;
	v13 =	vld [tilespmem:s14+$0xFFFFFFB0];
	[tilespmem:s14+$0x10] =	vst v4  }
0x20e: {  	[tilespmem:s14+$0xFFFFFF10] =	vst v7;
	v4 =	vld [tilespmem:s19+$0x20];
	v5 =	vadd.f32 v10, v5  }
0x20f: {  	v7 =	vld [tilespmem:s19+$0xFFFFFF20]  }
0x210: {  	v10 =	vld [tilespmem:s14+$0x30];
	v5 =	vmax.f32 v5, $0.0e+00  }
0x211: {  	v8 =	vadd.f32 v9, v8;
	[tilespmem:s14+$0xA0] =	vst v5;
	v5 =	vld [tilespmem:s14+$0xB0]  }
0x212: {  	v9 =	vld [tilespmem:s19+$0xB0]  }
0x213: {  	v14 =	vld [tilespmem:s14+$0xFFFFFF40];
	v8 =	vmax.f32 v8, $0.0e+00;
	v4 =	vadd.f32 v4, v6  }
0x214: {  	v6 =	vadd.f32 v7, v11;
	[tilespmem:s14+$0xFFFFFFA0] =	vst v8;
	v7 =	vld [tilespmem:s14+$0xFFFFFFC0]  }
0x215: {  	v8 =	vld [tilespmem:s19+$0xFFFFFFB0];
	v4 =	vmax.f32 v4, $0.0e+00  }
0x216: {  	v6 =	vmax.f32 v6, $0.0e+00;
	[tilespmem:s14+$0x20] =	vst v4;
	v11 =	vld [tilespmem:s14+$0x40]  }
0x217: {  	[tilespmem:s14+$0xFFFFFF20] =	vst v6;
	v4 =	vld [tilespmem:s19+$0x30];
	v5 =	vadd.f32 v9, v5  }
0x218: {  	v6 =	vld [tilespmem:s19+$0xFFFFFF30]  }
0x219: {  	v9 =	vld [tilespmem:s14+$0xFFFFFF50];
	v5 =	vmax.f32 v5, $0.0e+00  }
0x21a: {  	v8 =	vadd.f32 v8, v13;
	[tilespmem:s14+$0xB0] =	vst v5;
	v5 =	vld [tilespmem:s14+$0xC0]  }
0x21b: {  	v13 =	vld [tilespmem:s19+$0xC0]  }
0x21c: {  	v8 =	vmax.f32 v8, $0.0e+00;
	v15 =	vld [tilespmem:s14+$0xFFFFFFD0];
	v4 =	vadd.f32 v4, v10  }
0x21d: {  	v6 =	vadd.f32 v6, v12;
	[tilespmem:s14+$0xFFFFFFB0] =	vst v8;
	v8 =	vld [tilespmem:s14+$0x50]  }
0x21e: {  	v10 =	vld [tilespmem:s19+$0xFFFFFFC0];
	v12 =	vmax.f32 v4, $0.0e+00  }
0x21f: {  	v6 =	vmax.f32 v6, $0.0e+00;
	v4 =	vld [tilespmem:s14+$0xFFFFFF60];
	[tilespmem:s14+$0x30] =	vst v12  }
0x220: {  	[tilespmem:s14+$0xFFFFFF30] =	vst v6;
	v6 =	vld [tilespmem:s19+$0x40];
	v12 =	vadd.f32 v13, v5  }
0x221: {  	v13 =	vld [tilespmem:s19+$0xFFFFFF40]  }
0x222: {  	v5 =	vld [tilespmem:s14+$0xFFFFFFE0];
	v12 =	vmax.f32 v12, $0.0e+00  }
0x223: {  	v7 =	vadd.f32 v10, v7;
	[tilespmem:s14+$0xC0] =	vst v12;
	v10 =	vld [tilespmem:s14+$0xD0]  }
0x224: {  	v12 =	vld [tilespmem:s19+$0xD0]  }
0x225: {  	v7 =	vmax.f32 v7, $0.0e+00;
	v11 =	vadd.f32 v6, v11;
	v6 =	vld [tilespmem:s14+$0x60]  }
0x226: {  	v13 =	vadd.f32 v13, v14;
	[tilespmem:s14+$0xFFFFFFC0] =	vst v7;
	v7 =	vld [tilespmem:s12+$0xFFFFFF70]  }
0x227: {  	v14 =	vld [tilespmem:s19+$0xFFFFFFD0];
	v11 =	vmax.f32 v11, $0.0e+00  }
0x228: {  	v13 =	vmax.f32 v13, $0.0e+00;
	[tilespmem:s14+$0x40] =	vst v11;
	v11 =	vld [tilespmem:s12+$0xFFFFFFF0]  }
0x229: {  	[tilespmem:s14+$0xFFFFFF40] =	vst v13;
	v13 =	vld [tilespmem:s19+$0x50];
	v10 =	vadd.f32 v12, v10  }
0x22a: {  	v12 =	vld [tilespmem:s19+$0xFFFFFF50]  }
0x22b: {  	v10 =	vmax.f32 v10, $0.0e+00;
	v3 =	vadd.f32 v7, v3;
	v7 =	vld [tilespmem:s12+$0x70];
	s12 =	smov.u32 s19  }
0x22c: {  	v14 =	vadd.f32 v14, v15;
	[tilespmem:s14+$0xD0] =	vst v10;
	v10 =	vld [tilespmem:s14+$0xE0]  }
0x22d: {  	v15 =	vld [tilespmem:s19+$0xE0];
	v16 =	vmax.f32 v3, $0.0e+00;
	v11 =	vadd.f32 v11, v2  }
0x22e: {  	v3 =	vld [tilespmem:s14+$0xFFFFFF70];
	v2 =	vmax.f32 v14, $0.0e+00;
	v13 =	vadd.f32 v13, v8;
	[tilespmem:s10+$0xFFFFFF70] =	vst v16  }
0x22f: {  	v9 =	vadd.f32 v12, v9;
	[tilespmem:s14+$0xFFFFFFD0] =	vst v2;
	v2 =	vld [tilespmem:s14+$0xFFFFFFF0];
	v11 =	vmax.f32 v11, $0.0e+00  }
.Ltmp6:
0x230: {  	v8 =	vld [tilespmem:s19+$0xFFFFFFE0];
	v12 =	vmax.f32 v13, $0.0e+00;
	[tilespmem:s10+$0xFFFFFFF0] =	vst v11;
	v7 =	vadd.f32 v7, v1;
	(pc) =	sbr.rel @p0 .LBB2_7-.Ltmp6, $4  }
0x231: {  	v9 =	vmax.f32 v9, $0.0e+00;
	[tilespmem:s14+$0x50] =	vst v12;
	v1 =	vld [tilespmem:s14+$0x70]  }
0x232: {  	[tilespmem:s14+$0xFFFFFF50] =	vst v9;
	v9 =	vld [tilespmem:s19+$0x60];
	v11 =	vadd.f32 v15, v10;
	v7 =	vmax.f32 v7, $0.0e+00  }
0x233: {  	v10 =	vld [tilespmem:s19+$0xFFFFFF60];
	[tilespmem:s10+$0x70] =	vst v7;
	s10 =	smov.u32 s14  }
0x234: {  	s14 =	sadd.s32 $0x200, s14;
	v11 =	vmax.f32 v11, $0.0e+00;
	v7 =	vld [tilespmem:s10+$0xF0]  }
0x235: {  	_ = 	snop  }
0x236: {  	v5 =	vadd.f32 v8, v5  }
0x237: {  	v6 =	vadd.f32 v9, v6  }
0x238: {  	[tilespmem:s10+$0xE0] =	vst v11;
	v5 =	vmax.f32 v5, $0.0e+00;
	v4 =	vadd.f32 v10, v4  }
0x239: {  	v58 =	vld [tilespmem:s12+$0xF0];
	[tilespmem:s10+$0xFFFFFFE0] =	vst v5;
	v59 =	vmax.f32 v6, $0.0e+00  }
0x23a: {  	v61 =	vld [tilespmem:s12+$0xFFFFFFF0];
	v4 =	vmax.f32 v4, $0.0e+00;
	[tilespmem:s10+$0x60] =	vst v59  }
0x23b: {  	[tilespmem:s10+$0xFFFFFF60] =	vst v4;
	v62 =	vld [tilespmem:s12+$0x70]  }
0x23c: {  	v60 =	vld [tilespmem:s12+$0xFFFFFF70];
	_ =	sdelay $0x1  }
0x23d: {  	v7 =	vadd.f32 v58, v7  }
0x23e: {  	v2 =	vadd.f32 v61, v2  }
0x23f: {  	v63 =	vmax.f32 v7, $0.0e+00;
	v1 =	vadd.f32 v62, v1  }
0x240: {  	[tilespmem:s10+$0xF0] =	vst v63;
	v2 =	vmax.f32 v2, $0.0e+00;
	v3 =	vadd.f32 v60, v3  }
0x241: {  	[tilespmem:s10+$0xFFFFFFF0] =	vst v2;
	v1 =	vmax.f32 v1, $0.0e+00  }
0x242: {  	p0 =	seq.s32 s8, $0x7;
	v3 =	vmax.f32 v3, $0.0e+00;
	[tilespmem:s10+$0x70] =	vst v1  }
.Ltmp7:
0x243: {  	s9 =	sadd.s32 $0x880, s9;
	[tilespmem:s10+$0xFFFFFF70] =	vst v3;
	(pc) =	sbr.rel @!p0 .LBB2_9-.Ltmp7, $4  }
0x244: {  	[spmem:s1] =	stream.indirect.scatter.add.f32 [tilespmem:s24], [sflag:$0x6], $0x80, s9, s22, $0xb8;
	[tilespmem:$0x1D000] =	vst v63  }
0x245: {  	_ =	swait.ge [sflag:s31], $0x2000  }
0x246: {  	[sflag:s31] =	ssyncset.done $0x0  }
0x247: {  	s8 =	sadd.s32 $0x1, s7;
	[sflag:s31] =	ssyncadd.s32 $0xFFFFE000  }
0x248: {  	s8 =	sadd.s32 $0x1, s7  }
0x249: {  	p0 =	sge.u32 s8, s17  }
.Ltmp8:
0x24a: {  	_ = 	snop;
	(pc) =	sbr.rel @p0 .LBB2_13-.Ltmp8, $4  }
0x24b: {  	_ = 	snop  }
0x24c: {  	_ =	swait.ge [sflag:s11], $0x2000  }
0x24d: {  	[sflag:s11] =	ssyncset.done $0x0  }
0x24e: {  	[sflag:s11] =	ssyncadd.s32 $0xFFFFE000  }
0x24f: {  	s7 =	sshrl.u32 s8, $0x3  }
0x250: {  	s7 =	sadd.s32 s0, s7  }
0x251: {  	s7 =	sshll.u32 s7, $0x9  }
0x252: {  	s7 =	sand.u32 $0x1FFFFE00, s7  }
.Ltmp9:
0x253: {  	s7 =	sadd.s32 s18, s7;
	(pc) =	sbr.rel .LBB2_12-.Ltmp9, $4  }
0x254: {  	[tilespmem:s2], [sflag:$0x7] =	stream.linear.gather [hbm4b:s7+s2], $0x1000, $0x38;
	[tilespmem:$0x1D000] =	vst v63  }
0x255: {  	_ =	swait.ge [sflag:s21], $0x1000  }
0x256: {  	[sflag:s21] =	ssyncset.done $0x0  }
0x257: {  	[sflag:s21] =	ssyncadd.s32 $0xFFFFF000  }
.LBB2_9:
0x258: {  	p0 =	slt.u32 s8, s17  }
.Ltmp10:
0x259: {  	_ = 	snop;
	(pc) =	sbr.rel @p0 .LBB2_12-.Ltmp10, $4  }
.Ltmp11:
0x25a: {  	_ = 	snop;
	(pc) =	sbr.rel @!p0 .LBB2_13-.Ltmp11, $4  }
0x25b: {  	_ = 	snop  }
0x25c: {  	_ = 	snop  }
0x25d: {  	_ = 	snop  }
0x25e: {  	_ = 	snop  }
.LBB2_15:
0x25f: {  	_ =	sfence.sel $0x180000  }
0x260: {  	[bflag:$0x0] =	sbarrier.arrive $0xFFFF  }
0x261: {  	_ =	strace $0x9000004A  }
0x262: {  	s0 =	stileid.u32;
	[bflag:$0x2] =	sbarrier.arrive $0xFFFF  }
0x263: {  	p0 =	sne.s32 s0, $0x0;
	s0 =	rddreg [dreg:$0x2]  }
0x264: {  	s0 =	sadd.s32 @!p0 $0x100000, s0  }
0x265: {  	[sflag:s0] =	ssyncadd.tile.s32 @!p0 $0x1;
	_ =	shalt  }
.Lfunc_end2:
_tile_overlayer_lowered:
.L_overlay_start_2:
0x266: {  	(tag) =	ssettag $0x2  }
0x267: {  	s0 =	rddreg [dreg:$0x0];
	s2 =	stileid.u32  }
0x268: {  	s1 =	rddreg [dreg:$0x1];
	p0 =	sne.s32 s2, $0x0  }
0x269: {  	s3 =	rddreg [dreg:$0x2];
	[bflag:$0x3] =	sbarrier.arrive $0xFFFF;
	s2 =	simm.s32 @!p0 $0x1C07  }
0x26a: {  	[timem:s3], [sflag:s2] =	dma.local @!p0 [hbm:s0], s1  }
0x26b: {  	s0 =	simm.s32 @!p0 $0x7  }
0x26c: {  	_ =	swait.ge @!p0 [sflag:s0], s1  }
0x26d: {  	s1 =	ssub.s32 @!p0 $0x0, s1;
	[sflag:s0] =	ssyncset.done @!p0 $0x0  }
0x26e: {  	[sflag:s0] =	ssyncadd.s32 @!p0 s1  }
0x26f: {  	[bflag:$0x3] =	sbarrier.arrive $0xFFFF  }
0x270: {  	_ =	shalt  }

// kernel: kernel.7.cloned.1.call-start
scs
__scs_entry_jumppad:
0x0: {  	(pc) =	sbr.rel $0x88, $3  }
0x1: {  	(tag) =	ssettag $0x0;
	lr =	simm.s32 $0x1  }
0x2: {  	[smem:$0x3F91] =	sst lr;
	_ =	strace $0xD0000000  }
0x3: {  	_ = 	snop  }
0x4: {  	_ = 	snop  }
0x5: {  	_ = 	snop  }
0x6: {  	_ = 	snop  }
0x7: {  	_ = 	snop  }
__scs_overlays_trampoline_lowered:
0x8: {  	[smem:$0x3FA0] =	sst s0  }
0x9: {  	[smem:$0x3FA1] =	sst s1  }
0xa: {  	[smem:$0x3FA2] =	sst s2  }
0xb: {  	[smem:$0x3FA3] =	sst s3  }
0xc: {  	[smem:$0x3FA4] =	sst s4  }
0xd: {  	[smem:$0x3FA5] =	sst s5  }
0xe: {  	[smem:$0x3FA6] =	sst s6  }
0xf: {  	[smem:$0x3FA7] =	sst s7  }
0x10: {  	[smem:$0x3FA8] =	sst s8  }
0x11: {  	[smem:$0x3FA9] =	sst s9;
	s0 =	simm.s32 @!p0 $0x0  }
0x12: {  	s1 =	sld [smem:$0x3F8F];
	s0 =	simm.s32 @p0 $0x1  }
0x13: {  	[smem:$0x3FAA] =	sst s0;
	s0 =	simm.s32 @!p1 $0x0  }
0x14: {  	s2 =	sld [smem:$0x3F8E];
	s0 =	simm.s32 @p1 $0x1  }
0x15: {  	[smem:$0x3FAB] =	sst s0;
	s0 =	simm.s32 @!p2 $0x0  }
0x16: {  	s3 =	sld [smem:$0x3FDB];
	s0 =	simm.s32 @p2 $0x1  }
0x17: {  	s4 =	simm.s32 $0x1BF5;
	[smem:$0x3FAD] =	sst s0  }
0x18: {  	s0 =	sld [smem:$0x3F90];
	_ =	swait.ge [sflag:s4], $0x0  }
0x19: {  	s7 =	sld [smem:$0x3F91]  }
0x1a: {  	s8 =	sadd.s32 $0xFFFFE003, lr  }
0x1b: {  	s9 =	sadd.s32 $0xFFFFFEF7, lr;
	s5 =	simm.s32 $0xFFFFFFFF;
	p2 =	slt.u32 s8, $0xFFFFF086  }
0x1c: {  	p1 =	slt.u32 s9, $0xF7A;
	s5 =	simm.s32 @!p2 $0x0  }
0x1d: {  	s5 =	simm.s32 @p1 $0x1;
	p0 =	seq.s32 s7, s2  }
0x1e: {  	s7 =	smul.u32 @!p0 $0xF7A, s2;
	p2 =	seq.s32 @!p0 s5, $0x0  }
0x1f: {  	s9 =	smul.u32 $0xF7A, s1;
	s8 =	simm.s32 @!p0 $0x1BF5;
	p2 =	por !p2, p0  }
0x20: {  	[sflag:s8] =	ssyncset.s32 @!p0 $0xFFFFF086;
	s6 =	sadd.s32 @!p0 s3, s7;
	s7 =	simm.s32 @!p0 $0x108  }
0x21: {  	s3 =	sadd.s32 s3, s9;
	s6 =	sadd.s32 @!p0 $0x88, s6;
	s7 =	simm.s32 @p2 $0x1082  }
0x22: {  	[simem:s7], [sflag:s8] =	dma.local @!p0 [hbm:s6], $0xF7A  }
0x23: {  	s9 =	sor.u32 $0xD0000000, s2;
	s6 =	simm.s32 $0x108;
	_ =	swait.ge @!p0 [sflag:s8], $0x0  }
0x24: {  	s3 =	sadd.s32 $0x88, s3;
	s6 =	simm.s32 @!p1 $0x1082;
	[sflag:s4] =	ssyncset.s32 $0xFFFFF086  }
0x25: {  	[simem:s6], [sflag:s4] =	dma.local [hbm:s3], $0xF7A  }
0x26: {  	[smem:$0x3F91] =	sst s1;
	(tag) =	ssettag s2;
	_ =	strace s9  }
0x27: {  	s1 =	sld [smem:$0x3FA1]  }
0x28: {  	s2 =	sld [smem:$0x3FA2]  }
0x29: {  	s4 =	sld [smem:$0x3FA4]  }
0x2a: {  	p0 =	seq.s32 s5, $0x0;
	s5 =	sld [smem:$0x3FA5]  }
0x2b: {  	s6 =	sld [smem:$0x3FA6]  }
0x2c: {  	s7 =	sld [smem:$0x3FA7]  }
0x2d: {  	s3 =	simm.s32 $0x108;
	s8 =	sld [smem:$0x3FA8]  }
0x2e: {  	s3 =	simm.s32 @!p0 $0x1082;
	s9 =	sld [smem:$0x3FA9]  }
0x2f: {  	lr =	sadd.s32 s0, s3;
	s0 =	sld [smem:$0x3FA0]  }
0x30: {  	s3 =	sld [smem:$0x3FA3]  }
0x31: {  	[smem:$0x3FAC] =	sst s10  }
0x32: {  	s10 =	sld [smem:$0x3FAA];
	_ =	sdelay $0x3  }
0x33: {  	p0 =	seq.s32 s10, $0x1;
	s10 =	sld [smem:$0x3FAC];
	_ =	sdelay $0x3  }
0x34: {  	[smem:$0x3FAC] =	sst s10  }
0x35: {  	s10 =	sld [smem:$0x3FAB];
	_ =	sdelay $0x3  }
0x36: {  	p1 =	seq.s32 s10, $0x1;
	s10 =	sld [smem:$0x3FAC];
	_ =	sdelay $0x3  }
0x37: {  	[smem:$0x3FAC] =	sst s10  }
0x38: {  	s10 =	sld [smem:$0x3FAD]  }
0x39: {  	_ = 	snop;
	(pc) =	sbr.ind lr, $3  }
0x3a: {  	_ = 	snop  }
0x3b: {  	_ = 	snop  }
0x3c: {  	p2 =	seq.s32 s10, $0x1;
	s10 =	sld [smem:$0x3FAC]  }
0x3d: {  	_ =	shalt  }
0x3e: {  	_ =	shalt  }
0x3f: {  	_ =	shalt  }
0x40: {  	_ =	shalt  }
0x41: {  	_ =	shalt  }
0x42: {  	_ =	shalt  }
0x43: {  	_ =	shalt  }
0x44: {  	_ =	shalt  }
0x45: {  	_ =	shalt  }
0x46: {  	_ =	shalt  }
0x47: {  	_ =	shalt  }
0x48: {  	_ =	shalt  }
0x49: {  	_ =	shalt  }
0x4a: {  	_ =	shalt  }
0x4b: {  	_ =	shalt  }
0x4c: {  	_ =	shalt  }
0x4d: {  	_ =	shalt  }
0x4e: {  	_ =	shalt  }
0x4f: {  	_ =	shalt  }
0x50: {  	_ =	shalt  }
0x51: {  	_ =	shalt  }
0x52: {  	_ =	shalt  }
0x53: {  	_ =	shalt  }
0x54: {  	_ =	shalt  }
0x55: {  	_ =	shalt  }
0x56: {  	_ =	shalt  }
0x57: {  	_ =	shalt  }
0x58: {  	_ =	shalt  }
0x59: {  	_ =	shalt  }
0x5a: {  	_ =	shalt  }
0x5b: {  	_ =	shalt  }
0x5c: {  	_ =	shalt  }
0x5d: {  	_ =	shalt  }
0x5e: {  	_ =	shalt  }
0x5f: {  	_ =	shalt  }
0x60: {  	_ =	shalt  }
0x61: {  	_ =	shalt  }
0x62: {  	_ =	shalt  }
0x63: {  	_ =	shalt  }
0x64: {  	_ =	shalt  }
0x65: {  	_ =	shalt  }
0x66: {  	_ =	shalt  }
0x67: {  	_ =	shalt  }
0x68: {  	_ =	shalt  }
0x69: {  	_ =	shalt  }
0x6a: {  	_ =	shalt  }
0x6b: {  	_ =	shalt  }
0x6c: {  	_ =	shalt  }
0x6d: {  	_ =	shalt  }
0x6e: {  	_ =	shalt  }
0x6f: {  	_ =	shalt  }
0x70: {  	_ =	shalt  }
0x71: {  	_ =	shalt  }
0x72: {  	_ =	shalt  }
0x73: {  	_ =	shalt  }
0x74: {  	_ =	shalt  }
0x75: {  	_ =	shalt  }
0x76: {  	_ =	shalt  }
0x77: {  	_ =	shalt  }
0x78: {  	_ =	shalt  }
0x79: {  	_ =	shalt  }
0x7a: {  	_ =	shalt  }
0x7b: {  	_ =	shalt  }
0x7c: {  	_ =	shalt  }
0x7d: {  	_ =	shalt  }
0x7e: {  	_ =	shalt  }
0x7f: {  	_ =	shalt  }
0x80: {  	_ =	shalt  }
0x81: {  	_ =	shalt  }
0x82: {  	_ =	shalt  }
0x83: {  	_ =	shalt  }
0x84: {  	_ =	shalt  }
0x85: {  	_ =	shalt  }
0x86: {  	_ =	shalt  }
0x87: {  	_ =	shalt  }
.Lfunc_end0:
.L_simem_size_0:
called_computation_lowered:
.L_overlay_start_0:
0x88: {  	s2 =	sld [smem:$0x3FD9]  }
0x89: {  	s3 =	sld [smem:$0x3FFE];
	_ =	sdelay $0x1  }
0x8a: {  	s1 =	srdreg.scid  }
0x8b: {  	s0 =	sand.u32 $0x1, s1  }
0x8c: {  	s17 =	sshll.u32 s0, $0xA;
	s2 =	sadd.s32 s3, s2  }
0x8d: {  	s2 =	sadd.s32 s2, s17  }
0x8e: {  	[smem:$0x3FB8] =	sst s2  }
0x8f: {  	_ = 	snop  }
0x90: {  	s2 =	sld [smem:$0x3FC9];
	(tm) =	ssettm $0x1  }
0x91: {  	s18 =	sld [smem:$0x3FFB];
	_ =	sdelay $0x3  }
0x92: {  	_ =	strace s18  }
0x93: {  	s3 =	sld [smem:$0x3FFC];
	_ =	sdelay $0x3  }
0x94: {  	_ =	strace s3  }
0x95: {  	s3 =	sld [smem:$0x3FFD];
	_ =	sdelay $0x3  }
0x96: {  	_ =	strace s3  }
0x97: {  	_ =	strace $0x8FFFFFFF  }
0x98: {  	s19 =	sld [smem:$0x3FDB];
	_ =	sdelay $0x1  }
0x99: {  	s4 =	simm.s32 $_scs_section_size  }
0x9a: {  	s5 =	simm.s32 $_size__tile_overlayer_lowered;
	s6 =	simm.s32 $_tile_overlayer_lowered  }
0x9b: {  	s22 =	simm.s32 $0x1BFF;
	s21 =	sshll.u32 s6, $0x1;
	s3 =	sadd.s32 s4, s19  }
0x9c: {  	s7 =	simm.s32 $0x0;
	s20 =	sshll.u32 s5, $0x1;
	s5 =	sadd.s32 s21, s3  }
0x9d: {  	[timem:s7], [sflag:s22] =	dma.local [hbm:s5], s20  }
0x9e: {  	_ =	swait.ge [sflag:s22], s20  }
0x9f: {  	s4 =	ssub.s32 $0x0, s20;
	[sflag:s22] =	ssyncset.done $0x0  }
0xa0: {  	[sflag:s22] =	ssyncadd.s32 s4;
	_ =	sdelay $0x1  }
0xa1: {  	s23 =	simm.s32 $0x1B8B  }
0xa2: {  	_ =	swait.ge [sflag:s23], $0x1  }
0xa3: {  	[sflag:s23] =	ssyncset.done $0x0  }
0xa4: {  	s25 =	simm.s32 $0x1B8E;
	s24 =	sld [smem:$0x3FFE];
	[sflag:s23] =	ssyncadd.s32 $0xFFFFFFFF  }
0xa5: {  	s26 =	simm.s32 $execute0_lowered;
	[smem:$0x3FD2] =	sst s25  }
0xa6: {  	s5 =	sshll.u32 s26, $0x1;
	_ =	strace $0x80000046;
	[dreg:$0x1] =	wrdreg $0xFFFFFFFF  }
0xa7: {  	s28 =	simm.s32 $_size_execute0_lowered;
	s3 =	sadd.s32 s3, s5;
	[dreg:$0x0] =	wrdreg $0x0  }
0xa8: {  	s5 =	sshll.u32 s28, $0x1;
	[dreg:$0x2] =	wrdreg s3  }
0xa9: {  	[dreg:$0x3] =	wrdreg s5  }
0xaa: {  	[dreg:$0x4] =	wrdreg $0xC0  }
0xab: {  	_ =	task [dreg:s7], $0x5FFFF  }
0xac: {  	[dreg:$0x1] =	wrdreg $0xFFFFFFFF  }
0xad: {  	[dreg:$0x0] =	wrdreg $0x60  }
0xae: {  	[dreg:$0x2] =	wrdreg s2  }
0xaf: {  	[dreg:$0x3] =	wrdreg s24  }
0xb0: {  	[dreg:$0x4] =	wrdreg $0x90000  }
0xb1: {  	[dreg:$0x5] =	wrdreg $0x9  }
0xb2: {  	_ =	task.clear_ibuf [dreg:s7], $0x6FFFF;
	_ =	strace $0x90000046  }
0xb3: {  	s29 =	simm.s32 $0x9;
	_ =	strace $0x80000048  }
0xb4: {  	_ =	swait.ge [sflag:s29], $0x1  }
0xb5: {  	[sflag:s29] =	ssyncadd.s32 $0xFFFFFFFF  }
0xb6: {  	_ =	strace $0x90000048  }
0xb7: {  	_ =	sfence  }
0xb8: {  	s30 =	sld [smem:$0x0];
	_ =	sdelay $0x2  }
0xb9: {  	s31 =	sshll.u32 s1, $0xD;
	s1 =	sshrl.u32 s1, $0x2  }
0xba: {  	s3 =	sand.u32 $0x4000, s31;
	s1 =	sadd.s32 s1, s30  }
0xbb: {  	s0 =	sor.u32 s3, s0;
	s1 =	sshll.u32 s1, $0x11  }
0xbc: {  	s0 =	sor.u32 s1, s0  }
0xbd: {  	s0 =	sadd.s32 $0x8F2B, s0  }
0xbe: {  	[sflag:s0] =	ssyncadd.remote.s32 $0x1  }
0xbf: {  	_ =	sfence.sel $0xFFFF  }
0xc0: {  	[dreg:$0x0] =	wrdreg $0xFFFFFFFF;
	(pc) =	sbr.abs _section_cstart, $3  }
0xc1: {  	[dreg:$0x1] =	wrdreg $0xFFFFFFFF  }
0xc2: {  	_ =	task.clear_ibuf [dreg:s7], $0x2FFFF;
	_ =	strace $0x9FFFFFFF  }
0xc3: {  	(tm) =	ssettm $0x7FFFFFFF  }
tec
execute0_lowered:
.L_overlay_start_1:
0x0: {  	(tag) =	ssettag $0x1  }
0x1: {  	s1 =	rddreg [dreg:$0x0]  }
0x2: {  	s0 =	rddreg [dreg:$0x1]  }
0x3: {  	s3 =	rddreg [dreg:$0x2];
	s17 =	stileid.u32  }
0x4: {  	s2 =	srdreg.scid;
	s4 =	simm.s32 $0x0;
	s5 =	smul.u32 $0x60, s17  }
0x5: {  	s2 =	sand.u32 $0x1, s2;
	[smem:$0x7FF] =	sst s4;
	s9 =	smul.u32 $0x14000, s17  }
0x6: {  	s10 =	sadd.s32 $0x2AA00, s0;
	s26 =	smul.u32 $0x50000, s17;
	s6 =	ssub.s32 $0x2, s2  }
0x7: {  	s7 =	smul.u32 $0x140000, s2;
	_ =	strace $0x80000047;
	p0 =	seq.s32 s2, $0x0  }
0x8: {  	s8 =	sshrl.u32 s6, $0x1;
	s5 =	sadd.s32 $0xE00, s5;
	s11 =	sadd.s32 $0x4000, s9  }
0x9: {  	s6 =	ssub.s32 s6, s8;
	s8 =	smul.u32 $0xE0, s17;
	s13 =	sadd.s32 s7, s9  }
0xa: {  	s12 =	sadd.s32 s7, s11;
	s2 =	sshrl.u32 s13, $0x3;
	s13 =	sadd.s32 $0x6000, s9  }
0xb: {  	s15 =	sshrl.u32 s12, $0x3;
	s5 =	smov.u32 @p0 s8;
	s8 =	sor.u32 $0x2000, s9  }
0xc: {  	s12 =	sadd.s32 $0x8000, s9;
	s2 =	sadd.s32 s10, s2;
	s14 =	sadd.s32 s7, s8  }
0xd: {  	s16 =	sadd.s32 s7, s13;
	[dreg:$0x4] =	wrdreg s2;
	s2 =	sshrl.u32 s14, $0x3  }
0xe: {  	s19 =	sadd.s32 s7, s12;
	s18 =	sshrl.u32 s16, $0x3;
	s2 =	sadd.s32 s10, s2  }
0xf: {  	s14 =	sadd.s32 $0xA000, s9;
	[dreg:$0x5] =	wrdreg s2;
	s2 =	sadd.s32 s10, s15  }
0x10: {  	s15 =	sadd.s32 s7, s14;
	[dreg:$0x6] =	wrdreg s2;
	s2 =	sadd.s32 s10, s18  }
0x11: {  	s20 =	sshrl.u32 s15, $0x3;
	s15 =	sadd.s32 $0xE000, s9;
	s18 =	sadd.s32 $0x2A00, s0  }
0x12: {  	[dreg:$0x7] =	wrdreg s2;
	s2 =	sshrl.u32 s19, $0x3;
	s19 =	sadd.s32 $0xC000, s9  }
0x13: {  	s23 =	sadd.s32 s7, s15;
	s2 =	sadd.s32 s10, s2;
	s21 =	sadd.s32 s7, s19  }
0x14: {  	[dreg:$0x8] =	wrdreg s2;
	s2 =	sadd.s32 s10, s20;
	s22 =	sshrl.u32 s21, $0x3  }
0x15: {  	s20 =	sadd.s32 $0x10000, s9;
	s9 =	sadd.s32 $0x12000, s9;
	s21 =	sshrl.u32 s26, $0x2  }
0x16: {  	s26 =	sadd.s32 s8, s3;
	s8 =	sadd.s32 s14, s3;
	[dreg:$0x9] =	wrdreg s2  }
0x17: {  	s2 =	sadd.s32 s10, s22;
	s16 =	sadd.s32 s7, s20;
	[dreg:$0x12] =	wrdreg s26  }
0x18: {  	s7 =	sadd.s32 s7, s9;
	s22 =	sshll.u32 s5, $0x5;
	[dreg:$0x16] =	wrdreg s8  }
0x19: {  	s14 =	sadd.s32 s9, s3;
	[dreg:$0xa] =	wrdreg s2;
	s24 =	sshrl.u32 s16, $0x3  }
0x1a: {  	s16 =	sadd.s32 $0x9E4A00, s0;
	s0 =	sadd.s32 s18, s22;
	[dreg:$0x1a] =	wrdreg s14  }
0x1b: {  	s25 =	sshrl.u32 s7, $0x3;
	s7 =	sadd.s32 s12, s3;
	[dreg:$0xf] =	wrdreg s0  }
0x1c: {  	s2 =	sshrl.u32 s23, $0x3;
	s12 =	sadd.s32 s15, s3;
	[dreg:$0x15] =	wrdreg s7  }
0x1d: {  	s2 =	sadd.s32 s10, s2;
	[dreg:$0x18] =	wrdreg s12  }
0x1e: {  	s23 =	sshll.u32 s5, $0xA;
	[dreg:$0xb] =	wrdreg s2;
	s2 =	sadd.s32 s10, s24  }
0x1f: {  	s24 =	sadd.s32 s16, s23;
	[dreg:$0xc] =	wrdreg s2  }
0x20: {  	s2 =	sadd.s32 s10, s25;
	[dreg:$0x10] =	wrdreg s24  }
0x21: {  	s25 =	smax.u32 s6, $0x1;
	[dreg:$0xd] =	wrdreg s2  }
0x22: {  	s6 =	sadd.s32 s13, s3;
	[dreg:$0x11] =	wrdreg s25  }
0x23: {  	s13 =	sadd.s32 s20, s3;
	[dreg:$0x14] =	wrdreg s6  }
0x24: {  	s10 =	sadd.s32 s21, s3;
	[dreg:$0x19] =	wrdreg s13  }
0x25: {  	s2 =	sadd.s32 s11, s3;
	[dreg:$0xe] =	wrdreg s10  }
0x26: {  	s28 =	simm.s32 $0x3;
	s11 =	sadd.s32 s19, s3;
	[dreg:$0x13] =	wrdreg s2  }
0x27: {  	s29 =	simm.s32 $0x2;
	s15 =	sadd.s32 $0x2000, s10;
	[dreg:$0x17] =	wrdreg s11  }
0x28: {  	s30 =	simm.s32 $0x4;
	s19 =	sadd.s32 $0x4000, s10;
	[dreg:$0x1b] =	wrdreg s15  }
0x29: {  	s31 =	simm.s32 $0x5;
	s20 =	sadd.s32 $0x6000, s10;
	[dreg:$0x1c] =	wrdreg s19  }
0x2a: {  	s17 =	simm.s32 $0x70;
	s21 =	sadd.s32 $0x8000, s10;
	[dreg:$0x1d] =	wrdreg s20  }
0x2b: {  	s17 =	simm.s32 @!p0 $0x30;
	s22 =	sadd.s32 $0xA000, s10;
	[dreg:$0x1e] =	wrdreg s21  }
0x2c: {  	s0 =	simm.s32 $0x6;
	s23 =	sadd.s32 $0xC000, s10;
	[dreg:$0x1f] =	wrdreg s22  }
0x2d: {  	s7 =	simm.s32 $0x0;
	s24 =	sadd.s32 $0xE000, s10;
	[smem:$0x7FA] =	sst s23  }
.Ltmp0:
0x2e: {  	s25 =	sadd.s32 $0x10000, s10;
	[smem:$0x7FB] =	sst s24;
	(pc) =	sbr.rel .LBB2_1-.Ltmp0, $4  }
0x2f: {  	s6 =	sor.u32 $0x1, s5;
	s26 =	sadd.s32 $0x12000, s10;
	[smem:$0x7FC] =	sst s25  }
0x30: {  	s2 =	sshrl.u32 s5, $0x4;
	[smem:$0x7FD] =	sst s26;
	s20 =	simm.s32 $0x1000  }
0x31: {  	s21 =	simm.s32 $0x7;
	s22 =	simm.s32 $0x40;
	s23 =	simm.s32 $0x5000  }
0x32: {  	v0 =	vimm.f32 $0.0e+00;
	s24 =	simm.s32 $0x3000;
	s25 =	simm.s32 $0x7000;
	s26 =	simm.s32 $0x1  }
.LBB2_14:
0x33: {  	[bflag:$0x0] =	sbarrier.arrive $0xFFFF  }
0x34: {  	s10 =	rddreg [dreg:$0xe]  }
0x35: {  	[tilespmem:s20], [sflag:$0x7] =	stream.linear.gather [spmem:s10], $0x2000, $0x38;
	[tilespmem:$0x1D000] =	vst v63  }
0x36: {  	_ =	swait.ge [sflag:s21], $0x2000  }
0x37: {  	[sflag:s21] =	ssyncset.done $0x0  }
0x38: {  	s8 =	rddreg [dreg:$0x4];
	[sflag:s21] =	ssyncadd.s32 $0xFFFFE000  }
0x39: {  	[hbm4b:s8+s4] =	stream.linear.scatter [tilespmem:s20], [sflag:$0x7], $0x2000, $0x38;
	[tilespmem:$0x1D000] =	vst v63  }
0x3a: {  	_ =	swait.ge [sflag:s21], $0x2000  }
0x3b: {  	[sflag:s21] =	ssyncset.done $0x0  }
0x3c: {  	s12 =	rddreg [dreg:$0x12];
	[sflag:s21] =	ssyncadd.s32 $0xFFFFE000  }
0x3d: {  	[tilespmem:s20], [sflag:$0x7] =	stream.linear.gather [spmem:s12], $0x2000, $0x38;
	[tilespmem:$0x1D000] =	vst v63  }
0x3e: {  	_ =	swait.ge [sflag:s21], $0x2000  }
0x3f: {  	[sflag:s21] =	ssyncset.done $0x0  }
0x40: {  	s13 =	rddreg [dreg:$0x5];
	[sflag:s21] =	ssyncadd.s32 $0xFFFFE000  }
0x41: {  	[hbm4b:s13+s4] =	stream.linear.scatter [tilespmem:s20], [sflag:$0x7], $0x2000, $0x38;
	[tilespmem:$0x1D000] =	vst v63  }
0x42: {  	_ =	swait.ge [sflag:s21], $0x2000  }
0x43: {  	[sflag:s21] =	ssyncset.done $0x0  }
0x44: {  	s14 =	rddreg [dreg:$0x13];
	[sflag:s21] =	ssyncadd.s32 $0xFFFFE000  }
0x45: {  	[tilespmem:s20], [sflag:$0x7] =	stream.linear.gather [spmem:s14], $0x2000, $0x38;
	[tilespmem:$0x1D000] =	vst v63  }
0x46: {  	_ =	swait.ge [sflag:s21], $0x2000  }
0x47: {  	[sflag:s21] =	ssyncset.done $0x0  }
0x48: {  	s15 =	rddreg [dreg:$0x6];
	[sflag:s21] =	ssyncadd.s32 $0xFFFFE000  }
0x49: {  	[hbm4b:s15+s4] =	stream.linear.scatter [tilespmem:s20], [sflag:$0x7], $0x2000, $0x38;
	[tilespmem:$0x1D000] =	vst v63  }
0x4a: {  	_ =	swait.ge [sflag:s21], $0x2000  }
0x4b: {  	[sflag:s21] =	ssyncset.done $0x0  }
0x4c: {  	s19 =	rddreg [dreg:$0x14];
	[sflag:s21] =	ssyncadd.s32 $0xFFFFE000  }
0x4d: {  	[tilespmem:s20], [sflag:$0x7] =	stream.linear.gather [spmem:s19], $0x2000, $0x38;
	[tilespmem:$0x1D000] =	vst v63  }
0x4e: {  	_ =	swait.ge [sflag:s21], $0x2000  }
0x4f: {  	[sflag:s21] =	ssyncset.done $0x0  }
0x50: {  	s9 =	rddreg [dreg:$0x7];
	[sflag:s21] =	ssyncadd.s32 $0xFFFFE000  }
0x51: {  	[hbm4b:s9+s4] =	stream.linear.scatter [tilespmem:s20], [sflag:$0x7], $0x2000, $0x38;
	[tilespmem:$0x1D000] =	vst v63  }
0x52: {  	_ =	swait.ge [sflag:s21], $0x2000  }
0x53: {  	[sflag:s21] =	ssyncset.done $0x0  }
0x54: {  	s11 =	rddreg [dreg:$0x15];
	[sflag:s21] =	ssyncadd.s32 $0xFFFFE000  }
0x55: {  	[tilespmem:s20], [sflag:$0x7] =	stream.linear.gather [spmem:s11], $0x2000, $0x38;
	[tilespmem:$0x1D000] =	vst v63  }
0x56: {  	_ =	swait.ge [sflag:s21], $0x2000  }
0x57: {  	[sflag:s21] =	ssyncset.done $0x0  }
0x58: {  	s12 =	rddreg [dreg:$0x8];
	[sflag:s21] =	ssyncadd.s32 $0xFFFFE000  }
0x59: {  	[hbm4b:s12+s4] =	stream.linear.scatter [tilespmem:s20], [sflag:$0x7], $0x2000, $0x38;
	[tilespmem:$0x1D000] =	vst v63  }
0x5a: {  	_ =	swait.ge [sflag:s21], $0x2000  }
0x5b: {  	[sflag:s21] =	ssyncset.done $0x0  }
0x5c: {  	s13 =	rddreg [dreg:$0x16];
	[sflag:s21] =	ssyncadd.s32 $0xFFFFE000  }
0x5d: {  	[tilespmem:s20], [sflag:$0x7] =	stream.linear.gather [spmem:s13], $0x2000, $0x38;
	[tilespmem:$0x1D000] =	vst v63  }
0x5e: {  	_ =	swait.ge [sflag:s21], $0x2000  }
0x5f: {  	[sflag:s21] =	ssyncset.done $0x0  }
0x60: {  	s14 =	rddreg [dreg:$0x9];
	[sflag:s21] =	ssyncadd.s32 $0xFFFFE000  }
0x61: {  	[hbm4b:s14+s4] =	stream.linear.scatter [tilespmem:s20], [sflag:$0x7], $0x2000, $0x38;
	[tilespmem:$0x1D000] =	vst v63  }
0x62: {  	_ =	swait.ge [sflag:s21], $0x2000  }
0x63: {  	[sflag:s21] =	ssyncset.done $0x0  }
0x64: {  	s15 =	rddreg [dreg:$0x17];
	[sflag:s21] =	ssyncadd.s32 $0xFFFFE000  }
0x65: {  	[tilespmem:s20], [sflag:$0x7] =	stream.linear.gather [spmem:s15], $0x2000, $0x38;
	[tilespmem:$0x1D000] =	vst v63  }
0x66: {  	_ =	swait.ge [sflag:s21], $0x2000  }
0x67: {  	[sflag:s21] =	ssyncset.done $0x0  }
0x68: {  	s19 =	rddreg [dreg:$0xa];
	[sflag:s21] =	ssyncadd.s32 $0xFFFFE000  }
0x69: {  	[hbm4b:s19+s4] =	stream.linear.scatter [tilespmem:s20], [sflag:$0x7], $0x2000, $0x38;
	[tilespmem:$0x1D000] =	vst v63  }
0x6a: {  	_ =	swait.ge [sflag:s21], $0x2000  }
0x6b: {  	[sflag:s21] =	ssyncset.done $0x0  }
0x6c: {  	s9 =	rddreg [dreg:$0x18];
	[sflag:s21] =	ssyncadd.s32 $0xFFFFE000  }
0x6d: {  	[tilespmem:s20], [sflag:$0x7] =	stream.linear.gather [spmem:s9], $0x2000, $0x38;
	[tilespmem:$0x1D000] =	vst v63  }
0x6e: {  	_ =	swait.ge [sflag:s21], $0x2000  }
0x6f: {  	[sflag:s21] =	ssyncset.done $0x0  }
0x70: {  	s11 =	rddreg [dreg:$0xb];
	[sflag:s21] =	ssyncadd.s32 $0xFFFFE000  }
0x71: {  	[hbm4b:s11+s4] =	stream.linear.scatter [tilespmem:s20], [sflag:$0x7], $0x2000, $0x38;
	[tilespmem:$0x1D000] =	vst v63  }
0x72: {  	_ =	swait.ge [sflag:s21], $0x2000  }
0x73: {  	[sflag:s21] =	ssyncset.done $0x0  }
0x74: {  	s12 =	rddreg [dreg:$0x19];
	[sflag:s21] =	ssyncadd.s32 $0xFFFFE000  }
0x75: {  	[tilespmem:s20], [sflag:$0x7] =	stream.linear.gather [spmem:s12], $0x2000, $0x38;
	[tilespmem:$0x1D000] =	vst v63  }
0x76: {  	_ =	swait.ge [sflag:s21], $0x2000  }
0x77: {  	[sflag:s21] =	ssyncset.done $0x0  }
0x78: {  	s13 =	rddreg [dreg:$0xc];
	[sflag:s21] =	ssyncadd.s32 $0xFFFFE000  }
0x79: {  	[hbm4b:s13+s4] =	stream.linear.scatter [tilespmem:s20], [sflag:$0x7], $0x2000, $0x38;
	[tilespmem:$0x1D000] =	vst v63  }
0x7a: {  	_ =	swait.ge [sflag:s21], $0x2000  }
0x7b: {  	[sflag:s21] =	ssyncset.done $0x0  }
0x7c: {  	s14 =	rddreg [dreg:$0x1a];
	[sflag:s21] =	ssyncadd.s32 $0xFFFFE000  }
0x7d: {  	[tilespmem:s20], [sflag:$0x7] =	stream.linear.gather [spmem:s14], $0x2000, $0x38;
	[tilespmem:$0x1D000] =	vst v63  }
0x7e: {  	_ =	swait.ge [sflag:s21], $0x2000  }
0x7f: {  	[sflag:s21] =	ssyncset.done $0x0  }
0x80: {  	s15 =	rddreg [dreg:$0xd];
	[sflag:s21] =	ssyncadd.s32 $0xFFFFE000  }
0x81: {  	[hbm4b:s15+s4] =	stream.linear.scatter [tilespmem:s20], [sflag:$0x7], $0x2000, $0x38;
	[tilespmem:$0x1D000] =	vst v63  }
0x82: {  	_ =	swait.ge [sflag:s21], $0x2000  }
0x83: {  	s7 =	sadd.s32 $0x1, s7;
	s19 =	rddreg [dreg:$0x11]  }
0x84: {  	p0 =	sne.s32 s7, s19  }
.Ltmp1:
0x85: {  	_ = 	snop;
	(pc) =	sbr.rel @!p0 .LBB2_15-.Ltmp1, $3  }
0x86: {  	_ =	sdelay $0x1  }
0x87: {  	[sflag:s21] =	ssyncset.done $0x0  }
0x88: {  	[sflag:s21] =	ssyncadd.s32 $0xFFFFE000  }
.LBB2_1:
0x89: {  	s8 =	simm.s32 $0x1100  }
0x8a: {  	[tilespmem:s8+$0xFFFFFF00] =	vst v0  }
0x8b: {  	[tilespmem:s8+$0xF0] =	vst v0  }
0x8c: {  	[tilespmem:s8+$0xE0] =	vst v0  }
0x8d: {  	[tilespmem:s8+$0xD0] =	vst v0  }
0x8e: {  	[tilespmem:s8+$0xC0] =	vst v0  }
0x8f: {  	[tilespmem:s8+$0xB0] =	vst v0  }
0x90: {  	[tilespmem:s8+$0xA0] =	vst v0  }
0x91: {  	[tilespmem:s8+$0x90] =	vst v0  }
0x92: {  	[tilespmem:s8+$0x80] =	vst v0  }
0x93: {  	[tilespmem:s8+$0x70] =	vst v0  }
0x94: {  	[tilespmem:s8+$0x60] =	vst v0  }
0x95: {  	[tilespmem:s8+$0x50] =	vst v0  }
0x96: {  	[tilespmem:s8+$0x40] =	vst v0  }
0x97: {  	[tilespmem:s8+$0x30] =	vst v0  }
0x98: {  	[tilespmem:s8+$0x20] =	vst v0  }
0x99: {  	[tilespmem:s8+$0x10] =	vst v0  }
0x9a: {  	[tilespmem:s8+$0x0] =	vst v0  }
0x9b: {  	[tilespmem:s8+$0xFFFFFFF0] =	vst v0  }
0x9c: {  	[tilespmem:s8+$0xFFFFFFE0] =	vst v0  }
0x9d: {  	[tilespmem:s8+$0xFFFFFFD0] =	vst v0  }
0x9e: {  	[tilespmem:s8+$0xFFFFFFC0] =	vst v0  }
0x9f: {  	[tilespmem:s8+$0xFFFFFFB0] =	vst v0  }
0xa0: {  	[tilespmem:s8+$0xFFFFFFA0] =	vst v0  }
0xa1: {  	[tilespmem:s8+$0xFFFFFF90] =	vst v0  }
0xa2: {  	[tilespmem:s8+$0xFFFFFF80] =	vst v0  }
0xa3: {  	[tilespmem:s8+$0xFFFFFF70] =	vst v0  }
0xa4: {  	[tilespmem:s8+$0xFFFFFF60] =	vst v0  }
0xa5: {  	[tilespmem:s8+$0xFFFFFF50] =	vst v0  }
0xa6: {  	[tilespmem:s8+$0xFFFFFF40] =	vst v0  }
0xa7: {  	[tilespmem:s8+$0xFFFFFF30] =	vst v0  }
0xa8: {  	s9 =	simm.s32 $0x0;
	[tilespmem:s8+$0xFFFFFF20] =	vst v0  }
.LBB2_2:
0xa9: {  	s9 =	sadd.s32 $0x4, s9;
	[tilespmem:s8+$0xFFFFFF10] =	vst v0;
	s8 =	sadd.s32 $0x200, s8  }
0xaa: {  	[tilespmem:s8+$0xFFFFFF00] =	vst v0;
	p0 =	slt.u32 s9, $0x3C  }
0xab: {  	[tilespmem:s8+$0xF0] =	vst v0  }
0xac: {  	[tilespmem:s8+$0xE0] =	vst v0  }
0xad: {  	[tilespmem:s8+$0xD0] =	vst v0  }
0xae: {  	[tilespmem:s8+$0xC0] =	vst v0  }
0xaf: {  	[tilespmem:s8+$0xB0] =	vst v0  }
0xb0: {  	[tilespmem:s8+$0xA0] =	vst v0  }
0xb1: {  	[tilespmem:s8+$0x90] =	vst v0  }
0xb2: {  	[tilespmem:s8+$0x80] =	vst v0  }
0xb3: {  	[tilespmem:s8+$0x70] =	vst v0  }
0xb4: {  	[tilespmem:s8+$0x60] =	vst v0  }
0xb5: {  	[tilespmem:s8+$0x50] =	vst v0  }
0xb6: {  	[tilespmem:s8+$0x40] =	vst v0  }
0xb7: {  	[tilespmem:s8+$0x30] =	vst v0  }
0xb8: {  	[tilespmem:s8+$0x20] =	vst v0  }
0xb9: {  	[tilespmem:s8+$0x10] =	vst v0  }
0xba: {  	[tilespmem:s8+$0x0] =	vst v0  }
0xbb: {  	[tilespmem:s8+$0xFFFFFFF0] =	vst v0  }
0xbc: {  	[tilespmem:s8+$0xFFFFFFE0] =	vst v0  }
0xbd: {  	[tilespmem:s8+$0xFFFFFFD0] =	vst v0  }
0xbe: {  	[tilespmem:s8+$0xFFFFFFC0] =	vst v0  }
0xbf: {  	[tilespmem:s8+$0xFFFFFFB0] =	vst v0  }
0xc0: {  	[tilespmem:s8+$0xFFFFFFA0] =	vst v0  }
0xc1: {  	[tilespmem:s8+$0xFFFFFF90] =	vst v0  }
0xc2: {  	[tilespmem:s8+$0xFFFFFF80] =	vst v0  }
0xc3: {  	[tilespmem:s8+$0xFFFFFF70] =	vst v0  }
.Ltmp2:
0xc4: {  	[tilespmem:s8+$0xFFFFFF60] =	vst v0;
	(pc) =	sbr.rel @p0 .LBB2_2-.Ltmp2, $4  }
0xc5: {  	[tilespmem:s8+$0xFFFFFF50] =	vst v0  }
0xc6: {  	[tilespmem:s8+$0xFFFFFF40] =	vst v0  }
0xc7: {  	[tilespmem:s8+$0xFFFFFF30] =	vst v0  }
0xc8: {  	[tilespmem:s8+$0xFFFFFF20] =	vst v0  }
0xc9: {  	[tilespmem:s8+$0xFFFFFF10] =	vst v0  }
0xca: {  	[spmem:s10] =	stream.linear.scatter [tilespmem:s20], [sflag:$0x7], $0x2000, $0x38;
	[tilespmem:$0x1D000] =	vst v63  }
0xcb: {  	_ =	swait.ge [sflag:s21], $0x2000  }
0xcc: {  	[sflag:s21] =	ssyncset.done $0x0  }
0xcd: {  	s14 =	rddreg [dreg:$0x1b];
	[sflag:s21] =	ssyncadd.s32 $0xFFFFE000  }
0xce: {  	[spmem:s14] =	stream.linear.scatter [tilespmem:s20], [sflag:$0x7], $0x2000, $0x38;
	[tilespmem:$0x1D000] =	vst v63  }
0xcf: {  	_ =	swait.ge [sflag:s21], $0x2000  }
0xd0: {  	[sflag:s21] =	ssyncset.done $0x0  }
0xd1: {  	s15 =	rddreg [dreg:$0x1c];
	[sflag:s21] =	ssyncadd.s32 $0xFFFFE000  }
0xd2: {  	[spmem:s15] =	stream.linear.scatter [tilespmem:s20], [sflag:$0x7], $0x2000, $0x38;
	[tilespmem:$0x1D000] =	vst v63  }
0xd3: {  	_ =	swait.ge [sflag:s21], $0x2000  }
0xd4: {  	[sflag:s21] =	ssyncset.done $0x0  }
0xd5: {  	s19 =	rddreg [dreg:$0x1d];
	[sflag:s21] =	ssyncadd.s32 $0xFFFFE000  }
0xd6: {  	[spmem:s19] =	stream.linear.scatter [tilespmem:s20], [sflag:$0x7], $0x2000, $0x38;
	[tilespmem:$0x1D000] =	vst v63  }
0xd7: {  	_ =	swait.ge [sflag:s21], $0x2000  }
0xd8: {  	[sflag:s21] =	ssyncset.done $0x0  }
0xd9: {  	s9 =	rddreg [dreg:$0x1e];
	[sflag:s21] =	ssyncadd.s32 $0xFFFFE000  }
0xda: {  	[spmem:s9] =	stream.linear.scatter [tilespmem:s20], [sflag:$0x7], $0x2000, $0x38;
	[tilespmem:$0x1D000] =	vst v63  }
0xdb: {  	_ =	swait.ge [sflag:s21], $0x2000  }
0xdc: {  	[sflag:s21] =	ssyncset.done $0x0  }
0xdd: {  	s10 =	rddreg [dreg:$0x1f];
	[sflag:s21] =	ssyncadd.s32 $0xFFFFE000  }
0xde: {  	[spmem:s10] =	stream.linear.scatter [tilespmem:s20], [sflag:$0x7], $0x2000, $0x38;
	[tilespmem:$0x1D000] =	vst v63  }
0xdf: {  	_ =	swait.ge [sflag:s21], $0x2000  }
0xe0: {  	s11 =	sld [smem:$0x7FA]  }
0xe1: {  	[sflag:s21] =	ssyncset.done $0x0  }
0xe2: {  	[sflag:s21] =	ssyncadd.s32 $0xFFFFE000  }
0xe3: {  	[spmem:s11] =	stream.linear.scatter [tilespmem:s20], [sflag:$0x7], $0x2000, $0x38;
	[tilespmem:$0x1D000] =	vst v63  }
0xe4: {  	_ =	swait.ge [sflag:s21], $0x2000  }
0xe5: {  	s12 =	sld [smem:$0x7FB]  }
0xe6: {  	[sflag:s21] =	ssyncset.done $0x0  }
0xe7: {  	[sflag:s21] =	ssyncadd.s32 $0xFFFFE000  }
0xe8: {  	[spmem:s12] =	stream.linear.scatter [tilespmem:s20], [sflag:$0x7], $0x2000, $0x38;
	[tilespmem:$0x1D000] =	vst v63  }
0xe9: {  	_ =	swait.ge [sflag:s21], $0x2000  }
0xea: {  	s13 =	sld [smem:$0x7FC]  }
0xeb: {  	[sflag:s21] =	ssyncset.done $0x0  }
0xec: {  	[sflag:s21] =	ssyncadd.s32 $0xFFFFE000  }
0xed: {  	[spmem:s13] =	stream.linear.scatter [tilespmem:s20], [sflag:$0x7], $0x2000, $0x38;
	[tilespmem:$0x1D000] =	vst v63  }
0xee: {  	_ =	swait.ge [sflag:s21], $0x2000  }
0xef: {  	s14 =	sld [smem:$0x7FD]  }
0xf0: {  	[sflag:s21] =	ssyncset.done $0x0  }
0xf1: {  	[sflag:s21] =	ssyncadd.s32 $0xFFFFE000  }
0xf2: {  	[spmem:s14] =	stream.linear.scatter [tilespmem:s20], [sflag:$0x7], $0x2000, $0x38;
	[tilespmem:$0x1D000] =	vst v63  }
0xf3: {  	_ =	swait.ge [sflag:s21], $0x2000  }
0xf4: {  	[sflag:s21] =	ssyncset.done $0x0  }
0xf5: {  	[sflag:s21] =	ssyncadd.s32 $0xFFFFE000  }
0xf6: {  	[bflag:$0x0] =	sbarrier.arrive $0xFFFF  }
0xf7: {  	s9 =	simm.s32 $0x0;
	s15 =	rddreg [dreg:$0xf]  }
0xf8: {  	[tilespmem:s9], [sflag:$0x7] =	stream.linear.gather [hbm4b:s15+s9], $0x1000, $0x38;
	[tilespmem:$0x1D000] =	vst v63  }
0xf9: {  	_ =	swait.ge [sflag:s21], $0x1000  }
.Ltmp3:
0xfa: {  	[sflag:s21] =	ssyncset.done $0x0;
	(pc) =	sbr.rel .LBB2_4-.Ltmp3, $4  }
0xfb: {  	[sflag:s21] =	ssyncadd.s32 $0xFFFFF000  }
0xfc: {  	[tilespmem:s20], [sflag:$0x1] =	stream.indirect.gather [hbm4b:s1+s22], $0x80, s9, s22, $0xb8;
	[tilespmem:$0x1D000] =	vst v63  }
0xfd: {  	s19 =	rddreg [dreg:$0x10]  }
0xfe: {  	[tilespmem:s23], [sflag:$0x3] =	stream.linear.gather [hbm4b:s19+s9], $0x2000, $0x38;
	[tilespmem:$0x1D000] =	vst v63  }
.LBB2_12:
0xff: {  	s8 =	sadd.s32 $0x2, s8  }
0x100: {  	s9 =	sshra.s32 s8, $0x1F  }
0x101: {  	s9 =	sshrl.u32 s9, $0x1C  }
0x102: {  	s9 =	sadd.s32 s9, s8  }
0x103: {  	s9 =	sand.u32 $0x7FFFF0, s9  }
0x104: {  	s9 =	ssub.s32 s8, s9;
	s8 =	sadd.s32 s5, s8  }
0x105: {  	s9 =	sshll.u32 s9, $0x9;
	s8 =	sshll.u32 s8, $0xA  }
0x106: {  	s9 =	sshra.s32 s9, $0x2;
	s8 =	sand.u32 $0x1FFFF800, s8  }
0x107: {  	[tilespmem:s20], [sflag:$0x1] =	stream.indirect.gather [hbm4b:s1+s22], $0x80, s9, s22, $0xb8;
	[tilespmem:$0x1D000] =	vst v63  }
0x108: {  	s8 =	sadd.s32 s16, s8  }
0x109: {  	[tilespmem:s23], [sflag:$0x3] =	stream.linear.gather [hbm4b:s8+s4], $0x2000, $0x38;
	[tilespmem:$0x1D000] =	vst v63  }
.LBB2_13:
0x10a: {  	p0 =	slt.u32 s10, s17  }
.Ltmp4:
0x10b: {  	_ = 	snop;
	(pc) =	sbr.rel @!p0 .LBB2_14-.Ltmp4, $2  }
0x10c: {  	_ =	sdelay $0x2  }
0x10d: {  	s9 =	smov.u32 s10  }
.LBB2_4:
0x10e: {  	s8 =	sshll.u32 s9, $0x1  }
0x10f: {  	s10 =	sshra.s32 s8, $0x1F  }
0x110: {  	s10 =	sshrl.u32 s10, $0x1C  }
0x111: {  	s11 =	sadd.s32 s10, s8;
	s10 =	sand.u32 $0x7, s9  }
0x112: {  	s11 =	sand.u32 $0xFFFFFFF0, s11;
	p0 =	seq.s32 s10, $0x0  }
0x113: {  	s11 =	ssub.s32 s8, s11;
	s12 =	simm.s32 @!p0 $0x6  }
0x114: {  	_ =	swait.ge @!p0 [sflag:s12], $0x2000;
	s11 =	sshll.u32 s11, $0x9  }
0x115: {  	s19 =	sadd.s32 s8, s6;
	[sflag:s12] =	ssyncset.done @!p0 $0x0;
	s11 =	sshra.s32 s11, $0x2  }
0x116: {  	[sflag:s12] =	ssyncadd.s32 @!p0 $0xFFFFE000;
	s15 =	sadd.s32 $0x80, s11;
	s12 =	sshll.u32 s19, $0xA  }
0x117: {  	[tilespmem:s24], [sflag:$0x2] =	stream.indirect.gather [hbm4b:s1+s22], $0x80, s15, s22, $0xb8;
	[tilespmem:$0x1D000] =	vst v63  }
0x118: {  	s12 =	sand.u32 $0x1FFFFC00, s12  }
0x119: {  	s12 =	sadd.s32 s16, s12  }
0x11a: {  	[tilespmem:s25], [sflag:$0x4] =	stream.linear.gather [hbm4b:s12+s4], $0x2000, $0x38;
	[tilespmem:$0x1D000] =	vst v63  }
0x11b: {  	_ =	swait.ge [sflag:s26], $0x2000  }
0x11c: {  	[sflag:s26] =	ssyncset.done $0x0  }
0x11d: {  	[sflag:s26] =	ssyncadd.s32 $0xFFFFE000  }
0x11e: {  	_ =	swait.ge [sflag:s28], $0x2000  }
0x11f: {  	[sflag:s28] =	ssyncset.done $0x0  }
0x120: {  	s12 =	simm.s32 $0x1100;
	[sflag:s28] =	ssyncadd.s32 $0xFFFFE000  }
0x121: {  	s13 =	simm.s32 $0x5100;
	v1 =	vld [tilespmem:s12+$0x80]  }
0x122: {  	v2 =	vld [tilespmem:s13+$0x80]  }
0x123: {  	v3 =	vld [tilespmem:s13+$0xFFFFFF00]  }
0x124: {  	v4 =	vld [tilespmem:s12+$0xFFFFFF80]  }
0x125: {  	v5 =	vld [tilespmem:s13+$0xFFFFFF80]  }
0x126: {  	v6 =	vld [tilespmem:s13+$0x0]  }
0x127: {  	v1 =	vadd.f32 v2, v1;
	v2 =	vld [tilespmem:s12+$0x0]  }
0x128: {  	v7 =	vld [tilespmem:s12+$0xFFFFFF00]  }
0x129: {  	v1 =	vmax.f32 v1, $0.0e+00  }
0x12a: {  	v4 =	vadd.f32 v5, v4;
	[tilespmem:s12+$0x80] =	vst v1;
	v1 =	vld [tilespmem:s12+$0x90]  }
0x12b: {  	v8 =	vld [tilespmem:s13+$0x90]  }
0x12c: {  	v9 =	vld [tilespmem:s12+$0xFFFFFF90];
	v4 =	vmax.f32 v4, $0.0e+00;
	v2 =	vadd.f32 v6, v2  }
0x12d: {  	v5 =	vld [tilespmem:s12+$0xFFFFFF10];
	v3 =	vadd.f32 v3, v7;
	[tilespmem:s12+$0xFFFFFF80] =	vst v4  }
0x12e: {  	v6 =	vld [tilespmem:s13+$0xFFFFFF90];
	v2 =	vmax.f32 v2, $0.0e+00  }
0x12f: {  	v3 =	vmax.f32 v3, $0.0e+00;
	v4 =	vld [tilespmem:s12+$0x10];
	[tilespmem:s12+$0x0] =	vst v2  }
0x130: {  	[tilespmem:s12+$0xFFFFFF00] =	vst v3;
	v1 =	vadd.f32 v8, v1;
	v2 =	vld [tilespmem:s13+$0x10]  }
0x131: {  	v3 =	vld [tilespmem:s13+$0xFFFFFF10]  }
0x132: {  	v1 =	vmax.f32 v1, $0.0e+00  }
0x133: {  	v6 =	vadd.f32 v6, v9;
	[tilespmem:s12+$0x90] =	vst v1;
	v1 =	vld [tilespmem:s12+$0xA0]  }
0x134: {  	v8 =	vld [tilespmem:s13+$0xA0]  }
0x135: {  	v7 =	vld [tilespmem:s12+$0xFFFFFF20];
	v6 =	vmax.f32 v6, $0.0e+00;
	v2 =	vadd.f32 v2, v4  }
0x136: {  	v3 =	vadd.f32 v3, v5;
	v9 =	vld [tilespmem:s12+$0xFFFFFFA0];
	[tilespmem:s12+$0xFFFFFF90] =	vst v6  }
0x137: {  	v5 =	vld [tilespmem:s13+$0xFFFFFFA0];
	v2 =	vmax.f32 v2, $0.0e+00  }
0x138: {  	v3 =	vmax.f32 v3, $0.0e+00;
	v4 =	vld [tilespmem:s12+$0x20];
	[tilespmem:s12+$0x10] =	vst v2  }
0x139: {  	[tilespmem:s12+$0xFFFFFF10] =	vst v3;
	v1 =	vadd.f32 v8, v1;
	v2 =	vld [tilespmem:s13+$0x20]  }
0x13a: {  	v3 =	vld [tilespmem:s13+$0xFFFFFF20]  }
0x13b: {  	v1 =	vmax.f32 v1, $0.0e+00  }
0x13c: {  	v5 =	vadd.f32 v5, v9;
	[tilespmem:s12+$0xA0] =	vst v1;
	v1 =	vld [tilespmem:s12+$0xB0]  }
0x13d: {  	v8 =	vld [tilespmem:s13+$0xB0]  }
0x13e: {  	v10 =	vld [tilespmem:s12+$0x30];
	v5 =	vmax.f32 v5, $0.0e+00;
	v2 =	vadd.f32 v2, v4  }
0x13f: {  	v3 =	vadd.f32 v3, v7;
	v9 =	vld [tilespmem:s12+$0xFFFFFFB0];
	[tilespmem:s12+$0xFFFFFFA0] =	vst v5  }
0x140: {  	v4 =	vld [tilespmem:s13+$0xFFFFFFB0];
	v2 =	vmax.f32 v2, $0.0e+00  }
0x141: {  	v6 =	vld [tilespmem:s12+$0xFFFFFF30];
	[tilespmem:s12+$0x20] =	vst v2;
	v2 =	vmax.f32 v3, $0.0e+00  }
0x142: {  	v1 =	vadd.f32 v8, v1;
	[tilespmem:s12+$0xFFFFFF20] =	vst v2;
	v2 =	vld [tilespmem:s13+$0x30]  }
0x143: {  	v7 =	vld [tilespmem:s13+$0xFFFFFF30]  }
0x144: {  	v11 =	vld [tilespmem:s12+$0xFFFFFF40];
	v1 =	vmax.f32 v1, $0.0e+00  }
0x145: {  	v4 =	vadd.f32 v4, v9;
	[tilespmem:s12+$0xB0] =	vst v1;
	v1 =	vld [tilespmem:s12+$0xC0]  }
0x146: {  	v8 =	vld [tilespmem:s13+$0xC0]  }
0x147: {  	v12 =	vld [tilespmem:s12+$0xFFFFFFD0];
	v4 =	vmax.f32 v4, $0.0e+00;
	v2 =	vadd.f32 v2, v10  }
0x148: {  	v5 =	vld [tilespmem:s12+$0xFFFFFFC0];
	[tilespmem:s12+$0xFFFFFFB0] =	vst v4;
	v6 =	vadd.f32 v7, v6  }
0x149: {  	v7 =	vld [tilespmem:s13+$0xFFFFFFC0];
	v2 =	vmax.f32 v2, $0.0e+00  }
0x14a: {  	v3 =	vld [tilespmem:s12+$0x40];
	[tilespmem:s12+$0x30] =	vst v2;
	v2 =	vmax.f32 v6, $0.0e+00  }
0x14b: {  	v1 =	vadd.f32 v8, v1;
	v6 =	vld [tilespmem:s13+$0x40];
	[tilespmem:s12+$0xFFFFFF30] =	vst v2  }
0x14c: {  	v2 =	vld [tilespmem:s13+$0xFFFFFF40]  }
0x14d: {  	v9 =	vld [tilespmem:s12+$0xFFFFFF50];
	v1 =	vmax.f32 v1, $0.0e+00  }
0x14e: {  	[tilespmem:s12+$0xC0] =	vst v1;
	v1 =	vadd.f32 v7, v5;
	v7 =	vld [tilespmem:s12+$0xD0]  }
0x14f: {  	v8 =	vld [tilespmem:s13+$0xD0]  }
0x150: {  	v4 =	vld [tilespmem:s12+$0xFFFFFF60];
	v1 =	vmax.f32 v1, $0.0e+00;
	v3 =	vadd.f32 v6, v3  }
0x151: {  	v10 =	vld [tilespmem:s12+$0x50];
	[tilespmem:s12+$0xFFFFFFC0] =	vst v1;
	v1 =	vadd.f32 v2, v11  }
0x152: {  	v2 =	vld [tilespmem:s13+$0xFFFFFFD0];
	v3 =	vmax.f32 v3, $0.0e+00  }
0x153: {  	v5 =	vld [tilespmem:s12+$0xFFFFFFE0];
	[tilespmem:s12+$0x40] =	vst v3;
	v1 =	vmax.f32 v1, $0.0e+00  }
0x154: {  	v3 =	vld [tilespmem:s13+$0x50];
	v7 =	vadd.f32 v8, v7;
	[tilespmem:s12+$0xFFFFFF40] =	vst v1  }
0x155: {  	v1 =	vld [tilespmem:s13+$0xFFFFFF50]  }
0x156: {  	v6 =	vld [tilespmem:s12+$0x60];
	v7 =	vmax.f32 v7, $0.0e+00  }
0x157: {  	v2 =	vadd.f32 v2, v12;
	[tilespmem:s12+$0xD0] =	vst v7;
	v7 =	vld [tilespmem:s12+$0xE0]  }
0x158: {  	v11 =	vld [tilespmem:s13+$0xE0]  }
0x159: {  	v2 =	vmax.f32 v2, $0.0e+00;
	v8 =	vadd.f32 v3, v10;
	v3 =	vld [tilespmem:s12+$0xFFFFFF70]  }
0x15a: {  	[tilespmem:s12+$0xFFFFFFD0] =	vst v2;
	v1 =	vadd.f32 v1, v9;
	v2 =	vld [tilespmem:s12+$0xFFFFFFF0]  }
0x15b: {  	v9 =	vmax.f32 v8, $0.0e+00;
	v8 =	vld [tilespmem:s13+$0xFFFFFFE0]  }
0x15c: {  	[tilespmem:s12+$0x50] =	vst v9;
	v9 =	vmax.f32 v1, $0.0e+00;
	v1 =	vld [tilespmem:s12+$0x70]  }
0x15d: {  	[tilespmem:s12+$0xFFFFFF50] =	vst v9;
	v9 =	vld [tilespmem:s13+$0x60];
	v7 =	vadd.f32 v11, v7  }
0x15e: {  	v10 =	vld [tilespmem:s13+$0xFFFFFF60]  }
0x15f: {  	s14 =	simm.s32 $0x0;
	s19 =	simm.s32 $0x5100;
	s15 =	simm.s32 $0x1300;
	v11 =	vmax.f32 v7, $0.0e+00;
	v7 =	vld [tilespmem:s12+$0xF0]  }
.LBB2_5:
0x160: {  	v12 =	vld [tilespmem:s15+$0x80];
	v5 =	vadd.f32 v8, v5;
	[tilespmem:s12+$0xE0] =	vst v11  }
0x161: {  	s19 =	sadd.s32 $0x200, s19;
	v8 =	vld [tilespmem:s13+$0xF0]  }
0x162: {  	s14 =	sadd.s32 $0x4, s14;
	v11 =	vld [tilespmem:s19+$0x80];
	v5 =	vmax.f32 v5, $0.0e+00;
	v6 =	vadd.f32 v9, v6  }
0x163: {  	p0 =	slt.u32 s14, $0x3C;
	v9 =	vld [tilespmem:s19+$0xFFFFFF00];
	v4 =	vadd.f32 v10, v4;
	[tilespmem:s12+$0xFFFFFFE0] =	vst v5  }
0x164: {  	v5 =	vld [tilespmem:s15+$0xFFFFFF80];
	v6 =	vmax.f32 v6, $0.0e+00  }
0x165: {  	v10 =	vld [tilespmem:s19+$0xFFFFFF80];
	v4 =	vmax.f32 v4, $0.0e+00;
	[tilespmem:s12+$0x60] =	vst v6  }
0x166: {  	v6 =	vld [tilespmem:s15+$0x0];
	[tilespmem:s12+$0xFFFFFF60] =	vst v4;
	v4 =	vadd.f32 v8, v7  }
0x167: {  	v7 =	vld [tilespmem:s19+$0x0];
	v8 =	vadd.f32 v11, v12  }
0x168: {  	v11 =	vld [tilespmem:s15+$0xFFFFFF00];
	v4 =	vmax.f32 v4, $0.0e+00  }
0x169: {  	v12 =	vld [tilespmem:s15+$0xFFFFFF10];
	v8 =	vmax.f32 v8, $0.0e+00;
	[tilespmem:s12+$0xF0] =	vst v4  }
0x16a: {  	v4 =	vadd.f32 v10, v5;
	[tilespmem:s15+$0x80] =	vst v8;
	v5 =	vld [tilespmem:s15+$0x90]  }
0x16b: {  	v8 =	vld [tilespmem:s19+$0x90]  }
0x16c: {  	v4 =	vmax.f32 v4, $0.0e+00;
	v10 =	vld [tilespmem:s15+$0xFFFFFF90];
	v6 =	vadd.f32 v7, v6  }
0x16d: {  	v7 =	vadd.f32 v9, v11;
	[tilespmem:s15+$0xFFFFFF80] =	vst v4;
	v4 =	vld [tilespmem:s15+$0x10]  }
0x16e: {  	v9 =	vld [tilespmem:s19+$0xFFFFFF90];
	v6 =	vmax.f32 v6, $0.0e+00  }
0x16f: {  	v7 =	vmax.f32 v7, $0.0e+00;
	v11 =	vld [tilespmem:s15+$0xFFFFFF20];
	[tilespmem:s15+$0x0] =	vst v6  }
0x170: {  	[tilespmem:s15+$0xFFFFFF00] =	vst v7;
	v6 =	vld [tilespmem:s19+$0x10];
	v5 =	vadd.f32 v8, v5  }
0x171: {  	v7 =	vld [tilespmem:s19+$0xFFFFFF10]  }
0x172: {  	v8 =	vld [tilespmem:s15+$0xFFFFFFA0];
	v5 =	vmax.f32 v5, $0.0e+00  }
0x173: {  	v9 =	vadd.f32 v9, v10;
	[tilespmem:s15+$0x90] =	vst v5;
	v5 =	vld [tilespmem:s15+$0xA0]  }
0x174: {  	v10 =	vld [tilespmem:s19+$0xA0]  }
0x175: {  	v9 =	vmax.f32 v9, $0.0e+00;
	v4 =	vadd.f32 v6, v4;
	v6 =	vld [tilespmem:s15+$0x20]  }
0x176: {  	v7 =	vadd.f32 v7, v12;
	v12 =	vld [tilespmem:s15+$0xFFFFFF30];
	[tilespmem:s15+$0xFFFFFF90] =	vst v9  }
0x177: {  	v9 =	vld [tilespmem:s19+$0xFFFFFFA0];
	v4 =	vmax.f32 v4, $0.0e+00  }
0x178: {  	v7 =	vmax.f32 v7, $0.0e+00;
	v13 =	vld [tilespmem:s15+$0xFFFFFFB0];
	[tilespmem:s15+$0x10] =	vst v4  }
0x179: {  	[tilespmem:s15+$0xFFFFFF10] =	vst v7;
	v4 =	vld [tilespmem:s19+$0x20];
	v5 =	vadd.f32 v10, v5  }
0x17a: {  	v7 =	vld [tilespmem:s19+$0xFFFFFF20]  }
0x17b: {  	v10 =	vld [tilespmem:s15+$0x30];
	v5 =	vmax.f32 v5, $0.0e+00  }
0x17c: {  	v8 =	vadd.f32 v9, v8;
	[tilespmem:s15+$0xA0] =	vst v5;
	v5 =	vld [tilespmem:s15+$0xB0]  }
0x17d: {  	v9 =	vld [tilespmem:s19+$0xB0]  }
0x17e: {  	v14 =	vld [tilespmem:s15+$0xFFFFFF40];
	v8 =	vmax.f32 v8, $0.0e+00;
	v4 =	vadd.f32 v4, v6  }
0x17f: {  	v6 =	vadd.f32 v7, v11;
	[tilespmem:s15+$0xFFFFFFA0] =	vst v8;
	v7 =	vld [tilespmem:s15+$0xFFFFFFC0]  }
0x180: {  	v8 =	vld [tilespmem:s19+$0xFFFFFFB0];
	v4 =	vmax.f32 v4, $0.0e+00  }
0x181: {  	v6 =	vmax.f32 v6, $0.0e+00;
	[tilespmem:s15+$0x20] =	vst v4;
	v11 =	vld [tilespmem:s15+$0x40]  }
0x182: {  	[tilespmem:s15+$0xFFFFFF20] =	vst v6;
	v4 =	vld [tilespmem:s19+$0x30];
	v5 =	vadd.f32 v9, v5  }
0x183: {  	v6 =	vld [tilespmem:s19+$0xFFFFFF30]  }
0x184: {  	v9 =	vld [tilespmem:s15+$0xFFFFFF50];
	v5 =	vmax.f32 v5, $0.0e+00  }
0x185: {  	v8 =	vadd.f32 v8, v13;
	[tilespmem:s15+$0xB0] =	vst v5;
	v5 =	vld [tilespmem:s15+$0xC0]  }
0x186: {  	v13 =	vld [tilespmem:s19+$0xC0]  }
0x187: {  	v8 =	vmax.f32 v8, $0.0e+00;
	v15 =	vld [tilespmem:s15+$0xFFFFFFD0];
	v4 =	vadd.f32 v4, v10  }
0x188: {  	v6 =	vadd.f32 v6, v12;
	[tilespmem:s15+$0xFFFFFFB0] =	vst v8;
	v8 =	vld [tilespmem:s15+$0x50]  }
0x189: {  	v10 =	vld [tilespmem:s19+$0xFFFFFFC0];
	v12 =	vmax.f32 v4, $0.0e+00  }
0x18a: {  	v6 =	vmax.f32 v6, $0.0e+00;
	v4 =	vld [tilespmem:s15+$0xFFFFFF60];
	[tilespmem:s15+$0x30] =	vst v12  }
0x18b: {  	[tilespmem:s15+$0xFFFFFF30] =	vst v6;
	v6 =	vld [tilespmem:s19+$0x40];
	v12 =	vadd.f32 v13, v5  }
0x18c: {  	v13 =	vld [tilespmem:s19+$0xFFFFFF40]  }
0x18d: {  	v5 =	vld [tilespmem:s15+$0xFFFFFFE0];
	v12 =	vmax.f32 v12, $0.0e+00  }
0x18e: {  	v7 =	vadd.f32 v10, v7;
	[tilespmem:s15+$0xC0] =	vst v12;
	v10 =	vld [tilespmem:s15+$0xD0]  }
0x18f: {  	v12 =	vld [tilespmem:s19+$0xD0]  }
0x190: {  	v7 =	vmax.f32 v7, $0.0e+00;
	v11 =	vadd.f32 v6, v11;
	v6 =	vld [tilespmem:s15+$0x60]  }
0x191: {  	v13 =	vadd.f32 v13, v14;
	[tilespmem:s15+$0xFFFFFFC0] =	vst v7;
	v7 =	vld [tilespmem:s13+$0xFFFFFF70]  }
0x192: {  	v14 =	vld [tilespmem:s19+$0xFFFFFFD0];
	v11 =	vmax.f32 v11, $0.0e+00  }
0x193: {  	v13 =	vmax.f32 v13, $0.0e+00;
	[tilespmem:s15+$0x40] =	vst v11;
	v11 =	vld [tilespmem:s13+$0xFFFFFFF0]  }
0x194: {  	[tilespmem:s15+$0xFFFFFF40] =	vst v13;
	v13 =	vld [tilespmem:s19+$0x50];
	v10 =	vadd.f32 v12, v10  }
0x195: {  	v12 =	vld [tilespmem:s19+$0xFFFFFF50]  }
0x196: {  	v10 =	vmax.f32 v10, $0.0e+00;
	v3 =	vadd.f32 v7, v3;
	v7 =	vld [tilespmem:s13+$0x70];
	s13 =	smov.u32 s19  }
0x197: {  	v14 =	vadd.f32 v14, v15;
	[tilespmem:s15+$0xD0] =	vst v10;
	v10 =	vld [tilespmem:s15+$0xE0]  }
0x198: {  	v15 =	vld [tilespmem:s19+$0xE0];
	v16 =	vmax.f32 v3, $0.0e+00;
	v11 =	vadd.f32 v11, v2  }
0x199: {  	v3 =	vld [tilespmem:s15+$0xFFFFFF70];
	v2 =	vmax.f32 v14, $0.0e+00;
	v13 =	vadd.f32 v13, v8;
	[tilespmem:s12+$0xFFFFFF70] =	vst v16  }
0x19a: {  	v9 =	vadd.f32 v12, v9;
	[tilespmem:s15+$0xFFFFFFD0] =	vst v2;
	v2 =	vld [tilespmem:s15+$0xFFFFFFF0];
	v11 =	vmax.f32 v11, $0.0e+00  }
.Ltmp5:
0x19b: {  	v8 =	vld [tilespmem:s19+$0xFFFFFFE0];
	v12 =	vmax.f32 v13, $0.0e+00;
	[tilespmem:s12+$0xFFFFFFF0] =	vst v11;
	v7 =	vadd.f32 v7, v1;
	(pc) =	sbr.rel @p0 .LBB2_5-.Ltmp5, $4  }
0x19c: {  	v9 =	vmax.f32 v9, $0.0e+00;
	[tilespmem:s15+$0x50] =	vst v12;
	v1 =	vld [tilespmem:s15+$0x70]  }
0x19d: {  	[tilespmem:s15+$0xFFFFFF50] =	vst v9;
	v9 =	vld [tilespmem:s19+$0x60];
	v11 =	vadd.f32 v15, v10;
	v7 =	vmax.f32 v7, $0.0e+00  }
0x19e: {  	v10 =	vld [tilespmem:s19+$0xFFFFFF60];
	[tilespmem:s12+$0x70] =	vst v7;
	s12 =	smov.u32 s15  }
0x19f: {  	s15 =	sadd.s32 $0x200, s15;
	v11 =	vmax.f32 v11, $0.0e+00;
	v7 =	vld [tilespmem:s12+$0xF0]  }
0x1a0: {  	_ =	sdelay $0x2  }
0x1a1: {  	v4 =	vadd.f32 v10, v4  }
0x1a2: {  	v5 =	vadd.f32 v8, v5  }
0x1a3: {  	[tilespmem:s12+$0xE0] =	vst v11;
	v6 =	vadd.f32 v9, v6;
	v4 =	vmax.f32 v4, $0.0e+00  }
0x1a4: {  	v8 =	vld [tilespmem:s13+$0xF0];
	v5 =	vmax.f32 v5, $0.0e+00;
	[tilespmem:s12+$0xFFFFFF60] =	vst v4  }
0x1a5: {  	[tilespmem:s12+$0xFFFFFFE0] =	vst v5;
	v4 =	vmax.f32 v6, $0.0e+00;
	v5 =	vld [tilespmem:s13+$0xFFFFFF70]  }
0x1a6: {  	[tilespmem:s12+$0x60] =	vst v4;
	v4 =	vld [tilespmem:s13+$0xFFFFFFF0]  }
0x1a7: {  	v6 =	vld [tilespmem:s13+$0x70];
	_ =	sdelay $0x1  }
0x1a8: {  	v7 =	vadd.f32 v8, v7  }
0x1a9: {  	v3 =	vadd.f32 v5, v3  }
0x1aa: {  	v5 =	vmax.f32 v7, $0.0e+00;
	v2 =	vadd.f32 v4, v2  }
0x1ab: {  	[tilespmem:s12+$0xF0] =	vst v5;
	v1 =	vadd.f32 v6, v1;
	v3 =	vmax.f32 v3, $0.0e+00  }
0x1ac: {  	v2 =	vmax.f32 v2, $0.0e+00;
	[tilespmem:s12+$0xFFFFFF70] =	vst v3  }
0x1ad: {  	[tilespmem:s12+$0xFFFFFFF0] =	vst v2;
	v1 =	vmax.f32 v1, $0.0e+00  }
0x1ae: {  	s19 =	sadd.s32 $0x800, s11;
	[tilespmem:s12+$0x70] =	vst v1  }
0x1af: {  	[spmem:s3] =	stream.indirect.scatter.add.f32 [tilespmem:s20], [sflag:$0x5], $0x80, s19, s22, $0xb8;
	[tilespmem:$0x1D000] =	vst v63  }
0x1b0: {  	_ =	swait.ge [sflag:s29], $0x2000  }
0x1b1: {  	[sflag:s29] =	ssyncset.done $0x0  }
0x1b2: {  	[sflag:s29] =	ssyncadd.s32 $0xFFFFE000  }
0x1b3: {  	_ =	swait.ge [sflag:s30], $0x2000  }
0x1b4: {  	[sflag:s30] =	ssyncset.done $0x0  }
0x1b5: {  	s12 =	simm.s32 $0x3100;
	[sflag:s30] =	ssyncadd.s32 $0xFFFFE000  }
0x1b6: {  	s13 =	simm.s32 $0x7100;
	v1 =	vld [tilespmem:s12+$0x80]  }
0x1b7: {  	v2 =	vld [tilespmem:s13+$0x80]  }
0x1b8: {  	v3 =	vld [tilespmem:s13+$0xFFFFFF00]  }
0x1b9: {  	v4 =	vld [tilespmem:s12+$0xFFFFFF80]  }
0x1ba: {  	v5 =	vld [tilespmem:s13+$0xFFFFFF80]  }
0x1bb: {  	v6 =	vld [tilespmem:s13+$0x0]  }
0x1bc: {  	v1 =	vadd.f32 v2, v1;
	v2 =	vld [tilespmem:s12+$0x0]  }
0x1bd: {  	v7 =	vld [tilespmem:s12+$0xFFFFFF00]  }
0x1be: {  	v1 =	vmax.f32 v1, $0.0e+00  }
0x1bf: {  	v4 =	vadd.f32 v5, v4;
	[tilespmem:s12+$0x80] =	vst v1;
	v1 =	vld [tilespmem:s12+$0x90]  }
0x1c0: {  	v8 =	vld [tilespmem:s13+$0x90]  }
0x1c1: {  	v9 =	vld [tilespmem:s12+$0xFFFFFF90];
	v4 =	vmax.f32 v4, $0.0e+00;
	v2 =	vadd.f32 v6, v2  }
0x1c2: {  	v5 =	vld [tilespmem:s12+$0xFFFFFF10];
	v3 =	vadd.f32 v3, v7;
	[tilespmem:s12+$0xFFFFFF80] =	vst v4  }
0x1c3: {  	v6 =	vld [tilespmem:s13+$0xFFFFFF90];
	v2 =	vmax.f32 v2, $0.0e+00  }
0x1c4: {  	v3 =	vmax.f32 v3, $0.0e+00;
	v4 =	vld [tilespmem:s12+$0x10];
	[tilespmem:s12+$0x0] =	vst v2  }
0x1c5: {  	[tilespmem:s12+$0xFFFFFF00] =	vst v3;
	v1 =	vadd.f32 v8, v1;
	v2 =	vld [tilespmem:s13+$0x10]  }
0x1c6: {  	v3 =	vld [tilespmem:s13+$0xFFFFFF10]  }
0x1c7: {  	v1 =	vmax.f32 v1, $0.0e+00  }
0x1c8: {  	v6 =	vadd.f32 v6, v9;
	[tilespmem:s12+$0x90] =	vst v1;
	v1 =	vld [tilespmem:s12+$0xA0]  }
0x1c9: {  	v8 =	vld [tilespmem:s13+$0xA0]  }
0x1ca: {  	v7 =	vld [tilespmem:s12+$0xFFFFFF20];
	v6 =	vmax.f32 v6, $0.0e+00;
	v2 =	vadd.f32 v2, v4  }
0x1cb: {  	v3 =	vadd.f32 v3, v5;
	v9 =	vld [tilespmem:s12+$0xFFFFFFA0];
	[tilespmem:s12+$0xFFFFFF90] =	vst v6  }
0x1cc: {  	v5 =	vld [tilespmem:s13+$0xFFFFFFA0];
	v2 =	vmax.f32 v2, $0.0e+00  }
0x1cd: {  	v3 =	vmax.f32 v3, $0.0e+00;
	v4 =	vld [tilespmem:s12+$0x20];
	[tilespmem:s12+$0x10] =	vst v2  }
0x1ce: {  	[tilespmem:s12+$0xFFFFFF10] =	vst v3;
	v1 =	vadd.f32 v8, v1;
	v2 =	vld [tilespmem:s13+$0x20]  }
0x1cf: {  	v3 =	vld [tilespmem:s13+$0xFFFFFF20]  }
0x1d0: {  	v1 =	vmax.f32 v1, $0.0e+00  }
0x1d1: {  	v5 =	vadd.f32 v5, v9;
	[tilespmem:s12+$0xA0] =	vst v1;
	v1 =	vld [tilespmem:s12+$0xB0]  }
0x1d2: {  	v8 =	vld [tilespmem:s13+$0xB0]  }
0x1d3: {  	v10 =	vld [tilespmem:s12+$0x30];
	v5 =	vmax.f32 v5, $0.0e+00;
	v2 =	vadd.f32 v2, v4  }
0x1d4: {  	v3 =	vadd.f32 v3, v7;
	v9 =	vld [tilespmem:s12+$0xFFFFFFB0];
	[tilespmem:s12+$0xFFFFFFA0] =	vst v5  }
0x1d5: {  	v4 =	vld [tilespmem:s13+$0xFFFFFFB0];
	v2 =	vmax.f32 v2, $0.0e+00  }
0x1d6: {  	v6 =	vld [tilespmem:s12+$0xFFFFFF30];
	[tilespmem:s12+$0x20] =	vst v2;
	v2 =	vmax.f32 v3, $0.0e+00  }
0x1d7: {  	v1 =	vadd.f32 v8, v1;
	[tilespmem:s12+$0xFFFFFF20] =	vst v2;
	v2 =	vld [tilespmem:s13+$0x30]  }
0x1d8: {  	v7 =	vld [tilespmem:s13+$0xFFFFFF30]  }
0x1d9: {  	v11 =	vld [tilespmem:s12+$0xFFFFFF40];
	v1 =	vmax.f32 v1, $0.0e+00  }
0x1da: {  	v4 =	vadd.f32 v4, v9;
	[tilespmem:s12+$0xB0] =	vst v1;
	v1 =	vld [tilespmem:s12+$0xC0]  }
0x1db: {  	v8 =	vld [tilespmem:s13+$0xC0]  }
0x1dc: {  	v12 =	vld [tilespmem:s12+$0xFFFFFFD0];
	v4 =	vmax.f32 v4, $0.0e+00;
	v2 =	vadd.f32 v2, v10  }
0x1dd: {  	v5 =	vld [tilespmem:s12+$0xFFFFFFC0];
	[tilespmem:s12+$0xFFFFFFB0] =	vst v4;
	v6 =	vadd.f32 v7, v6  }
0x1de: {  	v7 =	vld [tilespmem:s13+$0xFFFFFFC0];
	v2 =	vmax.f32 v2, $0.0e+00  }
0x1df: {  	v3 =	vld [tilespmem:s12+$0x40];
	[tilespmem:s12+$0x30] =	vst v2;
	v2 =	vmax.f32 v6, $0.0e+00  }
0x1e0: {  	v1 =	vadd.f32 v8, v1;
	v6 =	vld [tilespmem:s13+$0x40];
	[tilespmem:s12+$0xFFFFFF30] =	vst v2  }
0x1e1: {  	v2 =	vld [tilespmem:s13+$0xFFFFFF40]  }
0x1e2: {  	v9 =	vld [tilespmem:s12+$0xFFFFFF50];
	v1 =	vmax.f32 v1, $0.0e+00  }
0x1e3: {  	[tilespmem:s12+$0xC0] =	vst v1;
	v1 =	vadd.f32 v7, v5;
	v7 =	vld [tilespmem:s12+$0xD0]  }
0x1e4: {  	v8 =	vld [tilespmem:s13+$0xD0]  }
0x1e5: {  	v4 =	vld [tilespmem:s12+$0xFFFFFF60];
	v1 =	vmax.f32 v1, $0.0e+00;
	v3 =	vadd.f32 v6, v3  }
0x1e6: {  	v10 =	vld [tilespmem:s12+$0x50];
	[tilespmem:s12+$0xFFFFFFC0] =	vst v1;
	v1 =	vadd.f32 v2, v11  }
0x1e7: {  	v2 =	vld [tilespmem:s13+$0xFFFFFFD0];
	v3 =	vmax.f32 v3, $0.0e+00  }
0x1e8: {  	v5 =	vld [tilespmem:s12+$0xFFFFFFE0];
	[tilespmem:s12+$0x40] =	vst v3;
	v1 =	vmax.f32 v1, $0.0e+00  }
0x1e9: {  	v3 =	vld [tilespmem:s13+$0x50];
	v7 =	vadd.f32 v8, v7;
	[tilespmem:s12+$0xFFFFFF40] =	vst v1  }
0x1ea: {  	v1 =	vld [tilespmem:s13+$0xFFFFFF50]  }
0x1eb: {  	v6 =	vld [tilespmem:s12+$0x60];
	v7 =	vmax.f32 v7, $0.0e+00  }
0x1ec: {  	v2 =	vadd.f32 v2, v12;
	[tilespmem:s12+$0xD0] =	vst v7;
	v7 =	vld [tilespmem:s12+$0xE0]  }
0x1ed: {  	v11 =	vld [tilespmem:s13+$0xE0]  }
0x1ee: {  	v2 =	vmax.f32 v2, $0.0e+00;
	v8 =	vadd.f32 v3, v10;
	v3 =	vld [tilespmem:s12+$0xFFFFFF70]  }
0x1ef: {  	[tilespmem:s12+$0xFFFFFFD0] =	vst v2;
	v1 =	vadd.f32 v1, v9;
	v2 =	vld [tilespmem:s12+$0xFFFFFFF0]  }
0x1f0: {  	v9 =	vmax.f32 v8, $0.0e+00;
	v8 =	vld [tilespmem:s13+$0xFFFFFFE0]  }
0x1f1: {  	[tilespmem:s12+$0x50] =	vst v9;
	v9 =	vmax.f32 v1, $0.0e+00;
	v1 =	vld [tilespmem:s12+$0x70]  }
0x1f2: {  	[tilespmem:s12+$0xFFFFFF50] =	vst v9;
	v9 =	vld [tilespmem:s13+$0x60];
	v7 =	vadd.f32 v11, v7  }
0x1f3: {  	v10 =	vld [tilespmem:s13+$0xFFFFFF60]  }
0x1f4: {  	s14 =	simm.s32 $0x0;
	s15 =	simm.s32 $0x3300;
	s19 =	simm.s32 $0x7100;
	v11 =	vmax.f32 v7, $0.0e+00;
	v7 =	vld [tilespmem:s12+$0xF0]  }
.LBB2_7:
0x1f5: {  	v12 =	vld [tilespmem:s15+$0x80];
	v5 =	vadd.f32 v8, v5;
	[tilespmem:s12+$0xE0] =	vst v11  }
0x1f6: {  	s19 =	sadd.s32 $0x200, s19;
	v8 =	vld [tilespmem:s13+$0xF0]  }
0x1f7: {  	s14 =	sadd.s32 $0x4, s14;
	v11 =	vld [tilespmem:s19+$0x80];
	v5 =	vmax.f32 v5, $0.0e+00;
	v6 =	vadd.f32 v9, v6  }
0x1f8: {  	p0 =	slt.u32 s14, $0x3C;
	v9 =	vld [tilespmem:s19+$0xFFFFFF00];
	v4 =	vadd.f32 v10, v4;
	[tilespmem:s12+$0xFFFFFFE0] =	vst v5  }
0x1f9: {  	v5 =	vld [tilespmem:s15+$0xFFFFFF80];
	v6 =	vmax.f32 v6, $0.0e+00  }
0x1fa: {  	v10 =	vld [tilespmem:s19+$0xFFFFFF80];
	v4 =	vmax.f32 v4, $0.0e+00;
	[tilespmem:s12+$0x60] =	vst v6  }
0x1fb: {  	v6 =	vld [tilespmem:s15+$0x0];
	[tilespmem:s12+$0xFFFFFF60] =	vst v4;
	v4 =	vadd.f32 v8, v7  }
0x1fc: {  	v7 =	vld [tilespmem:s19+$0x0];
	v8 =	vadd.f32 v11, v12  }
0x1fd: {  	v11 =	vld [tilespmem:s15+$0xFFFFFF00];
	v4 =	vmax.f32 v4, $0.0e+00  }
0x1fe: {  	v12 =	vld [tilespmem:s15+$0xFFFFFF10];
	v8 =	vmax.f32 v8, $0.0e+00;
	[tilespmem:s12+$0xF0] =	vst v4  }
0x1ff: {  	v4 =	vadd.f32 v10, v5;
	[tilespmem:s15+$0x80] =	vst v8;
	v5 =	vld [tilespmem:s15+$0x90]  }
0x200: {  	v8 =	vld [tilespmem:s19+$0x90]  }
0x201: {  	v4 =	vmax.f32 v4, $0.0e+00;
	v10 =	vld [tilespmem:s15+$0xFFFFFF90];
	v6 =	vadd.f32 v7, v6  }
0x202: {  	v7 =	vadd.f32 v9, v11;
	[tilespmem:s15+$0xFFFFFF80] =	vst v4;
	v4 =	vld [tilespmem:s15+$0x10]  }
0x203: {  	v9 =	vld [tilespmem:s19+$0xFFFFFF90];
	v6 =	vmax.f32 v6, $0.0e+00  }
0x204: {  	v7 =	vmax.f32 v7, $0.0e+00;
	v11 =	vld [tilespmem:s15+$0xFFFFFF20];
	[tilespmem:s15+$0x0] =	vst v6  }
0x205: {  	[tilespmem:s15+$0xFFFFFF00] =	vst v7;
	v6 =	vld [tilespmem:s19+$0x10];
	v5 =	vadd.f32 v8, v5  }
0x206: {  	v7 =	vld [tilespmem:s19+$0xFFFFFF10]  }
0x207: {  	v8 =	vld [tilespmem:s15+$0xFFFFFFA0];
	v5 =	vmax.f32 v5, $0.0e+00  }
0x208: {  	v9 =	vadd.f32 v9, v10;
	[tilespmem:s15+$0x90] =	vst v5;
	v5 =	vld [tilespmem:s15+$0xA0]  }
0x209: {  	v10 =	vld [tilespmem:s19+$0xA0]  }
0x20a: {  	v9 =	vmax.f32 v9, $0.0e+00;
	v4 =	vadd.f32 v6, v4;
	v6 =	vld [tilespmem:s15+$0x20]  }
0x20b: {  	v7 =	vadd.f32 v7, v12;
	v12 =	vld [tilespmem:s15+$0xFFFFFF30];
	[tilespmem:s15+$0xFFFFFF90] =	vst v9  }
0x20c: {  	v9 =	vld [tilespmem:s19+$0xFFFFFFA0];
	v4 =	vmax.f32 v4, $0.0e+00  }
0x20d: {  	v7 =	vmax.f32 v7, $0.0e+00;
	v13 =	vld [tilespmem:s15+$0xFFFFFFB0];
	[tilespmem:s15+$0x10] =	vst v4  }
0x20e: {  	[tilespmem:s15+$0xFFFFFF10] =	vst v7;
	v4 =	vld [tilespmem:s19+$0x20];
	v5 =	vadd.f32 v10, v5  }
0x20f: {  	v7 =	vld [tilespmem:s19+$0xFFFFFF20]  }
0x210: {  	v10 =	vld [tilespmem:s15+$0x30];
	v5 =	vmax.f32 v5, $0.0e+00  }
0x211: {  	v8 =	vadd.f32 v9, v8;
	[tilespmem:s15+$0xA0] =	vst v5;
	v5 =	vld [tilespmem:s15+$0xB0]  }
0x212: {  	v9 =	vld [tilespmem:s19+$0xB0]  }
0x213: {  	v14 =	vld [tilespmem:s15+$0xFFFFFF40];
	v8 =	vmax.f32 v8, $0.0e+00;
	v4 =	vadd.f32 v4, v6  }
0x214: {  	v6 =	vadd.f32 v7, v11;
	[tilespmem:s15+$0xFFFFFFA0] =	vst v8;
	v7 =	vld [tilespmem:s15+$0xFFFFFFC0]  }
0x215: {  	v8 =	vld [tilespmem:s19+$0xFFFFFFB0];
	v4 =	vmax.f32 v4, $0.0e+00  }
0x216: {  	v6 =	vmax.f32 v6, $0.0e+00;
	[tilespmem:s15+$0x20] =	vst v4;
	v11 =	vld [tilespmem:s15+$0x40]  }
0x217: {  	[tilespmem:s15+$0xFFFFFF20] =	vst v6;
	v4 =	vld [tilespmem:s19+$0x30];
	v5 =	vadd.f32 v9, v5  }
0x218: {  	v6 =	vld [tilespmem:s19+$0xFFFFFF30]  }
0x219: {  	v9 =	vld [tilespmem:s15+$0xFFFFFF50];
	v5 =	vmax.f32 v5, $0.0e+00  }
0x21a: {  	v8 =	vadd.f32 v8, v13;
	[tilespmem:s15+$0xB0] =	vst v5;
	v5 =	vld [tilespmem:s15+$0xC0]  }
0x21b: {  	v13 =	vld [tilespmem:s19+$0xC0]  }
0x21c: {  	v8 =	vmax.f32 v8, $0.0e+00;
	v15 =	vld [tilespmem:s15+$0xFFFFFFD0];
	v4 =	vadd.f32 v4, v10  }
0x21d: {  	v6 =	vadd.f32 v6, v12;
	[tilespmem:s15+$0xFFFFFFB0] =	vst v8;
	v8 =	vld [tilespmem:s15+$0x50]  }
0x21e: {  	v10 =	vld [tilespmem:s19+$0xFFFFFFC0];
	v12 =	vmax.f32 v4, $0.0e+00  }
0x21f: {  	v6 =	vmax.f32 v6, $0.0e+00;
	v4 =	vld [tilespmem:s15+$0xFFFFFF60];
	[tilespmem:s15+$0x30] =	vst v12  }
0x220: {  	[tilespmem:s15+$0xFFFFFF30] =	vst v6;
	v6 =	vld [tilespmem:s19+$0x40];
	v12 =	vadd.f32 v13, v5  }
0x221: {  	v13 =	vld [tilespmem:s19+$0xFFFFFF40]  }
0x222: {  	v5 =	vld [tilespmem:s15+$0xFFFFFFE0];
	v12 =	vmax.f32 v12, $0.0e+00  }
0x223: {  	v7 =	vadd.f32 v10, v7;
	[tilespmem:s15+$0xC0] =	vst v12;
	v10 =	vld [tilespmem:s15+$0xD0]  }
0x224: {  	v12 =	vld [tilespmem:s19+$0xD0]  }
0x225: {  	v7 =	vmax.f32 v7, $0.0e+00;
	v11 =	vadd.f32 v6, v11;
	v6 =	vld [tilespmem:s15+$0x60]  }
0x226: {  	v13 =	vadd.f32 v13, v14;
	[tilespmem:s15+$0xFFFFFFC0] =	vst v7;
	v7 =	vld [tilespmem:s13+$0xFFFFFF70]  }
0x227: {  	v14 =	vld [tilespmem:s19+$0xFFFFFFD0];
	v11 =	vmax.f32 v11, $0.0e+00  }
0x228: {  	v13 =	vmax.f32 v13, $0.0e+00;
	[tilespmem:s15+$0x40] =	vst v11;
	v11 =	vld [tilespmem:s13+$0xFFFFFFF0]  }
0x229: {  	[tilespmem:s15+$0xFFFFFF40] =	vst v13;
	v13 =	vld [tilespmem:s19+$0x50];
	v10 =	vadd.f32 v12, v10  }
0x22a: {  	v12 =	vld [tilespmem:s19+$0xFFFFFF50]  }
0x22b: {  	v10 =	vmax.f32 v10, $0.0e+00;
	v3 =	vadd.f32 v7, v3;
	v7 =	vld [tilespmem:s13+$0x70];
	s13 =	smov.u32 s19  }
0x22c: {  	v14 =	vadd.f32 v14, v15;
	[tilespmem:s15+$0xD0] =	vst v10;
	v10 =	vld [tilespmem:s15+$0xE0]  }
0x22d: {  	v15 =	vld [tilespmem:s19+$0xE0];
	v16 =	vmax.f32 v3, $0.0e+00;
	v11 =	vadd.f32 v11, v2  }
0x22e: {  	v3 =	vld [tilespmem:s15+$0xFFFFFF70];
	v2 =	vmax.f32 v14, $0.0e+00;
	v13 =	vadd.f32 v13, v8;
	[tilespmem:s12+$0xFFFFFF70] =	vst v16  }
0x22f: {  	v9 =	vadd.f32 v12, v9;
	[tilespmem:s15+$0xFFFFFFD0] =	vst v2;
	v2 =	vld [tilespmem:s15+$0xFFFFFFF0];
	v11 =	vmax.f32 v11, $0.0e+00  }
.Ltmp6:
0x230: {  	v8 =	vld [tilespmem:s19+$0xFFFFFFE0];
	v12 =	vmax.f32 v13, $0.0e+00;
	[tilespmem:s12+$0xFFFFFFF0] =	vst v11;
	v7 =	vadd.f32 v7, v1;
	(pc) =	sbr.rel @p0 .LBB2_7-.Ltmp6, $4  }
0x231: {  	v9 =	vmax.f32 v9, $0.0e+00;
	[tilespmem:s15+$0x50] =	vst v12;
	v1 =	vld [tilespmem:s15+$0x70]  }
0x232: {  	[tilespmem:s15+$0xFFFFFF50] =	vst v9;
	v9 =	vld [tilespmem:s19+$0x60];
	v11 =	vadd.f32 v15, v10;
	v7 =	vmax.f32 v7, $0.0e+00  }
0x233: {  	v10 =	vld [tilespmem:s19+$0xFFFFFF60];
	[tilespmem:s12+$0x70] =	vst v7;
	s12 =	smov.u32 s15  }
0x234: {  	s15 =	sadd.s32 $0x200, s15;
	v11 =	vmax.f32 v11, $0.0e+00;
	v7 =	vld [tilespmem:s12+$0xF0]  }
0x235: {  	_ = 	snop  }
0x236: {  	v5 =	vadd.f32 v8, v5  }
0x237: {  	v6 =	vadd.f32 v9, v6  }
0x238: {  	[tilespmem:s12+$0xE0] =	vst v11;
	v5 =	vmax.f32 v5, $0.0e+00;
	v4 =	vadd.f32 v10, v4  }
0x239: {  	v58 =	vld [tilespmem:s13+$0xF0];
	[tilespmem:s12+$0xFFFFFFE0] =	vst v5;
	v59 =	vmax.f32 v6, $0.0e+00  }
0x23a: {  	v61 =	vld [tilespmem:s13+$0xFFFFFFF0];
	v4 =	vmax.f32 v4, $0.0e+00;
	[tilespmem:s12+$0x60] =	vst v59  }
0x23b: {  	[tilespmem:s12+$0xFFFFFF60] =	vst v4;
	v62 =	vld [tilespmem:s13+$0x70]  }
0x23c: {  	v60 =	vld [tilespmem:s13+$0xFFFFFF70];
	_ =	sdelay $0x1  }
0x23d: {  	v7 =	vadd.f32 v58, v7  }
0x23e: {  	v2 =	vadd.f32 v61, v2  }
0x23f: {  	v63 =	vmax.f32 v7, $0.0e+00;
	v1 =	vadd.f32 v62, v1  }
0x240: {  	[tilespmem:s12+$0xF0] =	vst v63;
	v2 =	vmax.f32 v2, $0.0e+00;
	v3 =	vadd.f32 v60, v3  }
0x241: {  	[tilespmem:s12+$0xFFFFFFF0] =	vst v2;
	v1 =	vmax.f32 v1, $0.0e+00  }
0x242: {  	p0 =	seq.s32 s10, $0x7;
	v3 =	vmax.f32 v3, $0.0e+00;
	[tilespmem:s12+$0x70] =	vst v1  }
.Ltmp7:
0x243: {  	s11 =	sadd.s32 $0x880, s11;
	[tilespmem:s12+$0xFFFFFF70] =	vst v3;
	(pc) =	sbr.rel @!p0 .LBB2_9-.Ltmp7, $4  }
0x244: {  	[spmem:s3] =	stream.indirect.scatter.add.f32 [tilespmem:s24], [sflag:$0x6], $0x80, s11, s22, $0xb8;
	[tilespmem:$0x1D000] =	vst v63  }
0x245: {  	_ =	swait.ge [sflag:s31], $0x2000  }
0x246: {  	[sflag:s31] =	ssyncset.done $0x0  }
0x247: {  	s10 =	sadd.s32 $0x1, s9;
	[sflag:s31] =	ssyncadd.s32 $0xFFFFE000  }
0x248: {  	s10 =	sadd.s32 $0x1, s9  }
0x249: {  	p0 =	sge.u32 s10, s17  }
.Ltmp8:
0x24a: {  	_ = 	snop;
	(pc) =	sbr.rel @p0 .LBB2_13-.Ltmp8, $4  }
0x24b: {  	_ = 	snop  }
0x24c: {  	_ =	swait.ge [sflag:s0], $0x2000  }
0x24d: {  	[sflag:s0] =	ssyncset.done $0x0  }
0x24e: {  	[sflag:s0] =	ssyncadd.s32 $0xFFFFE000  }
0x24f: {  	s9 =	sshrl.u32 s10, $0x3  }
0x250: {  	s9 =	sadd.s32 s2, s9  }
0x251: {  	s9 =	sshll.u32 s9, $0x9  }
0x252: {  	s9 =	sand.u32 $0x1FFFFE00, s9  }
.Ltmp9:
0x253: {  	s9 =	sadd.s32 s18, s9;
	(pc) =	sbr.rel .LBB2_12-.Ltmp9, $4  }
0x254: {  	[tilespmem:s4], [sflag:$0x7] =	stream.linear.gather [hbm4b:s9+s4], $0x1000, $0x38;
	[tilespmem:$0x1D000] =	vst v63  }
0x255: {  	_ =	swait.ge [sflag:s21], $0x1000  }
0x256: {  	[sflag:s21] =	ssyncset.done $0x0  }
0x257: {  	[sflag:s21] =	ssyncadd.s32 $0xFFFFF000  }
.LBB2_9:
0x258: {  	p0 =	slt.u32 s10, s17  }
.Ltmp10:
0x259: {  	_ = 	snop;
	(pc) =	sbr.rel @p0 .LBB2_12-.Ltmp10, $4  }
.Ltmp11:
0x25a: {  	_ = 	snop;
	(pc) =	sbr.rel @!p0 .LBB2_13-.Ltmp11, $4  }
0x25b: {  	_ = 	snop  }
0x25c: {  	_ = 	snop  }
0x25d: {  	_ = 	snop  }
0x25e: {  	_ = 	snop  }
.LBB2_15:
0x25f: {  	_ =	sfence.sel $0x180000  }
0x260: {  	[bflag:$0x0] =	sbarrier.arrive $0xFFFF  }
0x261: {  	_ =	strace $0x90000047  }
0x262: {  	s0 =	stileid.u32;
	[bflag:$0x2] =	sbarrier.arrive $0xFFFF  }
0x263: {  	p0 =	sne.s32 s0, $0x0;
	s0 =	rddreg [dreg:$0x3]  }
0x264: {  	s0 =	sadd.s32 @!p0 $0x100000, s0  }
0x265: {  	[sflag:s0] =	ssyncadd.tile.s32 @!p0 $0x1;
	_ =	shalt  }
.Lfunc_end2:
_tile_overlayer_lowered:
.L_overlay_start_2:
0x266: {  	(tag) =	ssettag $0x2  }
0x267: {  	s0 =	rddreg [dreg:$0x0];
	s2 =	stileid.u32  }
0x268: {  	s1 =	rddreg [dreg:$0x1];
	p0 =	sne.s32 s2, $0x0  }
0x269: {  	s3 =	rddreg [dreg:$0x2];
	[bflag:$0x3] =	sbarrier.arrive $0xFFFF;
	s2 =	simm.s32 @!p0 $0x1C07  }
0x26a: {  	[timem:s3], [sflag:s2] =	dma.local @!p0 [hbm:s0], s1  }
0x26b: {  	s0 =	simm.s32 @!p0 $0x7  }
0x26c: {  	_ =	swait.ge @!p0 [sflag:s0], s1  }
0x26d: {  	s1 =	ssub.s32 @!p0 $0x0, s1;
	[sflag:s0] =	ssyncset.done @!p0 $0x0  }
0x26e: {  	[sflag:s0] =	ssyncadd.s32 @!p0 s1  }
0x26f: {  	[bflag:$0x3] =	sbarrier.arrive $0xFFFF  }
0x270: {  	_ =	shalt  }

</sc_bundles>
